<compile_context>
chip_gen: v7x
topology: tpu7x:2x2x1
jax: 0.10.2.dev20260603
libtpu: 0.0.44.dev20260713+nightly
codegen_flags: <defaults>
</compile_context>

<pallas_src>
import jax
import jax.numpy as jnp
from jax import lax
from jax.experimental import pallas as pl
from jax.experimental.pallas import tpu as pltpu
from jax.experimental.pallas import tpu_sc as plsc

NC = 2
NS = 16
NW = NC * NS

V = 1_000_000
D = 64
R = 16384
COLS = 200

NBLK = V // 128
VTAIL = NBLK * 128

LANES_PER_W = R // NW
IB_PER_W = LANES_PER_W // 128
JG = 8
N_JG = COLS // JG
BLK_PER_JG = JG * IB_PER_W
NB = 4


def _wid():
  return lax.axis_index("s") * NC + lax.axis_index("c")


def _transpose(src, dst, pad, n_src_rows, n_dst_rows):
  dst_chunks = [lax.iota(jnp.int32, 16) + 16 * c
                for c in range(n_dst_rows // 16)]
  src_chunks = [lax.iota(jnp.int32, 16) + 16 * c
                for c in range(n_src_rows // 16)]

  @plsc.parallel_loop(0, n_src_rows, step=1, unroll=4)
  def body_a(s):
    col = jnp.full((16,), s, dtype=jnp.int32)
    vs = [plsc.load_gather(src, [col, ch]) for ch in dst_chunks]
    for ch, v in zip(dst_chunks, vs):
      plsc.store_scatter(pad, [ch, col], v)

  @plsc.parallel_loop(0, n_dst_rows, step=1, unroll=4)
  def body_b(x):
    row = jnp.full((16,), x, dtype=jnp.int32)
    vs = [plsc.load_gather(pad, [row, ch]) for ch in src_chunks]
    for ch, v in zip(src_chunks, vs):
      plsc.store_scatter(dst, [row, ch], v)


def _build_body(wT_hbm, tail_hbm, rt_hbm, a0, a1, bbuf, bpad, s0, s1):
  wid = _wid()
  abufs = (a0, a1)
  sems = (s0, s1)

  def fire(k, b):
    v0 = pl.multiple_of(128 * k, 128)
    pltpu.async_copy(wT_hbm.at[:, pl.ds(v0, 128)], abufs[b], sems[b])

  def handle(k, b):
    pltpu.make_async_copy(wT_hbm.at[:, pl.ds(0, 128)], abufs[b],
                          sems[b]).wait()
    _transpose(abufs[b], bbuf, bpad, D, 128)
    pltpu.sync_copy(bbuf, rt_hbm.at[pl.ds(pl.multiple_of(128 * k, 8), 128)])

  @pl.when(wid == NW - 1)
  def _():
    pltpu.sync_copy(tail_hbm, bbuf.at[pl.ds(0, V - VTAIL), :])
    pltpu.sync_copy(bbuf.at[pl.ds(0, V - VTAIL), :],
                    rt_hbm.at[pl.ds(VTAIL, V - VTAIL)])

  n_j = (NBLK - 1 - wid) // NW + 1
  fire(wid, 0)
  fire(wid + NW, 1)

  def outer(J, carry):
    for b in range(2):
      j = 2 * J + b
      k = wid + NW * j

      @pl.when(k < NBLK)
      def _():
        handle(k, b)
        k2 = wid + NW * (j + 2)

        @pl.when(k2 < NBLK)
        def _():
          fire(k2, b)
    return carry

  lax.fori_loop(0, (n_j + 1) // 2, outer, 0)


def _gather_body(idxT_hbm, rt_hbm, out_hbm, idxbuf, cbuf, cpad,
                 r0, r1, r2, r3, s0, s1, s2, s3):
  wid = _wid()
  rbufs = (r0, r1, r2, r3)
  sems = (s0, s1, s2, s3)
  i_lo = pl.multiple_of(wid * LANES_PER_W, 128)

  def jgroup(G, carry):
    j0 = pl.multiple_of(G * JG, 8)
    for q in range(IB_PER_W):
      pltpu.sync_copy(idxT_hbm.at[pl.ds(j0, JG),
                                  pl.ds(pl.multiple_of(i_lo + 128 * q, 128),
                                        128)],
                      idxbuf.at[pl.ds(JG * q, JG), :])

    def fire(t, b):
      pltpu.async_copy(rt_hbm.at[idxbuf.at[t]], rbufs[b], sems[b])

    for b in range(NB):
      fire(b, b)

    def sub(T, carry2):
      for b in range(NB):
        t = NB * T + b
        pltpu.make_async_copy(rt_hbm.at[pl.ds(0, 128)], rbufs[b],
                              sems[b]).wait()
        _transpose(rbufs[b], cbuf, cpad, 128, D)
        q = t // JG
        r = t - JG * q
        pltpu.sync_copy(
            cbuf,
            out_hbm.at[j0 + r, :,
                       pl.ds(pl.multiple_of(i_lo + 128 * q, 128), 128)])
        t2 = t + NB

        @pl.when(t2 < BLK_PER_JG)
        def _():
          fire(t2, b)
      return carry2

    lax.fori_loop(0, BLK_PER_JG // NB, sub, 0)
    return carry

  lax.fori_loop(0, N_JG, jgroup, 0)


@jax.jit
def _embed(idxT, wT, tail):
  mesh = plsc.VectorSubcoreMesh(
      core_axis_name="c", subcore_axis_name="s", num_cores=NC, num_subcores=NS
  )
  rt = pl.kernel(
      _build_body,
      out_type=jax.ShapeDtypeStruct((V, 128), jnp.float32),
      mesh=mesh,
      scratch_types=[
          pltpu.VMEM((D, 128), jnp.float32),
          pltpu.VMEM((D, 128), jnp.float32),
          pltpu.VMEM((128, 128), jnp.float32),
          pltpu.VMEM((128, D + 1), jnp.float32),
          pltpu.SemaphoreType.DMA,
          pltpu.SemaphoreType.DMA,
      ],
      compiler_params=pltpu.CompilerParams(needs_layout_passes=False),
  )(wT, tail)
  return pl.kernel(
      _gather_body,
      out_type=jax.ShapeDtypeStruct((COLS, D, R), jnp.float32),
      mesh=mesh,
      scratch_types=[
          pltpu.VMEM((BLK_PER_JG, 128), jnp.int32),
          pltpu.VMEM((D, 128), jnp.float32),
          pltpu.VMEM((D, 129), jnp.float32),
      ] + [pltpu.VMEM((128, 128), jnp.float32)] * NB
        + [pltpu.SemaphoreType.DMA] * NB,
      compiler_params=pltpu.CompilerParams(needs_layout_passes=False),
  )(idxT, rt)


def kernel(input, weight):
  tail = jnp.pad(weight[VTAIL:], ((0, 0), (0, 128 - D)))
  outT = _embed(input.T, weight.T, tail)
  return outT.transpose(2, 0, 1)

# --- scband reference (transcript-rebuilt; emitter-appended) ---
"""Pipeline reference for scband-embedding-module-5634997092578 (READ-ONLY COPY).

The authoritative reference and input builder live on the scoring server;
editing this copy changes nothing except your own understanding.
"""

import jax, jax.numpy as jnp
import numpy as np

def setup_inputs(seed: int = 0) -> dict:
    key = jax.random.key(seed)
    k1, k2 = jax.random.split(key)
    inp = jax.random.randint(k1, (16384, 200), 0, 1000000, dtype=jnp.int64 if jax.config.jax_enable_x64 else jnp.int32)
    weight = jax.random.normal(k2, (1000000, 64), dtype=jnp.float32)
    return {"input": inp, "weight": weight}

def reference(input, weight):
    # torch.nn.Embedding.from_pretrained(weight)(input) == weight[input]
    return jnp.take(weight, input, axis=0)

if __name__ == "__main__":
    import jax
    _d = setup_inputs()
    print(jax.jit(kernel)(*tuple(_d.values())))

</pallas_src>

<mosaic_0001>
#map = affine_map<(d0, d1) -> (0, 0)>
module attributes {stable_mosaic.version = 14 : i64} {
  func.func @_build_body(%arg0: i32, %arg1: i32, %arg2: memref<64x1000000xf32, #tpu.memory_space<hbm>>, %arg3: memref<64x128xf32, #tpu.memory_space<hbm>>, %arg4: memref<1000000x128xf32, #tpu.memory_space<hbm>>, %arg5: memref<64x128xf32, #tpu.memory_space<vmem>>, %arg6: memref<64x128xf32, #tpu.memory_space<vmem>>, %arg7: memref<128x128xf32, #tpu.memory_space<vmem>>, %arg8: memref<128x65xf32, #tpu.memory_space<vmem>>, %arg9: memref<!tpu.dma_semaphore, #tpu.memory_space<semaphore_mem>>, %arg10: memref<!tpu.dma_semaphore, #tpu.memory_space<semaphore_mem>>) attributes {dimension_semantics = [#tpu.dimension_semantics<core_parallel>, #tpu.dimension_semantics<subcore_parallel>], iteration_bounds = array<i64: 2, 16>, scalar_prefetch = 0 : i64, scratch_operands = 6 : i64, tpu.core_type = #tpu.core_type<sc_vector_subcore>, window_params = [{transform_indices = #map}, {transform_indices = #map}, {transform_indices = #map}]} {
    %mul3A = arith.constant 2 : i32
    %mul3A_0 = arith.muli %arg1, %mul3A : i32
    %add3A = arith.addi %mul3A_0, %arg0 : i32
    %eq3A = arith.constant 31 : i32
    %eq3A_1 = arith.cmpi eq, %add3A, %eq3A : i32
    %convert_element_type3A = arith.extui %eq3A_1 : i1 to i32
    %cond3A = arith.constant 0 : i32
    %cond3A_2 = arith.cmpi ne, %convert_element_type3A, %cond3A : i32
    scf.if %cond3A_2 {
      "tpu.region"() ({
        %run_scoped3A = tpu.sem_alloc : memref<!tpu.dma_semaphore, #tpu.memory_space<semaphore_mem>>
        %dma_start3A_72 = arith.constant 0 : i32
        %dma_start3A_73 = arith.constant 0 : i32
        %dma_start3A_74 = tpu.memref_slice %arg7[%dma_start3A_72, %dma_start3A_73] : memref<128x128xf32, #tpu.memory_space<vmem>> -> memref<64x128xf32, #tpu.memory_space<vmem>>
        %dma_start3A_75 = arith.constant 0 : i32
        %dma_start3A_76 = arith.constant 0 : i32
        %dma_start3A_77 = tpu.memref_slice %arg7[%dma_start3A_75, %dma_start3A_76] : memref<128x128xf32, #tpu.memory_space<vmem>> -> memref<64x128xf32, #tpu.memory_space<vmem>>
        tpu.enqueue_dma source(%arg3 : memref<64x128xf32, #tpu.memory_space<hbm>>) target(%dma_start3A_77 : memref<64x128xf32, #tpu.memory_space<vmem>>) target_semaphore(%run_scoped3A : memref<!tpu.dma_semaphore, #tpu.memory_space<semaphore_mem>>)
        %dma_wait3A = arith.constant 0 : i32
        %dma_wait3A_78 = arith.constant 0 : i32
        %dma_wait3A_79 = tpu.memref_slice %arg7[%dma_wait3A, %dma_wait3A_78] : memref<128x128xf32, #tpu.memory_space<vmem>> -> memref<64x128xf32, #tpu.memory_space<vmem>>
        %dma_wait3A_80 = arith.constant 0 : i32
        %dma_wait3A_81 = arith.constant 0 : i32
        %dma_wait3A_82 = tpu.memref_slice %arg7[%dma_wait3A_80, %dma_wait3A_81] : memref<128x128xf32, #tpu.memory_space<vmem>> -> memref<64x128xf32, #tpu.memory_space<vmem>>
        tpu.wait_dma2 semaphore(%run_scoped3A : memref<!tpu.dma_semaphore, #tpu.memory_space<semaphore_mem>>) src(%arg3 : memref<64x128xf32, #tpu.memory_space<hbm>>) dst(%dma_wait3A_82 : memref<64x128xf32, #tpu.memory_space<vmem>>)
        tpu.yield
      }) : () -> ()
      "tpu.region"() ({
        %run_scoped3A = tpu.sem_alloc : memref<!tpu.dma_semaphore, #tpu.memory_space<semaphore_mem>>
        %dma_start3A_72 = arith.constant 0 : i32
        %dma_start3A_73 = arith.constant 0 : i32
        %dma_start3A_74 = tpu.memref_slice %arg7[%dma_start3A_72, %dma_start3A_73] : memref<128x128xf32, #tpu.memory_space<vmem>> -> memref<64x128xf32, #tpu.memory_space<vmem>>
        %dma_start3A_75 = arith.constant 999936 : i32
        %dma_start3A_76 = arith.constant 0 : i32
        %dma_start3A_77 = tpu.memref_slice %arg4[%dma_start3A_75, %dma_start3A_76] : memref<1000000x128xf32, #tpu.memory_space<hbm>> -> memref<64x128xf32, #tpu.memory_space<hbm>>
        %dma_start3A_78 = arith.constant 999936 : i32
        %dma_start3A_79 = arith.constant 0 : i32
        %dma_start3A_80 = tpu.memref_slice %arg4[%dma_start3A_78, %dma_start3A_79] : memref<1000000x128xf32, #tpu.memory_space<hbm>> -> memref<64x128xf32, #tpu.memory_space<hbm>>
        %dma_start3A_81 = arith.constant 0 : i32
        %dma_start3A_82 = arith.constant 0 : i32
        %dma_start3A_83 = tpu.memref_slice %arg7[%dma_start3A_81, %dma_start3A_82] : memref<128x128xf32, #tpu.memory_space<vmem>> -> memref<64x128xf32, #tpu.memory_space<vmem>>
        tpu.enqueue_dma source(%dma_start3A_83 : memref<64x128xf32, #tpu.memory_space<vmem>>) target(%dma_start3A_80 : memref<64x128xf32, #tpu.memory_space<hbm>>) target_semaphore(%run_scoped3A : memref<!tpu.dma_semaphore, #tpu.memory_space<semaphore_mem>>)
        %dma_wait3A = arith.constant 0 : i32
        %dma_wait3A_84 = arith.constant 0 : i32
        %dma_wait3A_85 = tpu.memref_slice %arg7[%dma_wait3A, %dma_wait3A_84] : memref<128x128xf32, #tpu.memory_space<vmem>> -> memref<64x128xf32, #tpu.memory_space<vmem>>
        %dma_wait3A_86 = arith.constant 999936 : i32
        %dma_wait3A_87 = arith.constant 0 : i32
        %dma_wait3A_88 = tpu.memref_slice %arg4[%dma_wait3A_86, %dma_wait3A_87] : memref<1000000x128xf32, #tpu.memory_space<hbm>> -> memref<64x128xf32, #tpu.memory_space<hbm>>
        %dma_wait3A_89 = arith.constant 999936 : i32
        %dma_wait3A_90 = arith.constant 0 : i32
        %dma_wait3A_91 = tpu.memref_slice %arg4[%dma_wait3A_89, %dma_wait3A_90] : memref<1000000x128xf32, #tpu.memory_space<hbm>> -> memref<64x128xf32, #tpu.memory_space<hbm>>
        %dma_wait3A_92 = arith.constant 0 : i32
        %dma_wait3A_93 = arith.constant 0 : i32
        %dma_wait3A_94 = tpu.memref_slice %arg7[%dma_wait3A_92, %dma_wait3A_93] : memref<128x128xf32, #tpu.memory_space<vmem>> -> memref<64x128xf32, #tpu.memory_space<vmem>>
        tpu.wait_dma2 semaphore(%run_scoped3A : memref<!tpu.dma_semaphore, #tpu.memory_space<semaphore_mem>>) src(%dma_wait3A_94 : memref<64x128xf32, #tpu.memory_space<vmem>>) dst(%dma_wait3A_91 : memref<64x128xf32, #tpu.memory_space<hbm>>)
        tpu.yield
      }) : () -> ()
    } else {
    }
    %sub3A = arith.constant 7811 : i32
    %sub3A_3 = arith.subi %sub3A, %add3A : i32
    %jit3A = arith.constant 32 : i32
    %div3A = arith.divsi %sub3A_3, %jit3A : i32
    %sign3A = arith.constant 0 : i32
    %sign3A_4 = arith.cmpi sgt, %sub3A_3, %sign3A : i32
    %sign3A_5 = arith.extui %sign3A_4 : i1 to i32
    %sign3A_6 = arith.constant 0 : i32
    %sign3A_7 = arith.cmpi slt, %sub3A_3, %sign3A_6 : i32
    %sign3A_8 = arith.extui %sign3A_7 : i1 to i32
    %sign3A_9 = arith.subi %sign3A_5, %sign3A_8 : i32
    %sign3A_10 = arith.constant 0 : i32
    %sign3A_11 = arith.cmpi sgt, %jit3A, %sign3A_10 : i32
    %sign3A_12 = arith.extui %sign3A_11 : i1 to i32
    %sign3A_13 = arith.constant 0 : i32
    %sign3A_14 = arith.cmpi slt, %jit3A, %sign3A_13 : i32
    %sign3A_15 = arith.extui %sign3A_14 : i1 to i32
    %sign3A_16 = arith.subi %sign3A_12, %sign3A_15 : i32
    %ne3A = arith.cmpi ne, %sign3A_9, %sign3A_16 : i32
    %rem3A = arith.remsi %sub3A_3, %jit3A : i32
    %ne3A_17 = arith.constant 0 : i32
    %ne3A_18 = arith.cmpi ne, %rem3A, %ne3A_17 : i32
    %and3A = arith.andi %ne3A, %ne3A_18 : i1
    %sub3A_19 = arith.constant 1 : i32
    %sub3A_20 = arith.subi %div3A, %sub3A_19 : i32
    %select_n3A = arith.select %and3A, %sub3A_20, %div3A : i32
    %add3A_21 = arith.constant 1 : i32
    %add3A_22 = arith.addi %select_n3A, %add3A_21 : i32
    %mul3A_23 = arith.constant 128 : i32
    %mul3A_24 = arith.muli %mul3A_23, %add3A : i32
    %multiple_of3A = tpu.assume_multiple %mul3A_24, 128 : i32
    %dma_start3A = arith.constant 0 : i32
    %dma_start3A_25 = tpu.memref_slice %arg2[%dma_start3A, %multiple_of3A] : memref<64x1000000xf32, #tpu.memory_space<hbm>> -> memref<64x128xf32, #tpu.memory_space<hbm>>
    %dma_start3A_26 = arith.constant 0 : i32
    %dma_start3A_27 = tpu.memref_slice %arg2[%dma_start3A_26, %multiple_of3A] : memref<64x1000000xf32, #tpu.memory_space<hbm>> -> memref<64x128xf32, #tpu.memory_space<hbm>>
    tpu.enqueue_dma source(%dma_start3A_27 : memref<64x128xf32, #tpu.memory_space<hbm>>) target(%arg5 : memref<64x128xf32, #tpu.memory_space<vmem>>) target_semaphore(%arg9 : memref<!tpu.dma_semaphore, #tpu.memory_space<semaphore_mem>>)
    %add3A_28 = arith.constant 32 : i32
    %add3A_29 = arith.addi %add3A, %add3A_28 : i32
    %mul3A_30 = arith.constant 128 : i32
    %mul3A_31 = arith.muli %mul3A_30, %add3A_29 : i32
    %multiple_of3A_32 = tpu.assume_multiple %mul3A_31, 128 : i32
    %dma_start3A_33 = arith.constant 0 : i32
    %dma_start3A_34 = tpu.memref_slice %arg2[%dma_start3A_33, %multiple_of3A_32] : memref<64x1000000xf32, #tpu.memory_space<hbm>> -> memref<64x128xf32, #tpu.memory_space<hbm>>
    %dma_start3A_35 = arith.constant 0 : i32
    %dma_start3A_36 = tpu.memref_slice %arg2[%dma_start3A_35, %multiple_of3A_32] : memref<64x1000000xf32, #tpu.memory_space<hbm>> -> memref<64x128xf32, #tpu.memory_space<hbm>>
    tpu.enqueue_dma source(%dma_start3A_36 : memref<64x128xf32, #tpu.memory_space<hbm>>) target(%arg6 : memref<64x128xf32, #tpu.memory_space<vmem>>) target_semaphore(%arg10 : memref<!tpu.dma_semaphore, #tpu.memory_space<semaphore_mem>>)
    %add3A_37 = arith.constant 1 : i32
    %add3A_38 = arith.addi %add3A_22, %add3A_37 : i32
    %jit3A_39 = arith.constant 2 : i32
    %div3A_40 = arith.divsi %add3A_38, %jit3A_39 : i32
    %sign3A_41 = arith.constant 0 : i32
    %sign3A_42 = arith.cmpi sgt, %add3A_38, %sign3A_41 : i32
    %sign3A_43 = arith.extui %sign3A_42 : i1 to i32
    %sign3A_44 = arith.constant 0 : i32
    %sign3A_45 = arith.cmpi slt, %add3A_38, %sign3A_44 : i32
    %sign3A_46 = arith.extui %sign3A_45 : i1 to i32
    %sign3A_47 = arith.subi %sign3A_43, %sign3A_46 : i32
    %sign3A_48 = arith.constant 0 : i32
    %sign3A_49 = arith.cmpi sgt, %jit3A_39, %sign3A_48 : i32
    %sign3A_50 = arith.extui %sign3A_49 : i1 to i32
    %sign3A_51 = arith.constant 0 : i32
    %sign3A_52 = arith.cmpi slt, %jit3A_39, %sign3A_51 : i32
    %sign3A_53 = arith.extui %sign3A_52 : i1 to i32
    %sign3A_54 = arith.subi %sign3A_50, %sign3A_53 : i32
    %ne3A_55 = arith.cmpi ne, %sign3A_47, %sign3A_54 : i32
    %rem3A_56 = arith.remsi %add3A_38, %jit3A_39 : i32
    %ne3A_57 = arith.constant 0 : i32
    %ne3A_58 = arith.cmpi ne, %rem3A_56, %ne3A_57 : i32
    %and3A_59 = arith.andi %ne3A_55, %ne3A_58 : i1
    %sub3A_60 = arith.constant 1 : i32
    %sub3A_61 = arith.subi %div3A_40, %sub3A_60 : i32
    %select_n3A_62 = arith.select %and3A_59, %sub3A_61, %div3A_40 : i32
    %while3A = arith.constant 0 : i32
    %while3A_63 = arith.constant 0 : i32
    %while3A_64 = arith.subi %select_n3A_62, %while3A_63 : i32
    %while3A_65 = arith.addi %while3A_63, %while3A_64 : i32
    %while3A_66 = arith.constant 1 : i32
    %while3A_67 = arith.divsi %while3A_64, %while3A_66 : i32
    %while3A_68 = arith.muli %while3A_67, %while3A_66 : i32
    %while3A_69 = arith.addi %while3A_63, %while3A_68 : i32
    %while3A_70 = arith.constant 1 : i32
    scf.for %while3A_72 = %while3A_63 to %while3A_69 step %while3A_70  : i32 {
      %mul3A_73 = arith.constant 2 : i32
      %mul3A_74 = arith.muli %mul3A_73, %while3A_72 : i32
      %add3A_75 = arith.constant 0 : i32
      %add3A_76 = arith.addi %mul3A_74, %add3A_75 : i32
      %mul3A_77 = arith.constant 32 : i32
      %mul3A_78 = arith.muli %mul3A_77, %add3A_76 : i32
      %add3A_79 = arith.addi %add3A, %mul3A_78 : i32
      %lt3A = arith.constant 7812 : i32
      %lt3A_80 = arith.cmpi slt, %add3A_79, %lt3A : i32
      %convert_element_type3A_81 = arith.extui %lt3A_80 : i1 to i32
      %cond3A_82 = arith.constant 0 : i32
      %cond3A_83 = arith.cmpi ne, %convert_element_type3A_81, %cond3A_82 : i32
      scf.if %cond3A_83 {
        %dma_wait3A = arith.constant 0 : i32
        %dma_wait3A_96 = arith.constant 0 : i32
        %dma_wait3A_97 = tpu.memref_slice %arg2[%dma_wait3A, %dma_wait3A_96] : memref<64x1000000xf32, #tpu.memory_space<hbm>> -> memref<64x128xf32, #tpu.memory_space<hbm>>
        %dma_wait3A_98 = arith.constant 0 : i32
        %dma_wait3A_99 = arith.constant 0 : i32
        %dma_wait3A_100 = tpu.memref_slice %arg2[%dma_wait3A_98, %dma_wait3A_99] : memref<64x1000000xf32, #tpu.memory_space<hbm>> -> memref<64x128xf32, #tpu.memory_space<hbm>>
        tpu.wait_dma2 semaphore(%arg9 : memref<!tpu.dma_semaphore, #tpu.memory_space<semaphore_mem>>) src(%dma_wait3A_100 : memref<64x128xf32, #tpu.memory_space<hbm>>) dst(%arg5 : memref<64x128xf32, #tpu.memory_space<vmem>>)
        %iota3A = tpu.iota {dimensions = array<i32: 0>} : vector<16xi32>
        %add3A_101 = arith.constant 0 : i32
        %add3A_102 = vector.broadcast %add3A_101 : i32 to vector<16xi32>
        %add3A_103 = arith.addi %iota3A, %add3A_102 : vector<16xi32>
        %iota3A_104 = tpu.iota {dimensions = array<i32: 0>} : vector<16xi32>
        %add3A_105 = arith.constant 16 : i32
        %add3A_106 = vector.broadcast %add3A_105 : i32 to vector<16xi32>
        %add3A_107 = arith.addi %iota3A_104, %add3A_106 : vector<16xi32>
        %iota3A_108 = tpu.iota {dimensions = array<i32: 0>} : vector<16xi32>
        %add3A_109 = arith.constant 32 : i32
        %add3A_110 = vector.broadcast %add3A_109 : i32 to vector<16xi32>
        %add3A_111 = arith.addi %iota3A_108, %add3A_110 : vector<16xi32>
        %iota3A_112 = tpu.iota {dimensions = array<i32: 0>} : vector<16xi32>
        %add3A_113 = arith.constant 48 : i32
        %add3A_114 = vector.broadcast %add3A_113 : i32 to vector<16xi32>
        %add3A_115 = arith.addi %iota3A_112, %add3A_114 : vector<16xi32>
        %iota3A_116 = tpu.iota {dimensions = array<i32: 0>} : vector<16xi32>
        %add3A_117 = arith.constant 64 : i32
        %add3A_118 = vector.broadcast %add3A_117 : i32 to vector<16xi32>
        %add3A_119 = arith.addi %iota3A_116, %add3A_118 : vector<16xi32>
        %iota3A_120 = tpu.iota {dimensions = array<i32: 0>} : vector<16xi32>
        %add3A_121 = arith.constant 80 : i32
        %add3A_122 = vector.broadcast %add3A_121 : i32 to vector<16xi32>
        %add3A_123 = arith.addi %iota3A_120, %add3A_122 : vector<16xi32>
        %iota3A_124 = tpu.iota {dimensions = array<i32: 0>} : vector<16xi32>
        %add3A_125 = arith.constant 96 : i32
        %add3A_126 = vector.broadcast %add3A_125 : i32 to vector<16xi32>
        %add3A_127 = arith.addi %iota3A_124, %add3A_126 : vector<16xi32>
        %iota3A_128 = tpu.iota {dimensions = array<i32: 0>} : vector<16xi32>
        %add3A_129 = arith.constant 112 : i32
        %add3A_130 = vector.broadcast %add3A_129 : i32 to vector<16xi32>
        %add3A_131 = arith.addi %iota3A_128, %add3A_130 : vector<16xi32>
        %iota3A_132 = tpu.iota {dimensions = array<i32: 0>} : vector<16xi32>
        %add3A_133 = arith.constant 0 : i32
        %add3A_134 = vector.broadcast %add3A_133 : i32 to vector<16xi32>
        %add3A_135 = arith.addi %iota3A_132, %add3A_134 : vector<16xi32>
        %iota3A_136 = tpu.iota {dimensions = array<i32: 0>} : vector<16xi32>
        %add3A_137 = arith.constant 16 : i32
        %add3A_138 = vector.broadcast %add3A_137 : i32 to vector<16xi32>
        %add3A_139 = arith.addi %iota3A_136, %add3A_138 : vector<16xi32>
        %iota3A_140 = tpu.iota {dimensions = array<i32: 0>} : vector<16xi32>
        %add3A_141 = arith.constant 32 : i32
        %add3A_142 = vector.broadcast %add3A_141 : i32 to vector<16xi32>
        %add3A_143 = arith.addi %iota3A_140, %add3A_142 : vector<16xi32>
        %iota3A_144 = tpu.iota {dimensions = array<i32: 0>} : vector<16xi32>
        %add3A_145 = arith.constant 48 : i32
        %add3A_146 = vector.broadcast %add3A_145 : i32 to vector<16xi32>
        %add3A_147 = arith.addi %iota3A_144, %add3A_146 : vector<16xi32>
        %parallel_loop3A = arith.constant 0 : i32
        %parallel_loop3A_148 = arith.constant 64 : i32
        %parallel_loop3A_149 = arith.constant 1 : i32
        scf.for %parallel_loop3A_166 = %parallel_loop3A to %parallel_loop3A_148 step %parallel_loop3A_149  : i32 {
          %parallel_loop3A_167 = vector.broadcast %parallel_loop3A_166 : i32 to vector<16xi32>
          %parallel_loop3A_168 = tpu.vector_load_idx %arg5[%parallel_loop3A_167, %add3A_103] : memref<64x128xf32, #tpu.memory_space<vmem>>[vector<16xi32>, vector<16xi32>], vector<16xf32>,
          %parallel_loop3A_169 = tpu.vector_load_idx %arg5[%parallel_loop3A_167, %add3A_107] : memref<64x128xf32, #tpu.memory_space<vmem>>[vector<16xi32>, vector<16xi32>], vector<16xf32>,
          %parallel_loop3A_170 = tpu.vector_load_idx %arg5[%parallel_loop3A_167, %add3A_111] : memref<64x128xf32, #tpu.memory_space<vmem>>[vector<16xi32>, vector<16xi32>], vector<16xf32>,
          %parallel_loop3A_171 = tpu.vector_load_idx %arg5[%parallel_loop3A_167, %add3A_115] : memref<64x128xf32, #tpu.memory_space<vmem>>[vector<16xi32>, vector<16xi32>], vector<16xf32>,
          %parallel_loop3A_172 = tpu.vector_load_idx %arg5[%parallel_loop3A_167, %add3A_119] : memref<64x128xf32, #tpu.memory_space<vmem>>[vector<16xi32>, vector<16xi32>], vector<16xf32>,
          %parallel_loop3A_173 = tpu.vector_load_idx %arg5[%parallel_loop3A_167, %add3A_123] : memref<64x128xf32, #tpu.memory_space<vmem>>[vector<16xi32>, vector<16xi32>], vector<16xf32>,
          %parallel_loop3A_174 = tpu.vector_load_idx %arg5[%parallel_loop3A_167, %add3A_127] : memref<64x128xf32, #tpu.memory_space<vmem>>[vector<16xi32>, vector<16xi32>], vector<16xf32>,
          %parallel_loop3A_175 = tpu.vector_load_idx %arg5[%parallel_loop3A_167, %add3A_131] : memref<64x128xf32, #tpu.memory_space<vmem>>[vector<16xi32>, vector<16xi32>], vector<16xf32>,
          tpu.vector_store_idx %arg8[%add3A_103, %parallel_loop3A_167], %parallel_loop3A_168 : memref<128x65xf32, #tpu.memory_space<vmem>>[vector<16xi32>, vector<16xi32>], vector<16xf32>,
          tpu.vector_store_idx %arg8[%add3A_107, %parallel_loop3A_167], %parallel_loop3A_169 : memref<128x65xf32, #tpu.memory_space<vmem>>[vector<16xi32>, vector<16xi32>], vector<16xf32>,
          tpu.vector_store_idx %arg8[%add3A_111, %parallel_loop3A_167], %parallel_loop3A_170 : memref<128x65xf32, #tpu.memory_space<vmem>>[vector<16xi32>, vector<16xi32>], vector<16xf32>,
          tpu.vector_store_idx %arg8[%add3A_115, %parallel_loop3A_167], %parallel_loop3A_171 : memref<128x65xf32, #tpu.memory_space<vmem>>[vector<16xi32>, vector<16xi32>], vector<16xf32>,
          tpu.vector_store_idx %arg8[%add3A_119, %parallel_loop3A_167], %parallel_loop3A_172 : memref<128x65xf32, #tpu.memory_space<vmem>>[vector<16xi32>, vector<16xi32>], vector<16xf32>,
          tpu.vector_store_idx %arg8[%add3A_123, %parallel_loop3A_167], %parallel_loop3A_173 : memref<128x65xf32, #tpu.memory_space<vmem>>[vector<16xi32>, vector<16xi32>], vector<16xf32>,
          tpu.vector_store_idx %arg8[%add3A_127, %parallel_loop3A_167], %parallel_loop3A_174 : memref<128x65xf32, #tpu.memory_space<vmem>>[vector<16xi32>, vector<16xi32>], vector<16xf32>,
          tpu.vector_store_idx %arg8[%add3A_131, %parallel_loop3A_167], %parallel_loop3A_175 : memref<128x65xf32, #tpu.memory_space<vmem>>[vector<16xi32>, vector<16xi32>], vector<16xf32>,
        } {sc.loop_unroll_factor = 4 : i64, sc.parallel_access}
        %parallel_loop3A_150 = arith.constant 0 : i32
        %parallel_loop3A_151 = arith.constant 128 : i32
        %parallel_loop3A_152 = arith.constant 1 : i32
        scf.for %parallel_loop3A_166 = %parallel_loop3A_150 to %parallel_loop3A_151 step %parallel_loop3A_152  : i32 {
          %parallel_loop3A_167 = vector.broadcast %parallel_loop3A_166 : i32 to vector<16xi32>
          %parallel_loop3A_168 = tpu.vector_load_idx %arg8[%parallel_loop3A_167, %add3A_135] : memref<128x65xf32, #tpu.memory_space<vmem>>[vector<16xi32>, vector<16xi32>], vector<16xf32>,
          %parallel_loop3A_169 = tpu.vector_load_idx %arg8[%parallel_loop3A_167, %add3A_139] : memref<128x65xf32, #tpu.memory_space<vmem>>[vector<16xi32>, vector<16xi32>], vector<16xf32>,
          %parallel_loop3A_170 = tpu.vector_load_idx %arg8[%parallel_loop3A_167, %add3A_143] : memref<128x65xf32, #tpu.memory_space<vmem>>[vector<16xi32>, vector<16xi32>], vector<16xf32>,
          %parallel_loop3A_171 = tpu.vector_load_idx %arg8[%parallel_loop3A_167, %add3A_147] : memref<128x65xf32, #tpu.memory_space<vmem>>[vector<16xi32>, vector<16xi32>], vector<16xf32>,
          tpu.vector_store_idx %arg7[%parallel_loop3A_167, %add3A_135], %parallel_loop3A_168 : memref<128x128xf32, #tpu.memory_space<vmem>>[vector<16xi32>, vector<16xi32>], vector<16xf32>,
          tpu.vector_store_idx %arg7[%parallel_loop3A_167, %add3A_139], %parallel_loop3A_169 : memref<128x128xf32, #tpu.memory_space<vmem>>[vector<16xi32>, vector<16xi32>], vector<16xf32>,
          tpu.vector_store_idx %arg7[%parallel_loop3A_167, %add3A_143], %parallel_loop3A_170 : memref<128x128xf32, #tpu.memory_space<vmem>>[vector<16xi32>, vector<16xi32>], vector<16xf32>,
          tpu.vector_store_idx %arg7[%parallel_loop3A_167, %add3A_147], %parallel_loop3A_171 : memref<128x128xf32, #tpu.memory_space<vmem>>[vector<16xi32>, vector<16xi32>], vector<16xf32>,
        } {sc.loop_unroll_factor = 4 : i64, sc.parallel_access}
        %mul3A_153 = arith.constant 128 : i32
        %mul3A_154 = arith.muli %mul3A_153, %add3A_79 : i32
        %multiple_of3A_155 = tpu.assume_multiple %mul3A_154, 8 : i32
        "tpu.region"() ({
          %run_scoped3A = tpu.sem_alloc : memref<!tpu.dma_semaphore, #tpu.memory_space<semaphore_mem>>
          %dma_start3A_166 = arith.constant 0 : i32
          %dma_start3A_167 = tpu.memref_slice %arg4[%multiple_of3A_155, %dma_start3A_166] : memref<1000000x128xf32, #tpu.memory_space<hbm>> -> memref<128x128xf32, #tpu.memory_space<hbm>>
          %dma_start3A_168 = arith.constant 0 : i32
          %dma_start3A_169 = tpu.memref_slice %arg4[%multiple_of3A_155, %dma_start3A_168] : memref<1000000x128xf32, #tpu.memory_space<hbm>> -> memref<128x128xf32, #tpu.memory_space<hbm>>
          tpu.enqueue_dma source(%arg7 : memref<128x128xf32, #tpu.memory_space<vmem>>) target(%dma_start3A_169 : memref<128x128xf32, #tpu.memory_space<hbm>>) target_semaphore(%run_scoped3A : memref<!tpu.dma_semaphore, #tpu.memory_space<semaphore_mem>>)
          %dma_wait3A_170 = arith.constant 0 : i32
          %dma_wait3A_171 = tpu.memref_slice %arg4[%multiple_of3A_155, %dma_wait3A_170] : memref<1000000x128xf32, #tpu.memory_space<hbm>> -> memref<128x128xf32, #tpu.memory_space<hbm>>
          %dma_wait3A_172 = arith.constant 0 : i32
          %dma_wait3A_173 = tpu.memref_slice %arg4[%multiple_of3A_155, %dma_wait3A_172] : memref<1000000x128xf32, #tpu.memory_space<hbm>> -> memref<128x128xf32, #tpu.memory_space<hbm>>
          tpu.wait_dma2 semaphore(%run_scoped3A : memref<!tpu.dma_semaphore, #tpu.memory_space<semaphore_mem>>) src(%arg7 : memref<128x128xf32, #tpu.memory_space<vmem>>) dst(%dma_wait3A_173 : memref<128x128xf32, #tpu.memory_space<hbm>>)
          tpu.yield
        }) : () -> ()
        %add3A_156 = arith.constant 2 : i32
        %add3A_157 = arith.addi %add3A_76, %add3A_156 : i32
        %mul3A_158 = arith.constant 32 : i32
        %mul3A_159 = arith.muli %mul3A_158, %add3A_157 : i32
        %add3A_160 = arith.addi %add3A, %mul3A_159 : i32
        %lt3A_161 = arith.constant 7812 : i32
        %lt3A_162 = arith.cmpi slt, %add3A_160, %lt3A_161 : i32
        %convert_element_type3A_163 = arith.extui %lt3A_162 : i1 to i32
        %cond3A_164 = arith.constant 0 : i32
        %cond3A_165 = arith.cmpi ne, %convert_element_type3A_163, %cond3A_164 : i32
        scf.if %cond3A_165 {
          %mul3A_166 = arith.constant 128 : i32
          %mul3A_167 = arith.muli %mul3A_166, %add3A_160 : i32
          %multiple_of3A_168 = tpu.assume_multiple %mul3A_167, 128 : i32
          %dma_start3A_169 = arith.constant 0 : i32
          %dma_start3A_170 = tpu.memref_slice %arg2[%dma_start3A_169, %multiple_of3A_168] : memref<64x1000000xf32, #tpu.memory_space<hbm>> -> memref<64x128xf32, #tpu.memory_space<hbm>>
          %dma_start3A_171 = arith.constant 0 : i32
          %dma_start3A_172 = tpu.memref_slice %arg2[%dma_start3A_171, %multiple_of3A_168] : memref<64x1000000xf32, #tpu.memory_space<hbm>> -> memref<64x128xf32, #tpu.memory_space<hbm>>
          tpu.enqueue_dma source(%dma_start3A_172 : memref<64x128xf32, #tpu.memory_space<hbm>>) target(%arg5 : memref<64x128xf32, #tpu.memory_space<vmem>>) target_semaphore(%arg9 : memref<!tpu.dma_semaphore, #tpu.memory_space<semaphore_mem>>)
        } else {
        }
      } else {
      }
      %mul3A_84 = arith.constant 2 : i32
      %mul3A_85 = arith.muli %mul3A_84, %while3A_72 : i32
      %add3A_86 = arith.constant 1 : i32
      %add3A_87 = arith.addi %mul3A_85, %add3A_86 : i32
      %mul3A_88 = arith.constant 32 : i32
      %mul3A_89 = arith.muli %mul3A_88, %add3A_87 : i32
      %add3A_90 = arith.addi %add3A, %mul3A_89 : i32
      %lt3A_91 = arith.constant 7812 : i32
      %lt3A_92 = arith.cmpi slt, %add3A_90, %lt3A_91 : i32
      %convert_element_type3A_93 = arith.extui %lt3A_92 : i1 to i32
      %cond3A_94 = arith.constant 0 : i32
      %cond3A_95 = arith.cmpi ne, %convert_element_type3A_93, %cond3A_94 : i32
      scf.if %cond3A_95 {
        %dma_wait3A = arith.constant 0 : i32
        %dma_wait3A_96 = arith.constant 0 : i32
        %dma_wait3A_97 = tpu.memref_slice %arg2[%dma_wait3A, %dma_wait3A_96] : memref<64x1000000xf32, #tpu.memory_space<hbm>> -> memref<64x128xf32, #tpu.memory_space<hbm>>
        %dma_wait3A_98 = arith.constant 0 : i32
        %dma_wait3A_99 = arith.constant 0 : i32
        %dma_wait3A_100 = tpu.memref_slice %arg2[%dma_wait3A_98, %dma_wait3A_99] : memref<64x1000000xf32, #tpu.memory_space<hbm>> -> memref<64x128xf32, #tpu.memory_space<hbm>>
        tpu.wait_dma2 semaphore(%arg10 : memref<!tpu.dma_semaphore, #tpu.memory_space<semaphore_mem>>) src(%dma_wait3A_100 : memref<64x128xf32, #tpu.memory_space<hbm>>) dst(%arg6 : memref<64x128xf32, #tpu.memory_space<vmem>>)
        %iota3A = tpu.iota {dimensions = array<i32: 0>} : vector<16xi32>
        %add3A_101 = arith.constant 0 : i32
        %add3A_102 = vector.broadcast %add3A_101 : i32 to vector<16xi32>
        %add3A_103 = arith.addi %iota3A, %add3A_102 : vector<16xi32>
        %iota3A_104 = tpu.iota {dimensions = array<i32: 0>} : vector<16xi32>
        %add3A_105 = arith.constant 16 : i32
        %add3A_106 = vector.broadcast %add3A_105 : i32 to vector<16xi32>
        %add3A_107 = arith.addi %iota3A_104, %add3A_106 : vector<16xi32>
        %iota3A_108 = tpu.iota {dimensions = array<i32: 0>} : vector<16xi32>
        %add3A_109 = arith.constant 32 : i32
        %add3A_110 = vector.broadcast %add3A_109 : i32 to vector<16xi32>
        %add3A_111 = arith.addi %iota3A_108, %add3A_110 : vector<16xi32>
        %iota3A_112 = tpu.iota {dimensions = array<i32: 0>} : vector<16xi32>
        %add3A_113 = arith.constant 48 : i32
        %add3A_114 = vector.broadcast %add3A_113 : i32 to vector<16xi32>
        %add3A_115 = arith.addi %iota3A_112, %add3A_114 : vector<16xi32>
        %iota3A_116 = tpu.iota {dimensions = array<i32: 0>} : vector<16xi32>
        %add3A_117 = arith.constant 64 : i32
        %add3A_118 = vector.broadcast %add3A_117 : i32 to vector<16xi32>
        %add3A_119 = arith.addi %iota3A_116, %add3A_118 : vector<16xi32>
        %iota3A_120 = tpu.iota {dimensions = array<i32: 0>} : vector<16xi32>
        %add3A_121 = arith.constant 80 : i32
        %add3A_122 = vector.broadcast %add3A_121 : i32 to vector<16xi32>
        %add3A_123 = arith.addi %iota3A_120, %add3A_122 : vector<16xi32>
        %iota3A_124 = tpu.iota {dimensions = array<i32: 0>} : vector<16xi32>
        %add3A_125 = arith.constant 96 : i32
        %add3A_126 = vector.broadcast %add3A_125 : i32 to vector<16xi32>
        %add3A_127 = arith.addi %iota3A_124, %add3A_126 : vector<16xi32>
        %iota3A_128 = tpu.iota {dimensions = array<i32: 0>} : vector<16xi32>
        %add3A_129 = arith.constant 112 : i32
        %add3A_130 = vector.broadcast %add3A_129 : i32 to vector<16xi32>
        %add3A_131 = arith.addi %iota3A_128, %add3A_130 : vector<16xi32>
        %iota3A_132 = tpu.iota {dimensions = array<i32: 0>} : vector<16xi32>
        %add3A_133 = arith.constant 0 : i32
        %add3A_134 = vector.broadcast %add3A_133 : i32 to vector<16xi32>
        %add3A_135 = arith.addi %iota3A_132, %add3A_134 : vector<16xi32>
        %iota3A_136 = tpu.iota {dimensions = array<i32: 0>} : vector<16xi32>
        %add3A_137 = arith.constant 16 : i32
        %add3A_138 = vector.broadcast %add3A_137 : i32 to vector<16xi32>
        %add3A_139 = arith.addi %iota3A_136, %add3A_138 : vector<16xi32>
        %iota3A_140 = tpu.iota {dimensions = array<i32: 0>} : vector<16xi32>
        %add3A_141 = arith.constant 32 : i32
        %add3A_142 = vector.broadcast %add3A_141 : i32 to vector<16xi32>
        %add3A_143 = arith.addi %iota3A_140, %add3A_142 : vector<16xi32>
        %iota3A_144 = tpu.iota {dimensions = array<i32: 0>} : vector<16xi32>
        %add3A_145 = arith.constant 48 : i32
        %add3A_146 = vector.broadcast %add3A_145 : i32 to vector<16xi32>
        %add3A_147 = arith.addi %iota3A_144, %add3A_146 : vector<16xi32>
        %parallel_loop3A = arith.constant 0 : i32
        %parallel_loop3A_148 = arith.constant 64 : i32
        %parallel_loop3A_149 = arith.constant 1 : i32
        scf.for %parallel_loop3A_166 = %parallel_loop3A to %parallel_loop3A_148 step %parallel_loop3A_149  : i32 {
          %parallel_loop3A_167 = vector.broadcast %parallel_loop3A_166 : i32 to vector<16xi32>
          %parallel_loop3A_168 = tpu.vector_load_idx %arg6[%parallel_loop3A_167, %add3A_103] : memref<64x128xf32, #tpu.memory_space<vmem>>[vector<16xi32>, vector<16xi32>], vector<16xf32>,
          %parallel_loop3A_169 = tpu.vector_load_idx %arg6[%parallel_loop3A_167, %add3A_107] : memref<64x128xf32, #tpu.memory_space<vmem>>[vector<16xi32>, vector<16xi32>], vector<16xf32>,
          %parallel_loop3A_170 = tpu.vector_load_idx %arg6[%parallel_loop3A_167, %add3A_111] : memref<64x128xf32, #tpu.memory_space<vmem>>[vector<16xi32>, vector<16xi32>], vector<16xf32>,
          %parallel_loop3A_171 = tpu.vector_load_idx %arg6[%parallel_loop3A_167, %add3A_115] : memref<64x128xf32, #tpu.memory_space<vmem>>[vector<16xi32>, vector<16xi32>], vector<16xf32>,
          %parallel_loop3A_172 = tpu.vector_load_idx %arg6[%parallel_loop3A_167, %add3A_119] : memref<64x128xf32, #tpu.memory_space<vmem>>[vector<16xi32>, vector<16xi32>], vector<16xf32>,
          %parallel_loop3A_173 = tpu.vector_load_idx %arg6[%parallel_loop3A_167, %add3A_123] : memref<64x128xf32, #tpu.memory_space<vmem>>[vector<16xi32>, vector<16xi32>], vector<16xf32>,
          %parallel_loop3A_174 = tpu.vector_load_idx %arg6[%parallel_loop3A_167, %add3A_127] : memref<64x128xf32, #tpu.memory_space<vmem>>[vector<16xi32>, vector<16xi32>], vector<16xf32>,
          %parallel_loop3A_175 = tpu.vector_load_idx %arg6[%parallel_loop3A_167, %add3A_131] : memref<64x128xf32, #tpu.memory_space<vmem>>[vector<16xi32>, vector<16xi32>], vector<16xf32>,
          tpu.vector_store_idx %arg8[%add3A_103, %parallel_loop3A_167], %parallel_loop3A_168 : memref<128x65xf32, #tpu.memory_space<vmem>>[vector<16xi32>, vector<16xi32>], vector<16xf32>,
          tpu.vector_store_idx %arg8[%add3A_107, %parallel_loop3A_167], %parallel_loop3A_169 : memref<128x65xf32, #tpu.memory_space<vmem>>[vector<16xi32>, vector<16xi32>], vector<16xf32>,
          tpu.vector_store_idx %arg8[%add3A_111, %parallel_loop3A_167], %parallel_loop3A_170 : memref<128x65xf32, #tpu.memory_space<vmem>>[vector<16xi32>, vector<16xi32>], vector<16xf32>,
          tpu.vector_store_idx %arg8[%add3A_115, %parallel_loop3A_167], %parallel_loop3A_171 : memref<128x65xf32, #tpu.memory_space<vmem>>[vector<16xi32>, vector<16xi32>], vector<16xf32>,
          tpu.vector_store_idx %arg8[%add3A_119, %parallel_loop3A_167], %parallel_loop3A_172 : memref<128x65xf32, #tpu.memory_space<vmem>>[vector<16xi32>, vector<16xi32>], vector<16xf32>,
          tpu.vector_store_idx %arg8[%add3A_123, %parallel_loop3A_167], %parallel_loop3A_173 : memref<128x65xf32, #tpu.memory_space<vmem>>[vector<16xi32>, vector<16xi32>], vector<16xf32>,
          tpu.vector_store_idx %arg8[%add3A_127, %parallel_loop3A_167], %parallel_loop3A_174 : memref<128x65xf32, #tpu.memory_space<vmem>>[vector<16xi32>, vector<16xi32>], vector<16xf32>,
          tpu.vector_store_idx %arg8[%add3A_131, %parallel_loop3A_167], %parallel_loop3A_175 : memref<128x65xf32, #tpu.memory_space<vmem>>[vector<16xi32>, vector<16xi32>], vector<16xf32>,
        } {sc.loop_unroll_factor = 4 : i64, sc.parallel_access}
        %parallel_loop3A_150 = arith.constant 0 : i32
        %parallel_loop3A_151 = arith.constant 128 : i32
        %parallel_loop3A_152 = arith.constant 1 : i32
        scf.for %parallel_loop3A_166 = %parallel_loop3A_150 to %parallel_loop3A_151 step %parallel_loop3A_152  : i32 {
          %parallel_loop3A_167 = vector.broadcast %parallel_loop3A_166 : i32 to vector<16xi32>
          %parallel_loop3A_168 = tpu.vector_load_idx %arg8[%parallel_loop3A_167, %add3A_135] : memref<128x65xf32, #tpu.memory_space<vmem>>[vector<16xi32>, vector<16xi32>], vector<16xf32>,
          %parallel_loop3A_169 = tpu.vector_load_idx %arg8[%parallel_loop3A_167, %add3A_139] : memref<128x65xf32, #tpu.memory_space<vmem>>[vector<16xi32>, vector<16xi32>], vector<16xf32>,
          %parallel_loop3A_170 = tpu.vector_load_idx %arg8[%parallel_loop3A_167, %add3A_143] : memref<128x65xf32, #tpu.memory_space<vmem>>[vector<16xi32>, vector<16xi32>], vector<16xf32>,
          %parallel_loop3A_171 = tpu.vector_load_idx %arg8[%parallel_loop3A_167, %add3A_147] : memref<128x65xf32, #tpu.memory_space<vmem>>[vector<16xi32>, vector<16xi32>], vector<16xf32>,
          tpu.vector_store_idx %arg7[%parallel_loop3A_167, %add3A_135], %parallel_loop3A_168 : memref<128x128xf32, #tpu.memory_space<vmem>>[vector<16xi32>, vector<16xi32>], vector<16xf32>,
          tpu.vector_store_idx %arg7[%parallel_loop3A_167, %add3A_139], %parallel_loop3A_169 : memref<128x128xf32, #tpu.memory_space<vmem>>[vector<16xi32>, vector<16xi32>], vector<16xf32>,
          tpu.vector_store_idx %arg7[%parallel_loop3A_167, %add3A_143], %parallel_loop3A_170 : memref<128x128xf32, #tpu.memory_space<vmem>>[vector<16xi32>, vector<16xi32>], vector<16xf32>,
          tpu.vector_store_idx %arg7[%parallel_loop3A_167, %add3A_147], %parallel_loop3A_171 : memref<128x128xf32, #tpu.memory_space<vmem>>[vector<16xi32>, vector<16xi32>], vector<16xf32>,
        } {sc.loop_unroll_factor = 4 : i64, sc.parallel_access}
        %mul3A_153 = arith.constant 128 : i32
        %mul3A_154 = arith.muli %mul3A_153, %add3A_90 : i32
        %multiple_of3A_155 = tpu.assume_multiple %mul3A_154, 8 : i32
        "tpu.region"() ({
          %run_scoped3A = tpu.sem_alloc : memref<!tpu.dma_semaphore, #tpu.memory_space<semaphore_mem>>
          %dma_start3A_166 = arith.constant 0 : i32
          %dma_start3A_167 = tpu.memref_slice %arg4[%multiple_of3A_155, %dma_start3A_166] : memref<1000000x128xf32, #tpu.memory_space<hbm>> -> memref<128x128xf32, #tpu.memory_space<hbm>>
          %dma_start3A_168 = arith.constant 0 : i32
          %dma_start3A_169 = tpu.memref_slice %arg4[%multiple_of3A_155, %dma_start3A_168] : memref<1000000x128xf32, #tpu.memory_space<hbm>> -> memref<128x128xf32, #tpu.memory_space<hbm>>
          tpu.enqueue_dma source(%arg7 : memref<128x128xf32, #tpu.memory_space<vmem>>) target(%dma_start3A_169 : memref<128x128xf32, #tpu.memory_space<hbm>>) target_semaphore(%run_scoped3A : memref<!tpu.dma_semaphore, #tpu.memory_space<semaphore_mem>>)
          %dma_wait3A_170 = arith.constant 0 : i32
          %dma_wait3A_171 = tpu.memref_slice %arg4[%multiple_of3A_155, %dma_wait3A_170] : memref<1000000x128xf32, #tpu.memory_space<hbm>> -> memref<128x128xf32, #tpu.memory_space<hbm>>
          %dma_wait3A_172 = arith.constant 0 : i32
          %dma_wait3A_173 = tpu.memref_slice %arg4[%multiple_of3A_155, %dma_wait3A_172] : memref<1000000x128xf32, #tpu.memory_space<hbm>> -> memref<128x128xf32, #tpu.memory_space<hbm>>
          tpu.wait_dma2 semaphore(%run_scoped3A : memref<!tpu.dma_semaphore, #tpu.memory_space<semaphore_mem>>) src(%arg7 : memref<128x128xf32, #tpu.memory_space<vmem>>) dst(%dma_wait3A_173 : memref<128x128xf32, #tpu.memory_space<hbm>>)
          tpu.yield
        }) : () -> ()
        %add3A_156 = arith.constant 2 : i32
        %add3A_157 = arith.addi %add3A_87, %add3A_156 : i32
        %mul3A_158 = arith.constant 32 : i32
        %mul3A_159 = arith.muli %mul3A_158, %add3A_157 : i32
        %add3A_160 = arith.addi %add3A, %mul3A_159 : i32
        %lt3A_161 = arith.constant 7812 : i32
        %lt3A_162 = arith.cmpi slt, %add3A_160, %lt3A_161 : i32
        %convert_element_type3A_163 = arith.extui %lt3A_162 : i1 to i32
        %cond3A_164 = arith.constant 0 : i32
        %cond3A_165 = arith.cmpi ne, %convert_element_type3A_163, %cond3A_164 : i32
        scf.if %cond3A_165 {
          %mul3A_166 = arith.constant 128 : i32
          %mul3A_167 = arith.muli %mul3A_166, %add3A_160 : i32
          %multiple_of3A_168 = tpu.assume_multiple %mul3A_167, 128 : i32
          %dma_start3A_169 = arith.constant 0 : i32
          %dma_start3A_170 = tpu.memref_slice %arg2[%dma_start3A_169, %multiple_of3A_168] : memref<64x1000000xf32, #tpu.memory_space<hbm>> -> memref<64x128xf32, #tpu.memory_space<hbm>>
          %dma_start3A_171 = arith.constant 0 : i32
          %dma_start3A_172 = tpu.memref_slice %arg2[%dma_start3A_171, %multiple_of3A_168] : memref<64x1000000xf32, #tpu.memory_space<hbm>> -> memref<64x128xf32, #tpu.memory_space<hbm>>
          tpu.enqueue_dma source(%dma_start3A_172 : memref<64x128xf32, #tpu.memory_space<hbm>>) target(%arg6 : memref<64x128xf32, #tpu.memory_space<vmem>>) target_semaphore(%arg10 : memref<!tpu.dma_semaphore, #tpu.memory_space<semaphore_mem>>)
        } else {
        }
      } else {
      }
    }
    %while3A_71 = arith.constant 1 : i32
    scf.for %while3A_72 = %while3A_69 to %while3A_65 step %while3A_71  : i32 {
      %mul3A_73 = arith.constant 2 : i32
      %mul3A_74 = arith.muli %mul3A_73, %while3A_72 : i32
      %add3A_75 = arith.constant 0 : i32
      %add3A_76 = arith.addi %mul3A_74, %add3A_75 : i32
      %mul3A_77 = arith.constant 32 : i32
      %mul3A_78 = arith.muli %mul3A_77, %add3A_76 : i32
      %add3A_79 = arith.addi %add3A, %mul3A_78 : i32
      %lt3A = arith.constant 7812 : i32
      %lt3A_80 = arith.cmpi slt, %add3A_79, %lt3A : i32
      %convert_element_type3A_81 = arith.extui %lt3A_80 : i1 to i32
      %cond3A_82 = arith.constant 0 : i32
      %cond3A_83 = arith.cmpi ne, %convert_element_type3A_81, %cond3A_82 : i32
      scf.if %cond3A_83 {
        %dma_wait3A = arith.constant 0 : i32
        %dma_wait3A_96 = arith.constant 0 : i32
        %dma_wait3A_97 = tpu.memref_slice %arg2[%dma_wait3A, %dma_wait3A_96] : memref<64x1000000xf32, #tpu.memory_space<hbm>> -> memref<64x128xf32, #tpu.memory_space<hbm>>
        %dma_wait3A_98 = arith.constant 0 : i32
        %dma_wait3A_99 = arith.constant 0 : i32
        %dma_wait3A_100 = tpu.memref_slice %arg2[%dma_wait3A_98, %dma_wait3A_99] : memref<64x1000000xf32, #tpu.memory_space<hbm>> -> memref<64x128xf32, #tpu.memory_space<hbm>>
        tpu.wait_dma2 semaphore(%arg9 : memref<!tpu.dma_semaphore, #tpu.memory_space<semaphore_mem>>) src(%dma_wait3A_100 : memref<64x128xf32, #tpu.memory_space<hbm>>) dst(%arg5 : memref<64x128xf32, #tpu.memory_space<vmem>>)
        %iota3A = tpu.iota {dimensions = array<i32: 0>} : vector<16xi32>
        %add3A_101 = arith.constant 0 : i32
        %add3A_102 = vector.broadcast %add3A_101 : i32 to vector<16xi32>
        %add3A_103 = arith.addi %iota3A, %add3A_102 : vector<16xi32>
        %iota3A_104 = tpu.iota {dimensions = array<i32: 0>} : vector<16xi32>
        %add3A_105 = arith.constant 16 : i32
        %add3A_106 = vector.broadcast %add3A_105 : i32 to vector<16xi32>
        %add3A_107 = arith.addi %iota3A_104, %add3A_106 : vector<16xi32>
        %iota3A_108 = tpu.iota {dimensions = array<i32: 0>} : vector<16xi32>
        %add3A_109 = arith.constant 32 : i32
        %add3A_110 = vector.broadcast %add3A_109 : i32 to vector<16xi32>
        %add3A_111 = arith.addi %iota3A_108, %add3A_110 : vector<16xi32>
        %iota3A_112 = tpu.iota {dimensions = array<i32: 0>} : vector<16xi32>
        %add3A_113 = arith.constant 48 : i32
        %add3A_114 = vector.broadcast %add3A_113 : i32 to vector<16xi32>
        %add3A_115 = arith.addi %iota3A_112, %add3A_114 : vector<16xi32>
        %iota3A_116 = tpu.iota {dimensions = array<i32: 0>} : vector<16xi32>
        %add3A_117 = arith.constant 64 : i32
        %add3A_118 = vector.broadcast %add3A_117 : i32 to vector<16xi32>
        %add3A_119 = arith.addi %iota3A_116, %add3A_118 : vector<16xi32>
        %iota3A_120 = tpu.iota {dimensions = array<i32: 0>} : vector<16xi32>
        %add3A_121 = arith.constant 80 : i32
        %add3A_122 = vector.broadcast %add3A_121 : i32 to vector<16xi32>
        %add3A_123 = arith.addi %iota3A_120, %add3A_122 : vector<16xi32>
        %iota3A_124 = tpu.iota {dimensions = array<i32: 0>} : vector<16xi32>
        %add3A_125 = arith.constant 96 : i32
        %add3A_126 = vector.broadcast %add3A_125 : i32 to vector<16xi32>
        %add3A_127 = arith.addi %iota3A_124, %add3A_126 : vector<16xi32>
        %iota3A_128 = tpu.iota {dimensions = array<i32: 0>} : vector<16xi32>
        %add3A_129 = arith.constant 112 : i32
        %add3A_130 = vector.broadcast %add3A_129 : i32 to vector<16xi32>
        %add3A_131 = arith.addi %iota3A_128, %add3A_130 : vector<16xi32>
        %iota3A_132 = tpu.iota {dimensions = array<i32: 0>} : vector<16xi32>
        %add3A_133 = arith.constant 0 : i32
        %add3A_134 = vector.broadcast %add3A_133 : i32 to vector<16xi32>
        %add3A_135 = arith.addi %iota3A_132, %add3A_134 : vector<16xi32>
        %iota3A_136 = tpu.iota {dimensions = array<i32: 0>} : vector<16xi32>
        %add3A_137 = arith.constant 16 : i32
        %add3A_138 = vector.broadcast %add3A_137 : i32 to vector<16xi32>
        %add3A_139 = arith.addi %iota3A_136, %add3A_138 : vector<16xi32>
        %iota3A_140 = tpu.iota {dimensions = array<i32: 0>} : vector<16xi32>
        %add3A_141 = arith.constant 32 : i32
        %add3A_142 = vector.broadcast %add3A_141 : i32 to vector<16xi32>
        %add3A_143 = arith.addi %iota3A_140, %add3A_142 : vector<16xi32>
        %iota3A_144 = tpu.iota {dimensions = array<i32: 0>} : vector<16xi32>
        %add3A_145 = arith.constant 48 : i32
        %add3A_146 = vector.broadcast %add3A_145 : i32 to vector<16xi32>
        %add3A_147 = arith.addi %iota3A_144, %add3A_146 : vector<16xi32>
        %parallel_loop3A = arith.constant 0 : i32
        %parallel_loop3A_148 = arith.constant 64 : i32
        %parallel_loop3A_149 = arith.constant 1 : i32
        scf.for %parallel_loop3A_166 = %parallel_loop3A to %parallel_loop3A_148 step %parallel_loop3A_149  : i32 {
          %parallel_loop3A_167 = vector.broadcast %parallel_loop3A_166 : i32 to vector<16xi32>
          %parallel_loop3A_168 = tpu.vector_load_idx %arg5[%parallel_loop3A_167, %add3A_103] : memref<64x128xf32, #tpu.memory_space<vmem>>[vector<16xi32>, vector<16xi32>], vector<16xf32>,
          %parallel_loop3A_169 = tpu.vector_load_idx %arg5[%parallel_loop3A_167, %add3A_107] : memref<64x128xf32, #tpu.memory_space<vmem>>[vector<16xi32>, vector<16xi32>], vector<16xf32>,
          %parallel_loop3A_170 = tpu.vector_load_idx %arg5[%parallel_loop3A_167, %add3A_111] : memref<64x128xf32, #tpu.memory_space<vmem>>[vector<16xi32>, vector<16xi32>], vector<16xf32>,
          %parallel_loop3A_171 = tpu.vector_load_idx %arg5[%parallel_loop3A_167, %add3A_115] : memref<64x128xf32, #tpu.memory_space<vmem>>[vector<16xi32>, vector<16xi32>], vector<16xf32>,
          %parallel_loop3A_172 = tpu.vector_load_idx %arg5[%parallel_loop3A_167, %add3A_119] : memref<64x128xf32, #tpu.memory_space<vmem>>[vector<16xi32>, vector<16xi32>], vector<16xf32>,
          %parallel_loop3A_173 = tpu.vector_load_idx %arg5[%parallel_loop3A_167, %add3A_123] : memref<64x128xf32, #tpu.memory_space<vmem>>[vector<16xi32>, vector<16xi32>], vector<16xf32>,
          %parallel_loop3A_174 = tpu.vector_load_idx %arg5[%parallel_loop3A_167, %add3A_127] : memref<64x128xf32, #tpu.memory_space<vmem>>[vector<16xi32>, vector<16xi32>], vector<16xf32>,
          %parallel_loop3A_175 = tpu.vector_load_idx %arg5[%parallel_loop3A_167, %add3A_131] : memref<64x128xf32, #tpu.memory_space<vmem>>[vector<16xi32>, vector<16xi32>], vector<16xf32>,
          tpu.vector_store_idx %arg8[%add3A_103, %parallel_loop3A_167], %parallel_loop3A_168 : memref<128x65xf32, #tpu.memory_space<vmem>>[vector<16xi32>, vector<16xi32>], vector<16xf32>,
          tpu.vector_store_idx %arg8[%add3A_107, %parallel_loop3A_167], %parallel_loop3A_169 : memref<128x65xf32, #tpu.memory_space<vmem>>[vector<16xi32>, vector<16xi32>], vector<16xf32>,
          tpu.vector_store_idx %arg8[%add3A_111, %parallel_loop3A_167], %parallel_loop3A_170 : memref<128x65xf32, #tpu.memory_space<vmem>>[vector<16xi32>, vector<16xi32>], vector<16xf32>,
          tpu.vector_store_idx %arg8[%add3A_115, %parallel_loop3A_167], %parallel_loop3A_171 : memref<128x65xf32, #tpu.memory_space<vmem>>[vector<16xi32>, vector<16xi32>], vector<16xf32>,
          tpu.vector_store_idx %arg8[%add3A_119, %parallel_loop3A_167], %parallel_loop3A_172 : memref<128x65xf32, #tpu.memory_space<vmem>>[vector<16xi32>, vector<16xi32>], vector<16xf32>,
          tpu.vector_store_idx %arg8[%add3A_123, %parallel_loop3A_167], %parallel_loop3A_173 : memref<128x65xf32, #tpu.memory_space<vmem>>[vector<16xi32>, vector<16xi32>], vector<16xf32>,
          tpu.vector_store_idx %arg8[%add3A_127, %parallel_loop3A_167], %parallel_loop3A_174 : memref<128x65xf32, #tpu.memory_space<vmem>>[vector<16xi32>, vector<16xi32>], vector<16xf32>,
          tpu.vector_store_idx %arg8[%add3A_131, %parallel_loop3A_167], %parallel_loop3A_175 : memref<128x65xf32, #tpu.memory_space<vmem>>[vector<16xi32>, vector<16xi32>], vector<16xf32>,
        } {sc.loop_unroll_factor = 4 : i64, sc.parallel_access}
        %parallel_loop3A_150 = arith.constant 0 : i32
        %parallel_loop3A_151 = arith.constant 128 : i32
        %parallel_loop3A_152 = arith.constant 1 : i32
        scf.for %parallel_loop3A_166 = %parallel_loop3A_150 to %parallel_loop3A_151 step %parallel_loop3A_152  : i32 {
          %parallel_loop3A_167 = vector.broadcast %parallel_loop3A_166 : i32 to vector<16xi32>
          %parallel_loop3A_168 = tpu.vector_load_idx %arg8[%parallel_loop3A_167, %add3A_135] : memref<128x65xf32, #tpu.memory_space<vmem>>[vector<16xi32>, vector<16xi32>], vector<16xf32>,
          %parallel_loop3A_169 = tpu.vector_load_idx %arg8[%parallel_loop3A_167, %add3A_139] : memref<128x65xf32, #tpu.memory_space<vmem>>[vector<16xi32>, vector<16xi32>], vector<16xf32>,
          %parallel_loop3A_170 = tpu.vector_load_idx %arg8[%parallel_loop3A_167, %add3A_143] : memref<128x65xf32, #tpu.memory_space<vmem>>[vector<16xi32>, vector<16xi32>], vector<16xf32>,
          %parallel_loop3A_171 = tpu.vector_load_idx %arg8[%parallel_loop3A_167, %add3A_147] : memref<128x65xf32, #tpu.memory_space<vmem>>[vector<16xi32>, vector<16xi32>], vector<16xf32>,
          tpu.vector_store_idx %arg7[%parallel_loop3A_167, %add3A_135], %parallel_loop3A_168 : memref<128x128xf32, #tpu.memory_space<vmem>>[vector<16xi32>, vector<16xi32>], vector<16xf32>,
          tpu.vector_store_idx %arg7[%parallel_loop3A_167, %add3A_139], %parallel_loop3A_169 : memref<128x128xf32, #tpu.memory_space<vmem>>[vector<16xi32>, vector<16xi32>], vector<16xf32>,
          tpu.vector_store_idx %arg7[%parallel_loop3A_167, %add3A_143], %parallel_loop3A_170 : memref<128x128xf32, #tpu.memory_space<vmem>>[vector<16xi32>, vector<16xi32>], vector<16xf32>,
          tpu.vector_store_idx %arg7[%parallel_loop3A_167, %add3A_147], %parallel_loop3A_171 : memref<128x128xf32, #tpu.memory_space<vmem>>[vector<16xi32>, vector<16xi32>], vector<16xf32>,
        } {sc.loop_unroll_factor = 4 : i64, sc.parallel_access}
        %mul3A_153 = arith.constant 128 : i32
        %mul3A_154 = arith.muli %mul3A_153, %add3A_79 : i32
        %multiple_of3A_155 = tpu.assume_multiple %mul3A_154, 8 : i32
        "tpu.region"() ({
          %run_scoped3A = tpu.sem_alloc : memref<!tpu.dma_semaphore, #tpu.memory_space<semaphore_mem>>
          %dma_start3A_166 = arith.constant 0 : i32
          %dma_start3A_167 = tpu.memref_slice %arg4[%multiple_of3A_155, %dma_start3A_166] : memref<1000000x128xf32, #tpu.memory_space<hbm>> -> memref<128x128xf32, #tpu.memory_space<hbm>>
          %dma_start3A_168 = arith.constant 0 : i32
          %dma_start3A_169 = tpu.memref_slice %arg4[%multiple_of3A_155, %dma_start3A_168] : memref<1000000x128xf32, #tpu.memory_space<hbm>> -> memref<128x128xf32, #tpu.memory_space<hbm>>
          tpu.enqueue_dma source(%arg7 : memref<128x128xf32, #tpu.memory_space<vmem>>) target(%dma_start3A_169 : memref<128x128xf32, #tpu.memory_space<hbm>>) target_semaphore(%run_scoped3A : memref<!tpu.dma_semaphore, #tpu.memory_space<semaphore_mem>>)
          %dma_wait3A_170 = arith.constant 0 : i32
          %dma_wait3A_171 = tpu.memref_slice %arg4[%multiple_of3A_155, %dma_wait3A_170] : memref<1000000x128xf32, #tpu.memory_space<hbm>> -> memref<128x128xf32, #tpu.memory_space<hbm>>
          %dma_wait3A_172 = arith.constant 0 : i32
          %dma_wait3A_173 = tpu.memref_slice %arg4[%multiple_of3A_155, %dma_wait3A_172] : memref<1000000x128xf32, #tpu.memory_space<hbm>> -> memref<128x128xf32, #tpu.memory_space<hbm>>
          tpu.wait_dma2 semaphore(%run_scoped3A : memref<!tpu.dma_semaphore, #tpu.memory_space<semaphore_mem>>) src(%arg7 : memref<128x128xf32, #tpu.memory_space<vmem>>) dst(%dma_wait3A_173 : memref<128x128xf32, #tpu.memory_space<hbm>>)
          tpu.yield
        }) : () -> ()
        %add3A_156 = arith.constant 2 : i32
        %add3A_157 = arith.addi %add3A_76, %add3A_156 : i32
        %mul3A_158 = arith.constant 32 : i32
        %mul3A_159 = arith.muli %mul3A_158, %add3A_157 : i32
        %add3A_160 = arith.addi %add3A, %mul3A_159 : i32
        %lt3A_161 = arith.constant 7812 : i32
        %lt3A_162 = arith.cmpi slt, %add3A_160, %lt3A_161 : i32
        %convert_element_type3A_163 = arith.extui %lt3A_162 : i1 to i32
        %cond3A_164 = arith.constant 0 : i32
        %cond3A_165 = arith.cmpi ne, %convert_element_type3A_163, %cond3A_164 : i32
        scf.if %cond3A_165 {
          %mul3A_166 = arith.constant 128 : i32
          %mul3A_167 = arith.muli %mul3A_166, %add3A_160 : i32
          %multiple_of3A_168 = tpu.assume_multiple %mul3A_167, 128 : i32
          %dma_start3A_169 = arith.constant 0 : i32
          %dma_start3A_170 = tpu.memref_slice %arg2[%dma_start3A_169, %multiple_of3A_168] : memref<64x1000000xf32, #tpu.memory_space<hbm>> -> memref<64x128xf32, #tpu.memory_space<hbm>>
          %dma_start3A_171 = arith.constant 0 : i32
          %dma_start3A_172 = tpu.memref_slice %arg2[%dma_start3A_171, %multiple_of3A_168] : memref<64x1000000xf32, #tpu.memory_space<hbm>> -> memref<64x128xf32, #tpu.memory_space<hbm>>
          tpu.enqueue_dma source(%dma_start3A_172 : memref<64x128xf32, #tpu.memory_space<hbm>>) target(%arg5 : memref<64x128xf32, #tpu.memory_space<vmem>>) target_semaphore(%arg9 : memref<!tpu.dma_semaphore, #tpu.memory_space<semaphore_mem>>)
        } else {
        }
      } else {
      }
      %mul3A_84 = arith.constant 2 : i32
      %mul3A_85 = arith.muli %mul3A_84, %while3A_72 : i32
      %add3A_86 = arith.constant 1 : i32
      %add3A_87 = arith.addi %mul3A_85, %add3A_86 : i32
      %mul3A_88 = arith.constant 32 : i32
      %mul3A_89 = arith.muli %mul3A_88, %add3A_87 : i32
      %add3A_90 = arith.addi %add3A, %mul3A_89 : i32
      %lt3A_91 = arith.constant 7812 : i32
      %lt3A_92 = arith.cmpi slt, %add3A_90, %lt3A_91 : i32
      %convert_element_type3A_93 = arith.extui %lt3A_92 : i1 to i32
      %cond3A_94 = arith.constant 0 : i32
      %cond3A_95 = arith.cmpi ne, %convert_element_type3A_93, %cond3A_94 : i32
      scf.if %cond3A_95 {
        %dma_wait3A = arith.constant 0 : i32
        %dma_wait3A_96 = arith.constant 0 : i32
        %dma_wait3A_97 = tpu.memref_slice %arg2[%dma_wait3A, %dma_wait3A_96] : memref<64x1000000xf32, #tpu.memory_space<hbm>> -> memref<64x128xf32, #tpu.memory_space<hbm>>
        %dma_wait3A_98 = arith.constant 0 : i32
        %dma_wait3A_99 = arith.constant 0 : i32
        %dma_wait3A_100 = tpu.memref_slice %arg2[%dma_wait3A_98, %dma_wait3A_99] : memref<64x1000000xf32, #tpu.memory_space<hbm>> -> memref<64x128xf32, #tpu.memory_space<hbm>>
        tpu.wait_dma2 semaphore(%arg10 : memref<!tpu.dma_semaphore, #tpu.memory_space<semaphore_mem>>) src(%dma_wait3A_100 : memref<64x128xf32, #tpu.memory_space<hbm>>) dst(%arg6 : memref<64x128xf32, #tpu.memory_space<vmem>>)
        %iota3A = tpu.iota {dimensions = array<i32: 0>} : vector<16xi32>
        %add3A_101 = arith.constant 0 : i32
        %add3A_102 = vector.broadcast %add3A_101 : i32 to vector<16xi32>
        %add3A_103 = arith.addi %iota3A, %add3A_102 : vector<16xi32>
        %iota3A_104 = tpu.iota {dimensions = array<i32: 0>} : vector<16xi32>
        %add3A_105 = arith.constant 16 : i32
        %add3A_106 = vector.broadcast %add3A_105 : i32 to vector<16xi32>
        %add3A_107 = arith.addi %iota3A_104, %add3A_106 : vector<16xi32>
        %iota3A_108 = tpu.iota {dimensions = array<i32: 0>} : vector<16xi32>
        %add3A_109 = arith.constant 32 : i32
        %add3A_110 = vector.broadcast %add3A_109 : i32 to vector<16xi32>
        %add3A_111 = arith.addi %iota3A_108, %add3A_110 : vector<16xi32>
        %iota3A_112 = tpu.iota {dimensions = array<i32: 0>} : vector<16xi32>
        %add3A_113 = arith.constant 48 : i32
        %add3A_114 = vector.broadcast %add3A_113 : i32 to vector<16xi32>
        %add3A_115 = arith.addi %iota3A_112, %add3A_114 : vector<16xi32>
        %iota3A_116 = tpu.iota {dimensions = array<i32: 0>} : vector<16xi32>
        %add3A_117 = arith.constant 64 : i32
        %add3A_118 = vector.broadcast %add3A_117 : i32 to vector<16xi32>
        %add3A_119 = arith.addi %iota3A_116, %add3A_118 : vector<16xi32>
        %iota3A_120 = tpu.iota {dimensions = array<i32: 0>} : vector<16xi32>
        %add3A_121 = arith.constant 80 : i32
        %add3A_122 = vector.broadcast %add3A_121 : i32 to vector<16xi32>
        %add3A_123 = arith.addi %iota3A_120, %add3A_122 : vector<16xi32>
        %iota3A_124 = tpu.iota {dimensions = array<i32: 0>} : vector<16xi32>
        %add3A_125 = arith.constant 96 : i32
        %add3A_126 = vector.broadcast %add3A_125 : i32 to vector<16xi32>
        %add3A_127 = arith.addi %iota3A_124, %add3A_126 : vector<16xi32>
        %iota3A_128 = tpu.iota {dimensions = array<i32: 0>} : vector<16xi32>
        %add3A_129 = arith.constant 112 : i32
        %add3A_130 = vector.broadcast %add3A_129 : i32 to vector<16xi32>
        %add3A_131 = arith.addi %iota3A_128, %add3A_130 : vector<16xi32>
        %iota3A_132 = tpu.iota {dimensions = array<i32: 0>} : vector<16xi32>
        %add3A_133 = arith.constant 0 : i32
        %add3A_134 = vector.broadcast %add3A_133 : i32 to vector<16xi32>
        %add3A_135 = arith.addi %iota3A_132, %add3A_134 : vector<16xi32>
        %iota3A_136 = tpu.iota {dimensions = array<i32: 0>} : vector<16xi32>
        %add3A_137 = arith.constant 16 : i32
        %add3A_138 = vector.broadcast %add3A_137 : i32 to vector<16xi32>
        %add3A_139 = arith.addi %iota3A_136, %add3A_138 : vector<16xi32>
        %iota3A_140 = tpu.iota {dimensions = array<i32: 0>} : vector<16xi32>
        %add3A_141 = arith.constant 32 : i32
        %add3A_142 = vector.broadcast %add3A_141 : i32 to vector<16xi32>
        %add3A_143 = arith.addi %iota3A_140, %add3A_142 : vector<16xi32>
        %iota3A_144 = tpu.iota {dimensions = array<i32: 0>} : vector<16xi32>
        %add3A_145 = arith.constant 48 : i32
        %add3A_146 = vector.broadcast %add3A_145 : i32 to vector<16xi32>
        %add3A_147 = arith.addi %iota3A_144, %add3A_146 : vector<16xi32>
        %parallel_loop3A = arith.constant 0 : i32
        %parallel_loop3A_148 = arith.constant 64 : i32
        %parallel_loop3A_149 = arith.constant 1 : i32
        scf.for %parallel_loop3A_166 = %parallel_loop3A to %parallel_loop3A_148 step %parallel_loop3A_149  : i32 {
          %parallel_loop3A_167 = vector.broadcast %parallel_loop3A_166 : i32 to vector<16xi32>
          %parallel_loop3A_168 = tpu.vector_load_idx %arg6[%parallel_loop3A_167, %add3A_103] : memref<64x128xf32, #tpu.memory_space<vmem>>[vector<16xi32>, vector<16xi32>], vector<16xf32>,
          %parallel_loop3A_169 = tpu.vector_load_idx %arg6[%parallel_loop3A_167, %add3A_107] : memref<64x128xf32, #tpu.memory_space<vmem>>[vector<16xi32>, vector<16xi32>], vector<16xf32>,
          %parallel_loop3A_170 = tpu.vector_load_idx %arg6[%parallel_loop3A_167, %add3A_111] : memref<64x128xf32, #tpu.memory_space<vmem>>[vector<16xi32>, vector<16xi32>], vector<16xf32>,
          %parallel_loop3A_171 = tpu.vector_load_idx %arg6[%parallel_loop3A_167, %add3A_115] : memref<64x128xf32, #tpu.memory_space<vmem>>[vector<16xi32>, vector<16xi32>], vector<16xf32>,
          %parallel_loop3A_172 = tpu.vector_load_idx %arg6[%parallel_loop3A_167, %add3A_119] : memref<64x128xf32, #tpu.memory_space<vmem>>[vector<16xi32>, vector<16xi32>], vector<16xf32>,
          %parallel_loop3A_173 = tpu.vector_load_idx %arg6[%parallel_loop3A_167, %add3A_123] : memref<64x128xf32, #tpu.memory_space<vmem>>[vector<16xi32>, vector<16xi32>], vector<16xf32>,
          %parallel_loop3A_174 = tpu.vector_load_idx %arg6[%parallel_loop3A_167, %add3A_127] : memref<64x128xf32, #tpu.memory_space<vmem>>[vector<16xi32>, vector<16xi32>], vector<16xf32>,
          %parallel_loop3A_175 = tpu.vector_load_idx %arg6[%parallel_loop3A_167, %add3A_131] : memref<64x128xf32, #tpu.memory_space<vmem>>[vector<16xi32>, vector<16xi32>], vector<16xf32>,
          tpu.vector_store_idx %arg8[%add3A_103, %parallel_loop3A_167], %parallel_loop3A_168 : memref<128x65xf32, #tpu.memory_space<vmem>>[vector<16xi32>, vector<16xi32>], vector<16xf32>,
          tpu.vector_store_idx %arg8[%add3A_107, %parallel_loop3A_167], %parallel_loop3A_169 : memref<128x65xf32, #tpu.memory_space<vmem>>[vector<16xi32>, vector<16xi32>], vector<16xf32>,
          tpu.vector_store_idx %arg8[%add3A_111, %parallel_loop3A_167], %parallel_loop3A_170 : memref<128x65xf32, #tpu.memory_space<vmem>>[vector<16xi32>, vector<16xi32>], vector<16xf32>,
          tpu.vector_store_idx %arg8[%add3A_115, %parallel_loop3A_167], %parallel_loop3A_171 : memref<128x65xf32, #tpu.memory_space<vmem>>[vector<16xi32>, vector<16xi32>], vector<16xf32>,
          tpu.vector_store_idx %arg8[%add3A_119, %parallel_loop3A_167], %parallel_loop3A_172 : memref<128x65xf32, #tpu.memory_space<vmem>>[vector<16xi32>, vector<16xi32>], vector<16xf32>,
          tpu.vector_store_idx %arg8[%add3A_123, %parallel_loop3A_167], %parallel_loop3A_173 : memref<128x65xf32, #tpu.memory_space<vmem>>[vector<16xi32>, vector<16xi32>], vector<16xf32>,
          tpu.vector_store_idx %arg8[%add3A_127, %parallel_loop3A_167], %parallel_loop3A_174 : memref<128x65xf32, #tpu.memory_space<vmem>>[vector<16xi32>, vector<16xi32>], vector<16xf32>,
          tpu.vector_store_idx %arg8[%add3A_131, %parallel_loop3A_167], %parallel_loop3A_175 : memref<128x65xf32, #tpu.memory_space<vmem>>[vector<16xi32>, vector<16xi32>], vector<16xf32>,
        } {sc.loop_unroll_factor = 4 : i64, sc.parallel_access}
        %parallel_loop3A_150 = arith.constant 0 : i32
        %parallel_loop3A_151 = arith.constant 128 : i32
        %parallel_loop3A_152 = arith.constant 1 : i32
        scf.for %parallel_loop3A_166 = %parallel_loop3A_150 to %parallel_loop3A_151 step %parallel_loop3A_152  : i32 {
          %parallel_loop3A_167 = vector.broadcast %parallel_loop3A_166 : i32 to vector<16xi32>
          %parallel_loop3A_168 = tpu.vector_load_idx %arg8[%parallel_loop3A_167, %add3A_135] : memref<128x65xf32, #tpu.memory_space<vmem>>[vector<16xi32>, vector<16xi32>], vector<16xf32>,
          %parallel_loop3A_169 = tpu.vector_load_idx %arg8[%parallel_loop3A_167, %add3A_139] : memref<128x65xf32, #tpu.memory_space<vmem>>[vector<16xi32>, vector<16xi32>], vector<16xf32>,
          %parallel_loop3A_170 = tpu.vector_load_idx %arg8[%parallel_loop3A_167, %add3A_143] : memref<128x65xf32, #tpu.memory_space<vmem>>[vector<16xi32>, vector<16xi32>], vector<16xf32>,
          %parallel_loop3A_171 = tpu.vector_load_idx %arg8[%parallel_loop3A_167, %add3A_147] : memref<128x65xf32, #tpu.memory_space<vmem>>[vector<16xi32>, vector<16xi32>], vector<16xf32>,
          tpu.vector_store_idx %arg7[%parallel_loop3A_167, %add3A_135], %parallel_loop3A_168 : memref<128x128xf32, #tpu.memory_space<vmem>>[vector<16xi32>, vector<16xi32>], vector<16xf32>,
          tpu.vector_store_idx %arg7[%parallel_loop3A_167, %add3A_139], %parallel_loop3A_169 : memref<128x128xf32, #tpu.memory_space<vmem>>[vector<16xi32>, vector<16xi32>], vector<16xf32>,
          tpu.vector_store_idx %arg7[%parallel_loop3A_167, %add3A_143], %parallel_loop3A_170 : memref<128x128xf32, #tpu.memory_space<vmem>>[vector<16xi32>, vector<16xi32>], vector<16xf32>,
          tpu.vector_store_idx %arg7[%parallel_loop3A_167, %add3A_147], %parallel_loop3A_171 : memref<128x128xf32, #tpu.memory_space<vmem>>[vector<16xi32>, vector<16xi32>], vector<16xf32>,
        } {sc.loop_unroll_factor = 4 : i64, sc.parallel_access}
        %mul3A_153 = arith.constant 128 : i32
        %mul3A_154 = arith.muli %mul3A_153, %add3A_90 : i32
        %multiple_of3A_155 = tpu.assume_multiple %mul3A_154, 8 : i32
        "tpu.region"() ({
          %run_scoped3A = tpu.sem_alloc : memref<!tpu.dma_semaphore, #tpu.memory_space<semaphore_mem>>
          %dma_start3A_166 = arith.constant 0 : i32
          %dma_start3A_167 = tpu.memref_slice %arg4[%multiple_of3A_155, %dma_start3A_166] : memref<1000000x128xf32, #tpu.memory_space<hbm>> -> memref<128x128xf32, #tpu.memory_space<hbm>>
          %dma_start3A_168 = arith.constant 0 : i32
          %dma_start3A_169 = tpu.memref_slice %arg4[%multiple_of3A_155, %dma_start3A_168] : memref<1000000x128xf32, #tpu.memory_space<hbm>> -> memref<128x128xf32, #tpu.memory_space<hbm>>
          tpu.enqueue_dma source(%arg7 : memref<128x128xf32, #tpu.memory_space<vmem>>) target(%dma_start3A_169 : memref<128x128xf32, #tpu.memory_space<hbm>>) target_semaphore(%run_scoped3A : memref<!tpu.dma_semaphore, #tpu.memory_space<semaphore_mem>>)
          %dma_wait3A_170 = arith.constant 0 : i32
          %dma_wait3A_171 = tpu.memref_slice %arg4[%multiple_of3A_155, %dma_wait3A_170] : memref<1000000x128xf32, #tpu.memory_space<hbm>> -> memref<128x128xf32, #tpu.memory_space<hbm>>
          %dma_wait3A_172 = arith.constant 0 : i32
          %dma_wait3A_173 = tpu.memref_slice %arg4[%multiple_of3A_155, %dma_wait3A_172] : memref<1000000x128xf32, #tpu.memory_space<hbm>> -> memref<128x128xf32, #tpu.memory_space<hbm>>
          tpu.wait_dma2 semaphore(%run_scoped3A : memref<!tpu.dma_semaphore, #tpu.memory_space<semaphore_mem>>) src(%arg7 : memref<128x128xf32, #tpu.memory_space<vmem>>) dst(%dma_wait3A_173 : memref<128x128xf32, #tpu.memory_space<hbm>>)
          tpu.yield
        }) : () -> ()
        %add3A_156 = arith.constant 2 : i32
        %add3A_157 = arith.addi %add3A_87, %add3A_156 : i32
        %mul3A_158 = arith.constant 32 : i32
        %mul3A_159 = arith.muli %mul3A_158, %add3A_157 : i32
        %add3A_160 = arith.addi %add3A, %mul3A_159 : i32
        %lt3A_161 = arith.constant 7812 : i32
        %lt3A_162 = arith.cmpi slt, %add3A_160, %lt3A_161 : i32
        %convert_element_type3A_163 = arith.extui %lt3A_162 : i1 to i32
        %cond3A_164 = arith.constant 0 : i32
        %cond3A_165 = arith.cmpi ne, %convert_element_type3A_163, %cond3A_164 : i32
        scf.if %cond3A_165 {
          %mul3A_166 = arith.constant 128 : i32
          %mul3A_167 = arith.muli %mul3A_166, %add3A_160 : i32
          %multiple_of3A_168 = tpu.assume_multiple %mul3A_167, 128 : i32
          %dma_start3A_169 = arith.constant 0 : i32
          %dma_start3A_170 = tpu.memref_slice %arg2[%dma_start3A_169, %multiple_of3A_168] : memref<64x1000000xf32, #tpu.memory_space<hbm>> -> memref<64x128xf32, #tpu.memory_space<hbm>>
          %dma_start3A_171 = arith.constant 0 : i32
          %dma_start3A_172 = tpu.memref_slice %arg2[%dma_start3A_171, %multiple_of3A_168] : memref<64x1000000xf32, #tpu.memory_space<hbm>> -> memref<64x128xf32, #tpu.memory_space<hbm>>
          tpu.enqueue_dma source(%dma_start3A_172 : memref<64x128xf32, #tpu.memory_space<hbm>>) target(%arg6 : memref<64x128xf32, #tpu.memory_space<vmem>>) target_semaphore(%arg10 : memref<!tpu.dma_semaphore, #tpu.memory_space<semaphore_mem>>)
        } else {
        }
      } else {
      }
    }
    return
  }
}

#map = affine_map<(d0, d1) -> (0, 0)>
#map1 = affine_map<(d0, d1) -> (0, 0, 0)>
module attributes {stable_mosaic.version = 14 : i64} {
  func.func @_gather_body(%arg0: i32, %arg1: i32, %arg2: memref<200x16384xi32, #tpu.memory_space<hbm>>, %arg3: memref<1000000x128xf32, #tpu.memory_space<hbm>>, %arg4: memref<200x64x16384xf32, #tpu.memory_space<hbm>>, %arg5: memref<32x128xi32, #tpu.memory_space<vmem>>, %arg6: memref<64x128xf32, #tpu.memory_space<vmem>>, %arg7: memref<64x129xf32, #tpu.memory_space<vmem>>, %arg8: memref<128x128xf32, #tpu.memory_space<vmem>>, %arg9: memref<128x128xf32, #tpu.memory_space<vmem>>, %arg10: memref<128x128xf32, #tpu.memory_space<vmem>>, %arg11: memref<128x128xf32, #tpu.memory_space<vmem>>, %arg12: memref<!tpu.dma_semaphore, #tpu.memory_space<semaphore_mem>>, %arg13: memref<!tpu.dma_semaphore, #tpu.memory_space<semaphore_mem>>, %arg14: memref<!tpu.dma_semaphore, #tpu.memory_space<semaphore_mem>>, %arg15: memref<!tpu.dma_semaphore, #tpu.memory_space<semaphore_mem>>) attributes {dimension_semantics = [#tpu.dimension_semantics<core_parallel>, #tpu.dimension_semantics<subcore_parallel>], iteration_bounds = array<i64: 2, 16>, scalar_prefetch = 0 : i64, scratch_operands = 11 : i64, tpu.core_type = #tpu.core_type<sc_vector_subcore>, window_params = [{transform_indices = #map}, {transform_indices = #map}, {transform_indices = #map1}]} {
    %mul3A = arith.constant 2 : i32
    %mul3A_0 = arith.muli %arg1, %mul3A : i32
    %add3A = arith.addi %mul3A_0, %arg0 : i32
    %mul3A_1 = arith.constant 512 : i32
    %mul3A_2 = arith.muli %add3A, %mul3A_1 : i32
    %multiple_of3A = tpu.assume_multiple %mul3A_2, 128 : i32
    %scan3A = arith.constant 0 : i32
    %scan3A_3 = arith.constant 0 : i32
    %scan3A_4 = arith.constant 25 : i32
    %scan3A_5 = arith.addi %scan3A_3, %scan3A_4 : i32
    %scan3A_6 = arith.constant 1 : i32
    scf.for %scan3A_8 = %scan3A_3 to %scan3A_5 step %scan3A_6  : i32 {
      %mul3A_9 = arith.constant 8 : i32
      %mul3A_10 = arith.muli %scan3A_8, %mul3A_9 : i32
      %multiple_of3A_11 = tpu.assume_multiple %mul3A_10, 8 : i32
      %add3A_12 = arith.constant 0 : i32
      %add3A_13 = arith.addi %multiple_of3A, %add3A_12 : i32
      %multiple_of3A_14 = tpu.assume_multiple %add3A_13, 128 : i32
      "tpu.region"() ({
        %run_scoped3A = tpu.sem_alloc : memref<!tpu.dma_semaphore, #tpu.memory_space<semaphore_mem>>
        %dma_start3A_57 = arith.constant 0 : i32
        %dma_start3A_58 = arith.constant 0 : i32
        %dma_start3A_59 = tpu.memref_slice %arg5[%dma_start3A_57, %dma_start3A_58] : memref<32x128xi32, #tpu.memory_space<vmem>> -> memref<8x128xi32, #tpu.memory_space<vmem>>
        %dma_start3A_60 = tpu.memref_slice %arg2[%multiple_of3A_11, %multiple_of3A_14] : memref<200x16384xi32, #tpu.memory_space<hbm>> -> memref<8x128xi32, #tpu.memory_space<hbm>>
        %dma_start3A_61 = arith.constant 0 : i32
        %dma_start3A_62 = arith.constant 0 : i32
        %dma_start3A_63 = tpu.memref_slice %arg5[%dma_start3A_61, %dma_start3A_62] : memref<32x128xi32, #tpu.memory_space<vmem>> -> memref<8x128xi32, #tpu.memory_space<vmem>>
        %dma_start3A_64 = tpu.memref_slice %arg2[%multiple_of3A_11, %multiple_of3A_14] : memref<200x16384xi32, #tpu.memory_space<hbm>> -> memref<8x128xi32, #tpu.memory_space<hbm>>
        tpu.enqueue_dma source(%dma_start3A_64 : memref<8x128xi32, #tpu.memory_space<hbm>>) target(%dma_start3A_63 : memref<8x128xi32, #tpu.memory_space<vmem>>) target_semaphore(%run_scoped3A : memref<!tpu.dma_semaphore, #tpu.memory_space<semaphore_mem>>)
        %dma_wait3A = arith.constant 0 : i32
        %dma_wait3A_65 = arith.constant 0 : i32
        %dma_wait3A_66 = tpu.memref_slice %arg5[%dma_wait3A, %dma_wait3A_65] : memref<32x128xi32, #tpu.memory_space<vmem>> -> memref<8x128xi32, #tpu.memory_space<vmem>>
        %dma_wait3A_67 = tpu.memref_slice %arg2[%multiple_of3A_11, %multiple_of3A_14] : memref<200x16384xi32, #tpu.memory_space<hbm>> -> memref<8x128xi32, #tpu.memory_space<hbm>>
        %dma_wait3A_68 = arith.constant 0 : i32
        %dma_wait3A_69 = arith.constant 0 : i32
        %dma_wait3A_70 = tpu.memref_slice %arg5[%dma_wait3A_68, %dma_wait3A_69] : memref<32x128xi32, #tpu.memory_space<vmem>> -> memref<8x128xi32, #tpu.memory_space<vmem>>
        %dma_wait3A_71 = tpu.memref_slice %arg2[%multiple_of3A_11, %multiple_of3A_14] : memref<200x16384xi32, #tpu.memory_space<hbm>> -> memref<8x128xi32, #tpu.memory_space<hbm>>
        tpu.wait_dma2 semaphore(%run_scoped3A : memref<!tpu.dma_semaphore, #tpu.memory_space<semaphore_mem>>) src(%dma_wait3A_71 : memref<8x128xi32, #tpu.memory_space<hbm>>) dst(%dma_wait3A_70 : memref<8x128xi32, #tpu.memory_space<vmem>>)
        tpu.yield
      }) : () -> ()
      %add3A_15 = arith.constant 128 : i32
      %add3A_16 = arith.addi %multiple_of3A, %add3A_15 : i32
      %multiple_of3A_17 = tpu.assume_multiple %add3A_16, 128 : i32
      "tpu.region"() ({
        %run_scoped3A = tpu.sem_alloc : memref<!tpu.dma_semaphore, #tpu.memory_space<semaphore_mem>>
        %dma_start3A_57 = arith.constant 8 : i32
        %dma_start3A_58 = arith.constant 0 : i32
        %dma_start3A_59 = tpu.memref_slice %arg5[%dma_start3A_57, %dma_start3A_58] : memref<32x128xi32, #tpu.memory_space<vmem>> -> memref<8x128xi32, #tpu.memory_space<vmem>>
        %dma_start3A_60 = tpu.memref_slice %arg2[%multiple_of3A_11, %multiple_of3A_17] : memref<200x16384xi32, #tpu.memory_space<hbm>> -> memref<8x128xi32, #tpu.memory_space<hbm>>
        %dma_start3A_61 = arith.constant 8 : i32
        %dma_start3A_62 = arith.constant 0 : i32
        %dma_start3A_63 = tpu.memref_slice %arg5[%dma_start3A_61, %dma_start3A_62] : memref<32x128xi32, #tpu.memory_space<vmem>> -> memref<8x128xi32, #tpu.memory_space<vmem>>
        %dma_start3A_64 = tpu.memref_slice %arg2[%multiple_of3A_11, %multiple_of3A_17] : memref<200x16384xi32, #tpu.memory_space<hbm>> -> memref<8x128xi32, #tpu.memory_space<hbm>>
        tpu.enqueue_dma source(%dma_start3A_64 : memref<8x128xi32, #tpu.memory_space<hbm>>) target(%dma_start3A_63 : memref<8x128xi32, #tpu.memory_space<vmem>>) target_semaphore(%run_scoped3A : memref<!tpu.dma_semaphore, #tpu.memory_space<semaphore_mem>>)
        %dma_wait3A = arith.constant 8 : i32
        %dma_wait3A_65 = arith.constant 0 : i32
        %dma_wait3A_66 = tpu.memref_slice %arg5[%dma_wait3A, %dma_wait3A_65] : memref<32x128xi32, #tpu.memory_space<vmem>> -> memref<8x128xi32, #tpu.memory_space<vmem>>
        %dma_wait3A_67 = tpu.memref_slice %arg2[%multiple_of3A_11, %multiple_of3A_17] : memref<200x16384xi32, #tpu.memory_space<hbm>> -> memref<8x128xi32, #tpu.memory_space<hbm>>
        %dma_wait3A_68 = arith.constant 8 : i32
        %dma_wait3A_69 = arith.constant 0 : i32
        %dma_wait3A_70 = tpu.memref_slice %arg5[%dma_wait3A_68, %dma_wait3A_69] : memref<32x128xi32, #tpu.memory_space<vmem>> -> memref<8x128xi32, #tpu.memory_space<vmem>>
        %dma_wait3A_71 = tpu.memref_slice %arg2[%multiple_of3A_11, %multiple_of3A_17] : memref<200x16384xi32, #tpu.memory_space<hbm>> -> memref<8x128xi32, #tpu.memory_space<hbm>>
        tpu.wait_dma2 semaphore(%run_scoped3A : memref<!tpu.dma_semaphore, #tpu.memory_space<semaphore_mem>>) src(%dma_wait3A_71 : memref<8x128xi32, #tpu.memory_space<hbm>>) dst(%dma_wait3A_70 : memref<8x128xi32, #tpu.memory_space<vmem>>)
        tpu.yield
      }) : () -> ()
      %add3A_18 = arith.constant 256 : i32
      %add3A_19 = arith.addi %multiple_of3A, %add3A_18 : i32
      %multiple_of3A_20 = tpu.assume_multiple %add3A_19, 128 : i32
      "tpu.region"() ({
        %run_scoped3A = tpu.sem_alloc : memref<!tpu.dma_semaphore, #tpu.memory_space<semaphore_mem>>
        %dma_start3A_57 = arith.constant 16 : i32
        %dma_start3A_58 = arith.constant 0 : i32
        %dma_start3A_59 = tpu.memref_slice %arg5[%dma_start3A_57, %dma_start3A_58] : memref<32x128xi32, #tpu.memory_space<vmem>> -> memref<8x128xi32, #tpu.memory_space<vmem>>
        %dma_start3A_60 = tpu.memref_slice %arg2[%multiple_of3A_11, %multiple_of3A_20] : memref<200x16384xi32, #tpu.memory_space<hbm>> -> memref<8x128xi32, #tpu.memory_space<hbm>>
        %dma_start3A_61 = arith.constant 16 : i32
        %dma_start3A_62 = arith.constant 0 : i32
        %dma_start3A_63 = tpu.memref_slice %arg5[%dma_start3A_61, %dma_start3A_62] : memref<32x128xi32, #tpu.memory_space<vmem>> -> memref<8x128xi32, #tpu.memory_space<vmem>>
        %dma_start3A_64 = tpu.memref_slice %arg2[%multiple_of3A_11, %multiple_of3A_20] : memref<200x16384xi32, #tpu.memory_space<hbm>> -> memref<8x128xi32, #tpu.memory_space<hbm>>
        tpu.enqueue_dma source(%dma_start3A_64 : memref<8x128xi32, #tpu.memory_space<hbm>>) target(%dma_start3A_63 : memref<8x128xi32, #tpu.memory_space<vmem>>) target_semaphore(%run_scoped3A : memref<!tpu.dma_semaphore, #tpu.memory_space<semaphore_mem>>)
        %dma_wait3A = arith.constant 16 : i32
        %dma_wait3A_65 = arith.constant 0 : i32
        %dma_wait3A_66 = tpu.memref_slice %arg5[%dma_wait3A, %dma_wait3A_65] : memref<32x128xi32, #tpu.memory_space<vmem>> -> memref<8x128xi32, #tpu.memory_space<vmem>>
        %dma_wait3A_67 = tpu.memref_slice %arg2[%multiple_of3A_11, %multiple_of3A_20] : memref<200x16384xi32, #tpu.memory_space<hbm>> -> memref<8x128xi32, #tpu.memory_space<hbm>>
        %dma_wait3A_68 = arith.constant 16 : i32
        %dma_wait3A_69 = arith.constant 0 : i32
        %dma_wait3A_70 = tpu.memref_slice %arg5[%dma_wait3A_68, %dma_wait3A_69] : memref<32x128xi32, #tpu.memory_space<vmem>> -> memref<8x128xi32, #tpu.memory_space<vmem>>
        %dma_wait3A_71 = tpu.memref_slice %arg2[%multiple_of3A_11, %multiple_of3A_20] : memref<200x16384xi32, #tpu.memory_space<hbm>> -> memref<8x128xi32, #tpu.memory_space<hbm>>
        tpu.wait_dma2 semaphore(%run_scoped3A : memref<!tpu.dma_semaphore, #tpu.memory_space<semaphore_mem>>) src(%dma_wait3A_71 : memref<8x128xi32, #tpu.memory_space<hbm>>) dst(%dma_wait3A_70 : memref<8x128xi32, #tpu.memory_space<vmem>>)
        tpu.yield
      }) : () -> ()
      %add3A_21 = arith.constant 384 : i32
      %add3A_22 = arith.addi %multiple_of3A, %add3A_21 : i32
      %multiple_of3A_23 = tpu.assume_multiple %add3A_22, 128 : i32
      "tpu.region"() ({
        %run_scoped3A = tpu.sem_alloc : memref<!tpu.dma_semaphore, #tpu.memory_space<semaphore_mem>>
        %dma_start3A_57 = arith.constant 24 : i32
        %dma_start3A_58 = arith.constant 0 : i32
        %dma_start3A_59 = tpu.memref_slice %arg5[%dma_start3A_57, %dma_start3A_58] : memref<32x128xi32, #tpu.memory_space<vmem>> -> memref<8x128xi32, #tpu.memory_space<vmem>>
        %dma_start3A_60 = tpu.memref_slice %arg2[%multiple_of3A_11, %multiple_of3A_23] : memref<200x16384xi32, #tpu.memory_space<hbm>> -> memref<8x128xi32, #tpu.memory_space<hbm>>
        %dma_start3A_61 = arith.constant 24 : i32
        %dma_start3A_62 = arith.constant 0 : i32
        %dma_start3A_63 = tpu.memref_slice %arg5[%dma_start3A_61, %dma_start3A_62] : memref<32x128xi32, #tpu.memory_space<vmem>> -> memref<8x128xi32, #tpu.memory_space<vmem>>
        %dma_start3A_64 = tpu.memref_slice %arg2[%multiple_of3A_11, %multiple_of3A_23] : memref<200x16384xi32, #tpu.memory_space<hbm>> -> memref<8x128xi32, #tpu.memory_space<hbm>>
        tpu.enqueue_dma source(%dma_start3A_64 : memref<8x128xi32, #tpu.memory_space<hbm>>) target(%dma_start3A_63 : memref<8x128xi32, #tpu.memory_space<vmem>>) target_semaphore(%run_scoped3A : memref<!tpu.dma_semaphore, #tpu.memory_space<semaphore_mem>>)
        %dma_wait3A = arith.constant 24 : i32
        %dma_wait3A_65 = arith.constant 0 : i32
        %dma_wait3A_66 = tpu.memref_slice %arg5[%dma_wait3A, %dma_wait3A_65] : memref<32x128xi32, #tpu.memory_space<vmem>> -> memref<8x128xi32, #tpu.memory_space<vmem>>
        %dma_wait3A_67 = tpu.memref_slice %arg2[%multiple_of3A_11, %multiple_of3A_23] : memref<200x16384xi32, #tpu.memory_space<hbm>> -> memref<8x128xi32, #tpu.memory_space<hbm>>
        %dma_wait3A_68 = arith.constant 24 : i32
        %dma_wait3A_69 = arith.constant 0 : i32
        %dma_wait3A_70 = tpu.memref_slice %arg5[%dma_wait3A_68, %dma_wait3A_69] : memref<32x128xi32, #tpu.memory_space<vmem>> -> memref<8x128xi32, #tpu.memory_space<vmem>>
        %dma_wait3A_71 = tpu.memref_slice %arg2[%multiple_of3A_11, %multiple_of3A_23] : memref<200x16384xi32, #tpu.memory_space<hbm>> -> memref<8x128xi32, #tpu.memory_space<hbm>>
        tpu.wait_dma2 semaphore(%run_scoped3A : memref<!tpu.dma_semaphore, #tpu.memory_space<semaphore_mem>>) src(%dma_wait3A_71 : memref<8x128xi32, #tpu.memory_space<hbm>>) dst(%dma_wait3A_70 : memref<8x128xi32, #tpu.memory_space<vmem>>)
        tpu.yield
      }) : () -> ()
      %dma_start3A = arith.constant 0 : i32
      %dma_start3A_24 = arith.constant 0 : i32
      %dma_start3A_25 = tpu.memref_slice %arg5[%dma_start3A, %dma_start3A_24] : memref<32x128xi32, #tpu.memory_space<vmem>> -> memref<1x128xi32, #tpu.memory_space<vmem>>
      %dma_start3A_26 = tpu.memref_squeeze %dma_start3A_25 : memref<1x128xi32, #tpu.memory_space<vmem>> -> memref<128xi32, #tpu.memory_space<vmem>>
      %dma_start3A_27 = arith.constant 0 : i32
      %dma_start3A_28 = arith.constant 0 : i32
      %dma_start3A_29 = tpu.memref_slice %arg3[%dma_start3A_27, %dma_start3A_28] : memref<1000000x128xf32, #tpu.memory_space<hbm>> -> memref<1000000x128xf32, #tpu.memory_space<hbm>>
      tpu.enqueue_indirect_dma source(%dma_start3A_29 : memref<1000000x128xf32, #tpu.memory_space<hbm>>) target(%arg8 : memref<128x128xf32, #tpu.memory_space<vmem>>) offsets(%dma_start3A_26 : memref<128xi32, #tpu.memory_space<vmem>>) semaphore(%arg12 : memref<!tpu.dma_semaphore, #tpu.memory_space<semaphore_mem>>)
      %dma_start3A_30 = arith.constant 1 : i32
      %dma_start3A_31 = arith.constant 0 : i32
      %dma_start3A_32 = tpu.memref_slice %arg5[%dma_start3A_30, %dma_start3A_31] : memref<32x128xi32, #tpu.memory_space<vmem>> -> memref<1x128xi32, #tpu.memory_space<vmem>>
      %dma_start3A_33 = tpu.memref_squeeze %dma_start3A_32 : memref<1x128xi32, #tpu.memory_space<vmem>> -> memref<128xi32, #tpu.memory_space<vmem>>
      %dma_start3A_34 = arith.constant 0 : i32
      %dma_start3A_35 = arith.constant 0 : i32
      %dma_start3A_36 = tpu.memref_slice %arg3[%dma_start3A_34, %dma_start3A_35] : memref<1000000x128xf32, #tpu.memory_space<hbm>> -> memref<1000000x128xf32, #tpu.memory_space<hbm>>
      tpu.enqueue_indirect_dma source(%dma_start3A_36 : memref<1000000x128xf32, #tpu.memory_space<hbm>>) target(%arg9 : memref<128x128xf32, #tpu.memory_space<vmem>>) offsets(%dma_start3A_33 : memref<128xi32, #tpu.memory_space<vmem>>) semaphore(%arg13 : memref<!tpu.dma_semaphore, #tpu.memory_space<semaphore_mem>>)
      %dma_start3A_37 = arith.constant 2 : i32
      %dma_start3A_38 = arith.constant 0 : i32
      %dma_start3A_39 = tpu.memref_slice %arg5[%dma_start3A_37, %dma_start3A_38] : memref<32x128xi32, #tpu.memory_space<vmem>> -> memref<1x128xi32, #tpu.memory_space<vmem>>
      %dma_start3A_40 = tpu.memref_squeeze %dma_start3A_39 : memref<1x128xi32, #tpu.memory_space<vmem>> -> memref<128xi32, #tpu.memory_space<vmem>>
      %dma_start3A_41 = arith.constant 0 : i32
      %dma_start3A_42 = arith.constant 0 : i32
      %dma_start3A_43 = tpu.memref_slice %arg3[%dma_start3A_41, %dma_start3A_42] : memref<1000000x128xf32, #tpu.memory_space<hbm>> -> memref<1000000x128xf32, #tpu.memory_space<hbm>>
      tpu.enqueue_indirect_dma source(%dma_start3A_43 : memref<1000000x128xf32, #tpu.memory_space<hbm>>) target(%arg10 : memref<128x128xf32, #tpu.memory_space<vmem>>) offsets(%dma_start3A_40 : memref<128xi32, #tpu.memory_space<vmem>>) semaphore(%arg14 : memref<!tpu.dma_semaphore, #tpu.memory_space<semaphore_mem>>)
      %dma_start3A_44 = arith.constant 3 : i32
      %dma_start3A_45 = arith.constant 0 : i32
      %dma_start3A_46 = tpu.memref_slice %arg5[%dma_start3A_44, %dma_start3A_45] : memref<32x128xi32, #tpu.memory_space<vmem>> -> memref<1x128xi32, #tpu.memory_space<vmem>>
      %dma_start3A_47 = tpu.memref_squeeze %dma_start3A_46 : memref<1x128xi32, #tpu.memory_space<vmem>> -> memref<128xi32, #tpu.memory_space<vmem>>
      %dma_start3A_48 = arith.constant 0 : i32
      %dma_start3A_49 = arith.constant 0 : i32
      %dma_start3A_50 = tpu.memref_slice %arg3[%dma_start3A_48, %dma_start3A_49] : memref<1000000x128xf32, #tpu.memory_space<hbm>> -> memref<1000000x128xf32, #tpu.memory_space<hbm>>
      tpu.enqueue_indirect_dma source(%dma_start3A_50 : memref<1000000x128xf32, #tpu.memory_space<hbm>>) target(%arg11 : memref<128x128xf32, #tpu.memory_space<vmem>>) offsets(%dma_start3A_47 : memref<128xi32, #tpu.memory_space<vmem>>) semaphore(%arg15 : memref<!tpu.dma_semaphore, #tpu.memory_space<semaphore_mem>>)
      %scan3A_51 = arith.constant 0 : i32
      %scan3A_52 = arith.constant 0 : i32
      %scan3A_53 = arith.constant 8 : i32
      %scan3A_54 = arith.addi %scan3A_52, %scan3A_53 : i32
      %scan3A_55 = arith.constant 1 : i32
      scf.for %scan3A_57 = %scan3A_52 to %scan3A_54 step %scan3A_55  : i32 {
        %mul3A_58 = arith.constant 4 : i32
        %mul3A_59 = arith.muli %mul3A_58, %scan3A_57 : i32
        %add3A_60 = arith.constant 0 : i32
        %add3A_61 = arith.addi %mul3A_59, %add3A_60 : i32
        %dma_wait3A = arith.constant 0 : i32
        %dma_wait3A_62 = arith.constant 0 : i32
        %dma_wait3A_63 = tpu.memref_slice %arg3[%dma_wait3A, %dma_wait3A_62] : memref<1000000x128xf32, #tpu.memory_space<hbm>> -> memref<128x128xf32, #tpu.memory_space<hbm>>
        %dma_wait3A_64 = arith.constant 0 : i32
        %dma_wait3A_65 = arith.constant 0 : i32
        %dma_wait3A_66 = tpu.memref_slice %arg3[%dma_wait3A_64, %dma_wait3A_65] : memref<1000000x128xf32, #tpu.memory_space<hbm>> -> memref<128x128xf32, #tpu.memory_space<hbm>>
        tpu.wait_dma2 semaphore(%arg12 : memref<!tpu.dma_semaphore, #tpu.memory_space<semaphore_mem>>) src(%dma_wait3A_66 : memref<128x128xf32, #tpu.memory_space<hbm>>) dst(%arg8 : memref<128x128xf32, #tpu.memory_space<vmem>>)
        %iota3A = tpu.iota {dimensions = array<i32: 0>} : vector<16xi32>
        %add3A_67 = arith.constant 0 : i32
        %add3A_68 = vector.broadcast %add3A_67 : i32 to vector<16xi32>
        %add3A_69 = arith.addi %iota3A, %add3A_68 : vector<16xi32>
        %iota3A_70 = tpu.iota {dimensions = array<i32: 0>} : vector<16xi32>
        %add3A_71 = arith.constant 16 : i32
        %add3A_72 = vector.broadcast %add3A_71 : i32 to vector<16xi32>
        %add3A_73 = arith.addi %iota3A_70, %add3A_72 : vector<16xi32>
        %iota3A_74 = tpu.iota {dimensions = array<i32: 0>} : vector<16xi32>
        %add3A_75 = arith.constant 32 : i32
        %add3A_76 = vector.broadcast %add3A_75 : i32 to vector<16xi32>
        %add3A_77 = arith.addi %iota3A_74, %add3A_76 : vector<16xi32>
        %iota3A_78 = tpu.iota {dimensions = array<i32: 0>} : vector<16xi32>
        %add3A_79 = arith.constant 48 : i32
        %add3A_80 = vector.broadcast %add3A_79 : i32 to vector<16xi32>
        %add3A_81 = arith.addi %iota3A_78, %add3A_80 : vector<16xi32>
        %iota3A_82 = tpu.iota {dimensions = array<i32: 0>} : vector<16xi32>
        %add3A_83 = arith.constant 0 : i32
        %add3A_84 = vector.broadcast %add3A_83 : i32 to vector<16xi32>
        %add3A_85 = arith.addi %iota3A_82, %add3A_84 : vector<16xi32>
        %iota3A_86 = tpu.iota {dimensions = array<i32: 0>} : vector<16xi32>
        %add3A_87 = arith.constant 16 : i32
        %add3A_88 = vector.broadcast %add3A_87 : i32 to vector<16xi32>
        %add3A_89 = arith.addi %iota3A_86, %add3A_88 : vector<16xi32>
        %iota3A_90 = tpu.iota {dimensions = array<i32: 0>} : vector<16xi32>
        %add3A_91 = arith.constant 32 : i32
        %add3A_92 = vector.broadcast %add3A_91 : i32 to vector<16xi32>
        %add3A_93 = arith.addi %iota3A_90, %add3A_92 : vector<16xi32>
        %iota3A_94 = tpu.iota {dimensions = array<i32: 0>} : vector<16xi32>
        %add3A_95 = arith.constant 48 : i32
        %add3A_96 = vector.broadcast %add3A_95 : i32 to vector<16xi32>
        %add3A_97 = arith.addi %iota3A_94, %add3A_96 : vector<16xi32>
        %iota3A_98 = tpu.iota {dimensions = array<i32: 0>} : vector<16xi32>
        %add3A_99 = arith.constant 64 : i32
        %add3A_100 = vector.broadcast %add3A_99 : i32 to vector<16xi32>
        %add3A_101 = arith.addi %iota3A_98, %add3A_100 : vector<16xi32>
        %iota3A_102 = tpu.iota {dimensions = array<i32: 0>} : vector<16xi32>
        %add3A_103 = arith.constant 80 : i32
        %add3A_104 = vector.broadcast %add3A_103 : i32 to vector<16xi32>
        %add3A_105 = arith.addi %iota3A_102, %add3A_104 : vector<16xi32>
        %iota3A_106 = tpu.iota {dimensions = array<i32: 0>} : vector<16xi32>
        %add3A_107 = arith.constant 96 : i32
        %add3A_108 = vector.broadcast %add3A_107 : i32 to vector<16xi32>
        %add3A_109 = arith.addi %iota3A_106, %add3A_108 : vector<16xi32>
        %iota3A_110 = tpu.iota {dimensions = array<i32: 0>} : vector<16xi32>
        %add3A_111 = arith.constant 112 : i32
        %add3A_112 = vector.broadcast %add3A_111 : i32 to vector<16xi32>
        %add3A_113 = arith.addi %iota3A_110, %add3A_112 : vector<16xi32>
        %parallel_loop3A = arith.constant 0 : i32
        %parallel_loop3A_114 = arith.constant 128 : i32
        %parallel_loop3A_115 = arith.constant 1 : i32
        scf.for %parallel_loop3A_456 = %parallel_loop3A to %parallel_loop3A_114 step %parallel_loop3A_115  : i32 {
          %parallel_loop3A_457 = vector.broadcast %parallel_loop3A_456 : i32 to vector<16xi32>
          %parallel_loop3A_458 = tpu.vector_load_idx %arg8[%parallel_loop3A_457, %add3A_69] : memref<128x128xf32, #tpu.memory_space<vmem>>[vector<16xi32>, vector<16xi32>], vector<16xf32>,
          %parallel_loop3A_459 = tpu.vector_load_idx %arg8[%parallel_loop3A_457, %add3A_73] : memref<128x128xf32, #tpu.memory_space<vmem>>[vector<16xi32>, vector<16xi32>], vector<16xf32>,
          %parallel_loop3A_460 = tpu.vector_load_idx %arg8[%parallel_loop3A_457, %add3A_77] : memref<128x128xf32, #tpu.memory_space<vmem>>[vector<16xi32>, vector<16xi32>], vector<16xf32>,
          %parallel_loop3A_461 = tpu.vector_load_idx %arg8[%parallel_loop3A_457, %add3A_81] : memref<128x128xf32, #tpu.memory_space<vmem>>[vector<16xi32>, vector<16xi32>], vector<16xf32>,
          tpu.vector_store_idx %arg7[%add3A_69, %parallel_loop3A_457], %parallel_loop3A_458 : memref<64x129xf32, #tpu.memory_space<vmem>>[vector<16xi32>, vector<16xi32>], vector<16xf32>,
          tpu.vector_store_idx %arg7[%add3A_73, %parallel_loop3A_457], %parallel_loop3A_459 : memref<64x129xf32, #tpu.memory_space<vmem>>[vector<16xi32>, vector<16xi32>], vector<16xf32>,
          tpu.vector_store_idx %arg7[%add3A_77, %parallel_loop3A_457], %parallel_loop3A_460 : memref<64x129xf32, #tpu.memory_space<vmem>>[vector<16xi32>, vector<16xi32>], vector<16xf32>,
          tpu.vector_store_idx %arg7[%add3A_81, %parallel_loop3A_457], %parallel_loop3A_461 : memref<64x129xf32, #tpu.memory_space<vmem>>[vector<16xi32>, vector<16xi32>], vector<16xf32>,
        } {sc.loop_unroll_factor = 4 : i64, sc.parallel_access}
        %parallel_loop3A_116 = arith.constant 0 : i32
        %parallel_loop3A_117 = arith.constant 64 : i32
        %parallel_loop3A_118 = arith.constant 1 : i32
        scf.for %parallel_loop3A_456 = %parallel_loop3A_116 to %parallel_loop3A_117 step %parallel_loop3A_118  : i32 {
          %parallel_loop3A_457 = vector.broadcast %parallel_loop3A_456 : i32 to vector<16xi32>
          %parallel_loop3A_458 = tpu.vector_load_idx %arg7[%parallel_loop3A_457, %add3A_85] : memref<64x129xf32, #tpu.memory_space<vmem>>[vector<16xi32>, vector<16xi32>], vector<16xf32>,
          %parallel_loop3A_459 = tpu.vector_load_idx %arg7[%parallel_loop3A_457, %add3A_89] : memref<64x129xf32, #tpu.memory_space<vmem>>[vector<16xi32>, vector<16xi32>], vector<16xf32>,
          %parallel_loop3A_460 = tpu.vector_load_idx %arg7[%parallel_loop3A_457, %add3A_93] : memref<64x129xf32, #tpu.memory_space<vmem>>[vector<16xi32>, vector<16xi32>], vector<16xf32>,
          %parallel_loop3A_461 = tpu.vector_load_idx %arg7[%parallel_loop3A_457, %add3A_97] : memref<64x129xf32, #tpu.memory_space<vmem>>[vector<16xi32>, vector<16xi32>], vector<16xf32>,
          %parallel_loop3A_462 = tpu.vector_load_idx %arg7[%parallel_loop3A_457, %add3A_101] : memref<64x129xf32, #tpu.memory_space<vmem>>[vector<16xi32>, vector<16xi32>], vector<16xf32>,
          %parallel_loop3A_463 = tpu.vector_load_idx %arg7[%parallel_loop3A_457, %add3A_105] : memref<64x129xf32, #tpu.memory_space<vmem>>[vector<16xi32>, vector<16xi32>], vector<16xf32>,
          %parallel_loop3A_464 = tpu.vector_load_idx %arg7[%parallel_loop3A_457, %add3A_109] : memref<64x129xf32, #tpu.memory_space<vmem>>[vector<16xi32>, vector<16xi32>], vector<16xf32>,
          %parallel_loop3A_465 = tpu.vector_load_idx %arg7[%parallel_loop3A_457, %add3A_113] : memref<64x129xf32, #tpu.memory_space<vmem>>[vector<16xi32>, vector<16xi32>], vector<16xf32>,
          tpu.vector_store_idx %arg6[%parallel_loop3A_457, %add3A_85], %parallel_loop3A_458 : memref<64x128xf32, #tpu.memory_space<vmem>>[vector<16xi32>, vector<16xi32>], vector<16xf32>,
          tpu.vector_store_idx %arg6[%parallel_loop3A_457, %add3A_89], %parallel_loop3A_459 : memref<64x128xf32, #tpu.memory_space<vmem>>[vector<16xi32>, vector<16xi32>], vector<16xf32>,
          tpu.vector_store_idx %arg6[%parallel_loop3A_457, %add3A_93], %parallel_loop3A_460 : memref<64x128xf32, #tpu.memory_space<vmem>>[vector<16xi32>, vector<16xi32>], vector<16xf32>,
          tpu.vector_store_idx %arg6[%parallel_loop3A_457, %add3A_97], %parallel_loop3A_461 : memref<64x128xf32, #tpu.memory_space<vmem>>[vector<16xi32>, vector<16xi32>], vector<16xf32>,
          tpu.vector_store_idx %arg6[%parallel_loop3A_457, %add3A_101], %parallel_loop3A_462 : memref<64x128xf32, #tpu.memory_space<vmem>>[vector<16xi32>, vector<16xi32>], vector<16xf32>,
          tpu.vector_store_idx %arg6[%parallel_loop3A_457, %add3A_105], %parallel_loop3A_463 : memref<64x128xf32, #tpu.memory_space<vmem>>[vector<16xi32>, vector<16xi32>], vector<16xf32>,
          tpu.vector_store_idx %arg6[%parallel_loop3A_457, %add3A_109], %parallel_loop3A_464 : memref<64x128xf32, #tpu.memory_space<vmem>>[vector<16xi32>, vector<16xi32>], vector<16xf32>,
          tpu.vector_store_idx %arg6[%parallel_loop3A_457, %add3A_113], %parallel_loop3A_465 : memref<64x128xf32, #tpu.memory_space<vmem>>[vector<16xi32>, vector<16xi32>], vector<16xf32>,
        } {sc.loop_unroll_factor = 4 : i64, sc.parallel_access}
        %jit3A = arith.constant 8 : i32
        %div3A = arith.divsi %add3A_61, %jit3A : i32
        %sign3A = arith.constant 0 : i32
        %sign3A_119 = arith.cmpi sgt, %add3A_61, %sign3A : i32
        %sign3A_120 = arith.extui %sign3A_119 : i1 to i32
        %sign3A_121 = arith.constant 0 : i32
        %sign3A_122 = arith.cmpi slt, %add3A_61, %sign3A_121 : i32
        %sign3A_123 = arith.extui %sign3A_122 : i1 to i32
        %sign3A_124 = arith.subi %sign3A_120, %sign3A_123 : i32
        %sign3A_125 = arith.constant 0 : i32
        %sign3A_126 = arith.cmpi sgt, %jit3A, %sign3A_125 : i32
        %sign3A_127 = arith.extui %sign3A_126 : i1 to i32
        %sign3A_128 = arith.constant 0 : i32
        %sign3A_129 = arith.cmpi slt, %jit3A, %sign3A_128 : i32
        %sign3A_130 = arith.extui %sign3A_129 : i1 to i32
        %sign3A_131 = arith.subi %sign3A_127, %sign3A_130 : i32
        %ne3A = arith.cmpi ne, %sign3A_124, %sign3A_131 : i32
        %rem3A = arith.remsi %add3A_61, %jit3A : i32
        %ne3A_132 = arith.constant 0 : i32
        %ne3A_133 = arith.cmpi ne, %rem3A, %ne3A_132 : i32
        %and3A = arith.andi %ne3A, %ne3A_133 : i1
        %sub3A = arith.constant 1 : i32
        %sub3A_134 = arith.subi %div3A, %sub3A : i32
        %select_n3A = arith.select %and3A, %sub3A_134, %div3A : i32
        %mul3A_135 = arith.constant 8 : i32
        %mul3A_136 = arith.muli %mul3A_135, %select_n3A : i32
        %sub3A_137 = arith.subi %add3A_61, %mul3A_136 : i32
        %add3A_138 = arith.addi %multiple_of3A_11, %sub3A_137 : i32
        %mul3A_139 = arith.constant 128 : i32
        %mul3A_140 = arith.muli %mul3A_139, %select_n3A : i32
        %add3A_141 = arith.addi %multiple_of3A, %mul3A_140 : i32
        %multiple_of3A_142 = tpu.assume_multiple %add3A_141, 128 : i32
        "tpu.region"() ({
          %run_scoped3A = tpu.sem_alloc : memref<!tpu.dma_semaphore, #tpu.memory_space<semaphore_mem>>
          %dma_start3A_456 = arith.constant 0 : i32
          %dma_start3A_457 = tpu.memref_slice %arg4[%add3A_138, %dma_start3A_456, %multiple_of3A_142] : memref<200x64x16384xf32, #tpu.memory_space<hbm>> -> memref<1x64x128xf32, #tpu.memory_space<hbm>>
          %dma_start3A_458 = tpu.memref_squeeze %dma_start3A_457 : memref<1x64x128xf32, #tpu.memory_space<hbm>> -> memref<64x128xf32, #tpu.memory_space<hbm>>
          %dma_start3A_459 = arith.constant 0 : i32
          %dma_start3A_460 = tpu.memref_slice %arg4[%add3A_138, %dma_start3A_459, %multiple_of3A_142] : memref<200x64x16384xf32, #tpu.memory_space<hbm>> -> memref<1x64x128xf32, #tpu.memory_space<hbm>>
          %dma_start3A_461 = tpu.memref_squeeze %dma_start3A_460 : memref<1x64x128xf32, #tpu.memory_space<hbm>> -> memref<64x128xf32, #tpu.memory_space<hbm>>
          tpu.enqueue_dma source(%arg6 : memref<64x128xf32, #tpu.memory_space<vmem>>) target(%dma_start3A_461 : memref<64x128xf32, #tpu.memory_space<hbm>>) target_semaphore(%run_scoped3A : memref<!tpu.dma_semaphore, #tpu.memory_space<semaphore_mem>>)
          %dma_wait3A_462 = arith.constant 0 : i32
          %dma_wait3A_463 = tpu.memref_slice %arg4[%add3A_138, %dma_wait3A_462, %multiple_of3A_142] : memref<200x64x16384xf32, #tpu.memory_space<hbm>> -> memref<1x64x128xf32, #tpu.memory_space<hbm>>
          %dma_wait3A_464 = tpu.memref_squeeze %dma_wait3A_463 : memref<1x64x128xf32, #tpu.memory_space<hbm>> -> memref<64x128xf32, #tpu.memory_space<hbm>>
          %dma_wait3A_465 = arith.constant 0 : i32
          %dma_wait3A_466 = tpu.memref_slice %arg4[%add3A_138, %dma_wait3A_465, %multiple_of3A_142] : memref<200x64x16384xf32, #tpu.memory_space<hbm>> -> memref<1x64x128xf32, #tpu.memory_space<hbm>>
          %dma_wait3A_467 = tpu.memref_squeeze %dma_wait3A_466 : memref<1x64x128xf32, #tpu.memory_space<hbm>> -> memref<64x128xf32, #tpu.memory_space<hbm>>
          tpu.wait_dma2 semaphore(%run_scoped3A : memref<!tpu.dma_semaphore, #tpu.memory_space<semaphore_mem>>) src(%arg6 : memref<64x128xf32, #tpu.memory_space<vmem>>) dst(%dma_wait3A_467 : memref<64x128xf32, #tpu.memory_space<hbm>>)
          tpu.yield
        }) : () -> ()
        %add3A_143 = arith.constant 4 : i32
        %add3A_144 = arith.addi %add3A_61, %add3A_143 : i32
        %lt3A = arith.constant 32 : i32
        %lt3A_145 = arith.cmpi slt, %add3A_144, %lt3A : i32
        %convert_element_type3A = arith.extui %lt3A_145 : i1 to i32
        %cond3A = arith.constant 0 : i32
        %cond3A_146 = arith.cmpi ne, %convert_element_type3A, %cond3A : i32
        scf.if %cond3A_146 {
          %dma_start3A_456 = arith.constant 0 : i32
          %dma_start3A_457 = tpu.memref_slice %arg5[%add3A_144, %dma_start3A_456] : memref<32x128xi32, #tpu.memory_space<vmem>> -> memref<1x128xi32, #tpu.memory_space<vmem>>
          %dma_start3A_458 = tpu.memref_squeeze %dma_start3A_457 : memref<1x128xi32, #tpu.memory_space<vmem>> -> memref<128xi32, #tpu.memory_space<vmem>>
          %dma_start3A_459 = arith.constant 0 : i32
          %dma_start3A_460 = arith.constant 0 : i32
          %dma_start3A_461 = tpu.memref_slice %arg3[%dma_start3A_459, %dma_start3A_460] : memref<1000000x128xf32, #tpu.memory_space<hbm>> -> memref<1000000x128xf32, #tpu.memory_space<hbm>>
          tpu.enqueue_indirect_dma source(%dma_start3A_461 : memref<1000000x128xf32, #tpu.memory_space<hbm>>) target(%arg8 : memref<128x128xf32, #tpu.memory_space<vmem>>) offsets(%dma_start3A_458 : memref<128xi32, #tpu.memory_space<vmem>>) semaphore(%arg12 : memref<!tpu.dma_semaphore, #tpu.memory_space<semaphore_mem>>)
        } else {
        }
        %mul3A_147 = arith.constant 4 : i32
        %mul3A_148 = arith.muli %mul3A_147, %scan3A_57 : i32
        %add3A_149 = arith.constant 1 : i32
        %add3A_150 = arith.addi %mul3A_148, %add3A_149 : i32
        %dma_wait3A_151 = arith.constant 0 : i32
        %dma_wait3A_152 = arith.constant 0 : i32
        %dma_wait3A_153 = tpu.memref_slice %arg3[%dma_wait3A_151, %dma_wait3A_152] : memref<1000000x128xf32, #tpu.memory_space<hbm>> -> memref<128x128xf32, #tpu.memory_space<hbm>>
        %dma_wait3A_154 = arith.constant 0 : i32
        %dma_wait3A_155 = arith.constant 0 : i32
        %dma_wait3A_156 = tpu.memref_slice %arg3[%dma_wait3A_154, %dma_wait3A_155] : memref<1000000x128xf32, #tpu.memory_space<hbm>> -> memref<128x128xf32, #tpu.memory_space<hbm>>
        tpu.wait_dma2 semaphore(%arg13 : memref<!tpu.dma_semaphore, #tpu.memory_space<semaphore_mem>>) src(%dma_wait3A_156 : memref<128x128xf32, #tpu.memory_space<hbm>>) dst(%arg9 : memref<128x128xf32, #tpu.memory_space<vmem>>)
        %iota3A_157 = tpu.iota {dimensions = array<i32: 0>} : vector<16xi32>
        %add3A_158 = arith.constant 0 : i32
        %add3A_159 = vector.broadcast %add3A_158 : i32 to vector<16xi32>
        %add3A_160 = arith.addi %iota3A_157, %add3A_159 : vector<16xi32>
        %iota3A_161 = tpu.iota {dimensions = array<i32: 0>} : vector<16xi32>
        %add3A_162 = arith.constant 16 : i32
        %add3A_163 = vector.broadcast %add3A_162 : i32 to vector<16xi32>
        %add3A_164 = arith.addi %iota3A_161, %add3A_163 : vector<16xi32>
        %iota3A_165 = tpu.iota {dimensions = array<i32: 0>} : vector<16xi32>
        %add3A_166 = arith.constant 32 : i32
        %add3A_167 = vector.broadcast %add3A_166 : i32 to vector<16xi32>
        %add3A_168 = arith.addi %iota3A_165, %add3A_167 : vector<16xi32>
        %iota3A_169 = tpu.iota {dimensions = array<i32: 0>} : vector<16xi32>
        %add3A_170 = arith.constant 48 : i32
        %add3A_171 = vector.broadcast %add3A_170 : i32 to vector<16xi32>
        %add3A_172 = arith.addi %iota3A_169, %add3A_171 : vector<16xi32>
        %iota3A_173 = tpu.iota {dimensions = array<i32: 0>} : vector<16xi32>
        %add3A_174 = arith.constant 0 : i32
        %add3A_175 = vector.broadcast %add3A_174 : i32 to vector<16xi32>
        %add3A_176 = arith.addi %iota3A_173, %add3A_175 : vector<16xi32>
        %iota3A_177 = tpu.iota {dimensions = array<i32: 0>} : vector<16xi32>
        %add3A_178 = arith.constant 16 : i32
        %add3A_179 = vector.broadcast %add3A_178 : i32 to vector<16xi32>
        %add3A_180 = arith.addi %iota3A_177, %add3A_179 : vector<16xi32>
        %iota3A_181 = tpu.iota {dimensions = array<i32: 0>} : vector<16xi32>
        %add3A_182 = arith.constant 32 : i32
        %add3A_183 = vector.broadcast %add3A_182 : i32 to vector<16xi32>
        %add3A_184 = arith.addi %iota3A_181, %add3A_183 : vector<16xi32>
        %iota3A_185 = tpu.iota {dimensions = array<i32: 0>} : vector<16xi32>
        %add3A_186 = arith.constant 48 : i32
        %add3A_187 = vector.broadcast %add3A_186 : i32 to vector<16xi32>
        %add3A_188 = arith.addi %iota3A_185, %add3A_187 : vector<16xi32>
        %iota3A_189 = tpu.iota {dimensions = array<i32: 0>} : vector<16xi32>
        %add3A_190 = arith.constant 64 : i32
        %add3A_191 = vector.broadcast %add3A_190 : i32 to vector<16xi32>
        %add3A_192 = arith.addi %iota3A_189, %add3A_191 : vector<16xi32>
        %iota3A_193 = tpu.iota {dimensions = array<i32: 0>} : vector<16xi32>
        %add3A_194 = arith.constant 80 : i32
        %add3A_195 = vector.broadcast %add3A_194 : i32 to vector<16xi32>
        %add3A_196 = arith.addi %iota3A_193, %add3A_195 : vector<16xi32>
        %iota3A_197 = tpu.iota {dimensions = array<i32: 0>} : vector<16xi32>
        %add3A_198 = arith.constant 96 : i32
        %add3A_199 = vector.broadcast %add3A_198 : i32 to vector<16xi32>
        %add3A_200 = arith.addi %iota3A_197, %add3A_199 : vector<16xi32>
        %iota3A_201 = tpu.iota {dimensions = array<i32: 0>} : vector<16xi32>
        %add3A_202 = arith.constant 112 : i32
        %add3A_203 = vector.broadcast %add3A_202 : i32 to vector<16xi32>
        %add3A_204 = arith.addi %iota3A_201, %add3A_203 : vector<16xi32>
        %parallel_loop3A_205 = arith.constant 0 : i32
        %parallel_loop3A_206 = arith.constant 128 : i32
        %parallel_loop3A_207 = arith.constant 1 : i32
        scf.for %parallel_loop3A_456 = %parallel_loop3A_205 to %parallel_loop3A_206 step %parallel_loop3A_207  : i32 {
          %parallel_loop3A_457 = vector.broadcast %parallel_loop3A_456 : i32 to vector<16xi32>
          %parallel_loop3A_458 = tpu.vector_load_idx %arg9[%parallel_loop3A_457, %add3A_160] : memref<128x128xf32, #tpu.memory_space<vmem>>[vector<16xi32>, vector<16xi32>], vector<16xf32>,
          %parallel_loop3A_459 = tpu.vector_load_idx %arg9[%parallel_loop3A_457, %add3A_164] : memref<128x128xf32, #tpu.memory_space<vmem>>[vector<16xi32>, vector<16xi32>], vector<16xf32>,
          %parallel_loop3A_460 = tpu.vector_load_idx %arg9[%parallel_loop3A_457, %add3A_168] : memref<128x128xf32, #tpu.memory_space<vmem>>[vector<16xi32>, vector<16xi32>], vector<16xf32>,
          %parallel_loop3A_461 = tpu.vector_load_idx %arg9[%parallel_loop3A_457, %add3A_172] : memref<128x128xf32, #tpu.memory_space<vmem>>[vector<16xi32>, vector<16xi32>], vector<16xf32>,
          tpu.vector_store_idx %arg7[%add3A_160, %parallel_loop3A_457], %parallel_loop3A_458 : memref<64x129xf32, #tpu.memory_space<vmem>>[vector<16xi32>, vector<16xi32>], vector<16xf32>,
          tpu.vector_store_idx %arg7[%add3A_164, %parallel_loop3A_457], %parallel_loop3A_459 : memref<64x129xf32, #tpu.memory_space<vmem>>[vector<16xi32>, vector<16xi32>], vector<16xf32>,
          tpu.vector_store_idx %arg7[%add3A_168, %parallel_loop3A_457], %parallel_loop3A_460 : memref<64x129xf32, #tpu.memory_space<vmem>>[vector<16xi32>, vector<16xi32>], vector<16xf32>,
          tpu.vector_store_idx %arg7[%add3A_172, %parallel_loop3A_457], %parallel_loop3A_461 : memref<64x129xf32, #tpu.memory_space<vmem>>[vector<16xi32>, vector<16xi32>], vector<16xf32>,
        } {sc.loop_unroll_factor = 4 : i64, sc.parallel_access}
        %parallel_loop3A_208 = arith.constant 0 : i32
        %parallel_loop3A_209 = arith.constant 64 : i32
        %parallel_loop3A_210 = arith.constant 1 : i32
        scf.for %parallel_loop3A_456 = %parallel_loop3A_208 to %parallel_loop3A_209 step %parallel_loop3A_210  : i32 {
          %parallel_loop3A_457 = vector.broadcast %parallel_loop3A_456 : i32 to vector<16xi32>
          %parallel_loop3A_458 = tpu.vector_load_idx %arg7[%parallel_loop3A_457, %add3A_176] : memref<64x129xf32, #tpu.memory_space<vmem>>[vector<16xi32>, vector<16xi32>], vector<16xf32>,
          %parallel_loop3A_459 = tpu.vector_load_idx %arg7[%parallel_loop3A_457, %add3A_180] : memref<64x129xf32, #tpu.memory_space<vmem>>[vector<16xi32>, vector<16xi32>], vector<16xf32>,
          %parallel_loop3A_460 = tpu.vector_load_idx %arg7[%parallel_loop3A_457, %add3A_184] : memref<64x129xf32, #tpu.memory_space<vmem>>[vector<16xi32>, vector<16xi32>], vector<16xf32>,
          %parallel_loop3A_461 = tpu.vector_load_idx %arg7[%parallel_loop3A_457, %add3A_188] : memref<64x129xf32, #tpu.memory_space<vmem>>[vector<16xi32>, vector<16xi32>], vector<16xf32>,
          %parallel_loop3A_462 = tpu.vector_load_idx %arg7[%parallel_loop3A_457, %add3A_192] : memref<64x129xf32, #tpu.memory_space<vmem>>[vector<16xi32>, vector<16xi32>], vector<16xf32>,
          %parallel_loop3A_463 = tpu.vector_load_idx %arg7[%parallel_loop3A_457, %add3A_196] : memref<64x129xf32, #tpu.memory_space<vmem>>[vector<16xi32>, vector<16xi32>], vector<16xf32>,
          %parallel_loop3A_464 = tpu.vector_load_idx %arg7[%parallel_loop3A_457, %add3A_200] : memref<64x129xf32, #tpu.memory_space<vmem>>[vector<16xi32>, vector<16xi32>], vector<16xf32>,
          %parallel_loop3A_465 = tpu.vector_load_idx %arg7[%parallel_loop3A_457, %add3A_204] : memref<64x129xf32, #tpu.memory_space<vmem>>[vector<16xi32>, vector<16xi32>], vector<16xf32>,
          tpu.vector_store_idx %arg6[%parallel_loop3A_457, %add3A_176], %parallel_loop3A_458 : memref<64x128xf32, #tpu.memory_space<vmem>>[vector<16xi32>, vector<16xi32>], vector<16xf32>,
          tpu.vector_store_idx %arg6[%parallel_loop3A_457, %add3A_180], %parallel_loop3A_459 : memref<64x128xf32, #tpu.memory_space<vmem>>[vector<16xi32>, vector<16xi32>], vector<16xf32>,
          tpu.vector_store_idx %arg6[%parallel_loop3A_457, %add3A_184], %parallel_loop3A_460 : memref<64x128xf32, #tpu.memory_space<vmem>>[vector<16xi32>, vector<16xi32>], vector<16xf32>,
          tpu.vector_store_idx %arg6[%parallel_loop3A_457, %add3A_188], %parallel_loop3A_461 : memref<64x128xf32, #tpu.memory_space<vmem>>[vector<16xi32>, vector<16xi32>], vector<16xf32>,
          tpu.vector_store_idx %arg6[%parallel_loop3A_457, %add3A_192], %parallel_loop3A_462 : memref<64x128xf32, #tpu.memory_space<vmem>>[vector<16xi32>, vector<16xi32>], vector<16xf32>,
          tpu.vector_store_idx %arg6[%parallel_loop3A_457, %add3A_196], %parallel_loop3A_463 : memref<64x128xf32, #tpu.memory_space<vmem>>[vector<16xi32>, vector<16xi32>], vector<16xf32>,
          tpu.vector_store_idx %arg6[%parallel_loop3A_457, %add3A_200], %parallel_loop3A_464 : memref<64x128xf32, #tpu.memory_space<vmem>>[vector<16xi32>, vector<16xi32>], vector<16xf32>,
          tpu.vector_store_idx %arg6[%parallel_loop3A_457, %add3A_204], %parallel_loop3A_465 : memref<64x128xf32, #tpu.memory_space<vmem>>[vector<16xi32>, vector<16xi32>], vector<16xf32>,
        } {sc.loop_unroll_factor = 4 : i64, sc.parallel_access}
        %jit3A_211 = arith.constant 8 : i32
        %div3A_212 = arith.divsi %add3A_150, %jit3A_211 : i32
        %sign3A_213 = arith.constant 0 : i32
        %sign3A_214 = arith.cmpi sgt, %add3A_150, %sign3A_213 : i32
        %sign3A_215 = arith.extui %sign3A_214 : i1 to i32
        %sign3A_216 = arith.constant 0 : i32
        %sign3A_217 = arith.cmpi slt, %add3A_150, %sign3A_216 : i32
        %sign3A_218 = arith.extui %sign3A_217 : i1 to i32
        %sign3A_219 = arith.subi %sign3A_215, %sign3A_218 : i32
        %sign3A_220 = arith.constant 0 : i32
        %sign3A_221 = arith.cmpi sgt, %jit3A_211, %sign3A_220 : i32
        %sign3A_222 = arith.extui %sign3A_221 : i1 to i32
        %sign3A_223 = arith.constant 0 : i32
        %sign3A_224 = arith.cmpi slt, %jit3A_211, %sign3A_223 : i32
        %sign3A_225 = arith.extui %sign3A_224 : i1 to i32
        %sign3A_226 = arith.subi %sign3A_222, %sign3A_225 : i32
        %ne3A_227 = arith.cmpi ne, %sign3A_219, %sign3A_226 : i32
        %rem3A_228 = arith.remsi %add3A_150, %jit3A_211 : i32
        %ne3A_229 = arith.constant 0 : i32
        %ne3A_230 = arith.cmpi ne, %rem3A_228, %ne3A_229 : i32
        %and3A_231 = arith.andi %ne3A_227, %ne3A_230 : i1
        %sub3A_232 = arith.constant 1 : i32
        %sub3A_233 = arith.subi %div3A_212, %sub3A_232 : i32
        %select_n3A_234 = arith.select %and3A_231, %sub3A_233, %div3A_212 : i32
        %mul3A_235 = arith.constant 8 : i32
        %mul3A_236 = arith.muli %mul3A_235, %select_n3A_234 : i32
        %sub3A_237 = arith.subi %add3A_150, %mul3A_236 : i32
        %add3A_238 = arith.addi %multiple_of3A_11, %sub3A_237 : i32
        %mul3A_239 = arith.constant 128 : i32
        %mul3A_240 = arith.muli %mul3A_239, %select_n3A_234 : i32
        %add3A_241 = arith.addi %multiple_of3A, %mul3A_240 : i32
        %multiple_of3A_242 = tpu.assume_multiple %add3A_241, 128 : i32
        "tpu.region"() ({
          %run_scoped3A = tpu.sem_alloc : memref<!tpu.dma_semaphore, #tpu.memory_space<semaphore_mem>>
          %dma_start3A_456 = arith.constant 0 : i32
          %dma_start3A_457 = tpu.memref_slice %arg4[%add3A_238, %dma_start3A_456, %multiple_of3A_242] : memref<200x64x16384xf32, #tpu.memory_space<hbm>> -> memref<1x64x128xf32, #tpu.memory_space<hbm>>
          %dma_start3A_458 = tpu.memref_squeeze %dma_start3A_457 : memref<1x64x128xf32, #tpu.memory_space<hbm>> -> memref<64x128xf32, #tpu.memory_space<hbm>>
          %dma_start3A_459 = arith.constant 0 : i32
          %dma_start3A_460 = tpu.memref_slice %arg4[%add3A_238, %dma_start3A_459, %multiple_of3A_242] : memref<200x64x16384xf32, #tpu.memory_space<hbm>> -> memref<1x64x128xf32, #tpu.memory_space<hbm>>
          %dma_start3A_461 = tpu.memref_squeeze %dma_start3A_460 : memref<1x64x128xf32, #tpu.memory_space<hbm>> -> memref<64x128xf32, #tpu.memory_space<hbm>>
          tpu.enqueue_dma source(%arg6 : memref<64x128xf32, #tpu.memory_space<vmem>>) target(%dma_start3A_461 : memref<64x128xf32, #tpu.memory_space<hbm>>) target_semaphore(%run_scoped3A : memref<!tpu.dma_semaphore, #tpu.memory_space<semaphore_mem>>)
          %dma_wait3A_462 = arith.constant 0 : i32
          %dma_wait3A_463 = tpu.memref_slice %arg4[%add3A_238, %dma_wait3A_462, %multiple_of3A_242] : memref<200x64x16384xf32, #tpu.memory_space<hbm>> -> memref<1x64x128xf32, #tpu.memory_space<hbm>>
          %dma_wait3A_464 = tpu.memref_squeeze %dma_wait3A_463 : memref<1x64x128xf32, #tpu.memory_space<hbm>> -> memref<64x128xf32, #tpu.memory_space<hbm>>
          %dma_wait3A_465 = arith.constant 0 : i32
          %dma_wait3A_466 = tpu.memref_slice %arg4[%add3A_238, %dma_wait3A_465, %multiple_of3A_242] : memref<200x64x16384xf32, #tpu.memory_space<hbm>> -> memref<1x64x128xf32, #tpu.memory_space<hbm>>
          %dma_wait3A_467 = tpu.memref_squeeze %dma_wait3A_466 : memref<1x64x128xf32, #tpu.memory_space<hbm>> -> memref<64x128xf32, #tpu.memory_space<hbm>>
          tpu.wait_dma2 semaphore(%run_scoped3A : memref<!tpu.dma_semaphore, #tpu.memory_space<semaphore_mem>>) src(%arg6 : memref<64x128xf32, #tpu.memory_space<vmem>>) dst(%dma_wait3A_467 : memref<64x128xf32, #tpu.memory_space<hbm>>)
          tpu.yield
        }) : () -> ()
        %add3A_243 = arith.constant 4 : i32
        %add3A_244 = arith.addi %add3A_150, %add3A_243 : i32
        %lt3A_245 = arith.constant 32 : i32
        %lt3A_246 = arith.cmpi slt, %add3A_244, %lt3A_245 : i32
        %convert_element_type3A_247 = arith.extui %lt3A_246 : i1 to i32
        %cond3A_248 = arith.constant 0 : i32
        %cond3A_249 = arith.cmpi ne, %convert_element_type3A_247, %cond3A_248 : i32
        scf.if %cond3A_249 {
          %dma_start3A_456 = arith.constant 0 : i32
          %dma_start3A_457 = tpu.memref_slice %arg5[%add3A_244, %dma_start3A_456] : memref<32x128xi32, #tpu.memory_space<vmem>> -> memref<1x128xi32, #tpu.memory_space<vmem>>
          %dma_start3A_458 = tpu.memref_squeeze %dma_start3A_457 : memref<1x128xi32, #tpu.memory_space<vmem>> -> memref<128xi32, #tpu.memory_space<vmem>>
          %dma_start3A_459 = arith.constant 0 : i32
          %dma_start3A_460 = arith.constant 0 : i32
          %dma_start3A_461 = tpu.memref_slice %arg3[%dma_start3A_459, %dma_start3A_460] : memref<1000000x128xf32, #tpu.memory_space<hbm>> -> memref<1000000x128xf32, #tpu.memory_space<hbm>>
          tpu.enqueue_indirect_dma source(%dma_start3A_461 : memref<1000000x128xf32, #tpu.memory_space<hbm>>) target(%arg9 : memref<128x128xf32, #tpu.memory_space<vmem>>) offsets(%dma_start3A_458 : memref<128xi32, #tpu.memory_space<vmem>>) semaphore(%arg13 : memref<!tpu.dma_semaphore, #tpu.memory_space<semaphore_mem>>)
        } else {
        }
        %mul3A_250 = arith.constant 4 : i32
        %mul3A_251 = arith.muli %mul3A_250, %scan3A_57 : i32
        %add3A_252 = arith.constant 2 : i32
        %add3A_253 = arith.addi %mul3A_251, %add3A_252 : i32
        %dma_wait3A_254 = arith.constant 0 : i32
        %dma_wait3A_255 = arith.constant 0 : i32
        %dma_wait3A_256 = tpu.memref_slice %arg3[%dma_wait3A_254, %dma_wait3A_255] : memref<1000000x128xf32, #tpu.memory_space<hbm>> -> memref<128x128xf32, #tpu.memory_space<hbm>>
        %dma_wait3A_257 = arith.constant 0 : i32
        %dma_wait3A_258 = arith.constant 0 : i32
        %dma_wait3A_259 = tpu.memref_slice %arg3[%dma_wait3A_257, %dma_wait3A_258] : memref<1000000x128xf32, #tpu.memory_space<hbm>> -> memref<128x128xf32, #tpu.memory_space<hbm>>
        tpu.wait_dma2 semaphore(%arg14 : memref<!tpu.dma_semaphore, #tpu.memory_space<semaphore_mem>>) src(%dma_wait3A_259 : memref<128x128xf32, #tpu.memory_space<hbm>>) dst(%arg10 : memref<128x128xf32, #tpu.memory_space<vmem>>)
        %iota3A_260 = tpu.iota {dimensions = array<i32: 0>} : vector<16xi32>
        %add3A_261 = arith.constant 0 : i32
        %add3A_262 = vector.broadcast %add3A_261 : i32 to vector<16xi32>
        %add3A_263 = arith.addi %iota3A_260, %add3A_262 : vector<16xi32>
        %iota3A_264 = tpu.iota {dimensions = array<i32: 0>} : vector<16xi32>
        %add3A_265 = arith.constant 16 : i32
        %add3A_266 = vector.broadcast %add3A_265 : i32 to vector<16xi32>
        %add3A_267 = arith.addi %iota3A_264, %add3A_266 : vector<16xi32>
        %iota3A_268 = tpu.iota {dimensions = array<i32: 0>} : vector<16xi32>
        %add3A_269 = arith.constant 32 : i32
        %add3A_270 = vector.broadcast %add3A_269 : i32 to vector<16xi32>
        %add3A_271 = arith.addi %iota3A_268, %add3A_270 : vector<16xi32>
        %iota3A_272 = tpu.iota {dimensions = array<i32: 0>} : vector<16xi32>
        %add3A_273 = arith.constant 48 : i32
        %add3A_274 = vector.broadcast %add3A_273 : i32 to vector<16xi32>
        %add3A_275 = arith.addi %iota3A_272, %add3A_274 : vector<16xi32>
        %iota3A_276 = tpu.iota {dimensions = array<i32: 0>} : vector<16xi32>
        %add3A_277 = arith.constant 0 : i32
        %add3A_278 = vector.broadcast %add3A_277 : i32 to vector<16xi32>
        %add3A_279 = arith.addi %iota3A_276, %add3A_278 : vector<16xi32>
        %iota3A_280 = tpu.iota {dimensions = array<i32: 0>} : vector<16xi32>
        %add3A_281 = arith.constant 16 : i32
        %add3A_282 = vector.broadcast %add3A_281 : i32 to vector<16xi32>
        %add3A_283 = arith.addi %iota3A_280, %add3A_282 : vector<16xi32>
        %iota3A_284 = tpu.iota {dimensions = array<i32: 0>} : vector<16xi32>
        %add3A_285 = arith.constant 32 : i32
        %add3A_286 = vector.broadcast %add3A_285 : i32 to vector<16xi32>
        %add3A_287 = arith.addi %iota3A_284, %add3A_286 : vector<16xi32>
        %iota3A_288 = tpu.iota {dimensions = array<i32: 0>} : vector<16xi32>
        %add3A_289 = arith.constant 48 : i32
        %add3A_290 = vector.broadcast %add3A_289 : i32 to vector<16xi32>
        %add3A_291 = arith.addi %iota3A_288, %add3A_290 : vector<16xi32>
        %iota3A_292 = tpu.iota {dimensions = array<i32: 0>} : vector<16xi32>
        %add3A_293 = arith.constant 64 : i32
        %add3A_294 = vector.broadcast %add3A_293 : i32 to vector<16xi32>
        %add3A_295 = arith.addi %iota3A_292, %add3A_294 : vector<16xi32>
        %iota3A_296 = tpu.iota {dimensions = array<i32: 0>} : vector<16xi32>
        %add3A_297 = arith.constant 80 : i32
        %add3A_298 = vector.broadcast %add3A_297 : i32 to vector<16xi32>
        %add3A_299 = arith.addi %iota3A_296, %add3A_298 : vector<16xi32>
        %iota3A_300 = tpu.iota {dimensions = array<i32: 0>} : vector<16xi32>
        %add3A_301 = arith.constant 96 : i32
        %add3A_302 = vector.broadcast %add3A_301 : i32 to vector<16xi32>
        %add3A_303 = arith.addi %iota3A_300, %add3A_302 : vector<16xi32>
        %iota3A_304 = tpu.iota {dimensions = array<i32: 0>} : vector<16xi32>
        %add3A_305 = arith.constant 112 : i32
        %add3A_306 = vector.broadcast %add3A_305 : i32 to vector<16xi32>
        %add3A_307 = arith.addi %iota3A_304, %add3A_306 : vector<16xi32>
        %parallel_loop3A_308 = arith.constant 0 : i32
        %parallel_loop3A_309 = arith.constant 128 : i32
        %parallel_loop3A_310 = arith.constant 1 : i32
        scf.for %parallel_loop3A_456 = %parallel_loop3A_308 to %parallel_loop3A_309 step %parallel_loop3A_310  : i32 {
          %parallel_loop3A_457 = vector.broadcast %parallel_loop3A_456 : i32 to vector<16xi32>
          %parallel_loop3A_458 = tpu.vector_load_idx %arg10[%parallel_loop3A_457, %add3A_263] : memref<128x128xf32, #tpu.memory_space<vmem>>[vector<16xi32>, vector<16xi32>], vector<16xf32>,
          %parallel_loop3A_459 = tpu.vector_load_idx %arg10[%parallel_loop3A_457, %add3A_267] : memref<128x128xf32, #tpu.memory_space<vmem>>[vector<16xi32>, vector<16xi32>], vector<16xf32>,
          %parallel_loop3A_460 = tpu.vector_load_idx %arg10[%parallel_loop3A_457, %add3A_271] : memref<128x128xf32, #tpu.memory_space<vmem>>[vector<16xi32>, vector<16xi32>], vector<16xf32>,
          %parallel_loop3A_461 = tpu.vector_load_idx %arg10[%parallel_loop3A_457, %add3A_275] : memref<128x128xf32, #tpu.memory_space<vmem>>[vector<16xi32>, vector<16xi32>], vector<16xf32>,
          tpu.vector_store_idx %arg7[%add3A_263, %parallel_loop3A_457], %parallel_loop3A_458 : memref<64x129xf32, #tpu.memory_space<vmem>>[vector<16xi32>, vector<16xi32>], vector<16xf32>,
          tpu.vector_store_idx %arg7[%add3A_267, %parallel_loop3A_457], %parallel_loop3A_459 : memref<64x129xf32, #tpu.memory_space<vmem>>[vector<16xi32>, vector<16xi32>], vector<16xf32>,
          tpu.vector_store_idx %arg7[%add3A_271, %parallel_loop3A_457], %parallel_loop3A_460 : memref<64x129xf32, #tpu.memory_space<vmem>>[vector<16xi32>, vector<16xi32>], vector<16xf32>,
          tpu.vector_store_idx %arg7[%add3A_275, %parallel_loop3A_457], %parallel_loop3A_461 : memref<64x129xf32, #tpu.memory_space<vmem>>[vector<16xi32>, vector<16xi32>], vector<16xf32>,
        } {sc.loop_unroll_factor = 4 : i64, sc.parallel_access}
        %parallel_loop3A_311 = arith.constant 0 : i32
        %parallel_loop3A_312 = arith.constant 64 : i32
        %parallel_loop3A_313 = arith.constant 1 : i32
        scf.for %parallel_loop3A_456 = %parallel_loop3A_311 to %parallel_loop3A_312 step %parallel_loop3A_313  : i32 {
          %parallel_loop3A_457 = vector.broadcast %parallel_loop3A_456 : i32 to vector<16xi32>
          %parallel_loop3A_458 = tpu.vector_load_idx %arg7[%parallel_loop3A_457, %add3A_279] : memref<64x129xf32, #tpu.memory_space<vmem>>[vector<16xi32>, vector<16xi32>], vector<16xf32>,
          %parallel_loop3A_459 = tpu.vector_load_idx %arg7[%parallel_loop3A_457, %add3A_283] : memref<64x129xf32, #tpu.memory_space<vmem>>[vector<16xi32>, vector<16xi32>], vector<16xf32>,
          %parallel_loop3A_460 = tpu.vector_load_idx %arg7[%parallel_loop3A_457, %add3A_287] : memref<64x129xf32, #tpu.memory_space<vmem>>[vector<16xi32>, vector<16xi32>], vector<16xf32>,
          %parallel_loop3A_461 = tpu.vector_load_idx %arg7[%parallel_loop3A_457, %add3A_291] : memref<64x129xf32, #tpu.memory_space<vmem>>[vector<16xi32>, vector<16xi32>], vector<16xf32>,
          %parallel_loop3A_462 = tpu.vector_load_idx %arg7[%parallel_loop3A_457, %add3A_295] : memref<64x129xf32, #tpu.memory_space<vmem>>[vector<16xi32>, vector<16xi32>], vector<16xf32>,
          %parallel_loop3A_463 = tpu.vector_load_idx %arg7[%parallel_loop3A_457, %add3A_299] : memref<64x129xf32, #tpu.memory_space<vmem>>[vector<16xi32>, vector<16xi32>], vector<16xf32>,
          %parallel_loop3A_464 = tpu.vector_load_idx %arg7[%parallel_loop3A_457, %add3A_303] : memref<64x129xf32, #tpu.memory_space<vmem>>[vector<16xi32>, vector<16xi32>], vector<16xf32>,
          %parallel_loop3A_465 = tpu.vector_load_idx %arg7[%parallel_loop3A_457, %add3A_307] : memref<64x129xf32, #tpu.memory_space<vmem>>[vector<16xi32>, vector<16xi32>], vector<16xf32>,
          tpu.vector_store_idx %arg6[%parallel_loop3A_457, %add3A_279], %parallel_loop3A_458 : memref<64x128xf32, #tpu.memory_space<vmem>>[vector<16xi32>, vector<16xi32>], vector<16xf32>,
          tpu.vector_store_idx %arg6[%parallel_loop3A_457, %add3A_283], %parallel_loop3A_459 : memref<64x128xf32, #tpu.memory_space<vmem>>[vector<16xi32>, vector<16xi32>], vector<16xf32>,
          tpu.vector_store_idx %arg6[%parallel_loop3A_457, %add3A_287], %parallel_loop3A_460 : memref<64x128xf32, #tpu.memory_space<vmem>>[vector<16xi32>, vector<16xi32>], vector<16xf32>,
          tpu.vector_store_idx %arg6[%parallel_loop3A_457, %add3A_291], %parallel_loop3A_461 : memref<64x128xf32, #tpu.memory_space<vmem>>[vector<16xi32>, vector<16xi32>], vector<16xf32>,
          tpu.vector_store_idx %arg6[%parallel_loop3A_457, %add3A_295], %parallel_loop3A_462 : memref<64x128xf32, #tpu.memory_space<vmem>>[vector<16xi32>, vector<16xi32>], vector<16xf32>,
          tpu.vector_store_idx %arg6[%parallel_loop3A_457, %add3A_299], %parallel_loop3A_463 : memref<64x128xf32, #tpu.memory_space<vmem>>[vector<16xi32>, vector<16xi32>], vector<16xf32>,
          tpu.vector_store_idx %arg6[%parallel_loop3A_457, %add3A_303], %parallel_loop3A_464 : memref<64x128xf32, #tpu.memory_space<vmem>>[vector<16xi32>, vector<16xi32>], vector<16xf32>,
          tpu.vector_store_idx %arg6[%parallel_loop3A_457, %add3A_307], %parallel_loop3A_465 : memref<64x128xf32, #tpu.memory_space<vmem>>[vector<16xi32>, vector<16xi32>], vector<16xf32>,
        } {sc.loop_unroll_factor = 4 : i64, sc.parallel_access}
        %jit3A_314 = arith.constant 8 : i32
        %div3A_315 = arith.divsi %add3A_253, %jit3A_314 : i32
        %sign3A_316 = arith.constant 0 : i32
        %sign3A_317 = arith.cmpi sgt, %add3A_253, %sign3A_316 : i32
        %sign3A_318 = arith.extui %sign3A_317 : i1 to i32
        %sign3A_319 = arith.constant 0 : i32
        %sign3A_320 = arith.cmpi slt, %add3A_253, %sign3A_319 : i32
        %sign3A_321 = arith.extui %sign3A_320 : i1 to i32
        %sign3A_322 = arith.subi %sign3A_318, %sign3A_321 : i32
        %sign3A_323 = arith.constant 0 : i32
        %sign3A_324 = arith.cmpi sgt, %jit3A_314, %sign3A_323 : i32
        %sign3A_325 = arith.extui %sign3A_324 : i1 to i32
        %sign3A_326 = arith.constant 0 : i32
        %sign3A_327 = arith.cmpi slt, %jit3A_314, %sign3A_326 : i32
        %sign3A_328 = arith.extui %sign3A_327 : i1 to i32
        %sign3A_329 = arith.subi %sign3A_325, %sign3A_328 : i32
        %ne3A_330 = arith.cmpi ne, %sign3A_322, %sign3A_329 : i32
        %rem3A_331 = arith.remsi %add3A_253, %jit3A_314 : i32
        %ne3A_332 = arith.constant 0 : i32
        %ne3A_333 = arith.cmpi ne, %rem3A_331, %ne3A_332 : i32
        %and3A_334 = arith.andi %ne3A_330, %ne3A_333 : i1
        %sub3A_335 = arith.constant 1 : i32
        %sub3A_336 = arith.subi %div3A_315, %sub3A_335 : i32
        %select_n3A_337 = arith.select %and3A_334, %sub3A_336, %div3A_315 : i32
        %mul3A_338 = arith.constant 8 : i32
        %mul3A_339 = arith.muli %mul3A_338, %select_n3A_337 : i32
        %sub3A_340 = arith.subi %add3A_253, %mul3A_339 : i32
        %add3A_341 = arith.addi %multiple_of3A_11, %sub3A_340 : i32
        %mul3A_342 = arith.constant 128 : i32
        %mul3A_343 = arith.muli %mul3A_342, %select_n3A_337 : i32
        %add3A_344 = arith.addi %multiple_of3A, %mul3A_343 : i32
        %multiple_of3A_345 = tpu.assume_multiple %add3A_344, 128 : i32
        "tpu.region"() ({
          %run_scoped3A = tpu.sem_alloc : memref<!tpu.dma_semaphore, #tpu.memory_space<semaphore_mem>>
          %dma_start3A_456 = arith.constant 0 : i32
          %dma_start3A_457 = tpu.memref_slice %arg4[%add3A_341, %dma_start3A_456, %multiple_of3A_345] : memref<200x64x16384xf32, #tpu.memory_space<hbm>> -> memref<1x64x128xf32, #tpu.memory_space<hbm>>
          %dma_start3A_458 = tpu.memref_squeeze %dma_start3A_457 : memref<1x64x128xf32, #tpu.memory_space<hbm>> -> memref<64x128xf32, #tpu.memory_space<hbm>>
          %dma_start3A_459 = arith.constant 0 : i32
          %dma_start3A_460 = tpu.memref_slice %arg4[%add3A_341, %dma_start3A_459, %multiple_of3A_345] : memref<200x64x16384xf32, #tpu.memory_space<hbm>> -> memref<1x64x128xf32, #tpu.memory_space<hbm>>
          %dma_start3A_461 = tpu.memref_squeeze %dma_start3A_460 : memref<1x64x128xf32, #tpu.memory_space<hbm>> -> memref<64x128xf32, #tpu.memory_space<hbm>>
          tpu.enqueue_dma source(%arg6 : memref<64x128xf32, #tpu.memory_space<vmem>>) target(%dma_start3A_461 : memref<64x128xf32, #tpu.memory_space<hbm>>) target_semaphore(%run_scoped3A : memref<!tpu.dma_semaphore, #tpu.memory_space<semaphore_mem>>)
          %dma_wait3A_462 = arith.constant 0 : i32
          %dma_wait3A_463 = tpu.memref_slice %arg4[%add3A_341, %dma_wait3A_462, %multiple_of3A_345] : memref<200x64x16384xf32, #tpu.memory_space<hbm>> -> memref<1x64x128xf32, #tpu.memory_space<hbm>>
          %dma_wait3A_464 = tpu.memref_squeeze %dma_wait3A_463 : memref<1x64x128xf32, #tpu.memory_space<hbm>> -> memref<64x128xf32, #tpu.memory_space<hbm>>
          %dma_wait3A_465 = arith.constant 0 : i32
          %dma_wait3A_466 = tpu.memref_slice %arg4[%add3A_341, %dma_wait3A_465, %multiple_of3A_345] : memref<200x64x16384xf32, #tpu.memory_space<hbm>> -> memref<1x64x128xf32, #tpu.memory_space<hbm>>
          %dma_wait3A_467 = tpu.memref_squeeze %dma_wait3A_466 : memref<1x64x128xf32, #tpu.memory_space<hbm>> -> memref<64x128xf32, #tpu.memory_space<hbm>>
          tpu.wait_dma2 semaphore(%run_scoped3A : memref<!tpu.dma_semaphore, #tpu.memory_space<semaphore_mem>>) src(%arg6 : memref<64x128xf32, #tpu.memory_space<vmem>>) dst(%dma_wait3A_467 : memref<64x128xf32, #tpu.memory_space<hbm>>)
          tpu.yield
        }) : () -> ()
        %add3A_346 = arith.constant 4 : i32
        %add3A_347 = arith.addi %add3A_253, %add3A_346 : i32
        %lt3A_348 = arith.constant 32 : i32
        %lt3A_349 = arith.cmpi slt, %add3A_347, %lt3A_348 : i32
        %convert_element_type3A_350 = arith.extui %lt3A_349 : i1 to i32
        %cond3A_351 = arith.constant 0 : i32
        %cond3A_352 = arith.cmpi ne, %convert_element_type3A_350, %cond3A_351 : i32
        scf.if %cond3A_352 {
          %dma_start3A_456 = arith.constant 0 : i32
          %dma_start3A_457 = tpu.memref_slice %arg5[%add3A_347, %dma_start3A_456] : memref<32x128xi32, #tpu.memory_space<vmem>> -> memref<1x128xi32, #tpu.memory_space<vmem>>
          %dma_start3A_458 = tpu.memref_squeeze %dma_start3A_457 : memref<1x128xi32, #tpu.memory_space<vmem>> -> memref<128xi32, #tpu.memory_space<vmem>>
          %dma_start3A_459 = arith.constant 0 : i32
          %dma_start3A_460 = arith.constant 0 : i32
          %dma_start3A_461 = tpu.memref_slice %arg3[%dma_start3A_459, %dma_start3A_460] : memref<1000000x128xf32, #tpu.memory_space<hbm>> -> memref<1000000x128xf32, #tpu.memory_space<hbm>>
          tpu.enqueue_indirect_dma source(%dma_start3A_461 : memref<1000000x128xf32, #tpu.memory_space<hbm>>) target(%arg10 : memref<128x128xf32, #tpu.memory_space<vmem>>) offsets(%dma_start3A_458 : memref<128xi32, #tpu.memory_space<vmem>>) semaphore(%arg14 : memref<!tpu.dma_semaphore, #tpu.memory_space<semaphore_mem>>)
        } else {
        }
        %mul3A_353 = arith.constant 4 : i32
        %mul3A_354 = arith.muli %mul3A_353, %scan3A_57 : i32
        %add3A_355 = arith.constant 3 : i32
        %add3A_356 = arith.addi %mul3A_354, %add3A_355 : i32
        %dma_wait3A_357 = arith.constant 0 : i32
        %dma_wait3A_358 = arith.constant 0 : i32
        %dma_wait3A_359 = tpu.memref_slice %arg3[%dma_wait3A_357, %dma_wait3A_358] : memref<1000000x128xf32, #tpu.memory_space<hbm>> -> memref<128x128xf32, #tpu.memory_space<hbm>>
        %dma_wait3A_360 = arith.constant 0 : i32
        %dma_wait3A_361 = arith.constant 0 : i32
        %dma_wait3A_362 = tpu.memref_slice %arg3[%dma_wait3A_360, %dma_wait3A_361] : memref<1000000x128xf32, #tpu.memory_space<hbm>> -> memref<128x128xf32, #tpu.memory_space<hbm>>
        tpu.wait_dma2 semaphore(%arg15 : memref<!tpu.dma_semaphore, #tpu.memory_space<semaphore_mem>>) src(%dma_wait3A_362 : memref<128x128xf32, #tpu.memory_space<hbm>>) dst(%arg11 : memref<128x128xf32, #tpu.memory_space<vmem>>)
        %iota3A_363 = tpu.iota {dimensions = array<i32: 0>} : vector<16xi32>
        %add3A_364 = arith.constant 0 : i32
        %add3A_365 = vector.broadcast %add3A_364 : i32 to vector<16xi32>
        %add3A_366 = arith.addi %iota3A_363, %add3A_365 : vector<16xi32>
        %iota3A_367 = tpu.iota {dimensions = array<i32: 0>} : vector<16xi32>
        %add3A_368 = arith.constant 16 : i32
        %add3A_369 = vector.broadcast %add3A_368 : i32 to vector<16xi32>
        %add3A_370 = arith.addi %iota3A_367, %add3A_369 : vector<16xi32>
        %iota3A_371 = tpu.iota {dimensions = array<i32: 0>} : vector<16xi32>
        %add3A_372 = arith.constant 32 : i32
        %add3A_373 = vector.broadcast %add3A_372 : i32 to vector<16xi32>
        %add3A_374 = arith.addi %iota3A_371, %add3A_373 : vector<16xi32>
        %iota3A_375 = tpu.iota {dimensions = array<i32: 0>} : vector<16xi32>
        %add3A_376 = arith.constant 48 : i32
        %add3A_377 = vector.broadcast %add3A_376 : i32 to vector<16xi32>
        %add3A_378 = arith.addi %iota3A_375, %add3A_377 : vector<16xi32>
        %iota3A_379 = tpu.iota {dimensions = array<i32: 0>} : vector<16xi32>
        %add3A_380 = arith.constant 0 : i32
        %add3A_381 = vector.broadcast %add3A_380 : i32 to vector<16xi32>
        %add3A_382 = arith.addi %iota3A_379, %add3A_381 : vector<16xi32>
        %iota3A_383 = tpu.iota {dimensions = array<i32: 0>} : vector<16xi32>
        %add3A_384 = arith.constant 16 : i32
        %add3A_385 = vector.broadcast %add3A_384 : i32 to vector<16xi32>
        %add3A_386 = arith.addi %iota3A_383, %add3A_385 : vector<16xi32>
        %iota3A_387 = tpu.iota {dimensions = array<i32: 0>} : vector<16xi32>
        %add3A_388 = arith.constant 32 : i32
        %add3A_389 = vector.broadcast %add3A_388 : i32 to vector<16xi32>
        %add3A_390 = arith.addi %iota3A_387, %add3A_389 : vector<16xi32>
        %iota3A_391 = tpu.iota {dimensions = array<i32: 0>} : vector<16xi32>
        %add3A_392 = arith.constant 48 : i32
        %add3A_393 = vector.broadcast %add3A_392 : i32 to vector<16xi32>
        %add3A_394 = arith.addi %iota3A_391, %add3A_393 : vector<16xi32>
        %iota3A_395 = tpu.iota {dimensions = array<i32: 0>} : vector<16xi32>
        %add3A_396 = arith.constant 64 : i32
        %add3A_397 = vector.broadcast %add3A_396 : i32 to vector<16xi32>
        %add3A_398 = arith.addi %iota3A_395, %add3A_397 : vector<16xi32>
        %iota3A_399 = tpu.iota {dimensions = array<i32: 0>} : vector<16xi32>
        %add3A_400 = arith.constant 80 : i32
        %add3A_401 = vector.broadcast %add3A_400 : i32 to vector<16xi32>
        %add3A_402 = arith.addi %iota3A_399, %add3A_401 : vector<16xi32>
        %iota3A_403 = tpu.iota {dimensions = array<i32: 0>} : vector<16xi32>
        %add3A_404 = arith.constant 96 : i32
        %add3A_405 = vector.broadcast %add3A_404 : i32 to vector<16xi32>
        %add3A_406 = arith.addi %iota3A_403, %add3A_405 : vector<16xi32>
        %iota3A_407 = tpu.iota {dimensions = array<i32: 0>} : vector<16xi32>
        %add3A_408 = arith.constant 112 : i32
        %add3A_409 = vector.broadcast %add3A_408 : i32 to vector<16xi32>
        %add3A_410 = arith.addi %iota3A_407, %add3A_409 : vector<16xi32>
        %parallel_loop3A_411 = arith.constant 0 : i32
        %parallel_loop3A_412 = arith.constant 128 : i32
        %parallel_loop3A_413 = arith.constant 1 : i32
        scf.for %parallel_loop3A_456 = %parallel_loop3A_411 to %parallel_loop3A_412 step %parallel_loop3A_413  : i32 {
          %parallel_loop3A_457 = vector.broadcast %parallel_loop3A_456 : i32 to vector<16xi32>
          %parallel_loop3A_458 = tpu.vector_load_idx %arg11[%parallel_loop3A_457, %add3A_366] : memref<128x128xf32, #tpu.memory_space<vmem>>[vector<16xi32>, vector<16xi32>], vector<16xf32>,
          %parallel_loop3A_459 = tpu.vector_load_idx %arg11[%parallel_loop3A_457, %add3A_370] : memref<128x128xf32, #tpu.memory_space<vmem>>[vector<16xi32>, vector<16xi32>], vector<16xf32>,
          %parallel_loop3A_460 = tpu.vector_load_idx %arg11[%parallel_loop3A_457, %add3A_374] : memref<128x128xf32, #tpu.memory_space<vmem>>[vector<16xi32>, vector<16xi32>], vector<16xf32>,
          %parallel_loop3A_461 = tpu.vector_load_idx %arg11[%parallel_loop3A_457, %add3A_378] : memref<128x128xf32, #tpu.memory_space<vmem>>[vector<16xi32>, vector<16xi32>], vector<16xf32>,
          tpu.vector_store_idx %arg7[%add3A_366, %parallel_loop3A_457], %parallel_loop3A_458 : memref<64x129xf32, #tpu.memory_space<vmem>>[vector<16xi32>, vector<16xi32>], vector<16xf32>,
          tpu.vector_store_idx %arg7[%add3A_370, %parallel_loop3A_457], %parallel_loop3A_459 : memref<64x129xf32, #tpu.memory_space<vmem>>[vector<16xi32>, vector<16xi32>], vector<16xf32>,
          tpu.vector_store_idx %arg7[%add3A_374, %parallel_loop3A_457], %parallel_loop3A_460 : memref<64x129xf32, #tpu.memory_space<vmem>>[vector<16xi32>, vector<16xi32>], vector<16xf32>,
          tpu.vector_store_idx %arg7[%add3A_378, %parallel_loop3A_457], %parallel_loop3A_461 : memref<64x129xf32, #tpu.memory_space<vmem>>[vector<16xi32>, vector<16xi32>], vector<16xf32>,
        } {sc.loop_unroll_factor = 4 : i64, sc.parallel_access}
        %parallel_loop3A_414 = arith.constant 0 : i32
        %parallel_loop3A_415 = arith.constant 64 : i32
        %parallel_loop3A_416 = arith.constant 1 : i32
        scf.for %parallel_loop3A_456 = %parallel_loop3A_414 to %parallel_loop3A_415 step %parallel_loop3A_416  : i32 {
          %parallel_loop3A_457 = vector.broadcast %parallel_loop3A_456 : i32 to vector<16xi32>
          %parallel_loop3A_458 = tpu.vector_load_idx %arg7[%parallel_loop3A_457, %add3A_382] : memref<64x129xf32, #tpu.memory_space<vmem>>[vector<16xi32>, vector<16xi32>], vector<16xf32>,
          %parallel_loop3A_459 = tpu.vector_load_idx %arg7[%parallel_loop3A_457, %add3A_386] : memref<64x129xf32, #tpu.memory_space<vmem>>[vector<16xi32>, vector<16xi32>], vector<16xf32>,
          %parallel_loop3A_460 = tpu.vector_load_idx %arg7[%parallel_loop3A_457, %add3A_390] : memref<64x129xf32, #tpu.memory_space<vmem>>[vector<16xi32>, vector<16xi32>], vector<16xf32>,
          %parallel_loop3A_461 = tpu.vector_load_idx %arg7[%parallel_loop3A_457, %add3A_394] : memref<64x129xf32, #tpu.memory_space<vmem>>[vector<16xi32>, vector<16xi32>], vector<16xf32>,
          %parallel_loop3A_462 = tpu.vector_load_idx %arg7[%parallel_loop3A_457, %add3A_398] : memref<64x129xf32, #tpu.memory_space<vmem>>[vector<16xi32>, vector<16xi32>], vector<16xf32>,
          %parallel_loop3A_463 = tpu.vector_load_idx %arg7[%parallel_loop3A_457, %add3A_402] : memref<64x129xf32, #tpu.memory_space<vmem>>[vector<16xi32>, vector<16xi32>], vector<16xf32>,
          %parallel_loop3A_464 = tpu.vector_load_idx %arg7[%parallel_loop3A_457, %add3A_406] : memref<64x129xf32, #tpu.memory_space<vmem>>[vector<16xi32>, vector<16xi32>], vector<16xf32>,
          %parallel_loop3A_465 = tpu.vector_load_idx %arg7[%parallel_loop3A_457, %add3A_410] : memref<64x129xf32, #tpu.memory_space<vmem>>[vector<16xi32>, vector<16xi32>], vector<16xf32>,
          tpu.vector_store_idx %arg6[%parallel_loop3A_457, %add3A_382], %parallel_loop3A_458 : memref<64x128xf32, #tpu.memory_space<vmem>>[vector<16xi32>, vector<16xi32>], vector<16xf32>,
          tpu.vector_store_idx %arg6[%parallel_loop3A_457, %add3A_386], %parallel_loop3A_459 : memref<64x128xf32, #tpu.memory_space<vmem>>[vector<16xi32>, vector<16xi32>], vector<16xf32>,
          tpu.vector_store_idx %arg6[%parallel_loop3A_457, %add3A_390], %parallel_loop3A_460 : memref<64x128xf32, #tpu.memory_space<vmem>>[vector<16xi32>, vector<16xi32>], vector<16xf32>,
          tpu.vector_store_idx %arg6[%parallel_loop3A_457, %add3A_394], %parallel_loop3A_461 : memref<64x128xf32, #tpu.memory_space<vmem>>[vector<16xi32>, vector<16xi32>], vector<16xf32>,
          tpu.vector_store_idx %arg6[%parallel_loop3A_457, %add3A_398], %parallel_loop3A_462 : memref<64x128xf32, #tpu.memory_space<vmem>>[vector<16xi32>, vector<16xi32>], vector<16xf32>,
          tpu.vector_store_idx %arg6[%parallel_loop3A_457, %add3A_402], %parallel_loop3A_463 : memref<64x128xf32, #tpu.memory_space<vmem>>[vector<16xi32>, vector<16xi32>], vector<16xf32>,
          tpu.vector_store_idx %arg6[%parallel_loop3A_457, %add3A_406], %parallel_loop3A_464 : memref<64x128xf32, #tpu.memory_space<vmem>>[vector<16xi32>, vector<16xi32>], vector<16xf32>,
          tpu.vector_store_idx %arg6[%parallel_loop3A_457, %add3A_410], %parallel_loop3A_465 : memref<64x128xf32, #tpu.memory_space<vmem>>[vector<16xi32>, vector<16xi32>], vector<16xf32>,
        } {sc.loop_unroll_factor = 4 : i64, sc.parallel_access}
        %jit3A_417 = arith.constant 8 : i32
        %div3A_418 = arith.divsi %add3A_356, %jit3A_417 : i32
        %sign3A_419 = arith.constant 0 : i32
        %sign3A_420 = arith.cmpi sgt, %add3A_356, %sign3A_419 : i32
        %sign3A_421 = arith.extui %sign3A_420 : i1 to i32
        %sign3A_422 = arith.constant 0 : i32
        %sign3A_423 = arith.cmpi slt, %add3A_356, %sign3A_422 : i32
        %sign3A_424 = arith.extui %sign3A_423 : i1 to i32
        %sign3A_425 = arith.subi %sign3A_421, %sign3A_424 : i32
        %sign3A_426 = arith.constant 0 : i32
        %sign3A_427 = arith.cmpi sgt, %jit3A_417, %sign3A_426 : i32
        %sign3A_428 = arith.extui %sign3A_427 : i1 to i32
        %sign3A_429 = arith.constant 0 : i32
        %sign3A_430 = arith.cmpi slt, %jit3A_417, %sign3A_429 : i32
        %sign3A_431 = arith.extui %sign3A_430 : i1 to i32
        %sign3A_432 = arith.subi %sign3A_428, %sign3A_431 : i32
        %ne3A_433 = arith.cmpi ne, %sign3A_425, %sign3A_432 : i32
        %rem3A_434 = arith.remsi %add3A_356, %jit3A_417 : i32
        %ne3A_435 = arith.constant 0 : i32
        %ne3A_436 = arith.cmpi ne, %rem3A_434, %ne3A_435 : i32
        %and3A_437 = arith.andi %ne3A_433, %ne3A_436 : i1
        %sub3A_438 = arith.constant 1 : i32
        %sub3A_439 = arith.subi %div3A_418, %sub3A_438 : i32
        %select_n3A_440 = arith.select %and3A_437, %sub3A_439, %div3A_418 : i32
        %mul3A_441 = arith.constant 8 : i32
        %mul3A_442 = arith.muli %mul3A_441, %select_n3A_440 : i32
        %sub3A_443 = arith.subi %add3A_356, %mul3A_442 : i32
        %add3A_444 = arith.addi %multiple_of3A_11, %sub3A_443 : i32
        %mul3A_445 = arith.constant 128 : i32
        %mul3A_446 = arith.muli %mul3A_445, %select_n3A_440 : i32
        %add3A_447 = arith.addi %multiple_of3A, %mul3A_446 : i32
        %multiple_of3A_448 = tpu.assume_multiple %add3A_447, 128 : i32
        "tpu.region"() ({
          %run_scoped3A = tpu.sem_alloc : memref<!tpu.dma_semaphore, #tpu.memory_space<semaphore_mem>>
          %dma_start3A_456 = arith.constant 0 : i32
          %dma_start3A_457 = tpu.memref_slice %arg4[%add3A_444, %dma_start3A_456, %multiple_of3A_448] : memref<200x64x16384xf32, #tpu.memory_space<hbm>> -> memref<1x64x128xf32, #tpu.memory_space<hbm>>
          %dma_start3A_458 = tpu.memref_squeeze %dma_start3A_457 : memref<1x64x128xf32, #tpu.memory_space<hbm>> -> memref<64x128xf32, #tpu.memory_space<hbm>>
          %dma_start3A_459 = arith.constant 0 : i32
          %dma_start3A_460 = tpu.memref_slice %arg4[%add3A_444, %dma_start3A_459, %multiple_of3A_448] : memref<200x64x16384xf32, #tpu.memory_space<hbm>> -> memref<1x64x128xf32, #tpu.memory_space<hbm>>
          %dma_start3A_461 = tpu.memref_squeeze %dma_start3A_460 : memref<1x64x128xf32, #tpu.memory_space<hbm>> -> memref<64x128xf32, #tpu.memory_space<hbm>>
          tpu.enqueue_dma source(%arg6 : memref<64x128xf32, #tpu.memory_space<vmem>>) target(%dma_start3A_461 : memref<64x128xf32, #tpu.memory_space<hbm>>) target_semaphore(%run_scoped3A : memref<!tpu.dma_semaphore, #tpu.memory_space<semaphore_mem>>)
          %dma_wait3A_462 = arith.constant 0 : i32
          %dma_wait3A_463 = tpu.memref_slice %arg4[%add3A_444, %dma_wait3A_462, %multiple_of3A_448] : memref<200x64x16384xf32, #tpu.memory_space<hbm>> -> memref<1x64x128xf32, #tpu.memory_space<hbm>>
          %dma_wait3A_464 = tpu.memref_squeeze %dma_wait3A_463 : memref<1x64x128xf32, #tpu.memory_space<hbm>> -> memref<64x128xf32, #tpu.memory_space<hbm>>
          %dma_wait3A_465 = arith.constant 0 : i32
          %dma_wait3A_466 = tpu.memref_slice %arg4[%add3A_444, %dma_wait3A_465, %multiple_of3A_448] : memref<200x64x16384xf32, #tpu.memory_space<hbm>> -> memref<1x64x128xf32, #tpu.memory_space<hbm>>
          %dma_wait3A_467 = tpu.memref_squeeze %dma_wait3A_466 : memref<1x64x128xf32, #tpu.memory_space<hbm>> -> memref<64x128xf32, #tpu.memory_space<hbm>>
          tpu.wait_dma2 semaphore(%run_scoped3A : memref<!tpu.dma_semaphore, #tpu.memory_space<semaphore_mem>>) src(%arg6 : memref<64x128xf32, #tpu.memory_space<vmem>>) dst(%dma_wait3A_467 : memref<64x128xf32, #tpu.memory_space<hbm>>)
          tpu.yield
        }) : () -> ()
        %add3A_449 = arith.constant 4 : i32
        %add3A_450 = arith.addi %add3A_356, %add3A_449 : i32
        %lt3A_451 = arith.constant 32 : i32
        %lt3A_452 = arith.cmpi slt, %add3A_450, %lt3A_451 : i32
        %convert_element_type3A_453 = arith.extui %lt3A_452 : i1 to i32
        %cond3A_454 = arith.constant 0 : i32
        %cond3A_455 = arith.cmpi ne, %convert_element_type3A_453, %cond3A_454 : i32
        scf.if %cond3A_455 {
          %dma_start3A_456 = arith.constant 0 : i32
          %dma_start3A_457 = tpu.memref_slice %arg5[%add3A_450, %dma_start3A_456] : memref<32x128xi32, #tpu.memory_space<vmem>> -> memref<1x128xi32, #tpu.memory_space<vmem>>
          %dma_start3A_458 = tpu.memref_squeeze %dma_start3A_457 : memref<1x128xi32, #tpu.memory_space<vmem>> -> memref<128xi32, #tpu.memory_space<vmem>>
          %dma_start3A_459 = arith.constant 0 : i32
          %dma_start3A_460 = arith.constant 0 : i32
          %dma_start3A_461 = tpu.memref_slice %arg3[%dma_start3A_459, %dma_start3A_460] : memref<1000000x128xf32, #tpu.memory_space<hbm>> -> memref<1000000x128xf32, #tpu.memory_space<hbm>>
          tpu.enqueue_indirect_dma source(%dma_start3A_461 : memref<1000000x128xf32, #tpu.memory_space<hbm>>) target(%arg11 : memref<128x128xf32, #tpu.memory_space<vmem>>) offsets(%dma_start3A_458 : memref<128xi32, #tpu.memory_space<vmem>>) semaphore(%arg15 : memref<!tpu.dma_semaphore, #tpu.memory_space<semaphore_mem>>)
        } else {
        }
      }
      %scan3A_56 = arith.constant 8 : i32
    }
    %scan3A_7 = arith.constant 25 : i32
    return
  }
}

</mosaic_0001>

<sc_bundles>
// kernel: _embed.4.cloned.1.call-start
scs
__scs_entry_jumppad:
0x0: {  	(pc) =	sbr.rel $0x88, $3  }
0x1: {  	(tag) =	ssettag $0x0;
	lr =	simm.s32 $0x1  }
0x2: {  	[smem:$0x3F9E] =	sst lr;
	_ =	strace $0xD0000000  }
0x3: {  	_ = 	snop  }
0x4: {  	_ = 	snop  }
0x5: {  	_ = 	snop  }
0x6: {  	_ = 	snop  }
0x7: {  	_ = 	snop  }
__scs_overlays_trampoline_lowered:
0x8: {  	[smem:$0x3FAD] =	sst s0  }
0x9: {  	[smem:$0x3FAE] =	sst s1  }
0xa: {  	[smem:$0x3FAF] =	sst s2  }
0xb: {  	[smem:$0x3FB0] =	sst s3  }
0xc: {  	[smem:$0x3FB1] =	sst s4  }
0xd: {  	[smem:$0x3FB2] =	sst s5  }
0xe: {  	[smem:$0x3FB3] =	sst s6  }
0xf: {  	[smem:$0x3FB4] =	sst s7  }
0x10: {  	[smem:$0x3FB5] =	sst s8  }
0x11: {  	[smem:$0x3FB6] =	sst s9;
	s0 =	simm.s32 @!p0 $0x0  }
0x12: {  	s1 =	sld [smem:$0x3F9C];
	s0 =	simm.s32 @p0 $0x1  }
0x13: {  	[smem:$0x3FB7] =	sst s0;
	s0 =	simm.s32 @!p1 $0x0  }
0x14: {  	s2 =	sld [smem:$0x3F9B];
	s0 =	simm.s32 @p1 $0x1  }
0x15: {  	[smem:$0x3FB8] =	sst s0;
	s0 =	simm.s32 @!p2 $0x0  }
0x16: {  	s3 =	sld [smem:$0x3FDB];
	s0 =	simm.s32 @p2 $0x1  }
0x17: {  	s4 =	simm.s32 $0x1BF5;
	[smem:$0x3FBA] =	sst s0  }
0x18: {  	s0 =	sld [smem:$0x3F9D];
	_ =	swait.ge [sflag:s4], $0x0  }
0x19: {  	s7 =	sld [smem:$0x3F9E]  }
0x1a: {  	s8 =	sadd.s32 $0xFFFFE003, lr  }
0x1b: {  	s9 =	sadd.s32 $0xFFFFFEF7, lr;
	s5 =	simm.s32 $0xFFFFFFFF;
	p2 =	slt.u32 s8, $0xFFFFF086  }
0x1c: {  	p1 =	slt.u32 s9, $0xF7A;
	s5 =	simm.s32 @!p2 $0x0  }
0x1d: {  	s5 =	simm.s32 @p1 $0x1;
	p0 =	seq.s32 s7, s2  }
0x1e: {  	s7 =	smul.u32 @!p0 $0xF7A, s2;
	p2 =	seq.s32 @!p0 s5, $0x0  }
0x1f: {  	s9 =	smul.u32 $0xF7A, s1;
	s8 =	simm.s32 @!p0 $0x1BF5;
	p2 =	por !p2, p0  }
0x20: {  	[sflag:s8] =	ssyncset.s32 @!p0 $0xFFFFF086;
	s6 =	sadd.s32 @!p0 s3, s7;
	s7 =	simm.s32 @!p0 $0x108  }
0x21: {  	s3 =	sadd.s32 s3, s9;
	s6 =	sadd.s32 @!p0 $0x88, s6;
	s7 =	simm.s32 @p2 $0x1082  }
0x22: {  	[simem:s7], [sflag:s8] =	dma.local @!p0 [hbm:s6], $0xF7A  }
0x23: {  	s9 =	sor.u32 $0xD0000000, s2;
	s6 =	simm.s32 $0x108;
	_ =	swait.ge @!p0 [sflag:s8], $0x0  }
0x24: {  	s3 =	sadd.s32 $0x88, s3;
	s6 =	simm.s32 @!p1 $0x1082;
	[sflag:s4] =	ssyncset.s32 $0xFFFFF086  }
0x25: {  	[simem:s6], [sflag:s4] =	dma.local [hbm:s3], $0xF7A  }
0x26: {  	[smem:$0x3F9E] =	sst s1;
	(tag) =	ssettag s2;
	_ =	strace s9  }
0x27: {  	s1 =	sld [smem:$0x3FAE]  }
0x28: {  	s2 =	sld [smem:$0x3FAF]  }
0x29: {  	s4 =	sld [smem:$0x3FB1]  }
0x2a: {  	p0 =	seq.s32 s5, $0x0;
	s5 =	sld [smem:$0x3FB2]  }
0x2b: {  	s6 =	sld [smem:$0x3FB3]  }
0x2c: {  	s7 =	sld [smem:$0x3FB4]  }
0x2d: {  	s3 =	simm.s32 $0x108;
	s8 =	sld [smem:$0x3FB5]  }
0x2e: {  	s3 =	simm.s32 @!p0 $0x1082;
	s9 =	sld [smem:$0x3FB6]  }
0x2f: {  	lr =	sadd.s32 s0, s3;
	s0 =	sld [smem:$0x3FAD]  }
0x30: {  	s3 =	sld [smem:$0x3FB0]  }
0x31: {  	[smem:$0x3FB9] =	sst s10  }
0x32: {  	s10 =	sld [smem:$0x3FB7];
	_ =	sdelay $0x3  }
0x33: {  	p0 =	seq.s32 s10, $0x1;
	s10 =	sld [smem:$0x3FB9];
	_ =	sdelay $0x3  }
0x34: {  	[smem:$0x3FB9] =	sst s10  }
0x35: {  	s10 =	sld [smem:$0x3FB8];
	_ =	sdelay $0x3  }
0x36: {  	p1 =	seq.s32 s10, $0x1;
	s10 =	sld [smem:$0x3FB9];
	_ =	sdelay $0x3  }
0x37: {  	[smem:$0x3FB9] =	sst s10  }
0x38: {  	s10 =	sld [smem:$0x3FBA]  }
0x39: {  	_ = 	snop;
	(pc) =	sbr.ind lr, $3  }
0x3a: {  	_ = 	snop  }
0x3b: {  	_ = 	snop  }
0x3c: {  	p2 =	seq.s32 s10, $0x1;
	s10 =	sld [smem:$0x3FB9]  }
0x3d: {  	_ =	shalt  }
0x3e: {  	_ =	shalt  }
0x3f: {  	_ =	shalt  }
0x40: {  	_ =	shalt  }
0x41: {  	_ =	shalt  }
0x42: {  	_ =	shalt  }
0x43: {  	_ =	shalt  }
0x44: {  	_ =	shalt  }
0x45: {  	_ =	shalt  }
0x46: {  	_ =	shalt  }
0x47: {  	_ =	shalt  }
0x48: {  	_ =	shalt  }
0x49: {  	_ =	shalt  }
0x4a: {  	_ =	shalt  }
0x4b: {  	_ =	shalt  }
0x4c: {  	_ =	shalt  }
0x4d: {  	_ =	shalt  }
0x4e: {  	_ =	shalt  }
0x4f: {  	_ =	shalt  }
0x50: {  	_ =	shalt  }
0x51: {  	_ =	shalt  }
0x52: {  	_ =	shalt  }
0x53: {  	_ =	shalt  }
0x54: {  	_ =	shalt  }
0x55: {  	_ =	shalt  }
0x56: {  	_ =	shalt  }
0x57: {  	_ =	shalt  }
0x58: {  	_ =	shalt  }
0x59: {  	_ =	shalt  }
0x5a: {  	_ =	shalt  }
0x5b: {  	_ =	shalt  }
0x5c: {  	_ =	shalt  }
0x5d: {  	_ =	shalt  }
0x5e: {  	_ =	shalt  }
0x5f: {  	_ =	shalt  }
0x60: {  	_ =	shalt  }
0x61: {  	_ =	shalt  }
0x62: {  	_ =	shalt  }
0x63: {  	_ =	shalt  }
0x64: {  	_ =	shalt  }
0x65: {  	_ =	shalt  }
0x66: {  	_ =	shalt  }
0x67: {  	_ =	shalt  }
0x68: {  	_ =	shalt  }
0x69: {  	_ =	shalt  }
0x6a: {  	_ =	shalt  }
0x6b: {  	_ =	shalt  }
0x6c: {  	_ =	shalt  }
0x6d: {  	_ =	shalt  }
0x6e: {  	_ =	shalt  }
0x6f: {  	_ =	shalt  }
0x70: {  	_ =	shalt  }
0x71: {  	_ =	shalt  }
0x72: {  	_ =	shalt  }
0x73: {  	_ =	shalt  }
0x74: {  	_ =	shalt  }
0x75: {  	_ =	shalt  }
0x76: {  	_ =	shalt  }
0x77: {  	_ =	shalt  }
0x78: {  	_ =	shalt  }
0x79: {  	_ =	shalt  }
0x7a: {  	_ =	shalt  }
0x7b: {  	_ =	shalt  }
0x7c: {  	_ =	shalt  }
0x7d: {  	_ =	shalt  }
0x7e: {  	_ =	shalt  }
0x7f: {  	_ =	shalt  }
0x80: {  	_ =	shalt  }
0x81: {  	_ =	shalt  }
0x82: {  	_ =	shalt  }
0x83: {  	_ =	shalt  }
0x84: {  	_ =	shalt  }
0x85: {  	_ =	shalt  }
0x86: {  	_ =	shalt  }
0x87: {  	_ =	shalt  }
.Lfunc_end0:
.L_simem_size_0:
called_computation_lowered:
.L_overlay_start_0:
0x88: {  	s2 =	sld [smem:$0x3FD9]  }
0x89: {  	s3 =	sld [smem:$0x3FFE];
	_ =	sdelay $0x1  }
0x8a: {  	s1 =	srdreg.scid  }
0x8b: {  	s0 =	sand.u32 $0x1, s1  }
0x8c: {  	s17 =	sshll.u32 s0, $0xA;
	s2 =	sadd.s32 s3, s2  }
0x8d: {  	s2 =	sadd.s32 s2, s17  }
0x8e: {  	[smem:$0x3FC5] =	sst s2  }
0x8f: {  	_ = 	snop  }
0x90: {  	s2 =	sld [smem:$0x3FC8]  }
0x91: {  	s18 =	sld [smem:$0x3FC7];
	(tm) =	ssettm $0x1  }
0x92: {  	s4 =	sld [smem:$0x3FFB];
	_ =	sdelay $0x3  }
0x93: {  	_ =	strace s4  }
0x94: {  	s4 =	sld [smem:$0x3FFC];
	_ =	sdelay $0x3  }
0x95: {  	_ =	strace s4  }
0x96: {  	s4 =	sld [smem:$0x3FFD];
	_ =	sdelay $0x3  }
0x97: {  	_ =	strace s4  }
0x98: {  	_ =	strace $0x8FFFFFFF  }
0x99: {  	s19 =	sld [smem:$0x3FDB];
	_ =	sdelay $0x1  }
0x9a: {  	s5 =	simm.s32 $_scs_section_size  }
0x9b: {  	s6 =	simm.s32 $_size__tile_overlayer_lowered;
	s7 =	simm.s32 $_tile_overlayer_lowered  }
0x9c: {  	s22 =	simm.s32 $0x1BFF;
	s21 =	sshll.u32 s7, $0x1;
	s4 =	sadd.s32 s5, s19  }
0x9d: {  	s8 =	simm.s32 $0x0;
	s20 =	sshll.u32 s6, $0x1;
	s6 =	sadd.s32 s21, s4  }
0x9e: {  	[timem:s8], [sflag:s22] =	dma.local [hbm:s6], s20  }
0x9f: {  	_ =	swait.ge [sflag:s22], s20  }
0xa0: {  	s5 =	ssub.s32 $0x0, s20;
	[sflag:s22] =	ssyncset.done $0x0  }
0xa1: {  	[sflag:s22] =	ssyncadd.s32 s5;
	_ =	sdelay $0x1  }
0xa2: {  	s23 =	simm.s32 $0x1B8B  }
0xa3: {  	_ =	swait.ge [sflag:s23], $0x1  }
0xa4: {  	[sflag:s23] =	ssyncset.done $0x0  }
0xa5: {  	s25 =	simm.s32 $0x1B8E;
	s24 =	sld [smem:$0x3FFE];
	[sflag:s23] =	ssyncadd.s32 $0xFFFFFFFF  }
0xa6: {  	s26 =	simm.s32 $execute0_lowered;
	[smem:$0x3FD2] =	sst s25  }
0xa7: {  	s6 =	sshll.u32 s26, $0x1;
	_ =	strace $0x80000046;
	[dreg:$0x1] =	wrdreg $0xFFFFFFFF  }
0xa8: {  	s28 =	simm.s32 $_size_execute0_lowered;
	s4 =	sadd.s32 s4, s6;
	[dreg:$0x0] =	wrdreg $0x0  }
0xa9: {  	s6 =	sshll.u32 s28, $0x1;
	[dreg:$0x2] =	wrdreg s4  }
0xaa: {  	[dreg:$0x3] =	wrdreg s6  }
0xab: {  	[dreg:$0x4] =	wrdreg $0xC0  }
0xac: {  	_ =	task [dreg:s8], $0x5FFFF  }
0xad: {  	[dreg:$0x1] =	wrdreg $0xFFFFFFFF  }
0xae: {  	[dreg:$0x0] =	wrdreg $0x60  }
0xaf: {  	[dreg:$0x2] =	wrdreg s2  }
0xb0: {  	[dreg:$0x3] =	wrdreg s18  }
0xb1: {  	[dreg:$0x4] =	wrdreg s24  }
0xb2: {  	[dreg:$0x5] =	wrdreg $0x9  }
0xb3: {  	_ =	task.clear_ibuf [dreg:s8], $0x6FFFF;
	_ =	strace $0x90000046  }
0xb4: {  	s29 =	simm.s32 $0x9;
	_ =	strace $0x80000048  }
0xb5: {  	_ =	swait.ge [sflag:s29], $0x1  }
0xb6: {  	[sflag:s29] =	ssyncadd.s32 $0xFFFFFFFF  }
0xb7: {  	_ =	strace $0x90000048  }
0xb8: {  	_ =	sfence  }
0xb9: {  	s30 =	sld [smem:$0x0];
	_ =	sdelay $0x2  }
0xba: {  	s31 =	sshll.u32 s1, $0xD;
	s1 =	sshrl.u32 s1, $0x2  }
0xbb: {  	s3 =	sand.u32 $0x4000, s31;
	s1 =	sadd.s32 s1, s30  }
0xbc: {  	s0 =	sor.u32 s3, s0;
	s1 =	sshll.u32 s1, $0x11  }
0xbd: {  	s0 =	sor.u32 s1, s0  }
0xbe: {  	s0 =	sadd.s32 $0x8F2B, s0  }
0xbf: {  	[sflag:s0] =	ssyncadd.remote.s32 $0x1  }
0xc0: {  	_ =	sfence.sel $0xFFFF  }
0xc1: {  	[dreg:$0x0] =	wrdreg $0xFFFFFFFF;
	(pc) =	sbr.abs _section_cstart, $3  }
0xc2: {  	[dreg:$0x1] =	wrdreg $0xFFFFFFFF  }
0xc3: {  	_ =	task.clear_ibuf [dreg:s8], $0x2FFFF;
	_ =	strace $0x9FFFFFFF  }
0xc4: {  	(tm) =	ssettm $0x7FFFFFFF  }
0xc5: {  	_ =	shalt  }
tec
execute0_lowered:
.L_overlay_start_1:
0x0: {  	(tag) =	ssettag $0x1  }
0x1: {  	s1 =	rddreg [dreg:$0x0]  }
0x2: {  	s2 =	rddreg [dreg:$0x1]  }
0x3: {  	s7 =	rddreg [dreg:$0x2]  }
0x4: {  	s0 =	rddreg [dreg:$0x3];
	s4 =	simm.s32 $0x0  }
0x5: {  	s5 =	srdreg.scid;
	s3 =	stileid.u32;
	s13 =	simm.s32 $0x400  }
0x6: {  	s15 =	simm.s32 $0x7A1400;
	s16 =	simm.s32 $0x2000;
	s17 =	simm.s32 $0x1  }
0x7: {  	s18 =	simm.s32 $0x8000;
	s19 =	simm.s32 $0x4000;
	s20 =	simm.s32 $0x3  }
0x8: {  	s21 =	simm.s32 $0x2;
	s22 =	simm.s32 $0x0;
	[smem:$0x7FF] =	sst s4  }
0x9: {  	s5 =	sand.u32 $0x1, s5;
	s6 =	sshll.u32 s3, $0x1;
	_ =	strace $0x80000047  }
0xa: {  	v0 =	vlaneseq.u32;
	s8 =	ssub.s32 $0x2, s5;
	s5 =	sor.u32 s5, s6;
	s6 =	sadd.s32 $0x800, s7  }
.Ltmp0:
0xb: {  	v1 =	vor.u32 $0x10, v0;
	v2 =	vor.u32 $0x20, v0;
	v3 =	vmul.u32 $0x80, v0;
	s7 =	sadd.s32 $0xF42800, s7;
	s9 =	sshrl.u32 s8, $0x1;
	(pc) =	sbr.rel .LBB2_1-.Ltmp0, $4  }
0xc: {  	v4 =	vor.u32 $0x30, v0;
	v5 =	vor.u32 $0x40, v0;
	v6 =	vor.u32 $0x50, v0;
	s10 =	ssub.s32 $0x1E83, s5;
	s31 =	sshll.u32 s5, $0x7;
	s11 =	sor.u32 $0x40, s5  }
0xd: {  	v7 =	vor.u32 $0x60, v0;
	v8 =	vor.u32 $0x70, v0;
	s12 =	sor.u32 $0x60, s5;
	p0 =	sne.s32 s5, $0x1F;
	v9 =	vor.u32 $0x800, v3;
	s30 =	sshrl.u32 s10, $0x5  }
0xe: {  	v10 =	vor.u32 $0x1000, v3;
	v11 =	vor.u32 $0x1800, v3;
	v12 =	vor.u32 $0x2000, v3;
	s14 =	ssub.s32 s8, s9;
	s8 =	sadd.s32 s1, s31;
	s10 =	sadd.s32 $0x2, s30  }
0xf: {  	v13 =	vor.u32 $0x2800, v3;
	v14 =	vor.u32 $0x3000, v3;
	v15 =	vor.u32 $0x3800, v3;
	s9 =	sadd.s32 $0x1000, s8;
	s14 =	smax.u32 s14, $0x1;
	s10 =	sshrl.u32 s10, $0x1  }
.LBB2_15:
0x10: {  	s22 =	sadd.s32 $0x1, s22  }
0x11: {  	p1 =	sne.s32 s22, s14  }
.Ltmp1:
0x12: {  	_ = 	snop;
	(pc) =	sbr.rel @!p1 .LBB2_16-.Ltmp1, $1  }
0x13: {  	_ =	sdelay $0x3  }
.LBB2_1:
0x14: {  	s23 =	simm.s32 @!p0 $0x0;
	s24 =	simm.s32 @!p0 $0x4000;
	s25 =	simm.s32 @!p0 $0x3  }
0x15: {  	[tilespmem:s24], [sflag:$0x3] =	stream.linear.gather @!p0 [hbm4b:s2+s23], $0x2000, $0x38;
	[tilespmem:$0xC000] =	vst v63  }
0x16: {  	_ =	swait.ge @!p0 [sflag:s25], $0x2000  }
0x17: {  	[sflag:s25] =	ssyncset.done @!p0 $0x0  }
0x18: {  	[sflag:s25] =	ssyncadd.s32 @!p0 $0xFFFFE000  }
0x19: {  	[hbm4b:s7+s23] =	stream.linear.scatter @!p0 [tilespmem:s24], [sflag:$0x3], $0x2000, $0x38;
	[tilespmem:$0xC000] =	vst v63  }
0x1a: {  	_ =	swait.ge @!p0 [sflag:s25], $0x2000  }
.Ltmp2:
0x1b: {  	[sflag:s25] =	ssyncset.done @!p0 $0x0;
	(pc) =	sbr.rel .LBB2_2-.Ltmp2, $4  }
0x1c: {  	[sflag:s25] =	ssyncadd.s32 @!p0 $0xFFFFE000  }
0x1d: {  	[tilespmem:s4], [sflag:$0x1] =	stream.strided.gather [hbm4b:s8+s13], $0x2000, s15, s13, $0x38;
	[tilespmem:$0xC000] =	vst v63  }
0x1e: {  	s23 =	simm.s32 $0x0  }
0x1f: {  	[tilespmem:s16], [sflag:$0x2] =	stream.strided.gather [hbm4b:s9+s13], $0x2000, s15, s13, $0x38;
	[tilespmem:$0xC000] =	vst v63  }
.LBB2_14:
0x20: {  	s23 =	sadd.s32 $0x1, s23  }
0x21: {  	p1 =	sne.s32 s23, s10  }
.Ltmp3:
0x22: {  	_ = 	snop;
	(pc) =	sbr.rel @!p1 .LBB2_15-.Ltmp3, $1  }
0x23: {  	_ =	sdelay $0x3  }
.LBB2_2:
0x24: {  	s24 =	sshll.u32 s23, $0x6  }
0x25: {  	s25 =	sor.u32 s5, s24  }
0x26: {  	p1 =	sgt.s32 s25, $0x1E83  }
.Ltmp4:
0x27: {  	_ = 	snop;
	(pc) =	sbr.rel @p1 .LBB2_8-.Ltmp4, $1  }
0x28: {  	_ =	sdelay $0x3  }
0x29: {  	s26 =	simm.s32 $0x0  }
0x2a: {  	v16 =	vmov s26  }
0x2b: {  	v16 =	vshll.u32 v16, $0x7  }
0x2c: {  	v17 =	vor.u32 v0, v16  }
0x2d: {  	v18 =	vor.u32 v1, v16  }
0x2e: {  	_ =	swait.ge [sflag:s17], $0x2000;
	v19 =	vor.u32 v2, v16  }
0x2f: {  	[sflag:s17] =	ssyncset.done $0x0;
	v20 =	vor.u32 v4, v16  }
0x30: {  	[sflag:s17] =	ssyncadd.s32 $0xFFFFE000;
	v21 =	vor.u32 v5, v16  }
0x31: {  	s29 =	simm.s32 $0x3;
	v22 =	vor.u32 v6, v16;
	v17 =	vld.idx.msk [tilespmem:v17+s26+$0x0], $0xffff  }
0x32: {  	v24 =	vmov s29;
	v23 =	vor.u32 v7, v16;
	v18 =	vld.idx.msk [tilespmem:v18+s26+$0x0], $0xffff  }
0x33: {  	v25 =	vor.u32 s26, v3;
	v24 =	vshll.u32 v24, $0x7;
	v16 =	vor.u32 v8, v16;
	v19 =	vld.idx.msk [tilespmem:v19+s26+$0x0], $0xffff  }
0x34: {  	v27 =	vor.u32 s26, v9;
	v28 =	vor.u32 v1, v24;
	v20 =	vld.idx.msk [tilespmem:v20+s26+$0x0], $0xffff  }
0x35: {  	v29 =	vor.u32 s26, v10;
	v26 =	vor.u32 v0, v24;
	v21 =	vld.idx.msk [tilespmem:v21+s26+$0x0], $0xffff  }
0x36: {  	v31 =	vor.u32 s26, v11;
	v34 =	vor.u32 v5, v24;
	v22 =	vld.idx.msk [tilespmem:v22+s26+$0x0], $0xffff  }
0x37: {  	v33 =	vor.u32 s26, v12;
	v30 =	vor.u32 v2, v24;
	v23 =	vld.idx.msk [tilespmem:v23+s26+$0x0], $0xffff  }
0x38: {  	v35 =	vor.u32 v7, v24;
	v16 =	vld.idx.msk [tilespmem:v16+s26+$0x0], $0xffff;
	[tilespmem:v25+s18+$0x0] =	vst.idx.msk $0xffff, v17;
	v17 =	vor.u32 s26, v13  }
0x39: {  	s28 =	simm.s32 $0x2;
	v32 =	vor.u32 v4, v24;
	v28 =	vld.idx.msk [tilespmem:v28+s26+$0x0], $0xffff;
	[tilespmem:v27+s18+$0x0] =	vst.idx.msk $0xffff, v18;
	v18 =	vor.u32 s26, v14  }
0x3a: {  	v25 =	vld.idx.msk [tilespmem:v26+s26+$0x0], $0xffff;
	v26 =	vor.u32 v6, v24;
	v27 =	vmov s28;
	[tilespmem:v29+s18+$0x0] =	vst.idx.msk $0xffff, v19;
	v19 =	vor.u32 s26, v15  }
0x3b: {  	v61 =	vld.idx.msk [tilespmem:v34+s26+$0x0], $0xffff;
	v24 =	vor.u32 v8, v24;
	v27 =	vshll.u32 v27, $0x7;
	[tilespmem:v31+s18+$0x0] =	vst.idx.msk $0xffff, v20;
	v20 =	vor.u32 s29, v3  }
0x3c: {  	v29 =	vld.idx.msk [tilespmem:v30+s26+$0x0], $0xffff;
	v30 =	vor.u32 v0, v27;
	[tilespmem:v33+s18+$0x0] =	vst.idx.msk $0xffff, v21;
	v21 =	vor.u32 s29, v9  }
0x3d: {  	v62 =	vld.idx.msk [tilespmem:v35+s26+$0x0], $0xffff;
	v60 =	vor.u32 v1, v27;
	[tilespmem:v17+s18+$0x0] =	vst.idx.msk $0xffff, v22;
	v17 =	vor.u32 s29, v10  }
0x3e: {  	v31 =	vld.idx.msk [tilespmem:v32+s26+$0x0], $0xffff;
	v22 =	vor.u32 v2, v27;
	[tilespmem:v18+s18+$0x0] =	vst.idx.msk $0xffff, v23;
	v18 =	vor.u32 s29, v11  }
0x3f: {  	v26 =	vld.idx.msk [tilespmem:v26+s26+$0x0], $0xffff;
	v23 =	vor.u32 v4, v27;
	[tilespmem:v19+s18+$0x0] =	vst.idx.msk $0xffff, v16;
	v19 =	vor.u32 s29, v12  }
0x40: {  	v63 =	vor.u32 v5, v27;
	v36 =	vld.idx.msk [tilespmem:v24+s26+$0x0], $0xffff;
	v24 =	vor.u32 s29, v13;
	[tilespmem:v20+s18+$0x0] =	vst.idx.msk $0xffff, v25  }
0x41: {  	s30 =	simm.s32 $0x1;
	v38 =	vor.u32 v7, v27;
	v30 =	vld.idx.msk [tilespmem:v30+s26+$0x0], $0xffff;
	[tilespmem:v21+s18+$0x0] =	vst.idx.msk $0xffff, v28;
	v28 =	vor.u32 s29, v14  }
0x42: {  	v39 =	vor.u32 s29, v15;
	v16 =	vmov s30;
	v25 =	vor.u32 v6, v27;
	v37 =	vld.idx.msk [tilespmem:v60+s26+$0x0], $0xffff;
	[tilespmem:v17+s18+$0x0] =	vst.idx.msk $0xffff, v29  }
0x43: {  	v40 =	vor.u32 s28, v3;
	v16 =	vshll.u32 v16, $0x7;
	v20 =	vld.idx.msk [tilespmem:v22+s26+$0x0], $0xffff;
	v22 =	vor.u32 v8, v27;
	[tilespmem:v18+s18+$0x0] =	vst.idx.msk $0xffff, v31  }
0x44: {  	v17 =	vld.idx.msk [tilespmem:v23+s26+$0x0], $0xffff;
	v23 =	vor.u32 v0, v16;
	v31 =	vor.u32 s28, v9;
	[tilespmem:v19+s18+$0x0] =	vst.idx.msk $0xffff, v61  }
0x45: {  	v33 =	vor.u32 s28, v10;
	v21 =	vld.idx.msk [tilespmem:v63+s26+$0x0], $0xffff;
	v32 =	vor.u32 v1, v16;
	[tilespmem:v24+s18+$0x0] =	vst.idx.msk $0xffff, v26  }
0x46: {  	v29 =	vor.u32 v2, v16;
	v19 =	vld.idx.msk [tilespmem:v38+s26+$0x0], $0xffff;
	v24 =	vor.u32 s28, v11;
	[tilespmem:v28+s18+$0x0] =	vst.idx.msk $0xffff, v62  }
0x47: {  	v27 =	vor.u32 v4, v16;
	v18 =	vld.idx.msk [tilespmem:v25+s26+$0x0], $0xffff;
	v25 =	vor.u32 s28, v12;
	[tilespmem:v39+s18+$0x0] =	vst.idx.msk $0xffff, v36  }
0x48: {  	v26 =	vor.u32 v5, v16;
	v28 =	vor.u32 s28, v13;
	v22 =	vld.idx.msk [tilespmem:v22+s26+$0x0], $0xffff;
	[tilespmem:v40+s18+$0x0] =	vst.idx.msk $0xffff, v30  }
0x49: {  	s29 =	simm.s32 $0x4;
	v30 =	vor.u32 v6, v16;
	v23 =	vld.idx.msk [tilespmem:v23+s26+$0x0], $0xffff;
	[tilespmem:v31+s18+$0x0] =	vst.idx.msk $0xffff, v37;
	v31 =	vor.u32 s28, v14  }
.LBB2_4:
0x4a: {  	v34 =	vmov s29;
	p1 =	slt.u32 s29, $0x3C;
	v32 =	vld.idx.msk [tilespmem:v32+s26+$0x0], $0xffff;
	v35 =	vor.u32 v7, v16;
	[tilespmem:v33+s18+$0x0] =	vst.idx.msk $0xffff, v20;
	v20 =	vor.u32 s28, v15  }
0x4b: {  	v16 =	vor.u32 v8, v16;
	v33 =	vshll.u32 v34, $0x7;
	v29 =	vld.idx.msk [tilespmem:v29+s26+$0x0], $0xffff;
	v34 =	vor.u32 s30, v3;
	[tilespmem:v24+s18+$0x0] =	vst.idx.msk $0xffff, v17  }
0x4c: {  	v17 =	vor.u32 v0, v33;
	v24 =	vld.idx.msk [tilespmem:v27+s26+$0x0], $0xffff;
	v27 =	vor.u32 s30, v9;
	[tilespmem:v25+s18+$0x0] =	vst.idx.msk $0xffff, v21  }
0x4d: {  	v21 =	vor.u32 v1, v33;
	v25 =	vld.idx.msk [tilespmem:v26+s26+$0x0], $0xffff;
	v26 =	vor.u32 s30, v10;
	[tilespmem:v28+s18+$0x0] =	vst.idx.msk $0xffff, v18  }
0x4e: {  	v18 =	vor.u32 v2, v33;
	v28 =	vld.idx.msk [tilespmem:v30+s26+$0x0], $0xffff;
	v30 =	vor.u32 s30, v11;
	[tilespmem:v31+s18+$0x0] =	vst.idx.msk $0xffff, v19  }
0x4f: {  	v19 =	vor.u32 v4, v33;
	v31 =	vld.idx.msk [tilespmem:v35+s26+$0x0], $0xffff;
	v35 =	vor.u32 s30, v12;
	[tilespmem:v20+s18+$0x0] =	vst.idx.msk $0xffff, v22  }
0x50: {  	v20 =	vor.u32 v5, v33;
	v22 =	vor.u32 s30, v13;
	v16 =	vld.idx.msk [tilespmem:v16+s26+$0x0], $0xffff;
	[tilespmem:v34+s18+$0x0] =	vst.idx.msk $0xffff, v23  }
0x51: {  	s31 =	sadd.s32 $0x3, s29;
	v23 =	vor.u32 v6, v33;
	v17 =	vld.idx.msk [tilespmem:v17+s26+$0x0], $0xffff;
	[tilespmem:v27+s18+$0x0] =	vst.idx.msk $0xffff, v32;
	v27 =	vor.u32 s30, v14  }
0x52: {  	v34 =	vmov s31;
	v32 =	vor.u32 v7, v33;
	v21 =	vld.idx.msk [tilespmem:v21+s26+$0x0], $0xffff;
	[tilespmem:v26+s18+$0x0] =	vst.idx.msk $0xffff, v29;
	v26 =	vor.u32 s30, v15  }
0x53: {  	v34 =	vshll.u32 v34, $0x7;
	v29 =	vor.u32 v8, v33;
	v33 =	vor.u32 s29, v3;
	v18 =	vld.idx.msk [tilespmem:v18+s26+$0x0], $0xffff;
	[tilespmem:v30+s18+$0x0] =	vst.idx.msk $0xffff, v24  }
0x54: {  	v24 =	vor.u32 s29, v9;
	v30 =	vor.u32 v0, v34;
	v19 =	vld.idx.msk [tilespmem:v19+s26+$0x0], $0xffff;
	[tilespmem:v35+s18+$0x0] =	vst.idx.msk $0xffff, v25  }
0x55: {  	v25 =	vor.u32 s29, v10;
	v35 =	vor.u32 v1, v34;
	v20 =	vld.idx.msk [tilespmem:v20+s26+$0x0], $0xffff;
	[tilespmem:v22+s18+$0x0] =	vst.idx.msk $0xffff, v28  }
0x56: {  	v28 =	vor.u32 v2, v34;
	v22 =	vld.idx.msk [tilespmem:v23+s26+$0x0], $0xffff;
	v23 =	vor.u32 s29, v11;
	[tilespmem:v27+s18+$0x0] =	vst.idx.msk $0xffff, v31  }
0x57: {  	v31 =	vor.u32 s29, v12;
	v27 =	vld.idx.msk [tilespmem:v32+s26+$0x0], $0xffff;
	v32 =	vor.u32 v4, v34;
	[tilespmem:v26+s18+$0x0] =	vst.idx.msk $0xffff, v16  }
0x58: {  	v26 =	vor.u32 v5, v34;
	v16 =	vld.idx.msk [tilespmem:v29+s26+$0x0], $0xffff;
	[tilespmem:v33+s18+$0x0] =	vst.idx.msk $0xffff, v17;
	v17 =	vor.u32 s29, v13  }
0x59: {  	s28 =	sadd.s32 $0x2, s29;
	v29 =	vor.u32 v6, v34;
	[tilespmem:v24+s18+$0x0] =	vst.idx.msk $0xffff, v21;
	v21 =	vor.u32 s29, v14;
	v24 =	vld.idx.msk [tilespmem:v30+s26+$0x0], $0xffff  }
0x5a: {  	v33 =	vor.u32 v7, v34;
	[tilespmem:v25+s18+$0x0] =	vst.idx.msk $0xffff, v18;
	v18 =	vor.u32 s29, v15;
	v25 =	vmov s28;
	v30 =	vld.idx.msk [tilespmem:v35+s26+$0x0], $0xffff  }
0x5b: {  	[tilespmem:v23+s18+$0x0] =	vst.idx.msk $0xffff, v19;
	v19 =	vshll.u32 v25, $0x7;
	v23 =	vld.idx.msk [tilespmem:v28+s26+$0x0], $0xffff;
	v25 =	vor.u32 v8, v34;
	v28 =	vor.u32 s31, v3  }
0x5c: {  	[tilespmem:v31+s18+$0x0] =	vst.idx.msk $0xffff, v20;
	v20 =	vor.u32 v0, v19;
	v31 =	vld.idx.msk [tilespmem:v32+s26+$0x0], $0xffff;
	v32 =	vor.u32 s31, v9  }
0x5d: {  	[tilespmem:v17+s18+$0x0] =	vst.idx.msk $0xffff, v22;
	v17 =	vor.u32 v1, v19;
	v22 =	vld.idx.msk [tilespmem:v26+s26+$0x0], $0xffff;
	v26 =	vor.u32 s31, v10  }
0x5e: {  	[tilespmem:v21+s18+$0x0] =	vst.idx.msk $0xffff, v27;
	v21 =	vor.u32 v2, v19;
	v27 =	vld.idx.msk [tilespmem:v29+s26+$0x0], $0xffff;
	v29 =	vor.u32 s31, v11  }
0x5f: {  	[tilespmem:v18+s18+$0x0] =	vst.idx.msk $0xffff, v16;
	v18 =	vor.u32 v4, v19;
	v34 =	vld.idx.msk [tilespmem:v33+s26+$0x0], $0xffff;
	v33 =	vor.u32 s31, v12  }
0x60: {  	v35 =	vor.u32 v5, v19;
	v36 =	vld.idx.msk [tilespmem:v25+s26+$0x0], $0xffff;
	[tilespmem:v28+s18+$0x0] =	vst.idx.msk $0xffff, v24;
	v24 =	vor.u32 s31, v13  }
0x61: {  	s30 =	sadd.s32 $0x1, s29;
	v25 =	vor.u32 v6, v19;
	v28 =	vld.idx.msk [tilespmem:v20+s26+$0x0], $0xffff;
	[tilespmem:v32+s18+$0x0] =	vst.idx.msk $0xffff, v30;
	v30 =	vor.u32 s31, v14  }
0x62: {  	v38 =	vor.u32 v7, v19;
	v16 =	vmov s30;
	v37 =	vld.idx.msk [tilespmem:v17+s26+$0x0], $0xffff;
	[tilespmem:v26+s18+$0x0] =	vst.idx.msk $0xffff, v23;
	v23 =	vor.u32 s31, v15  }
0x63: {  	v40 =	vor.u32 s28, v3;
	v39 =	vor.u32 v8, v19;
	v16 =	vshll.u32 v16, $0x7;
	v20 =	vld.idx.msk [tilespmem:v21+s26+$0x0], $0xffff;
	[tilespmem:v29+s18+$0x0] =	vst.idx.msk $0xffff, v31  }
0x64: {  	v41 =	vor.u32 s28, v9;
	v31 =	vor.u32 v0, v16;
	v17 =	vld.idx.msk [tilespmem:v18+s26+$0x0], $0xffff;
	[tilespmem:v33+s18+$0x0] =	vst.idx.msk $0xffff, v22  }
.Ltmp5:
0x65: {  	v32 =	vor.u32 v1, v16;
	v33 =	vor.u32 s28, v10;
	v21 =	vld.idx.msk [tilespmem:v35+s26+$0x0], $0xffff;
	[tilespmem:v24+s18+$0x0] =	vst.idx.msk $0xffff, v27;
	(pc) =	sbr.rel @p1 .LBB2_4-.Ltmp5, $4  }
0x66: {  	v29 =	vor.u32 v2, v16;
	v24 =	vor.u32 s28, v11;
	v18 =	vld.idx.msk [tilespmem:v25+s26+$0x0], $0xffff;
	[tilespmem:v30+s18+$0x0] =	vst.idx.msk $0xffff, v34  }
0x67: {  	v27 =	vor.u32 v4, v16;
	v25 =	vor.u32 s28, v12;
	v19 =	vld.idx.msk [tilespmem:v38+s26+$0x0], $0xffff;
	[tilespmem:v23+s18+$0x0] =	vst.idx.msk $0xffff, v36  }
0x68: {  	v26 =	vor.u32 v5, v16;
	v22 =	vld.idx.msk [tilespmem:v39+s26+$0x0], $0xffff;
	[tilespmem:v40+s18+$0x0] =	vst.idx.msk $0xffff, v28;
	v28 =	vor.u32 s28, v13  }
0x69: {  	s29 =	sadd.s32 $0x4, s29;
	v30 =	vor.u32 v6, v16;
	v23 =	vld.idx.msk [tilespmem:v31+s26+$0x0], $0xffff;
	[tilespmem:v41+s18+$0x0] =	vst.idx.msk $0xffff, v37;
	v31 =	vor.u32 s28, v14  }
0x6a: {  	_ =	sdelay $0x3  }
0x6b: {  	v32 =	vld.idx.msk [tilespmem:v32+s26+$0x0], $0xffff;
	v34 =	vor.u32 v7, v16;
	[tilespmem:v33+s18+$0x0] =	vst.idx.msk $0xffff, v20;
	v20 =	vor.u32 s28, v15  }
0x6c: {  	v29 =	vld.idx.msk [tilespmem:v29+s26+$0x0], $0xffff;
	v16 =	vor.u32 v8, v16;
	v62 =	vor.u32 s30, v3;
	[tilespmem:v24+s18+$0x0] =	vst.idx.msk $0xffff, v17  }
0x6d: {  	v17 =	vld.idx.msk [tilespmem:v27+s26+$0x0], $0xffff;
	v24 =	vor.u32 s30, v9;
	[tilespmem:v25+s18+$0x0] =	vst.idx.msk $0xffff, v21  }
0x6e: {  	v21 =	vld.idx.msk [tilespmem:v26+s26+$0x0], $0xffff;
	v25 =	vor.u32 s30, v10;
	[tilespmem:v28+s18+$0x0] =	vst.idx.msk $0xffff, v18  }
0x6f: {  	v26 =	vor.u32 s30, v11;
	v18 =	vld.idx.msk [tilespmem:v30+s26+$0x0], $0xffff;
	[tilespmem:v31+s18+$0x0] =	vst.idx.msk $0xffff, v19  }
0x70: {  	v27 =	vor.u32 s30, v12;
	v19 =	vld.idx.msk [tilespmem:v34+s26+$0x0], $0xffff;
	[tilespmem:v20+s18+$0x0] =	vst.idx.msk $0xffff, v22  }
0x71: {  	v20 =	vld.idx.msk [tilespmem:v16+s26+$0x0], $0xffff;
	[tilespmem:v62+s18+$0x0] =	vst.idx.msk $0xffff, v23;
	v22 =	vor.u32 s30, v13  }
0x72: {  	v23 =	vor.u32 s30, v14;
	[tilespmem:v24+s18+$0x0] =	vst.idx.msk $0xffff, v32  }
0x73: {  	s31 =	simm.s32 $0x0;
	v24 =	vor.u32 s30, v15;
	[tilespmem:v25+s18+$0x0] =	vst.idx.msk $0xffff, v29  }
0x74: {  	s28 =	simm.s32 $0x180;
	v16 =	vor.u32 s31, v0;
	[tilespmem:v26+s18+$0x0] =	vst.idx.msk $0xffff, v17  }
0x75: {  	s29 =	simm.s32 $0x80;
	v26 =	vor.u32 s28, v4;
	[tilespmem:v27+s18+$0x0] =	vst.idx.msk $0xffff, v21  }
0x76: {  	v63 =	vor.u32 s29, v1;
	[tilespmem:v22+s18+$0x0] =	vst.idx.msk $0xffff, v18  }
0x77: {  	v21 =	vor.u32 s28, v0;
	[tilespmem:v23+s18+$0x0] =	vst.idx.msk $0xffff, v19  }
0x78: {  	v18 =	vor.u32 s28, v1;
	[tilespmem:v24+s18+$0x0] =	vst.idx.msk $0xffff, v20  }
0x79: {  	v19 =	vor.u32 s28, v2;
	v17 =	vld.idx.msk [tilespmem:v16+s18+$0x0], $0xffff  }
0x7a: {  	v27 =	vor.u32 s29, v0;
	v31 =	vld.idx.msk [tilespmem:v26+s18+$0x0], $0xffff  }
0x7b: {  	v41 =	vor.u32 s29, v2;
	v37 =	vld.idx.msk [tilespmem:v63+s18+$0x0], $0xffff  }
0x7c: {  	v29 =	vor.u32 s29, v4;
	s28 =	simm.s32 $0x100;
	v20 =	vld.idx.msk [tilespmem:v21+s18+$0x0], $0xffff  }
0x7d: {  	v30 =	vor.u32 s28, v0;
	v22 =	vld.idx.msk [tilespmem:v18+s18+$0x0], $0xffff  }
0x7e: {  	v23 =	vor.u32 s28, v1;
	v28 =	vld.idx.msk [tilespmem:v19+s18+$0x0], $0xffff  }
0x7f: {  	v24 =	vor.u32 s28, v2;
	v32 =	vld.idx.msk [tilespmem:v27+s18+$0x0], $0xffff  }
0x80: {  	v25 =	vor.u32 s28, v4;
	v42 =	vld.idx.msk [tilespmem:v41+s18+$0x0], $0xffff  }
0x81: {  	v36 =	vld.idx.msk [tilespmem:v29+s18+$0x0], $0xffff;
	[tilespmem:v21+s19+$0x0] =	vst.idx.msk $0xffff, v20  }
0x82: {  	v34 =	vld.idx.msk [tilespmem:v30+s18+$0x0], $0xffff;
	v20 =	vor.u32 s31, v1;
	[tilespmem:v18+s19+$0x0] =	vst.idx.msk $0xffff, v22  }
0x83: {  	s30 =	simm.s32 $0x380;
	v35 =	vld.idx.msk [tilespmem:v23+s18+$0x0], $0xffff;
	[tilespmem:v19+s19+$0x0] =	vst.idx.msk $0xffff, v28;
	v28 =	vor.u32 s31, v2  }
0x84: {  	s26 =	simm.s32 $0x200;
	v33 =	vor.u32 s30, v1;
	s28 =	simm.s32 $0x280;
	v38 =	vld.idx.msk [tilespmem:v24+s18+$0x0], $0xffff;
	[tilespmem:v27+s19+$0x0] =	vst.idx.msk $0xffff, v32;
	v22 =	vor.u32 s31, v4  }
0x85: {  	v40 =	vld.idx.msk [tilespmem:v25+s18+$0x0], $0xffff;
	v27 =	vor.u32 s28, v0;
	[tilespmem:v26+s19+$0x0] =	vst.idx.msk $0xffff, v31;
	v31 =	vor.u32 s26, v0  }
0x86: {  	v32 =	vor.u32 s30, v0;
	v21 =	vor.u32 s28, v2;
	v18 =	vor.u32 s26, v2;
	[tilespmem:v63+s19+$0x0] =	vst.idx.msk $0xffff, v37  }
0x87: {  	s29 =	simm.s32 $0x300;
	v37 =	vor.u32 s28, v4;
	v19 =	vor.u32 s28, v1;
	s28 =	simm.s32 $0x8;
	[tilespmem:v41+s19+$0x0] =	vst.idx.msk $0xffff, v42;
	v26 =	vor.u32 s26, v1;
	v39 =	vld.idx.msk [tilespmem:v20+s18+$0x0], $0xffff  }
.LBB2_6:
0x88: {  	p1 =	slt.u32 s28, $0x7C;
	v41 =	vor.u32 s29, v0;
	v42 =	vor.u32 s29, v1;
	v43 =	vor.u32 s30, v2;
	v44 =	vld.idx.msk [tilespmem:v28+s18+$0x0], $0xffff;
	[tilespmem:v29+s19+$0x0] =	vst.idx.msk $0xffff, v36;
	v29 =	vmovc v37  }
0x89: {  	v36 =	vor.u32 s29, v2;
	v37 =	vor.u32 s29, v4;
	v45 =	vor.u32 s30, v4;
	v46 =	vld.idx.msk [tilespmem:v22+s18+$0x0], $0xffff;
	[tilespmem:v30+s19+$0x0] =	vst.idx.msk $0xffff, v34;
	v30 =	vmovc v41  }
0x8a: {  	v41 =	vor.u32 s26, v4;
	v34 =	vld.idx.msk [tilespmem:v31+s18+$0x0], $0xffff;
	[tilespmem:v23+s19+$0x0] =	vst.idx.msk $0xffff, v35;
	v23 =	vmov v42  }
0x8b: {  	v35 =	vld.idx.msk [tilespmem:v32+s18+$0x0], $0xffff;
	[tilespmem:v24+s19+$0x0] =	vst.idx.msk $0xffff, v38;
	v24 =	vmov v36  }
0x8c: {  	v38 =	vld.idx.msk [tilespmem:v33+s18+$0x0], $0xffff;
	[tilespmem:v25+s19+$0x0] =	vst.idx.msk $0xffff, v40;
	v25 =	vmov v37  }
0x8d: {  	v37 =	vld.idx.msk [tilespmem:v43+s18+$0x0], $0xffff;
	[tilespmem:v16+s19+$0x0] =	vst.idx.msk $0xffff, v17;
	v16 =	vmov v31  }
0x8e: {  	v31 =	vld.idx.msk [tilespmem:v45+s18+$0x0], $0xffff;
	[tilespmem:v20+s19+$0x0] =	vst.idx.msk $0xffff, v39;
	v20 =	vmov v26  }
0x8f: {  	v39 =	vld.idx.msk [tilespmem:v27+s18+$0x0], $0xffff;
	[tilespmem:v28+s19+$0x0] =	vst.idx.msk $0xffff, v44;
	v28 =	vmov v18  }
0x90: {  	v17 =	vmov v34;
	v40 =	vld.idx.msk [tilespmem:v19+s18+$0x0], $0xffff;
	[tilespmem:v22+s19+$0x0] =	vst.idx.msk $0xffff, v46;
	v22 =	vmov v41  }
0x91: {  	v41 =	vld.idx.msk [tilespmem:v21+s18+$0x0], $0xffff;
	[tilespmem:v32+s19+$0x0] =	vst.idx.msk $0xffff, v35  }
0x92: {  	v36 =	vld.idx.msk [tilespmem:v29+s18+$0x0], $0xffff;
	[tilespmem:v33+s19+$0x0] =	vst.idx.msk $0xffff, v38  }
.Ltmp6:
0x93: {  	v34 =	vld.idx.msk [tilespmem:v30+s18+$0x0], $0xffff;
	[tilespmem:v43+s19+$0x0] =	vst.idx.msk $0xffff, v37;
	(pc) =	sbr.rel @p1 .LBB2_6-.Ltmp6, $4  }
0x94: {  	s26 =	sshll.u32 s28, $0x7;
	v35 =	vld.idx.msk [tilespmem:v42+s18+$0x0], $0xffff;
	[tilespmem:v45+s19+$0x0] =	vst.idx.msk $0xffff, v31  }
0x95: {  	s31 =	sadd.s32 $0x80, s26;
	s29 =	sadd.s32 $0x100, s26;
	s30 =	sadd.s32 $0x180, s26;
	v26 =	vor.u32 s26, v1;
	v18 =	vor.u32 s26, v2;
	v31 =	vor.u32 s26, v0;
	[tilespmem:v27+s19+$0x0] =	vst.idx.msk $0xffff, v39;
	v38 =	vld.idx.msk [tilespmem:v24+s18+$0x0], $0xffff  }
0x96: {  	v32 =	vor.u32 s30, v0;
	v27 =	vor.u32 s31, v0;
	[tilespmem:v19+s19+$0x0] =	vst.idx.msk $0xffff, v40;
	v19 =	vor.u32 s31, v1;
	v40 =	vld.idx.msk [tilespmem:v25+s18+$0x0], $0xffff  }
0x97: {  	s28 =	sadd.s32 $0x4, s28;
	v33 =	vor.u32 s30, v1;
	v37 =	vor.u32 s31, v4;
	v39 =	vld.idx.msk [tilespmem:v20+s18+$0x0], $0xffff;
	[tilespmem:v21+s19+$0x0] =	vst.idx.msk $0xffff, v41;
	v21 =	vor.u32 s31, v2  }
0x98: {  	_ =	sdelay $0x3  }
0x99: {  	[tilespmem:v29+s19+$0x0] =	vst.idx.msk $0xffff, v36;
	v45 =	vld.idx.msk [tilespmem:v28+s18+$0x0], $0xffff  }
0x9a: {  	[tilespmem:v30+s19+$0x0] =	vst.idx.msk $0xffff, v34;
	v47 =	vld.idx.msk [tilespmem:v22+s18+$0x0], $0xffff  }
0x9b: {  	v44 =	vor.u32 s30, v2;
	v48 =	vld.idx.msk [tilespmem:v32+s18+$0x0], $0xffff;
	[tilespmem:v16+s19+$0x0] =	vst.idx.msk $0xffff, v17  }
0x9c: {  	v46 =	vor.u32 s30, v4;
	v49 =	vld.idx.msk [tilespmem:v33+s18+$0x0], $0xffff;
	[tilespmem:v23+s19+$0x0] =	vst.idx.msk $0xffff, v35  }
0x9d: {  	v52 =	vld.idx.msk [tilespmem:v27+s18+$0x0], $0xffff;
	[tilespmem:v24+s19+$0x0] =	vst.idx.msk $0xffff, v38  }
0x9e: {  	v54 =	vld.idx.msk [tilespmem:v19+s18+$0x0], $0xffff;
	[tilespmem:v25+s19+$0x0] =	vst.idx.msk $0xffff, v40  }
0x9f: {  	v56 =	vld.idx.msk [tilespmem:v21+s18+$0x0], $0xffff;
	[tilespmem:v20+s19+$0x0] =	vst.idx.msk $0xffff, v39  }
0xa0: {  	v17 =	vor.u32 s29, v0;
	v16 =	vld.idx.msk [tilespmem:v44+s18+$0x0], $0xffff;
	[tilespmem:v28+s19+$0x0] =	vst.idx.msk $0xffff, v45  }
0xa1: {  	v50 =	vld.idx.msk [tilespmem:v46+s18+$0x0], $0xffff;
	[tilespmem:v32+s19+$0x0] =	vst.idx.msk $0xffff, v48  }
0xa2: {  	v51 =	vor.u32 s29, v1;
	v57 =	vld.idx.msk [tilespmem:v37+s18+$0x0], $0xffff;
	[tilespmem:v27+s19+$0x0] =	vst.idx.msk $0xffff, v52  }
0xa3: {  	v53 =	vor.u32 s29, v2;
	[tilespmem:v22+s19+$0x0] =	vst.idx.msk $0xffff, v47  }
0xa4: {  	v55 =	vor.u32 s29, v4;
	v62 =	vld.idx.msk [tilespmem:v31+s18+$0x0], $0xffff;
	[tilespmem:v33+s19+$0x0] =	vst.idx.msk $0xffff, v49  }
0xa5: {  	[tilespmem:v44+s19+$0x0] =	vst.idx.msk $0xffff, v16;
	v16 =	vld.idx.msk [tilespmem:v17+s18+$0x0], $0xffff  }
0xa6: {  	v59 =	vor.u32 s26, v4;
	v63 =	vld.idx.msk [tilespmem:v26+s18+$0x0], $0xffff;
	[tilespmem:v19+s19+$0x0] =	vst.idx.msk $0xffff, v54  }
0xa7: {  	v58 =	vld.idx.msk [tilespmem:v51+s18+$0x0], $0xffff;
	[tilespmem:v21+s19+$0x0] =	vst.idx.msk $0xffff, v56  }
0xa8: {  	v60 =	vld.idx.msk [tilespmem:v53+s18+$0x0], $0xffff;
	[tilespmem:v37+s19+$0x0] =	vst.idx.msk $0xffff, v57  }
0xa9: {  	v61 =	vld.idx.msk [tilespmem:v55+s18+$0x0], $0xffff;
	[tilespmem:v46+s19+$0x0] =	vst.idx.msk $0xffff, v50  }
0xaa: {  	[tilespmem:v17+s19+$0x0] =	vst.idx.msk $0xffff, v16;
	v16 =	vld.idx.msk [tilespmem:v18+s18+$0x0], $0xffff  }
0xab: {  	v17 =	vld.idx.msk [tilespmem:v59+s18+$0x0], $0xffff;
	[tilespmem:v31+s19+$0x0] =	vst.idx.msk $0xffff, v62  }
0xac: {  	[tilespmem:v51+s19+$0x0] =	vst.idx.msk $0xffff, v58  }
0xad: {  	[tilespmem:v26+s19+$0x0] =	vst.idx.msk $0xffff, v63  }
0xae: {  	[tilespmem:v53+s19+$0x0] =	vst.idx.msk $0xffff, v60  }
0xaf: {  	s31 =	sshll.u32 s25, $0xB;
	[tilespmem:v55+s19+$0x0] =	vst.idx.msk $0xffff, v61  }
0xb0: {  	s26 =	sand.u32 $0x1FFEF800, s31;
	[tilespmem:v18+s19+$0x0] =	vst.idx.msk $0xffff, v16  }
0xb1: {  	s26 =	sadd.s32 s6, s26;
	[tilespmem:v59+s19+$0x0] =	vst.idx.msk $0xffff, v17  }
0xb2: {  	[hbm4b:s26+s4] =	stream.linear.scatter [tilespmem:s19], [sflag:$0x3], $0x4000, $0x38;
	[tilespmem:$0xC000] =	vst v63  }
0xb3: {  	s26 =	sadd.s32 s11, s24  }
0xb4: {  	p1 =	sgt.s32 s26, $0x1E83  }
0xb5: {  	_ =	swait.ge [sflag:s20], $0x4000;
	s26 =	sshll.u32 @!p1 s26, $0x7;
	s28 =	simm.s32 @!p1 $0x400  }
0xb6: {  	[sflag:s20] =	ssyncset.done $0x0;
	s29 =	simm.s32 @!p1 $0x7A1400;
	s26 =	sand.u32 @!p1 $0x1FFFEF80, s26  }
0xb7: {  	s30 =	simm.s32 @!p1 $0x0;
	[sflag:s20] =	ssyncadd.s32 $0xFFFFC000;
	s26 =	sadd.s32 @!p1 s1, s26  }
0xb8: {  	[tilespmem:s30], [sflag:$0x1] =	stream.strided.gather @!p1 [hbm4b:s26+s28], $0x2000, s29, s28, $0x38;
	[tilespmem:$0xC000] =	vst v63  }
.LBB2_8:
0xb9: {  	s25 =	sor.u32 $0x20, s25  }
0xba: {  	p1 =	sgt.s32 s25, $0x1E83  }
.Ltmp7:
0xbb: {  	_ = 	snop;
	(pc) =	sbr.rel @p1 .LBB2_14-.Ltmp7, $1  }
0xbc: {  	_ =	sdelay $0x3  }
0xbd: {  	s29 =	simm.s32 $0x0  }
0xbe: {  	v16 =	vmov s29  }
0xbf: {  	v16 =	vshll.u32 v16, $0x7  }
0xc0: {  	v17 =	vor.u32 v0, v16  }
0xc1: {  	v18 =	vor.u32 v1, v16  }
0xc2: {  	_ =	swait.ge [sflag:s21], $0x2000;
	v19 =	vor.u32 v2, v16  }
0xc3: {  	[sflag:s21] =	ssyncset.done $0x0;
	v20 =	vor.u32 v4, v16  }
0xc4: {  	[sflag:s21] =	ssyncadd.s32 $0xFFFFE000;
	v21 =	vor.u32 v5, v16  }
0xc5: {  	s28 =	simm.s32 $0x3;
	v22 =	vor.u32 v6, v16;
	v17 =	vld.idx.msk [tilespmem:v17+s16+$0x0], $0xffff  }
0xc6: {  	v24 =	vmov s28;
	v23 =	vor.u32 v7, v16;
	v18 =	vld.idx.msk [tilespmem:v18+s16+$0x0], $0xffff  }
0xc7: {  	v25 =	vor.u32 s29, v3;
	v24 =	vshll.u32 v24, $0x7;
	v16 =	vor.u32 v8, v16;
	v19 =	vld.idx.msk [tilespmem:v19+s16+$0x0], $0xffff  }
0xc8: {  	v27 =	vor.u32 s29, v9;
	v28 =	vor.u32 v1, v24;
	v20 =	vld.idx.msk [tilespmem:v20+s16+$0x0], $0xffff  }
0xc9: {  	v29 =	vor.u32 s29, v10;
	v26 =	vor.u32 v0, v24;
	v21 =	vld.idx.msk [tilespmem:v21+s16+$0x0], $0xffff  }
0xca: {  	v31 =	vor.u32 s29, v11;
	v34 =	vor.u32 v5, v24;
	v22 =	vld.idx.msk [tilespmem:v22+s16+$0x0], $0xffff  }
0xcb: {  	v33 =	vor.u32 s29, v12;
	v30 =	vor.u32 v2, v24;
	v23 =	vld.idx.msk [tilespmem:v23+s16+$0x0], $0xffff  }
0xcc: {  	v35 =	vor.u32 v7, v24;
	v16 =	vld.idx.msk [tilespmem:v16+s16+$0x0], $0xffff;
	[tilespmem:v25+s18+$0x0] =	vst.idx.msk $0xffff, v17;
	v17 =	vor.u32 s29, v13  }
0xcd: {  	s26 =	simm.s32 $0x2;
	v32 =	vor.u32 v4, v24;
	v28 =	vld.idx.msk [tilespmem:v28+s16+$0x0], $0xffff;
	[tilespmem:v27+s18+$0x0] =	vst.idx.msk $0xffff, v18;
	v18 =	vor.u32 s29, v14  }
0xce: {  	v25 =	vld.idx.msk [tilespmem:v26+s16+$0x0], $0xffff;
	v26 =	vor.u32 v6, v24;
	v27 =	vmov s26;
	[tilespmem:v29+s18+$0x0] =	vst.idx.msk $0xffff, v19;
	v19 =	vor.u32 s29, v15  }
0xcf: {  	v61 =	vld.idx.msk [tilespmem:v34+s16+$0x0], $0xffff;
	v24 =	vor.u32 v8, v24;
	v27 =	vshll.u32 v27, $0x7;
	[tilespmem:v31+s18+$0x0] =	vst.idx.msk $0xffff, v20;
	v20 =	vor.u32 s28, v3  }
0xd0: {  	v29 =	vld.idx.msk [tilespmem:v30+s16+$0x0], $0xffff;
	v30 =	vor.u32 v0, v27;
	[tilespmem:v33+s18+$0x0] =	vst.idx.msk $0xffff, v21;
	v21 =	vor.u32 s28, v9  }
0xd1: {  	v62 =	vld.idx.msk [tilespmem:v35+s16+$0x0], $0xffff;
	v60 =	vor.u32 v1, v27;
	[tilespmem:v17+s18+$0x0] =	vst.idx.msk $0xffff, v22;
	v17 =	vor.u32 s28, v10  }
0xd2: {  	v31 =	vld.idx.msk [tilespmem:v32+s16+$0x0], $0xffff;
	v22 =	vor.u32 v2, v27;
	[tilespmem:v18+s18+$0x0] =	vst.idx.msk $0xffff, v23;
	v18 =	vor.u32 s28, v11  }
0xd3: {  	v26 =	vld.idx.msk [tilespmem:v26+s16+$0x0], $0xffff;
	v23 =	vor.u32 v4, v27;
	[tilespmem:v19+s18+$0x0] =	vst.idx.msk $0xffff, v16;
	v19 =	vor.u32 s28, v12  }
0xd4: {  	v63 =	vor.u32 v5, v27;
	v36 =	vld.idx.msk [tilespmem:v24+s16+$0x0], $0xffff;
	v24 =	vor.u32 s28, v13;
	[tilespmem:v20+s18+$0x0] =	vst.idx.msk $0xffff, v25  }
0xd5: {  	s29 =	simm.s32 $0x1;
	v38 =	vor.u32 v7, v27;
	v30 =	vld.idx.msk [tilespmem:v30+s16+$0x0], $0xffff;
	[tilespmem:v21+s18+$0x0] =	vst.idx.msk $0xffff, v28;
	v28 =	vor.u32 s28, v14  }
0xd6: {  	v39 =	vor.u32 s28, v15;
	v16 =	vmov s29;
	v25 =	vor.u32 v6, v27;
	v37 =	vld.idx.msk [tilespmem:v60+s16+$0x0], $0xffff;
	[tilespmem:v17+s18+$0x0] =	vst.idx.msk $0xffff, v29  }
0xd7: {  	v40 =	vor.u32 s26, v3;
	v16 =	vshll.u32 v16, $0x7;
	v20 =	vld.idx.msk [tilespmem:v22+s16+$0x0], $0xffff;
	v22 =	vor.u32 v8, v27;
	[tilespmem:v18+s18+$0x0] =	vst.idx.msk $0xffff, v31  }
0xd8: {  	v17 =	vld.idx.msk [tilespmem:v23+s16+$0x0], $0xffff;
	v23 =	vor.u32 v0, v16;
	v31 =	vor.u32 s26, v9;
	[tilespmem:v19+s18+$0x0] =	vst.idx.msk $0xffff, v61  }
0xd9: {  	v33 =	vor.u32 s26, v10;
	v21 =	vld.idx.msk [tilespmem:v63+s16+$0x0], $0xffff;
	v32 =	vor.u32 v1, v16;
	[tilespmem:v24+s18+$0x0] =	vst.idx.msk $0xffff, v26  }
0xda: {  	v29 =	vor.u32 v2, v16;
	v19 =	vld.idx.msk [tilespmem:v38+s16+$0x0], $0xffff;
	v24 =	vor.u32 s26, v11;
	[tilespmem:v28+s18+$0x0] =	vst.idx.msk $0xffff, v62  }
0xdb: {  	v27 =	vor.u32 v4, v16;
	v18 =	vld.idx.msk [tilespmem:v25+s16+$0x0], $0xffff;
	v25 =	vor.u32 s26, v12;
	[tilespmem:v39+s18+$0x0] =	vst.idx.msk $0xffff, v36  }
0xdc: {  	v26 =	vor.u32 v5, v16;
	v28 =	vor.u32 s26, v13;
	v22 =	vld.idx.msk [tilespmem:v22+s16+$0x0], $0xffff;
	[tilespmem:v40+s18+$0x0] =	vst.idx.msk $0xffff, v30  }
0xdd: {  	s28 =	simm.s32 $0x4;
	v30 =	vor.u32 v6, v16;
	v23 =	vld.idx.msk [tilespmem:v23+s16+$0x0], $0xffff;
	[tilespmem:v31+s18+$0x0] =	vst.idx.msk $0xffff, v37;
	v31 =	vor.u32 s26, v14  }
.LBB2_10:
0xde: {  	v34 =	vmov s28;
	p1 =	slt.u32 s28, $0x3C;
	v32 =	vld.idx.msk [tilespmem:v32+s16+$0x0], $0xffff;
	v35 =	vor.u32 v7, v16;
	[tilespmem:v33+s18+$0x0] =	vst.idx.msk $0xffff, v20;
	v20 =	vor.u32 s26, v15  }
0xdf: {  	v16 =	vor.u32 v8, v16;
	v33 =	vshll.u32 v34, $0x7;
	v29 =	vld.idx.msk [tilespmem:v29+s16+$0x0], $0xffff;
	v34 =	vor.u32 s29, v3;
	[tilespmem:v24+s18+$0x0] =	vst.idx.msk $0xffff, v17  }
0xe0: {  	v17 =	vor.u32 v0, v33;
	v24 =	vld.idx.msk [tilespmem:v27+s16+$0x0], $0xffff;
	v27 =	vor.u32 s29, v9;
	[tilespmem:v25+s18+$0x0] =	vst.idx.msk $0xffff, v21  }
0xe1: {  	v21 =	vor.u32 v1, v33;
	v25 =	vld.idx.msk [tilespmem:v26+s16+$0x0], $0xffff;
	v26 =	vor.u32 s29, v10;
	[tilespmem:v28+s18+$0x0] =	vst.idx.msk $0xffff, v18  }
0xe2: {  	v18 =	vor.u32 v2, v33;
	v28 =	vld.idx.msk [tilespmem:v30+s16+$0x0], $0xffff;
	v30 =	vor.u32 s29, v11;
	[tilespmem:v31+s18+$0x0] =	vst.idx.msk $0xffff, v19  }
0xe3: {  	v19 =	vor.u32 v4, v33;
	v31 =	vld.idx.msk [tilespmem:v35+s16+$0x0], $0xffff;
	v35 =	vor.u32 s29, v12;
	[tilespmem:v20+s18+$0x0] =	vst.idx.msk $0xffff, v22  }
0xe4: {  	v20 =	vor.u32 v5, v33;
	v22 =	vor.u32 s29, v13;
	v16 =	vld.idx.msk [tilespmem:v16+s16+$0x0], $0xffff;
	[tilespmem:v34+s18+$0x0] =	vst.idx.msk $0xffff, v23  }
0xe5: {  	s30 =	sadd.s32 $0x3, s28;
	v23 =	vor.u32 v6, v33;
	v17 =	vld.idx.msk [tilespmem:v17+s16+$0x0], $0xffff;
	[tilespmem:v27+s18+$0x0] =	vst.idx.msk $0xffff, v32;
	v27 =	vor.u32 s29, v14  }
0xe6: {  	v34 =	vmov s30;
	v32 =	vor.u32 v7, v33;
	v21 =	vld.idx.msk [tilespmem:v21+s16+$0x0], $0xffff;
	[tilespmem:v26+s18+$0x0] =	vst.idx.msk $0xffff, v29;
	v26 =	vor.u32 s29, v15  }
0xe7: {  	v34 =	vshll.u32 v34, $0x7;
	v29 =	vor.u32 v8, v33;
	v33 =	vor.u32 s28, v3;
	v18 =	vld.idx.msk [tilespmem:v18+s16+$0x0], $0xffff;
	[tilespmem:v30+s18+$0x0] =	vst.idx.msk $0xffff, v24  }
0xe8: {  	v24 =	vor.u32 s28, v9;
	v30 =	vor.u32 v0, v34;
	v19 =	vld.idx.msk [tilespmem:v19+s16+$0x0], $0xffff;
	[tilespmem:v35+s18+$0x0] =	vst.idx.msk $0xffff, v25  }
0xe9: {  	v25 =	vor.u32 s28, v10;
	v35 =	vor.u32 v1, v34;
	v20 =	vld.idx.msk [tilespmem:v20+s16+$0x0], $0xffff;
	[tilespmem:v22+s18+$0x0] =	vst.idx.msk $0xffff, v28  }
0xea: {  	v28 =	vor.u32 v2, v34;
	v22 =	vld.idx.msk [tilespmem:v23+s16+$0x0], $0xffff;
	v23 =	vor.u32 s28, v11;
	[tilespmem:v27+s18+$0x0] =	vst.idx.msk $0xffff, v31  }
0xeb: {  	v31 =	vor.u32 s28, v12;
	v27 =	vld.idx.msk [tilespmem:v32+s16+$0x0], $0xffff;
	v32 =	vor.u32 v4, v34;
	[tilespmem:v26+s18+$0x0] =	vst.idx.msk $0xffff, v16  }
0xec: {  	v26 =	vor.u32 v5, v34;
	v16 =	vld.idx.msk [tilespmem:v29+s16+$0x0], $0xffff;
	[tilespmem:v33+s18+$0x0] =	vst.idx.msk $0xffff, v17;
	v17 =	vor.u32 s28, v13  }
0xed: {  	s26 =	sadd.s32 $0x2, s28;
	v29 =	vor.u32 v6, v34;
	[tilespmem:v24+s18+$0x0] =	vst.idx.msk $0xffff, v21;
	v21 =	vor.u32 s28, v14;
	v24 =	vld.idx.msk [tilespmem:v30+s16+$0x0], $0xffff  }
0xee: {  	v33 =	vor.u32 v7, v34;
	[tilespmem:v25+s18+$0x0] =	vst.idx.msk $0xffff, v18;
	v18 =	vor.u32 s28, v15;
	v25 =	vmov s26;
	v30 =	vld.idx.msk [tilespmem:v35+s16+$0x0], $0xffff  }
0xef: {  	[tilespmem:v23+s18+$0x0] =	vst.idx.msk $0xffff, v19;
	v19 =	vshll.u32 v25, $0x7;
	v23 =	vld.idx.msk [tilespmem:v28+s16+$0x0], $0xffff;
	v25 =	vor.u32 v8, v34;
	v28 =	vor.u32 s30, v3  }
0xf0: {  	[tilespmem:v31+s18+$0x0] =	vst.idx.msk $0xffff, v20;
	v20 =	vor.u32 v0, v19;
	v31 =	vld.idx.msk [tilespmem:v32+s16+$0x0], $0xffff;
	v32 =	vor.u32 s30, v9  }
0xf1: {  	[tilespmem:v17+s18+$0x0] =	vst.idx.msk $0xffff, v22;
	v17 =	vor.u32 v1, v19;
	v22 =	vld.idx.msk [tilespmem:v26+s16+$0x0], $0xffff;
	v26 =	vor.u32 s30, v10  }
0xf2: {  	[tilespmem:v21+s18+$0x0] =	vst.idx.msk $0xffff, v27;
	v21 =	vor.u32 v2, v19;
	v27 =	vld.idx.msk [tilespmem:v29+s16+$0x0], $0xffff;
	v29 =	vor.u32 s30, v11  }
0xf3: {  	[tilespmem:v18+s18+$0x0] =	vst.idx.msk $0xffff, v16;
	v18 =	vor.u32 v4, v19;
	v34 =	vld.idx.msk [tilespmem:v33+s16+$0x0], $0xffff;
	v33 =	vor.u32 s30, v12  }
0xf4: {  	v35 =	vor.u32 v5, v19;
	v36 =	vld.idx.msk [tilespmem:v25+s16+$0x0], $0xffff;
	[tilespmem:v28+s18+$0x0] =	vst.idx.msk $0xffff, v24;
	v24 =	vor.u32 s30, v13  }
0xf5: {  	s29 =	sadd.s32 $0x1, s28;
	v25 =	vor.u32 v6, v19;
	v28 =	vld.idx.msk [tilespmem:v20+s16+$0x0], $0xffff;
	[tilespmem:v32+s18+$0x0] =	vst.idx.msk $0xffff, v30;
	v30 =	vor.u32 s30, v14  }
0xf6: {  	v38 =	vor.u32 v7, v19;
	v16 =	vmov s29;
	v37 =	vld.idx.msk [tilespmem:v17+s16+$0x0], $0xffff;
	[tilespmem:v26+s18+$0x0] =	vst.idx.msk $0xffff, v23;
	v23 =	vor.u32 s30, v15  }
0xf7: {  	v40 =	vor.u32 s26, v3;
	v39 =	vor.u32 v8, v19;
	v16 =	vshll.u32 v16, $0x7;
	v20 =	vld.idx.msk [tilespmem:v21+s16+$0x0], $0xffff;
	[tilespmem:v29+s18+$0x0] =	vst.idx.msk $0xffff, v31  }
0xf8: {  	v41 =	vor.u32 s26, v9;
	v31 =	vor.u32 v0, v16;
	v17 =	vld.idx.msk [tilespmem:v18+s16+$0x0], $0xffff;
	[tilespmem:v33+s18+$0x0] =	vst.idx.msk $0xffff, v22  }
.Ltmp8:
0xf9: {  	v32 =	vor.u32 v1, v16;
	v33 =	vor.u32 s26, v10;
	v21 =	vld.idx.msk [tilespmem:v35+s16+$0x0], $0xffff;
	[tilespmem:v24+s18+$0x0] =	vst.idx.msk $0xffff, v27;
	(pc) =	sbr.rel @p1 .LBB2_10-.Ltmp8, $4  }
0xfa: {  	v29 =	vor.u32 v2, v16;
	v24 =	vor.u32 s26, v11;
	v18 =	vld.idx.msk [tilespmem:v25+s16+$0x0], $0xffff;
	[tilespmem:v30+s18+$0x0] =	vst.idx.msk $0xffff, v34  }
0xfb: {  	v27 =	vor.u32 v4, v16;
	v25 =	vor.u32 s26, v12;
	v19 =	vld.idx.msk [tilespmem:v38+s16+$0x0], $0xffff;
	[tilespmem:v23+s18+$0x0] =	vst.idx.msk $0xffff, v36  }
0xfc: {  	v26 =	vor.u32 v5, v16;
	v22 =	vld.idx.msk [tilespmem:v39+s16+$0x0], $0xffff;
	[tilespmem:v40+s18+$0x0] =	vst.idx.msk $0xffff, v28;
	v28 =	vor.u32 s26, v13  }
0xfd: {  	s28 =	sadd.s32 $0x4, s28;
	v30 =	vor.u32 v6, v16;
	v23 =	vld.idx.msk [tilespmem:v31+s16+$0x0], $0xffff;
	[tilespmem:v41+s18+$0x0] =	vst.idx.msk $0xffff, v37;
	v31 =	vor.u32 s26, v14  }
0xfe: {  	_ =	sdelay $0x3  }
0xff: {  	v32 =	vld.idx.msk [tilespmem:v32+s16+$0x0], $0xffff;
	v34 =	vor.u32 v7, v16;
	[tilespmem:v33+s18+$0x0] =	vst.idx.msk $0xffff, v20;
	v20 =	vor.u32 s26, v15  }
0x100: {  	v29 =	vld.idx.msk [tilespmem:v29+s16+$0x0], $0xffff;
	v16 =	vor.u32 v8, v16;
	v62 =	vor.u32 s29, v3;
	[tilespmem:v24+s18+$0x0] =	vst.idx.msk $0xffff, v17  }
0x101: {  	v17 =	vld.idx.msk [tilespmem:v27+s16+$0x0], $0xffff;
	v24 =	vor.u32 s29, v9;
	[tilespmem:v25+s18+$0x0] =	vst.idx.msk $0xffff, v21  }
0x102: {  	v21 =	vld.idx.msk [tilespmem:v26+s16+$0x0], $0xffff;
	v25 =	vor.u32 s29, v10;
	[tilespmem:v28+s18+$0x0] =	vst.idx.msk $0xffff, v18  }
0x103: {  	v26 =	vor.u32 s29, v11;
	v18 =	vld.idx.msk [tilespmem:v30+s16+$0x0], $0xffff;
	[tilespmem:v31+s18+$0x0] =	vst.idx.msk $0xffff, v19  }
0x104: {  	v27 =	vor.u32 s29, v12;
	v19 =	vld.idx.msk [tilespmem:v34+s16+$0x0], $0xffff;
	[tilespmem:v20+s18+$0x0] =	vst.idx.msk $0xffff, v22  }
0x105: {  	v20 =	vld.idx.msk [tilespmem:v16+s16+$0x0], $0xffff;
	[tilespmem:v62+s18+$0x0] =	vst.idx.msk $0xffff, v23;
	v22 =	vor.u32 s29, v13  }
0x106: {  	v23 =	vor.u32 s29, v14;
	[tilespmem:v24+s18+$0x0] =	vst.idx.msk $0xffff, v32  }
0x107: {  	s31 =	simm.s32 $0x0;
	v24 =	vor.u32 s29, v15;
	[tilespmem:v25+s18+$0x0] =	vst.idx.msk $0xffff, v29  }
0x108: {  	s28 =	simm.s32 $0x180;
	v16 =	vor.u32 s31, v0;
	[tilespmem:v26+s18+$0x0] =	vst.idx.msk $0xffff, v17  }
0x109: {  	s29 =	simm.s32 $0x80;
	v26 =	vor.u32 s28, v4;
	[tilespmem:v27+s18+$0x0] =	vst.idx.msk $0xffff, v21  }
0x10a: {  	v63 =	vor.u32 s29, v1;
	[tilespmem:v22+s18+$0x0] =	vst.idx.msk $0xffff, v18  }
0x10b: {  	v21 =	vor.u32 s28, v0;
	[tilespmem:v23+s18+$0x0] =	vst.idx.msk $0xffff, v19  }
0x10c: {  	v18 =	vor.u32 s28, v1;
	[tilespmem:v24+s18+$0x0] =	vst.idx.msk $0xffff, v20  }
0x10d: {  	v19 =	vor.u32 s28, v2;
	v17 =	vld.idx.msk [tilespmem:v16+s18+$0x0], $0xffff  }
0x10e: {  	v27 =	vor.u32 s29, v0;
	v31 =	vld.idx.msk [tilespmem:v26+s18+$0x0], $0xffff  }
0x10f: {  	v41 =	vor.u32 s29, v2;
	v37 =	vld.idx.msk [tilespmem:v63+s18+$0x0], $0xffff  }
0x110: {  	v29 =	vor.u32 s29, v4;
	s28 =	simm.s32 $0x100;
	v20 =	vld.idx.msk [tilespmem:v21+s18+$0x0], $0xffff  }
0x111: {  	v30 =	vor.u32 s28, v0;
	v22 =	vld.idx.msk [tilespmem:v18+s18+$0x0], $0xffff  }
0x112: {  	v23 =	vor.u32 s28, v1;
	v28 =	vld.idx.msk [tilespmem:v19+s18+$0x0], $0xffff  }
0x113: {  	v24 =	vor.u32 s28, v2;
	v32 =	vld.idx.msk [tilespmem:v27+s18+$0x0], $0xffff  }
0x114: {  	v25 =	vor.u32 s28, v4;
	v42 =	vld.idx.msk [tilespmem:v41+s18+$0x0], $0xffff  }
0x115: {  	v36 =	vld.idx.msk [tilespmem:v29+s18+$0x0], $0xffff;
	[tilespmem:v21+s19+$0x0] =	vst.idx.msk $0xffff, v20  }
0x116: {  	v34 =	vld.idx.msk [tilespmem:v30+s18+$0x0], $0xffff;
	v20 =	vor.u32 s31, v1;
	[tilespmem:v18+s19+$0x0] =	vst.idx.msk $0xffff, v22  }
0x117: {  	s30 =	simm.s32 $0x380;
	v35 =	vld.idx.msk [tilespmem:v23+s18+$0x0], $0xffff;
	[tilespmem:v19+s19+$0x0] =	vst.idx.msk $0xffff, v28;
	v28 =	vor.u32 s31, v2  }
0x118: {  	s26 =	simm.s32 $0x200;
	v33 =	vor.u32 s30, v1;
	s28 =	simm.s32 $0x280;
	v38 =	vld.idx.msk [tilespmem:v24+s18+$0x0], $0xffff;
	[tilespmem:v27+s19+$0x0] =	vst.idx.msk $0xffff, v32;
	v22 =	vor.u32 s31, v4  }
0x119: {  	v40 =	vld.idx.msk [tilespmem:v25+s18+$0x0], $0xffff;
	v27 =	vor.u32 s28, v0;
	[tilespmem:v26+s19+$0x0] =	vst.idx.msk $0xffff, v31;
	v31 =	vor.u32 s26, v0  }
0x11a: {  	v32 =	vor.u32 s30, v0;
	v21 =	vor.u32 s28, v2;
	v18 =	vor.u32 s26, v2;
	[tilespmem:v63+s19+$0x0] =	vst.idx.msk $0xffff, v37  }
0x11b: {  	s29 =	simm.s32 $0x300;
	v37 =	vor.u32 s28, v4;
	v19 =	vor.u32 s28, v1;
	s28 =	simm.s32 $0x8;
	[tilespmem:v41+s19+$0x0] =	vst.idx.msk $0xffff, v42;
	v26 =	vor.u32 s26, v1;
	v39 =	vld.idx.msk [tilespmem:v20+s18+$0x0], $0xffff  }
.LBB2_12:
0x11c: {  	p1 =	slt.u32 s28, $0x7C;
	v41 =	vor.u32 s29, v0;
	v42 =	vor.u32 s29, v1;
	v43 =	vor.u32 s30, v2;
	v44 =	vld.idx.msk [tilespmem:v28+s18+$0x0], $0xffff;
	[tilespmem:v29+s19+$0x0] =	vst.idx.msk $0xffff, v36;
	v29 =	vmovc v37  }
0x11d: {  	v36 =	vor.u32 s29, v2;
	v37 =	vor.u32 s29, v4;
	v45 =	vor.u32 s30, v4;
	v46 =	vld.idx.msk [tilespmem:v22+s18+$0x0], $0xffff;
	[tilespmem:v30+s19+$0x0] =	vst.idx.msk $0xffff, v34;
	v30 =	vmovc v41  }
0x11e: {  	v41 =	vor.u32 s26, v4;
	v34 =	vld.idx.msk [tilespmem:v31+s18+$0x0], $0xffff;
	[tilespmem:v23+s19+$0x0] =	vst.idx.msk $0xffff, v35;
	v23 =	vmov v42  }
0x11f: {  	v35 =	vld.idx.msk [tilespmem:v32+s18+$0x0], $0xffff;
	[tilespmem:v24+s19+$0x0] =	vst.idx.msk $0xffff, v38;
	v24 =	vmov v36  }
0x120: {  	v38 =	vld.idx.msk [tilespmem:v33+s18+$0x0], $0xffff;
	[tilespmem:v25+s19+$0x0] =	vst.idx.msk $0xffff, v40;
	v25 =	vmov v37  }
0x121: {  	v37 =	vld.idx.msk [tilespmem:v43+s18+$0x0], $0xffff;
	[tilespmem:v16+s19+$0x0] =	vst.idx.msk $0xffff, v17;
	v16 =	vmov v31  }
0x122: {  	v31 =	vld.idx.msk [tilespmem:v45+s18+$0x0], $0xffff;
	[tilespmem:v20+s19+$0x0] =	vst.idx.msk $0xffff, v39;
	v20 =	vmov v26  }
0x123: {  	v39 =	vld.idx.msk [tilespmem:v27+s18+$0x0], $0xffff;
	[tilespmem:v28+s19+$0x0] =	vst.idx.msk $0xffff, v44;
	v28 =	vmov v18  }
0x124: {  	v17 =	vmov v34;
	v40 =	vld.idx.msk [tilespmem:v19+s18+$0x0], $0xffff;
	[tilespmem:v22+s19+$0x0] =	vst.idx.msk $0xffff, v46;
	v22 =	vmov v41  }
0x125: {  	v41 =	vld.idx.msk [tilespmem:v21+s18+$0x0], $0xffff;
	[tilespmem:v32+s19+$0x0] =	vst.idx.msk $0xffff, v35  }
0x126: {  	v36 =	vld.idx.msk [tilespmem:v29+s18+$0x0], $0xffff;
	[tilespmem:v33+s19+$0x0] =	vst.idx.msk $0xffff, v38  }
.Ltmp9:
0x127: {  	v34 =	vld.idx.msk [tilespmem:v30+s18+$0x0], $0xffff;
	[tilespmem:v43+s19+$0x0] =	vst.idx.msk $0xffff, v37;
	(pc) =	sbr.rel @p1 .LBB2_12-.Ltmp9, $4  }
0x128: {  	s26 =	sshll.u32 s28, $0x7;
	v35 =	vld.idx.msk [tilespmem:v42+s18+$0x0], $0xffff;
	[tilespmem:v45+s19+$0x0] =	vst.idx.msk $0xffff, v31  }
0x129: {  	s31 =	sadd.s32 $0x80, s26;
	s29 =	sadd.s32 $0x100, s26;
	s30 =	sadd.s32 $0x180, s26;
	v26 =	vor.u32 s26, v1;
	v18 =	vor.u32 s26, v2;
	v31 =	vor.u32 s26, v0;
	[tilespmem:v27+s19+$0x0] =	vst.idx.msk $0xffff, v39;
	v38 =	vld.idx.msk [tilespmem:v24+s18+$0x0], $0xffff  }
0x12a: {  	v32 =	vor.u32 s30, v0;
	v27 =	vor.u32 s31, v0;
	[tilespmem:v19+s19+$0x0] =	vst.idx.msk $0xffff, v40;
	v19 =	vor.u32 s31, v1;
	v40 =	vld.idx.msk [tilespmem:v25+s18+$0x0], $0xffff  }
0x12b: {  	s28 =	sadd.s32 $0x4, s28;
	v33 =	vor.u32 s30, v1;
	v37 =	vor.u32 s31, v4;
	v39 =	vld.idx.msk [tilespmem:v20+s18+$0x0], $0xffff;
	[tilespmem:v21+s19+$0x0] =	vst.idx.msk $0xffff, v41;
	v21 =	vor.u32 s31, v2  }
0x12c: {  	_ =	sdelay $0x3  }
0x12d: {  	[tilespmem:v29+s19+$0x0] =	vst.idx.msk $0xffff, v36;
	v45 =	vld.idx.msk [tilespmem:v28+s18+$0x0], $0xffff  }
0x12e: {  	[tilespmem:v30+s19+$0x0] =	vst.idx.msk $0xffff, v34;
	v47 =	vld.idx.msk [tilespmem:v22+s18+$0x0], $0xffff  }
0x12f: {  	v44 =	vor.u32 s30, v2;
	v48 =	vld.idx.msk [tilespmem:v32+s18+$0x0], $0xffff;
	[tilespmem:v16+s19+$0x0] =	vst.idx.msk $0xffff, v17  }
0x130: {  	v46 =	vor.u32 s30, v4;
	v49 =	vld.idx.msk [tilespmem:v33+s18+$0x0], $0xffff;
	[tilespmem:v23+s19+$0x0] =	vst.idx.msk $0xffff, v35  }
0x131: {  	v52 =	vld.idx.msk [tilespmem:v27+s18+$0x0], $0xffff;
	[tilespmem:v24+s19+$0x0] =	vst.idx.msk $0xffff, v38  }
0x132: {  	v54 =	vld.idx.msk [tilespmem:v19+s18+$0x0], $0xffff;
	[tilespmem:v25+s19+$0x0] =	vst.idx.msk $0xffff, v40  }
0x133: {  	v56 =	vld.idx.msk [tilespmem:v21+s18+$0x0], $0xffff;
	[tilespmem:v20+s19+$0x0] =	vst.idx.msk $0xffff, v39  }
0x134: {  	v17 =	vor.u32 s29, v0;
	v16 =	vld.idx.msk [tilespmem:v44+s18+$0x0], $0xffff;
	[tilespmem:v28+s19+$0x0] =	vst.idx.msk $0xffff, v45  }
0x135: {  	v50 =	vld.idx.msk [tilespmem:v46+s18+$0x0], $0xffff;
	[tilespmem:v32+s19+$0x0] =	vst.idx.msk $0xffff, v48  }
0x136: {  	v51 =	vor.u32 s29, v1;
	v57 =	vld.idx.msk [tilespmem:v37+s18+$0x0], $0xffff;
	[tilespmem:v27+s19+$0x0] =	vst.idx.msk $0xffff, v52  }
0x137: {  	v53 =	vor.u32 s29, v2;
	[tilespmem:v22+s19+$0x0] =	vst.idx.msk $0xffff, v47  }
0x138: {  	v55 =	vor.u32 s29, v4;
	v62 =	vld.idx.msk [tilespmem:v31+s18+$0x0], $0xffff;
	[tilespmem:v33+s19+$0x0] =	vst.idx.msk $0xffff, v49  }
0x139: {  	[tilespmem:v44+s19+$0x0] =	vst.idx.msk $0xffff, v16;
	v16 =	vld.idx.msk [tilespmem:v17+s18+$0x0], $0xffff  }
0x13a: {  	v59 =	vor.u32 s26, v4;
	v63 =	vld.idx.msk [tilespmem:v26+s18+$0x0], $0xffff;
	[tilespmem:v19+s19+$0x0] =	vst.idx.msk $0xffff, v54  }
0x13b: {  	v58 =	vld.idx.msk [tilespmem:v51+s18+$0x0], $0xffff;
	[tilespmem:v21+s19+$0x0] =	vst.idx.msk $0xffff, v56  }
0x13c: {  	v60 =	vld.idx.msk [tilespmem:v53+s18+$0x0], $0xffff;
	[tilespmem:v37+s19+$0x0] =	vst.idx.msk $0xffff, v57  }
0x13d: {  	v61 =	vld.idx.msk [tilespmem:v55+s18+$0x0], $0xffff;
	[tilespmem:v46+s19+$0x0] =	vst.idx.msk $0xffff, v50  }
0x13e: {  	[tilespmem:v17+s19+$0x0] =	vst.idx.msk $0xffff, v16;
	v16 =	vld.idx.msk [tilespmem:v18+s18+$0x0], $0xffff  }
0x13f: {  	v17 =	vld.idx.msk [tilespmem:v59+s18+$0x0], $0xffff;
	[tilespmem:v31+s19+$0x0] =	vst.idx.msk $0xffff, v62  }
0x140: {  	[tilespmem:v51+s19+$0x0] =	vst.idx.msk $0xffff, v58  }
0x141: {  	[tilespmem:v26+s19+$0x0] =	vst.idx.msk $0xffff, v63  }
0x142: {  	[tilespmem:v53+s19+$0x0] =	vst.idx.msk $0xffff, v60  }
0x143: {  	s25 =	sshll.u32 s25, $0xB;
	[tilespmem:v55+s19+$0x0] =	vst.idx.msk $0xffff, v61  }
0x144: {  	s25 =	sand.u32 $0x1FFFF800, s25;
	[tilespmem:v18+s19+$0x0] =	vst.idx.msk $0xffff, v16  }
0x145: {  	s24 =	sadd.s32 s12, s24;
	s25 =	sadd.s32 s6, s25;
	[tilespmem:v59+s19+$0x0] =	vst.idx.msk $0xffff, v17  }
0x146: {  	[hbm4b:s25+s4] =	stream.linear.scatter [tilespmem:s19], [sflag:$0x3], $0x4000, $0x38;
	[tilespmem:$0xC000] =	vst v63  }
.Ltmp10:
0x147: {  	p1 =	sgt.s32 s24, $0x1E83;
	(pc) =	sbr.rel .LBB2_14-.Ltmp10, $4  }
0x148: {  	s24 =	sshll.u32 @!p1 s24, $0x7;
	s26 =	simm.s32 @!p1 $0x7A1400;
	_ =	swait.ge [sflag:s20], $0x4000  }
0x149: {  	s28 =	simm.s32 @!p1 $0x2000;
	s24 =	sand.u32 @!p1 $0x1FFFFF80, s24;
	[sflag:s20] =	ssyncset.done $0x0  }
0x14a: {  	s24 =	sadd.s32 @!p1 s1, s24;
	s25 =	simm.s32 @!p1 $0x400;
	[sflag:s20] =	ssyncadd.s32 $0xFFFFC000  }
0x14b: {  	[tilespmem:s28], [sflag:$0x2] =	stream.strided.gather @!p1 [hbm4b:s24+s25], $0x2000, s26, s25, $0x38;
	[tilespmem:$0xC000] =	vst v63  }
.LBB2_16:
0x14c: {  	_ =	sfence.sel $0x180000  }
0x14d: {  	[bflag:$0x0] =	sbarrier.arrive $0xFFFF  }
0x14e: {  	p0 =	sne.s32 s3, $0x0;
	_ =	strace $0x90000047  }
0x14f: {  	s0 =	sadd.s32 @!p0 $0x100000, s0;
	[bflag:$0x2] =	sbarrier.arrive $0xFFFF  }
0x150: {  	[sflag:s0] =	ssyncadd.tile.s32 @!p0 $0x1;
	_ =	shalt  }
.Lfunc_end2:
_tile_overlayer_lowered:
.L_overlay_start_2:
0x151: {  	(tag) =	ssettag $0x2  }
0x152: {  	s0 =	rddreg [dreg:$0x0];
	s2 =	stileid.u32  }
0x153: {  	s1 =	rddreg [dreg:$0x1];
	p0 =	sne.s32 s2, $0x0  }
0x154: {  	s3 =	rddreg [dreg:$0x2];
	[bflag:$0x3] =	sbarrier.arrive $0xFFFF;
	s2 =	simm.s32 @!p0 $0x1C03  }
0x155: {  	[timem:s3], [sflag:s2] =	dma.local @!p0 [hbm:s0], s1  }
0x156: {  	s0 =	simm.s32 @!p0 $0x3  }
0x157: {  	_ =	swait.ge @!p0 [sflag:s0], s1  }
0x158: {  	s1 =	ssub.s32 @!p0 $0x0, s1;
	[sflag:s0] =	ssyncset.done @!p0 $0x0  }
0x159: {  	[sflag:s0] =	ssyncadd.s32 @!p0 s1  }
0x15a: {  	[bflag:$0x3] =	sbarrier.arrive $0xFFFF  }
0x15b: {  	_ =	shalt  }

// kernel: _embed.7.cloned.1.call-start
scs
__scs_entry_jumppad:
0x0: {  	(pc) =	sbr.rel $0x88, $3  }
0x1: {  	(tag) =	ssettag $0x0;
	lr =	simm.s32 $0x1  }
0x2: {  	[smem:$0x3F9E] =	sst lr;
	_ =	strace $0xD0000000  }
0x3: {  	_ = 	snop  }
0x4: {  	_ = 	snop  }
0x5: {  	_ = 	snop  }
0x6: {  	_ = 	snop  }
0x7: {  	_ = 	snop  }
__scs_overlays_trampoline_lowered:
0x8: {  	[smem:$0x3FAD] =	sst s0  }
0x9: {  	[smem:$0x3FAE] =	sst s1  }
0xa: {  	[smem:$0x3FAF] =	sst s2  }
0xb: {  	[smem:$0x3FB0] =	sst s3  }
0xc: {  	[smem:$0x3FB1] =	sst s4  }
0xd: {  	[smem:$0x3FB2] =	sst s5  }
0xe: {  	[smem:$0x3FB3] =	sst s6  }
0xf: {  	[smem:$0x3FB4] =	sst s7  }
0x10: {  	[smem:$0x3FB5] =	sst s8  }
0x11: {  	[smem:$0x3FB6] =	sst s9;
	s0 =	simm.s32 @!p0 $0x0  }
0x12: {  	s1 =	sld [smem:$0x3F9C];
	s0 =	simm.s32 @p0 $0x1  }
0x13: {  	[smem:$0x3FB7] =	sst s0;
	s0 =	simm.s32 @!p1 $0x0  }
0x14: {  	s2 =	sld [smem:$0x3F9B];
	s0 =	simm.s32 @p1 $0x1  }
0x15: {  	[smem:$0x3FB8] =	sst s0;
	s0 =	simm.s32 @!p2 $0x0  }
0x16: {  	s3 =	sld [smem:$0x3FDB];
	s0 =	simm.s32 @p2 $0x1  }
0x17: {  	s4 =	simm.s32 $0x1BF5;
	[smem:$0x3FBA] =	sst s0  }
0x18: {  	s0 =	sld [smem:$0x3F9D];
	_ =	swait.ge [sflag:s4], $0x0  }
0x19: {  	s7 =	sld [smem:$0x3F9E]  }
0x1a: {  	s8 =	sadd.s32 $0xFFFFE003, lr  }
0x1b: {  	s9 =	sadd.s32 $0xFFFFFEF7, lr;
	s5 =	simm.s32 $0xFFFFFFFF;
	p2 =	slt.u32 s8, $0xFFFFF086  }
0x1c: {  	p1 =	slt.u32 s9, $0xF7A;
	s5 =	simm.s32 @!p2 $0x0  }
0x1d: {  	s5 =	simm.s32 @p1 $0x1;
	p0 =	seq.s32 s7, s2  }
0x1e: {  	s7 =	smul.u32 @!p0 $0xF7A, s2;
	p2 =	seq.s32 @!p0 s5, $0x0  }
0x1f: {  	s9 =	smul.u32 $0xF7A, s1;
	s8 =	simm.s32 @!p0 $0x1BF5;
	p2 =	por !p2, p0  }
0x20: {  	[sflag:s8] =	ssyncset.s32 @!p0 $0xFFFFF086;
	s6 =	sadd.s32 @!p0 s3, s7;
	s7 =	simm.s32 @!p0 $0x108  }
0x21: {  	s3 =	sadd.s32 s3, s9;
	s6 =	sadd.s32 @!p0 $0x88, s6;
	s7 =	simm.s32 @p2 $0x1082  }
0x22: {  	[simem:s7], [sflag:s8] =	dma.local @!p0 [hbm:s6], $0xF7A  }
0x23: {  	s9 =	sor.u32 $0xD0000000, s2;
	s6 =	simm.s32 $0x108;
	_ =	swait.ge @!p0 [sflag:s8], $0x0  }
0x24: {  	s3 =	sadd.s32 $0x88, s3;
	s6 =	simm.s32 @!p1 $0x1082;
	[sflag:s4] =	ssyncset.s32 $0xFFFFF086  }
0x25: {  	[simem:s6], [sflag:s4] =	dma.local [hbm:s3], $0xF7A  }
0x26: {  	[smem:$0x3F9E] =	sst s1;
	(tag) =	ssettag s2;
	_ =	strace s9  }
0x27: {  	s1 =	sld [smem:$0x3FAE]  }
0x28: {  	s2 =	sld [smem:$0x3FAF]  }
0x29: {  	s4 =	sld [smem:$0x3FB1]  }
0x2a: {  	p0 =	seq.s32 s5, $0x0;
	s5 =	sld [smem:$0x3FB2]  }
0x2b: {  	s6 =	sld [smem:$0x3FB3]  }
0x2c: {  	s7 =	sld [smem:$0x3FB4]  }
0x2d: {  	s3 =	simm.s32 $0x108;
	s8 =	sld [smem:$0x3FB5]  }
0x2e: {  	s3 =	simm.s32 @!p0 $0x1082;
	s9 =	sld [smem:$0x3FB6]  }
0x2f: {  	lr =	sadd.s32 s0, s3;
	s0 =	sld [smem:$0x3FAD]  }
0x30: {  	s3 =	sld [smem:$0x3FB0]  }
0x31: {  	[smem:$0x3FB9] =	sst s10  }
0x32: {  	s10 =	sld [smem:$0x3FB7];
	_ =	sdelay $0x3  }
0x33: {  	p0 =	seq.s32 s10, $0x1;
	s10 =	sld [smem:$0x3FB9];
	_ =	sdelay $0x3  }
0x34: {  	[smem:$0x3FB9] =	sst s10  }
0x35: {  	s10 =	sld [smem:$0x3FB8];
	_ =	sdelay $0x3  }
0x36: {  	p1 =	seq.s32 s10, $0x1;
	s10 =	sld [smem:$0x3FB9];
	_ =	sdelay $0x3  }
0x37: {  	[smem:$0x3FB9] =	sst s10  }
0x38: {  	s10 =	sld [smem:$0x3FBA]  }
0x39: {  	_ = 	snop;
	(pc) =	sbr.ind lr, $3  }
0x3a: {  	_ = 	snop  }
0x3b: {  	_ = 	snop  }
0x3c: {  	p2 =	seq.s32 s10, $0x1;
	s10 =	sld [smem:$0x3FB9]  }
0x3d: {  	_ =	shalt  }
0x3e: {  	_ =	shalt  }
0x3f: {  	_ =	shalt  }
0x40: {  	_ =	shalt  }
0x41: {  	_ =	shalt  }
0x42: {  	_ =	shalt  }
0x43: {  	_ =	shalt  }
0x44: {  	_ =	shalt  }
0x45: {  	_ =	shalt  }
0x46: {  	_ =	shalt  }
0x47: {  	_ =	shalt  }
0x48: {  	_ =	shalt  }
0x49: {  	_ =	shalt  }
0x4a: {  	_ =	shalt  }
0x4b: {  	_ =	shalt  }
0x4c: {  	_ =	shalt  }
0x4d: {  	_ =	shalt  }
0x4e: {  	_ =	shalt  }
0x4f: {  	_ =	shalt  }
0x50: {  	_ =	shalt  }
0x51: {  	_ =	shalt  }
0x52: {  	_ =	shalt  }
0x53: {  	_ =	shalt  }
0x54: {  	_ =	shalt  }
0x55: {  	_ =	shalt  }
0x56: {  	_ =	shalt  }
0x57: {  	_ =	shalt  }
0x58: {  	_ =	shalt  }
0x59: {  	_ =	shalt  }
0x5a: {  	_ =	shalt  }
0x5b: {  	_ =	shalt  }
0x5c: {  	_ =	shalt  }
0x5d: {  	_ =	shalt  }
0x5e: {  	_ =	shalt  }
0x5f: {  	_ =	shalt  }
0x60: {  	_ =	shalt  }
0x61: {  	_ =	shalt  }
0x62: {  	_ =	shalt  }
0x63: {  	_ =	shalt  }
0x64: {  	_ =	shalt  }
0x65: {  	_ =	shalt  }
0x66: {  	_ =	shalt  }
0x67: {  	_ =	shalt  }
0x68: {  	_ =	shalt  }
0x69: {  	_ =	shalt  }
0x6a: {  	_ =	shalt  }
0x6b: {  	_ =	shalt  }
0x6c: {  	_ =	shalt  }
0x6d: {  	_ =	shalt  }
0x6e: {  	_ =	shalt  }
0x6f: {  	_ =	shalt  }
0x70: {  	_ =	shalt  }
0x71: {  	_ =	shalt  }
0x72: {  	_ =	shalt  }
0x73: {  	_ =	shalt  }
0x74: {  	_ =	shalt  }
0x75: {  	_ =	shalt  }
0x76: {  	_ =	shalt  }
0x77: {  	_ =	shalt  }
0x78: {  	_ =	shalt  }
0x79: {  	_ =	shalt  }
0x7a: {  	_ =	shalt  }
0x7b: {  	_ =	shalt  }
0x7c: {  	_ =	shalt  }
0x7d: {  	_ =	shalt  }
0x7e: {  	_ =	shalt  }
0x7f: {  	_ =	shalt  }
0x80: {  	_ =	shalt  }
0x81: {  	_ =	shalt  }
0x82: {  	_ =	shalt  }
0x83: {  	_ =	shalt  }
0x84: {  	_ =	shalt  }
0x85: {  	_ =	shalt  }
0x86: {  	_ =	shalt  }
0x87: {  	_ =	shalt  }
.Lfunc_end0:
.L_simem_size_0:
called_computation.1_lowered:
.L_overlay_start_0:
0x88: {  	s2 =	sld [smem:$0x3FD9]  }
0x89: {  	s3 =	sld [smem:$0x3FFE];
	_ =	sdelay $0x1  }
0x8a: {  	s1 =	srdreg.scid  }
0x8b: {  	s0 =	sand.u32 $0x1, s1  }
0x8c: {  	s17 =	sshll.u32 s0, $0xA;
	s2 =	sadd.s32 s3, s2  }
0x8d: {  	s2 =	sadd.s32 s2, s17  }
0x8e: {  	[smem:$0x3FC5] =	sst s2  }
0x8f: {  	_ = 	snop  }
0x90: {  	s2 =	sld [smem:$0x3FC9]  }
0x91: {  	s18 =	sld [smem:$0x3FD0];
	(tm) =	ssettm $0x1  }
0x92: {  	s4 =	sld [smem:$0x3FFB];
	_ =	sdelay $0x3  }
0x93: {  	_ =	strace s4  }
0x94: {  	s4 =	sld [smem:$0x3FFC];
	_ =	sdelay $0x3  }
0x95: {  	_ =	strace s4  }
0x96: {  	s4 =	sld [smem:$0x3FFD];
	_ =	sdelay $0x3  }
0x97: {  	_ =	strace s4  }
0x98: {  	_ =	strace $0x8FFFFFFF  }
0x99: {  	s19 =	sld [smem:$0x3FDB];
	_ =	sdelay $0x1  }
0x9a: {  	s5 =	simm.s32 $_scs_section_size  }
0x9b: {  	s6 =	simm.s32 $_size__tile_overlayer_lowered;
	s7 =	simm.s32 $_tile_overlayer_lowered  }
0x9c: {  	s22 =	simm.s32 $0x1BFF;
	s21 =	sshll.u32 s7, $0x1;
	s4 =	sadd.s32 s5, s19  }
0x9d: {  	s8 =	simm.s32 $0x0;
	s20 =	sshll.u32 s6, $0x1;
	s6 =	sadd.s32 s21, s4  }
0x9e: {  	[timem:s8], [sflag:s22] =	dma.local [hbm:s6], s20  }
0x9f: {  	_ =	swait.ge [sflag:s22], s20  }
0xa0: {  	s5 =	ssub.s32 $0x0, s20;
	[sflag:s22] =	ssyncset.done $0x0  }
0xa1: {  	[sflag:s22] =	ssyncadd.s32 s5;
	_ =	sdelay $0x1  }
0xa2: {  	s23 =	simm.s32 $0x1B8B  }
0xa3: {  	_ =	swait.ge [sflag:s23], $0x1  }
0xa4: {  	[sflag:s23] =	ssyncset.done $0x0  }
0xa5: {  	s25 =	simm.s32 $0x1B8E;
	s24 =	sld [smem:$0x3FFE];
	[sflag:s23] =	ssyncadd.s32 $0xFFFFFFFF  }
0xa6: {  	s26 =	simm.s32 $execute0_lowered;
	[smem:$0x3FD2] =	sst s25  }
0xa7: {  	s6 =	sshll.u32 s26, $0x1;
	_ =	strace $0x80000049;
	[dreg:$0x1] =	wrdreg $0xFFFFFFFF  }
0xa8: {  	s28 =	simm.s32 $_size_execute0_lowered;
	s4 =	sadd.s32 s4, s6;
	[dreg:$0x0] =	wrdreg $0x0  }
0xa9: {  	s6 =	sshll.u32 s28, $0x1;
	[dreg:$0x2] =	wrdreg s4  }
0xaa: {  	[dreg:$0x3] =	wrdreg s6  }
0xab: {  	[dreg:$0x4] =	wrdreg $0xC0  }
0xac: {  	_ =	task [dreg:s8], $0x5FFFF  }
0xad: {  	[dreg:$0x1] =	wrdreg $0xFFFFFFFF  }
0xae: {  	[dreg:$0x0] =	wrdreg $0x60  }
0xaf: {  	[dreg:$0x2] =	wrdreg s2  }
0xb0: {  	[dreg:$0x3] =	wrdreg s24  }
0xb1: {  	[dreg:$0x4] =	wrdreg s18  }
0xb2: {  	[dreg:$0x5] =	wrdreg $0x9  }
0xb3: {  	_ =	task.clear_ibuf [dreg:s8], $0x6FFFF;
	_ =	strace $0x90000049  }
0xb4: {  	s29 =	simm.s32 $0x9;
	_ =	strace $0x8000004B  }
0xb5: {  	_ =	swait.ge [sflag:s29], $0x1  }
0xb6: {  	[sflag:s29] =	ssyncadd.s32 $0xFFFFFFFF  }
0xb7: {  	_ =	strace $0x9000004B  }
0xb8: {  	_ =	sfence  }
0xb9: {  	s30 =	sld [smem:$0x0];
	_ =	sdelay $0x2  }
0xba: {  	s31 =	sshll.u32 s1, $0xD;
	s1 =	sshrl.u32 s1, $0x2  }
0xbb: {  	s3 =	sand.u32 $0x4000, s31;
	s1 =	sadd.s32 s1, s30  }
0xbc: {  	s0 =	sor.u32 s3, s0;
	s1 =	sshll.u32 s1, $0x11  }
0xbd: {  	s0 =	sor.u32 s1, s0  }
0xbe: {  	s0 =	sadd.s32 $0x8F2B, s0  }
0xbf: {  	[sflag:s0] =	ssyncadd.remote.s32 $0x1  }
0xc0: {  	_ =	sfence.sel $0xFFFF  }
0xc1: {  	[dreg:$0x0] =	wrdreg $0xFFFFFFFF;
	(pc) =	sbr.abs _section_cstart, $3  }
0xc2: {  	[dreg:$0x1] =	wrdreg $0xFFFFFFFF  }
0xc3: {  	_ =	task.clear_ibuf [dreg:s8], $0x2FFFF;
	_ =	strace $0x9FFFFFFF  }
0xc4: {  	(tm) =	ssettm $0x7FFFFFFF  }
0xc5: {  	_ =	shalt  }
tec
execute0_lowered:
.L_overlay_start_1:
0x0: {  	(tag) =	ssettag $0x1  }
0x1: {  	v0 =	vimm.s32 $0xB80;
	vm14 =	vcmask $0x300;
	vm13 =	vcmask $0x704  }
0x2: {  	vm12 =	vcmask $0xB08;
	vm11 =	vcmask $0xF0C;
	vm10 =	vcmask $0x1310  }
0x3: {  	vm9 =	vcmask $0x1714;
	vm8 =	vcmask $0x1B18;
	vm7 =	vcmask $0x1F1C  }
0x4: {  	vm6 =	vcmask $0x2320;
	vm5 =	vcmask $0x2724;
	vm4 =	vcmask $0x2B28  }
0x5: {  	vm3 =	vcmask $0x2F2C;
	vm2 =	vcmask $0x3330;
	vm0 =	vcmask $0x3734  }
0x6: {  	vm1 =	vcmask $0x3B38;
	v5 =	vimm.s32 $0x1B80;
	v6 =	vimm.s32 $0x2B80  }
0x7: {  	v7 =	vimm.s32 $0x3B80;
	v0 =	vsel vm14, $0x0, v0;
	v5 =	vsel vm14, $0x1000, v5  }
0x8: {  	v6 =	vsel vm14, $0x2000, v6;
	v7 =	vsel vm14, $0x3000, v7;
	v0 =	vsel vm13, $0x80, v0  }
0x9: {  	v5 =	vsel vm13, $0x1080, v5;
	v6 =	vsel vm13, $0x2080, v6;
	v7 =	vsel vm13, $0x3080, v7  }
0xa: {  	v0 =	vsel vm12, $0x100, v0;
	v5 =	vsel vm12, $0x1100, v5;
	v6 =	vsel vm12, $0x2100, v6  }
0xb: {  	v7 =	vsel vm12, $0x3100, v7;
	v0 =	vsel vm11, $0x180, v0;
	v5 =	vsel vm11, $0x1180, v5  }
0xc: {  	v6 =	vsel vm11, $0x2180, v6;
	v7 =	vsel vm11, $0x3180, v7;
	v0 =	vsel vm10, $0x200, v0  }
0xd: {  	v5 =	vsel vm10, $0x1200, v5;
	v6 =	vsel vm10, $0x2200, v6;
	v7 =	vsel vm10, $0x3200, v7  }
0xe: {  	s7 =	rddreg [dreg:$0x0];
	v0 =	vsel vm9, $0x280, v0;
	v5 =	vsel vm9, $0x1280, v5;
	v6 =	vsel vm9, $0x2280, v6  }
0xf: {  	s0 =	rddreg [dreg:$0x1];
	v7 =	vsel vm9, $0x3280, v7;
	v0 =	vsel vm8, $0x300, v0;
	v5 =	vsel vm8, $0x1300, v5  }
0x10: {  	s2 =	rddreg [dreg:$0x2];
	s8 =	simm.s32 $0x0;
	v6 =	vsel vm8, $0x2300, v6;
	v7 =	vsel vm8, $0x3300, v7;
	v0 =	vsel vm7, $0x380, v0  }
0x11: {  	s1 =	srdreg.scid;
	s4 =	stileid.u32;
	s12 =	simm.s32 $0x5;
	v5 =	vsel vm7, $0x1380, v5;
	v6 =	vsel vm7, $0x2380, v6;
	v7 =	vsel vm7, $0x3380, v7  }
0x12: {  	s13 =	simm.s32 $0x400;
	s16 =	simm.s32 $0x80;
	s17 =	simm.s32 $0x7000;
	v0 =	vsel vm6, $0x800, v0;
	v5 =	vsel vm6, $0x1800, v5;
	v6 =	vsel vm6, $0x2800, v6  }
0x13: {  	s18 =	simm.s32 $0xB000;
	s20 =	simm.s32 $0xF000;
	s22 =	simm.s32 $0x13000;
	v7 =	vsel vm6, $0x3800, v7;
	v0 =	vsel vm5, $0x880, v0;
	v5 =	vsel vm5, $0x1880, v5  }
0x14: {  	s23 =	simm.s32 $0x1;
	s28 =	simm.s32 $0x2;
	s29 =	simm.s32 $0x3;
	v6 =	vsel vm5, $0x2880, v6;
	v7 =	vsel vm5, $0x3880, v7;
	v1 =	vsel vm4, $0x900, v0  }
0x15: {  	s30 =	simm.s32 $0x4;
	[smem:$0x7FF] =	sst s8;
	s1 =	sand.u32 $0x1, s1;
	v0 =	vlaneseq.u32;
	v5 =	vsel vm4, $0x1900, v5;
	v6 =	vsel vm4, $0x2900, v6  }
0x16: {  	s4 =	sshll.u32 s4, $0xA;
	s3 =	ssub.s32 $0x2, s1;
	s1 =	sshll.u32 s1, $0x9;
	v7 =	vsel vm4, $0x3900, v7;
	v2 =	vsel vm3, $0x980, v1;
	v1 =	vor.u32 $0x10, v0  }
0x17: {  	s5 =	sadd.s32 $0x800, s0;
	_ =	strace $0x8000004A;
	s1 =	sor.u32 s1, s4;
	v5 =	vsel vm3, $0x1980, v5;
	v6 =	vsel vm3, $0x2980, v6;
	v7 =	vsel vm3, $0x3980, v7  }
0x18: {  	s6 =	sshrl.u32 s3, $0x1;
	s25 =	sshll.u32 s1, $0x3;
	s4 =	sadd.s32 s7, s1;
	v8 =	vor.u32 $0x40, v0;
	v9 =	vor.u32 $0x50, v0;
	v10 =	vor.u32 $0x60, v0  }
.Ltmp0:
0x19: {  	[dreg:$0x5] =	wrdreg s4;
	s26 =	sor.u32 $0x400, s25;
	v11 =	vor.u32 $0x70, v0;
	v3 =	vsel vm2, $0xA00, v2;
	v2 =	vor.u32 $0x20, v0;
	(pc) =	sbr.rel .LBB2_1-.Ltmp0, $4  }
0x1a: {  	s24 =	ssub.s32 s3, s6;
	s31 =	sor.u32 $0x800, s25;
	[dreg:$0x6] =	wrdreg s26;
	v5 =	vsel vm2, $0x1A00, v5;
	v6 =	vsel vm2, $0x2A00, v6;
	v7 =	vsel vm2, $0x3A00, v7  }
0x1b: {  	s10 =	sshrl.u32 s1, $0x7;
	s3 =	sor.u32 $0xC00, s25;
	[dreg:$0x7] =	wrdreg s31;
	v4 =	vsel vm0, $0xA80, v3;
	v3 =	vor.u32 $0x30, v0;
	v5 =	vsel vm0, $0x1A80, v5  }
0x1c: {  	s0 =	smax.u32 s24, $0x1;
	s24 =	simm.s32 $0x3000;
	[dreg:$0x8] =	wrdreg s3;
	v6 =	vsel vm0, $0x2A80, v6;
	v7 =	vsel vm0, $0x3A80, v7;
	v4 =	vsel vm1, $0xB00, v4  }
0x1d: {  	s25 =	simm.s32 $0x1000;
	[dreg:$0x9] =	wrdreg s0;
	s26 =	simm.s32 $0x20000;
	v5 =	vsel vm1, $0x1B00, v5;
	v6 =	vsel vm1, $0x2B00, v6;
	v7 =	vsel vm1, $0x3B00, v7  }
.LBB2_22:
0x1e: {  	s8 =	rddreg [dreg:$0x4]  }
0x1f: {  	s0 =	rddreg [dreg:$0x9];
	s8 =	sadd.s32 $0x1, s8  }
0x20: {  	p0 =	sne.s32 s8, s0  }
.Ltmp1:
0x21: {  	_ = 	snop;
	(pc) =	sbr.rel @!p0 .LBB2_23-.Ltmp1, $1  }
0x22: {  	_ =	sdelay $0x3  }
.LBB2_1:
.Ltmp2:
0x23: {  	(pc) =	sbr.rel .LBB2_2-.Ltmp2, $2  }
0x24: {  	_ =	sdelay $0x2  }
0x25: {  	[dreg:$0x4] =	wrdreg s8;
	s7 =	simm.s32 $0x0  }
.LBB2_21:
0x26: {  	s7 =	rddreg [dreg:$0xa]  }
0x27: {  	s7 =	sadd.s32 $0x1, s7  }
0x28: {  	p0 =	sne.s32 s7, $0x19  }
.Ltmp3:
0x29: {  	_ = 	snop;
	(pc) =	sbr.rel @!p0 .LBB2_22-.Ltmp3, $1  }
0x2a: {  	_ =	sdelay $0x3  }
.LBB2_2:
0x2b: {  	s0 =	sshll.u32 s7, $0xE;
	s1 =	rddreg [dreg:$0x5]  }
0x2c: {  	s0 =	sadd.s32 s0, s1;
	s1 =	simm.s32 $0x0  }
0x2d: {  	[tilespmem:s1], [sflag:$0x5] =	stream.linear.gather [hbm4b:s0+s1], $0x400, $0x38;
	[tilespmem:$0x17000] =	vst v63  }
0x2e: {  	_ =	swait.ge [sflag:s12], $0x400  }
0x2f: {  	s3 =	sshll.u32 s7, $0x11;
	s11 =	rddreg [dreg:$0x6];
	[sflag:s12] =	ssyncset.done $0x0  }
0x30: {  	s0 =	sor.u32 s11, s3;
	[sflag:s12] =	ssyncadd.s32 $0xFFFFFC00  }
0x31: {  	s0 =	sshrl.u32 s0, $0x3;
	s4 =	rddreg [dreg:$0x0]  }
0x32: {  	s0 =	sadd.s32 s4, s0  }
0x33: {  	[tilespmem:s13], [sflag:$0x5] =	stream.linear.gather [hbm4b:s0+s1], $0x400, $0x38;
	[tilespmem:$0x17000] =	vst v63  }
0x34: {  	_ =	swait.ge [sflag:s12], $0x400  }
0x35: {  	s14 =	rddreg [dreg:$0x7]  }
0x36: {  	s0 =	sor.u32 s14, s3  }
0x37: {  	[sflag:s12] =	ssyncset.done $0x0;
	s0 =	sshrl.u32 s0, $0x3  }
0x38: {  	s6 =	simm.s32 $0x800;
	[sflag:s12] =	ssyncadd.s32 $0xFFFFFC00;
	s0 =	sadd.s32 s4, s0  }
0x39: {  	[tilespmem:s6], [sflag:$0x5] =	stream.linear.gather [hbm4b:s0+s1], $0x400, $0x38;
	[tilespmem:$0x17000] =	vst v63  }
0x3a: {  	_ =	swait.ge [sflag:s12], $0x400  }
0x3b: {  	s15 =	rddreg [dreg:$0x8]  }
0x3c: {  	s0 =	sor.u32 s15, s3  }
0x3d: {  	[sflag:s12] =	ssyncset.done $0x0;
	s0 =	sshrl.u32 s0, $0x3  }
0x3e: {  	s19 =	simm.s32 $0xC00;
	[sflag:s12] =	ssyncadd.s32 $0xFFFFFC00;
	s0 =	sadd.s32 s4, s0  }
0x3f: {  	[tilespmem:s19], [sflag:$0x5] =	stream.linear.gather [hbm4b:s0+s1], $0x400, $0x38;
	[tilespmem:$0x17000] =	vst v63  }
0x40: {  	_ =	swait.ge [sflag:s12], $0x400  }
0x41: {  	[sflag:s12] =	ssyncset.done $0x0  }
0x42: {  	[sflag:s12] =	ssyncadd.s32 $0xFFFFFC00  }
0x43: {  	[tilespmem:s17], [sflag:$0x1] =	stream.indirect.gather [hbm4b:s5+s16], $0x80, s1, s16, $0xb8;
	[tilespmem:$0x17000] =	vst v63  }
0x44: {  	s21 =	simm.s32 $0x100;
	s4 =	sshll.u32 s7, $0x3  }
0x45: {  	[tilespmem:s18], [sflag:$0x2] =	stream.indirect.gather [hbm4b:s5+s16], $0x80, s16, s16, $0xb8;
	[tilespmem:$0x17000] =	vst v63  }
0x46: {  	s31 =	simm.s32 $0x180;
	s15 =	simm.s32 $0x0;
	s11 =	sor.u32 $0x1, s4  }
0x47: {  	[tilespmem:s20], [sflag:$0x3] =	stream.indirect.gather [hbm4b:s5+s16], $0x80, s21, s16, $0xb8;
	[tilespmem:$0x17000] =	vst v63  }
0x48: {  	s3 =	sor.u32 $0x2, s4;
	s14 =	sor.u32 $0x3, s4;
	[dreg:$0xa] =	wrdreg s7  }
0x49: {  	[tilespmem:s22], [sflag:$0x4] =	stream.indirect.gather [hbm4b:s5+s16], $0x80, s31, s16, $0xb8;
	[tilespmem:$0x17000] =	vst v63  }
.LBB2_3:
0x4a: {  	v12 =	vmov s1  }
0x4b: {  	v12 =	vshll.u32 v12, $0x7  }
0x4c: {  	v13 =	vor.u32 v0, v12  }
0x4d: {  	s0 =	simm.s32 $0x3;
	v14 =	vor.u32 v1, v12  }
0x4e: {  	_ =	swait.ge [sflag:s23], $0x4000;
	v16 =	vmov s0;
	v15 =	vor.u32 v2, v12  }
0x4f: {  	[sflag:s23] =	ssyncset.done $0x0;
	v12 =	vor.u32 v3, v12;
	v16 =	vshll.u32 v16, $0x7  }
0x50: {  	[sflag:s23] =	ssyncadd.s32 $0xFFFFC000;
	v17 =	vor.u32 v0, v16  }
0x51: {  	s7 =	simm.s32 $0x2;
	v26 =	vor.u32 v2, v16;
	v22 =	vld.idx.msk [tilespmem:v13+s17+$0x0], $0xffff  }
0x52: {  	v24 =	vor.u32 s1, v4;
	v18 =	vmov s7;
	v13 =	vor.u32 v1, v16;
	v27 =	vld.idx.msk [tilespmem:v14+s17+$0x0], $0xffff  }
0x53: {  	v29 =	vor.u32 s1, v5;
	v30 =	vshll.u32 v18, $0x7;
	v14 =	vld.idx.msk [tilespmem:v15+s17+$0x0], $0xffff;
	v16 =	vor.u32 v3, v16  }
0x54: {  	v25 =	vor.u32 s1, v6;
	s6 =	simm.s32 $0x1;
	v21 =	vor.u32 v0, v30;
	v15 =	vld.idx.msk [tilespmem:v12+s17+$0x0], $0xffff  }
0x55: {  	v19 =	vor.u32 s1, v7;
	v20 =	vor.u32 v1, v30;
	v12 =	vld.idx.msk [tilespmem:v17+s17+$0x0], $0xffff;
	v17 =	vmov s6  }
0x56: {  	v23 =	vor.u32 s0, v4;
	v18 =	vor.u32 v2, v30;
	v28 =	vshll.u32 v17, $0x7;
	v17 =	vld.idx.msk [tilespmem:v26+s17+$0x0], $0xffff  }
0x57: {  	v26 =	vor.u32 s0, v5;
	v13 =	vld.idx.msk [tilespmem:v13+s17+$0x0], $0xffff;
	[tilespmem:v24+s24+$0x0] =	vst.idx.msk $0xffff, v22;
	v24 =	vor.u32 v3, v30  }
0x58: {  	s8 =	simm.s32 $0x4;
	v22 =	vor.u32 v0, v28;
	v16 =	vld.idx.msk [tilespmem:v16+s17+$0x0], $0xffff;
	[tilespmem:v29+s24+$0x0] =	vst.idx.msk $0xffff, v27;
	v27 =	vor.u32 s0, v6  }
.LBB2_4:
0x59: {  	p0 =	slt.u32 s8, $0x7C;
	[tilespmem:v25+s24+$0x0] =	vst.idx.msk $0xffff, v14;
	v14 =	vor.u32 v1, v28;
	v21 =	vld.idx.msk [tilespmem:v21+s17+$0x0], $0xffff;
	v25 =	vor.u32 s0, v7  }
0x5a: {  	v29 =	vmov s8;
	[tilespmem:v19+s24+$0x0] =	vst.idx.msk $0xffff, v15;
	v15 =	vor.u32 v2, v28;
	v19 =	vld.idx.msk [tilespmem:v20+s17+$0x0], $0xffff;
	v20 =	vor.u32 s7, v4  }
0x5b: {  	v30 =	vor.u32 s7, v5;
	v29 =	vshll.u32 v29, $0x7;
	v28 =	vor.u32 v3, v28;
	v18 =	vld.idx.msk [tilespmem:v18+s17+$0x0], $0xffff;
	[tilespmem:v23+s24+$0x0] =	vst.idx.msk $0xffff, v12  }
0x5c: {  	v12 =	vor.u32 v0, v29;
	v23 =	vld.idx.msk [tilespmem:v24+s17+$0x0], $0xffff;
	v24 =	vor.u32 s7, v6;
	[tilespmem:v26+s24+$0x0] =	vst.idx.msk $0xffff, v13  }
0x5d: {  	s0 =	sadd.s32 $0x3, s8;
	v13 =	vor.u32 v1, v29;
	v26 =	vor.u32 s7, v7;
	v22 =	vld.idx.msk [tilespmem:v22+s17+$0x0], $0xffff;
	[tilespmem:v27+s24+$0x0] =	vst.idx.msk $0xffff, v17  }
0x5e: {  	v32 =	vor.u32 s6, v4;
	v17 =	vor.u32 v2, v29;
	v27 =	vmov s0;
	v31 =	vld.idx.msk [tilespmem:v14+s17+$0x0], $0xffff;
	[tilespmem:v25+s24+$0x0] =	vst.idx.msk $0xffff, v16  }
0x5f: {  	v16 =	vor.u32 v3, v29;
	v25 =	vshll.u32 v27, $0x7;
	v29 =	vor.u32 s6, v5;
	v27 =	vld.idx.msk [tilespmem:v15+s17+$0x0], $0xffff;
	[tilespmem:v20+s24+$0x0] =	vst.idx.msk $0xffff, v21  }
0x60: {  	v34 =	vor.u32 s6, v6;
	v33 =	vor.u32 v0, v25;
	v28 =	vld.idx.msk [tilespmem:v28+s17+$0x0], $0xffff;
	[tilespmem:v30+s24+$0x0] =	vst.idx.msk $0xffff, v19  }
0x61: {  	v36 =	vor.u32 s6, v7;
	s7 =	sadd.s32 $0x2, s8;
	v35 =	vor.u32 v1, v25;
	v30 =	vld.idx.msk [tilespmem:v12+s17+$0x0], $0xffff;
	[tilespmem:v24+s24+$0x0] =	vst.idx.msk $0xffff, v18  }
0x62: {  	v38 =	vor.u32 v2, v25;
	v24 =	vor.u32 s8, v4;
	v12 =	vmov s7;
	v37 =	vld.idx.msk [tilespmem:v13+s17+$0x0], $0xffff;
	[tilespmem:v26+s24+$0x0] =	vst.idx.msk $0xffff, v23  }
0x63: {  	v39 =	vor.u32 s8, v5;
	v40 =	vor.u32 v3, v25;
	v14 =	vld.idx.msk [tilespmem:v17+s17+$0x0], $0xffff;
	v17 =	vshll.u32 v12, $0x7;
	[tilespmem:v32+s24+$0x0] =	vst.idx.msk $0xffff, v22  }
.Ltmp4:
0x64: {  	v25 =	vor.u32 s8, v6;
	v15 =	vld.idx.msk [tilespmem:v16+s17+$0x0], $0xffff;
	v21 =	vor.u32 v0, v17;
	[tilespmem:v29+s24+$0x0] =	vst.idx.msk $0xffff, v31;
	(pc) =	sbr.rel @p0 .LBB2_4-.Ltmp4, $4  }
0x65: {  	s6 =	sadd.s32 $0x1, s8;
	v19 =	vor.u32 s8, v7;
	v20 =	vor.u32 v1, v17;
	v12 =	vld.idx.msk [tilespmem:v33+s17+$0x0], $0xffff;
	[tilespmem:v34+s24+$0x0] =	vst.idx.msk $0xffff, v27  }
0x66: {  	v23 =	vor.u32 s0, v4;
	v16 =	vmov s6;
	v18 =	vor.u32 v2, v17;
	v13 =	vld.idx.msk [tilespmem:v35+s17+$0x0], $0xffff;
	[tilespmem:v36+s24+$0x0] =	vst.idx.msk $0xffff, v28  }
0x67: {  	v26 =	vor.u32 s0, v5;
	v28 =	vshll.u32 v16, $0x7;
	[tilespmem:v24+s24+$0x0] =	vst.idx.msk $0xffff, v30;
	v24 =	vor.u32 v3, v17;
	v17 =	vld.idx.msk [tilespmem:v38+s17+$0x0], $0xffff  }
0x68: {  	s8 =	sadd.s32 $0x4, s8;
	v27 =	vor.u32 s0, v6;
	v22 =	vor.u32 v0, v28;
	[tilespmem:v39+s24+$0x0] =	vst.idx.msk $0xffff, v37;
	v16 =	vld.idx.msk [tilespmem:v40+s17+$0x0], $0xffff  }
0x69: {  	_ =	sdelay $0x3  }
0x6a: {  	[tilespmem:v25+s24+$0x0] =	vst.idx.msk $0xffff, v14;
	v14 =	vor.u32 s0, v7  }
0x6b: {  	v25 =	vor.u32 v1, v28;
	v21 =	vld.idx.msk [tilespmem:v21+s17+$0x0], $0xffff;
	[tilespmem:v19+s24+$0x0] =	vst.idx.msk $0xffff, v15;
	v15 =	vor.u32 s7, v4  }
0x6c: {  	v20 =	vld.idx.msk [tilespmem:v20+s17+$0x0], $0xffff;
	v29 =	vor.u32 s7, v5;
	v19 =	vor.u32 v2, v28;
	[tilespmem:v23+s24+$0x0] =	vst.idx.msk $0xffff, v12  }
0x6d: {  	v18 =	vld.idx.msk [tilespmem:v18+s17+$0x0], $0xffff;
	v12 =	vor.u32 v3, v28;
	v23 =	vor.u32 s7, v6;
	[tilespmem:v26+s24+$0x0] =	vst.idx.msk $0xffff, v13  }
0x6e: {  	s9 =	simm.s32 $0x0;
	v13 =	vld.idx.msk [tilespmem:v24+s17+$0x0], $0xffff;
	v24 =	vor.u32 s7, v7;
	[tilespmem:v27+s24+$0x0] =	vst.idx.msk $0xffff, v17  }
0x6f: {  	v17 =	vld.idx.msk [tilespmem:v22+s17+$0x0], $0xffff;
	v22 =	vor.u32 s6, v4;
	[tilespmem:v14+s24+$0x0] =	vst.idx.msk $0xffff, v16;
	v14 =	vmov s9  }
0x70: {  	v16 =	vld.idx.msk [tilespmem:v25+s17+$0x0], $0xffff;
	v25 =	vor.u32 s6, v5;
	[tilespmem:v15+s24+$0x0] =	vst.idx.msk $0xffff, v21;
	v15 =	vshll.u32 v14, $0x8;
	v14 =	vshll.u32 v14, $0x7  }
0x71: {  	v19 =	vld.idx.msk [tilespmem:v19+s17+$0x0], $0xffff;
	v21 =	vor.u32 s6, v6;
	[tilespmem:v29+s24+$0x0] =	vst.idx.msk $0xffff, v20;
	v15 =	vand.u32 $0x3800, v15;
	v20 =	vand.u32 $0x200, v14  }
0x72: {  	v26 =	vor.u32 s6, v7;
	v12 =	vld.idx.msk [tilespmem:v12+s17+$0x0], $0xffff;
	[tilespmem:v23+s24+$0x0] =	vst.idx.msk $0xffff, v18;
	v15 =	vor.u32 v20, v15  }
0x73: {  	[tilespmem:v24+s24+$0x0] =	vst.idx.msk $0xffff, v13;
	v13 =	vor.u32 v0, v15  }
0x74: {  	[tilespmem:v22+s24+$0x0] =	vst.idx.msk $0xffff, v17;
	v17 =	vor.u32 v1, v15  }
0x75: {  	v18 =	vor.u32 v3, v15;
	[tilespmem:v25+s24+$0x0] =	vst.idx.msk $0xffff, v16  }
0x76: {  	s19 =	simm.s32 $0x3;
	v16 =	vor.u32 v2, v15;
	[tilespmem:v21+s24+$0x0] =	vst.idx.msk $0xffff, v19  }
0x77: {  	v20 =	vmov s19;
	[tilespmem:v26+s24+$0x0] =	vst.idx.msk $0xffff, v12;
	v12 =	vor.u32 v8, v15  }
0x78: {  	v22 =	vshll.u32 v20, $0x8;
	v19 =	vor.u32 v9, v15;
	v13 =	vld.idx.msk [tilespmem:v13+s24+$0x0], $0xffff  }
0x79: {  	v20 =	vshll.u32 v20, $0x7;
	v24 =	vor.u32 v0, v14;
	v21 =	vor.u32 v10, v15;
	v17 =	vld.idx.msk [tilespmem:v17+s24+$0x0], $0xffff  }
0x7a: {  	v22 =	vand.u32 $0x3800, v22;
	v23 =	vand.u32 $0x380, v20;
	v15 =	vor.u32 v11, v15;
	v18 =	vld.idx.msk [tilespmem:v18+s24+$0x0], $0xffff  }
0x7b: {  	v22 =	vor.u32 v23, v22;
	v23 =	vor.u32 v1, v14;
	v16 =	vld.idx.msk [tilespmem:v16+s24+$0x0], $0xffff  }
0x7c: {  	v26 =	vor.u32 v2, v14;
	v25 =	vld.idx.msk [tilespmem:v12+s24+$0x0], $0xffff;
	v12 =	vor.u32 v0, v22  }
0x7d: {  	v28 =	vor.u32 v3, v14;
	v30 =	vor.u32 v8, v14;
	v19 =	vld.idx.msk [tilespmem:v19+s24+$0x0], $0xffff  }
0x7e: {  	v32 =	vor.u32 v9, v14;
	v33 =	vor.u32 v8, v20;
	v27 =	vor.u32 v1, v22;
	v21 =	vld.idx.msk [tilespmem:v21+s24+$0x0], $0xffff  }
0x7f: {  	v29 =	vor.u32 v2, v22;
	v31 =	vor.u32 v3, v22;
	v15 =	vld.idx.msk [tilespmem:v15+s24+$0x0], $0xffff;
	[tilespmem:v24+s25+$0x0] =	vst.idx.msk $0xffff, v13  }
0x80: {  	s21 =	simm.s32 $0x2;
	v13 =	vor.u32 v8, v22;
	v24 =	vor.u32 v10, v14;
	[tilespmem:v23+s25+$0x0] =	vst.idx.msk $0xffff, v17  }
0x81: {  	v14 =	vor.u32 v11, v14;
	v23 =	vor.u32 v9, v22;
	[tilespmem:v26+s25+$0x0] =	vst.idx.msk $0xffff, v16;
	v17 =	vld.idx.msk [tilespmem:v12+s24+$0x0], $0xffff;
	v12 =	vmov s21  }
0x82: {  	v26 =	vor.u32 v10, v22;
	[tilespmem:v28+s25+$0x0] =	vst.idx.msk $0xffff, v18;
	v18 =	vshll.u32 v12, $0x8;
	v12 =	vshll.u32 v12, $0x7  }
0x83: {  	v16 =	vld.idx.msk [tilespmem:v27+s24+$0x0], $0xffff;
	v22 =	vor.u32 v11, v22;
	[tilespmem:v30+s25+$0x0] =	vst.idx.msk $0xffff, v25;
	v18 =	vand.u32 $0x3800, v18;
	v25 =	vand.u32 $0x300, v12  }
0x84: {  	v27 =	vld.idx.msk [tilespmem:v29+s24+$0x0], $0xffff;
	v28 =	vor.u32 v0, v20;
	[tilespmem:v32+s25+$0x0] =	vst.idx.msk $0xffff, v19;
	v19 =	vor.u32 v25, v18  }
0x85: {  	v29 =	vld.idx.msk [tilespmem:v31+s24+$0x0], $0xffff;
	v18 =	vor.u32 v1, v20;
	[tilespmem:v24+s25+$0x0] =	vst.idx.msk $0xffff, v21;
	v21 =	vor.u32 v0, v19  }
0x86: {  	v25 =	vld.idx.msk [tilespmem:v13+s24+$0x0], $0xffff;
	v24 =	vor.u32 v2, v20;
	[tilespmem:v14+s25+$0x0] =	vst.idx.msk $0xffff, v15;
	v14 =	vor.u32 v1, v19  }
0x87: {  	v34 =	vor.u32 v9, v20;
	v15 =	vor.u32 v3, v20;
	v63 =	vld.idx.msk [tilespmem:v26+s24+$0x0], $0xffff;
	v26 =	vor.u32 v2, v19  }
0x88: {  	s31 =	simm.s32 $0x1;
	v36 =	vor.u32 v10, v20;
	v37 =	vor.u32 v11, v20;
	v35 =	vld.idx.msk [tilespmem:v22+s24+$0x0], $0xffff;
	v22 =	vor.u32 v3, v19  }
0x89: {  	v31 =	vor.u32 v0, v12;
	v23 =	vld.idx.msk [tilespmem:v23+s24+$0x0], $0xffff;
	v13 =	vmov s31;
	[tilespmem:v28+s25+$0x0] =	vst.idx.msk $0xffff, v17;
	v17 =	vor.u32 v8, v19  }
0x8a: {  	v38 =	vor.u32 v9, v19;
	[tilespmem:v18+s25+$0x0] =	vst.idx.msk $0xffff, v16;
	v16 =	vshll.u32 v13, $0x8;
	v13 =	vshll.u32 v13, $0x7;
	v18 =	vld.idx.msk [tilespmem:v21+s24+$0x0], $0xffff  }
0x8b: {  	[tilespmem:v24+s25+$0x0] =	vst.idx.msk $0xffff, v27;
	v16 =	vand.u32 $0x3800, v16;
	v21 =	vand.u32 $0x280, v13;
	v20 =	vld.idx.msk [tilespmem:v14+s24+$0x0], $0xffff;
	v24 =	vor.u32 v10, v19  }
0x8c: {  	v30 =	vor.u32 v11, v19;
	[tilespmem:v15+s25+$0x0] =	vst.idx.msk $0xffff, v29;
	v14 =	vor.u32 v21, v16;
	v21 =	vld.idx.msk [tilespmem:v26+s24+$0x0], $0xffff  }
0x8d: {  	v27 =	vor.u32 v1, v12;
	v15 =	vld.idx.msk [tilespmem:v22+s24+$0x0], $0xffff;
	v26 =	vor.u32 v0, v14;
	[tilespmem:v33+s25+$0x0] =	vst.idx.msk $0xffff, v25  }
0x8e: {  	v16 =	vld.idx.msk [tilespmem:v17+s24+$0x0], $0xffff;
	v29 =	vor.u32 v2, v12;
	v28 =	vor.u32 v1, v14;
	[tilespmem:v34+s25+$0x0] =	vst.idx.msk $0xffff, v23  }
0x8f: {  	v17 =	vld.idx.msk [tilespmem:v38+s24+$0x0], $0xffff;
	v22 =	vor.u32 v3, v12;
	v25 =	vor.u32 v2, v14;
	[tilespmem:v36+s25+$0x0] =	vst.idx.msk $0xffff, v63  }
0x90: {  	s6 =	simm.s32 $0x4;
	v23 =	vor.u32 v3, v14;
	v19 =	vld.idx.msk [tilespmem:v24+s24+$0x0], $0xffff;
	v24 =	vor.u32 v8, v12;
	[tilespmem:v37+s25+$0x0] =	vst.idx.msk $0xffff, v35  }
.LBB2_6:
0x91: {  	p0 =	slt.u32 s6, $0x3C;
	v32 =	vor.u32 v8, v14;
	v30 =	vld.idx.msk [tilespmem:v30+s24+$0x0], $0xffff;
	[tilespmem:v31+s25+$0x0] =	vst.idx.msk $0xffff, v18;
	v18 =	vor.u32 v9, v12  }
0x92: {  	v31 =	vor.u32 v9, v14;
	v26 =	vld.idx.msk [tilespmem:v26+s24+$0x0], $0xffff;
	[tilespmem:v27+s25+$0x0] =	vst.idx.msk $0xffff, v20;
	v20 =	vor.u32 v10, v12  }
0x93: {  	v12 =	vor.u32 v11, v12;
	v27 =	vld.idx.msk [tilespmem:v28+s24+$0x0], $0xffff;
	v28 =	vor.u32 v10, v14;
	[tilespmem:v29+s25+$0x0] =	vst.idx.msk $0xffff, v21  }
0x94: {  	v21 =	vmov s6;
	v14 =	vor.u32 v11, v14;
	v29 =	vor.u32 v0, v13;
	v25 =	vld.idx.msk [tilespmem:v25+s24+$0x0], $0xffff;
	[tilespmem:v22+s25+$0x0] =	vst.idx.msk $0xffff, v15  }
0x95: {  	v15 =	vshll.u32 v21, $0x8;
	v21 =	vshll.u32 v21, $0x7;
	v22 =	vld.idx.msk [tilespmem:v23+s24+$0x0], $0xffff;
	v23 =	vor.u32 v1, v13;
	[tilespmem:v24+s25+$0x0] =	vst.idx.msk $0xffff, v16  }
0x96: {  	v15 =	vand.u32 $0x3800, v15;
	v16 =	vand.u32 $0x200, v21;
	v24 =	vld.idx.msk [tilespmem:v32+s24+$0x0], $0xffff;
	v32 =	vor.u32 v2, v13;
	[tilespmem:v18+s25+$0x0] =	vst.idx.msk $0xffff, v17  }
0x97: {  	v15 =	vor.u32 v16, v15;
	v17 =	vor.u32 v3, v13;
	v16 =	vld.idx.msk [tilespmem:v31+s24+$0x0], $0xffff;
	[tilespmem:v20+s25+$0x0] =	vst.idx.msk $0xffff, v19  }
0x98: {  	v18 =	vor.u32 v0, v15;
	v20 =	vor.u32 v8, v13;
	v19 =	vld.idx.msk [tilespmem:v28+s24+$0x0], $0xffff;
	[tilespmem:v12+s25+$0x0] =	vst.idx.msk $0xffff, v30  }
0x99: {  	v12 =	vor.u32 v1, v15;
	v14 =	vld.idx.msk [tilespmem:v14+s24+$0x0], $0xffff;
	[tilespmem:v29+s25+$0x0] =	vst.idx.msk $0xffff, v26;
	v26 =	vor.u32 v9, v13  }
0x9a: {  	v28 =	vor.u32 v2, v15;
	[tilespmem:v23+s25+$0x0] =	vst.idx.msk $0xffff, v27;
	v23 =	vor.u32 v10, v13  }
0x9b: {  	v27 =	vor.u32 v3, v15;
	v13 =	vor.u32 v11, v13;
	[tilespmem:v32+s25+$0x0] =	vst.idx.msk $0xffff, v25  }
0x9c: {  	s0 =	sadd.s32 $0x3, s6;
	v25 =	vor.u32 v8, v15;
	[tilespmem:v17+s25+$0x0] =	vst.idx.msk $0xffff, v22  }
0x9d: {  	v29 =	vmov s0;
	v22 =	vor.u32 v0, v21;
	v17 =	vld.idx.msk [tilespmem:v18+s24+$0x0], $0xffff;
	v18 =	vor.u32 v9, v15;
	[tilespmem:v20+s25+$0x0] =	vst.idx.msk $0xffff, v24  }
0x9e: {  	v20 =	vor.u32 v10, v15;
	v24 =	vshll.u32 v29, $0x8;
	v29 =	vshll.u32 v29, $0x7;
	v12 =	vld.idx.msk [tilespmem:v12+s24+$0x0], $0xffff;
	[tilespmem:v26+s25+$0x0] =	vst.idx.msk $0xffff, v16  }
0x9f: {  	v15 =	vor.u32 v11, v15;
	v24 =	vand.u32 $0x3800, v24;
	v26 =	vand.u32 $0x380, v29;
	v16 =	vld.idx.msk [tilespmem:v28+s24+$0x0], $0xffff;
	[tilespmem:v23+s25+$0x0] =	vst.idx.msk $0xffff, v19  }
0xa0: {  	v23 =	vor.u32 v1, v21;
	v24 =	vor.u32 v26, v24;
	v19 =	vld.idx.msk [tilespmem:v27+s24+$0x0], $0xffff;
	[tilespmem:v13+s25+$0x0] =	vst.idx.msk $0xffff, v14  }
0xa1: {  	v14 =	vor.u32 v2, v21;
	v13 =	vld.idx.msk [tilespmem:v25+s24+$0x0], $0xffff;
	v25 =	vor.u32 v0, v24  }
0xa2: {  	v26 =	vor.u32 v3, v21;
	v27 =	vor.u32 v1, v24;
	v18 =	vld.idx.msk [tilespmem:v18+s24+$0x0], $0xffff  }
0xa3: {  	v30 =	vor.u32 v9, v21;
	v28 =	vor.u32 v8, v21;
	v31 =	vor.u32 v2, v24;
	v20 =	vld.idx.msk [tilespmem:v20+s24+$0x0], $0xffff  }
0xa4: {  	v15 =	vld.idx.msk [tilespmem:v15+s24+$0x0], $0xffff;
	[tilespmem:v22+s25+$0x0] =	vst.idx.msk $0xffff, v17;
	v17 =	vor.u32 v10, v21;
	v22 =	vor.u32 v3, v24  }
0xa5: {  	s0 =	sadd.s32 $0x2, s6;
	v21 =	vor.u32 v11, v21;
	[tilespmem:v23+s25+$0x0] =	vst.idx.msk $0xffff, v12;
	v23 =	vor.u32 v8, v24  }
0xa6: {  	v12 =	vmov s0;
	[tilespmem:v14+s25+$0x0] =	vst.idx.msk $0xffff, v16;
	v14 =	vld.idx.msk [tilespmem:v25+s24+$0x0], $0xffff;
	v16 =	vor.u32 v9, v24;
	v25 =	vor.u32 v0, v29  }
0xa7: {  	[tilespmem:v26+s25+$0x0] =	vst.idx.msk $0xffff, v19;
	v19 =	vshll.u32 v12, $0x8;
	v12 =	vshll.u32 v12, $0x7;
	v26 =	vld.idx.msk [tilespmem:v27+s24+$0x0], $0xffff;
	v27 =	vor.u32 v10, v24  }
0xa8: {  	v24 =	vor.u32 v11, v24;
	[tilespmem:v28+s25+$0x0] =	vst.idx.msk $0xffff, v13;
	v13 =	vand.u32 $0x3800, v19;
	v19 =	vand.u32 $0x300, v12;
	v28 =	vld.idx.msk [tilespmem:v31+s24+$0x0], $0xffff  }
0xa9: {  	[tilespmem:v30+s25+$0x0] =	vst.idx.msk $0xffff, v18;
	v19 =	vor.u32 v19, v13;
	v22 =	vld.idx.msk [tilespmem:v22+s24+$0x0], $0xffff;
	v13 =	vor.u32 v1, v29  }
0xaa: {  	[tilespmem:v17+s25+$0x0] =	vst.idx.msk $0xffff, v20;
	v17 =	vor.u32 v0, v19;
	v23 =	vld.idx.msk [tilespmem:v23+s24+$0x0], $0xffff;
	v20 =	vor.u32 v2, v29  }
0xab: {  	[tilespmem:v21+s25+$0x0] =	vst.idx.msk $0xffff, v15;
	v15 =	vor.u32 v1, v19;
	v32 =	vld.idx.msk [tilespmem:v16+s24+$0x0], $0xffff;
	v16 =	vor.u32 v3, v29  }
0xac: {  	v34 =	vor.u32 v8, v29;
	v35 =	vor.u32 v9, v29;
	v21 =	vor.u32 v2, v19;
	v33 =	vld.idx.msk [tilespmem:v27+s24+$0x0], $0xffff  }
0xad: {  	s0 =	sadd.s32 $0x1, s6;
	v27 =	vor.u32 v3, v19;
	v36 =	vld.idx.msk [tilespmem:v24+s24+$0x0], $0xffff;
	[tilespmem:v25+s25+$0x0] =	vst.idx.msk $0xffff, v14;
	v24 =	vor.u32 v10, v29  }
0xae: {  	v37 =	vor.u32 v11, v29;
	v14 =	vmov s0;
	v25 =	vor.u32 v8, v19;
	[tilespmem:v13+s25+$0x0] =	vst.idx.msk $0xffff, v26  }
0xaf: {  	v26 =	vshll.u32 v14, $0x8;
	v13 =	vshll.u32 v14, $0x7;
	v18 =	vld.idx.msk [tilespmem:v17+s24+$0x0], $0xffff;
	v17 =	vor.u32 v9, v19;
	[tilespmem:v20+s25+$0x0] =	vst.idx.msk $0xffff, v28  }
0xb0: {  	v38 =	vor.u32 v10, v19;
	v14 =	vand.u32 $0x3800, v26;
	v26 =	vand.u32 $0x280, v13;
	v20 =	vld.idx.msk [tilespmem:v15+s24+$0x0], $0xffff;
	[tilespmem:v16+s25+$0x0] =	vst.idx.msk $0xffff, v22  }
.Ltmp5:
0xb1: {  	v31 =	vor.u32 v0, v12;
	v30 =	vor.u32 v11, v19;
	v14 =	vor.u32 v26, v14;
	v21 =	vld.idx.msk [tilespmem:v21+s24+$0x0], $0xffff;
	(pc) =	sbr.rel @p0 .LBB2_6-.Ltmp5, $4  }
0xb2: {  	v26 =	vor.u32 v0, v14;
	v15 =	vld.idx.msk [tilespmem:v27+s24+$0x0], $0xffff;
	v27 =	vor.u32 v1, v12;
	[tilespmem:v34+s25+$0x0] =	vst.idx.msk $0xffff, v23  }
0xb3: {  	v29 =	vor.u32 v2, v12;
	v28 =	vor.u32 v1, v14;
	v16 =	vld.idx.msk [tilespmem:v25+s24+$0x0], $0xffff;
	[tilespmem:v35+s25+$0x0] =	vst.idx.msk $0xffff, v32  }
0xb4: {  	v22 =	vor.u32 v3, v12;
	v25 =	vor.u32 v2, v14;
	v17 =	vld.idx.msk [tilespmem:v17+s24+$0x0], $0xffff;
	[tilespmem:v24+s25+$0x0] =	vst.idx.msk $0xffff, v33  }
0xb5: {  	s6 =	sadd.s32 $0x4, s6;
	v23 =	vor.u32 v3, v14;
	v24 =	vor.u32 v8, v12;
	v19 =	vld.idx.msk [tilespmem:v38+s24+$0x0], $0xffff;
	[tilespmem:v37+s25+$0x0] =	vst.idx.msk $0xffff, v36  }
0xb6: {  	_ =	sdelay $0x3  }
0xb7: {  	v32 =	vor.u32 v8, v14;
	v30 =	vld.idx.msk [tilespmem:v30+s24+$0x0], $0xffff;
	[tilespmem:v31+s25+$0x0] =	vst.idx.msk $0xffff, v18;
	v18 =	vor.u32 v9, v12  }
0xb8: {  	v26 =	vld.idx.msk [tilespmem:v26+s24+$0x0], $0xffff;
	v31 =	vor.u32 v9, v14;
	[tilespmem:v27+s25+$0x0] =	vst.idx.msk $0xffff, v20;
	v20 =	vor.u32 v10, v12  }
0xb9: {  	v27 =	vld.idx.msk [tilespmem:v28+s24+$0x0], $0xffff;
	v28 =	vor.u32 v10, v14;
	v12 =	vor.u32 v11, v12;
	[tilespmem:v29+s25+$0x0] =	vst.idx.msk $0xffff, v21  }
0xba: {  	v14 =	vor.u32 v11, v14;
	v21 =	vld.idx.msk [tilespmem:v25+s24+$0x0], $0xffff;
	v25 =	vor.u32 v0, v13;
	[tilespmem:v22+s25+$0x0] =	vst.idx.msk $0xffff, v15  }
0xbb: {  	v15 =	vld.idx.msk [tilespmem:v23+s24+$0x0], $0xffff;
	v22 =	vor.u32 v1, v13;
	[tilespmem:v24+s25+$0x0] =	vst.idx.msk $0xffff, v16  }
0xbc: {  	v23 =	vor.u32 v2, v13;
	v16 =	vld.idx.msk [tilespmem:v32+s24+$0x0], $0xffff;
	[tilespmem:v18+s25+$0x0] =	vst.idx.msk $0xffff, v17  }
0xbd: {  	v17 =	vld.idx.msk [tilespmem:v31+s24+$0x0], $0xffff;
	v18 =	vor.u32 v3, v13;
	[tilespmem:v20+s25+$0x0] =	vst.idx.msk $0xffff, v19  }
0xbe: {  	v19 =	vld.idx.msk [tilespmem:v28+s24+$0x0], $0xffff;
	v20 =	vor.u32 v8, v13;
	[tilespmem:v12+s25+$0x0] =	vst.idx.msk $0xffff, v30  }
0xbf: {  	v12 =	vld.idx.msk [tilespmem:v14+s24+$0x0], $0xffff;
	[tilespmem:v25+s25+$0x0] =	vst.idx.msk $0xffff, v26;
	v14 =	vor.u32 v9, v13  }
0xc0: {  	s19 =	sshll.u32 s15, $0x2;
	s0 =	sshrl.u32 s15, $0x1;
	[tilespmem:v22+s25+$0x0] =	vst.idx.msk $0xffff, v27;
	v22 =	vor.u32 v10, v13  }
0xc1: {  	s6 =	sshll.u32 s0, $0x3;
	s7 =	sadd.s32 s4, s19;
	v13 =	vor.u32 v11, v13;
	[tilespmem:v23+s25+$0x0] =	vst.idx.msk $0xffff, v21  }
0xc2: {  	s0 =	sor.u32 s10, s0;
	s7 =	ssub.s32 s7, s6;
	[tilespmem:v18+s25+$0x0] =	vst.idx.msk $0xffff, v15  }
0xc3: {  	s21 =	sshll.u32 s0, $0xA;
	s7 =	sshll.u32 s7, $0x14;
	[tilespmem:v20+s25+$0x0] =	vst.idx.msk $0xffff, v16  }
0xc4: {  	s0 =	sadd.s32 s21, s7;
	[tilespmem:v14+s25+$0x0] =	vst.idx.msk $0xffff, v17  }
0xc5: {  	s0 =	sshrl.u32 s0, $0x3;
	[tilespmem:v22+s25+$0x0] =	vst.idx.msk $0xffff, v19  }
0xc6: {  	p0 =	seq.s32 s15, $0x7;
	s0 =	sadd.s32 s2, s0;
	[tilespmem:v13+s25+$0x0] =	vst.idx.msk $0xffff, v12  }
0xc7: {  	[hbm4b:s0+s13] =	stream.strided.scatter [tilespmem:s25], [sflag:$0x5], $0x2000, s26, s13, $0x38;
	[tilespmem:$0x17000] =	vst v63  }
0xc8: {  	s8 =	simm.s32 $0x0;
	s0 =	sshll.u32 @!p0 s15, $0x9;
	_ =	swait.ge [sflag:s12], $0x2000  }
0xc9: {  	s9 =	simm.s32 @!p0 $0x80;
	v17 =	vmov s8;
	s7 =	sand.u32 @!p0 $0x3FFFFE00, s0;
	[sflag:s12] =	ssyncset.done $0x0  }
0xca: {  	s31 =	simm.s32 @!p0 $0x7000;
	v12 =	vshll.u32 v17, $0x7;
	s0 =	sadd.s32 @!p0 $0x200, s7;
	[sflag:s12] =	ssyncadd.s32 $0xFFFFE000  }
0xcb: {  	v16 =	vor.u32 v0, v12;
	[tilespmem:s31], [sflag:$0x1] =	stream.indirect.gather @!p0 [hbm4b:s5+s9], $0x80, s0, s9, $0xb8;
	[tilespmem:$0x17000] =	vst v63  }
0xcc: {  	v15 =	vor.u32 v1, v12;
	s0 =	simm.s32 $0x3  }
0xcd: {  	v14 =	vor.u32 v2, v12;
	_ =	swait.ge [sflag:s28], $0x4000;
	v18 =	vmov s0  }
0xce: {  	v13 =	vor.u32 v3, v12;
	[sflag:s28] =	ssyncset.done $0x0;
	v18 =	vshll.u32 v18, $0x7  }
0xcf: {  	[sflag:s28] =	ssyncadd.s32 $0xFFFFC000;
	v19 =	vor.u32 v0, v18  }
0xd0: {  	s9 =	simm.s32 $0x2;
	v23 =	vor.u32 v1, v18;
	v22 =	vld.idx.msk [tilespmem:v16+s18+$0x0], $0xffff  }
0xd1: {  	v29 =	vor.u32 s8, v4;
	v21 =	vmov s9;
	v35 =	vor.u32 v3, v18;
	v30 =	vld.idx.msk [tilespmem:v15+s18+$0x0], $0xffff  }
0xd2: {  	v33 =	vor.u32 s8, v5;
	v36 =	vshll.u32 v21, $0x7;
	v63 =	vor.u32 v2, v18;
	v20 =	vld.idx.msk [tilespmem:v14+s18+$0x0], $0xffff  }
0xd3: {  	v31 =	vor.u32 s8, v6;
	v27 =	vor.u32 v0, v36;
	v21 =	vld.idx.msk [tilespmem:v13+s18+$0x0], $0xffff  }
0xd4: {  	v25 =	vor.u32 s8, v7;
	s8 =	simm.s32 $0x1;
	v26 =	vor.u32 v1, v36;
	v18 =	vld.idx.msk [tilespmem:v19+s18+$0x0], $0xffff  }
0xd5: {  	v34 =	vmov s8;
	v28 =	vor.u32 s0, v4;
	v24 =	vor.u32 v2, v36;
	v19 =	vld.idx.msk [tilespmem:v23+s18+$0x0], $0xffff  }
0xd6: {  	v34 =	vshll.u32 v34, $0x7;
	v32 =	vor.u32 s0, v5;
	v23 =	vld.idx.msk [tilespmem:v35+s18+$0x0], $0xffff;
	[tilespmem:v29+s24+$0x0] =	vst.idx.msk $0xffff, v22;
	v29 =	vor.u32 v3, v36  }
0xd7: {  	s6 =	ssub.s32 $0x0, s6;
	s31 =	simm.s32 $0x4;
	v22 =	vld.idx.msk [tilespmem:v63+s18+$0x0], $0xffff;
	[tilespmem:v33+s24+$0x0] =	vst.idx.msk $0xffff, v30;
	v30 =	vor.u32 v0, v34;
	v33 =	vor.u32 s0, v6  }
.LBB2_8:
0xd8: {  	p1 =	slt.u32 s31, $0x7C;
	[tilespmem:v31+s24+$0x0] =	vst.idx.msk $0xffff, v20;
	v20 =	vor.u32 v1, v34;
	v27 =	vld.idx.msk [tilespmem:v27+s18+$0x0], $0xffff;
	v31 =	vor.u32 s0, v7  }
0xd9: {  	v35 =	vmov s31;
	[tilespmem:v25+s24+$0x0] =	vst.idx.msk $0xffff, v21;
	v21 =	vor.u32 v2, v34;
	v25 =	vld.idx.msk [tilespmem:v26+s18+$0x0], $0xffff;
	v26 =	vor.u32 s9, v4  }
0xda: {  	v36 =	vor.u32 s9, v5;
	v35 =	vshll.u32 v35, $0x7;
	v34 =	vor.u32 v3, v34;
	v24 =	vld.idx.msk [tilespmem:v24+s18+$0x0], $0xffff;
	[tilespmem:v28+s24+$0x0] =	vst.idx.msk $0xffff, v18  }
0xdb: {  	v18 =	vor.u32 v0, v35;
	v28 =	vld.idx.msk [tilespmem:v29+s18+$0x0], $0xffff;
	v29 =	vor.u32 s9, v6;
	[tilespmem:v32+s24+$0x0] =	vst.idx.msk $0xffff, v19  }
0xdc: {  	s0 =	sadd.s32 $0x3, s31;
	v19 =	vor.u32 v1, v35;
	v32 =	vor.u32 s9, v7;
	v30 =	vld.idx.msk [tilespmem:v30+s18+$0x0], $0xffff;
	[tilespmem:v33+s24+$0x0] =	vst.idx.msk $0xffff, v22  }
0xdd: {  	v38 =	vor.u32 s8, v4;
	v22 =	vor.u32 v2, v35;
	v33 =	vmov s0;
	v37 =	vld.idx.msk [tilespmem:v20+s18+$0x0], $0xffff;
	[tilespmem:v31+s24+$0x0] =	vst.idx.msk $0xffff, v23  }
0xde: {  	v23 =	vor.u32 v3, v35;
	v31 =	vshll.u32 v33, $0x7;
	v35 =	vor.u32 s8, v5;
	v33 =	vld.idx.msk [tilespmem:v21+s18+$0x0], $0xffff;
	[tilespmem:v26+s24+$0x0] =	vst.idx.msk $0xffff, v27  }
0xdf: {  	v40 =	vor.u32 s8, v6;
	v39 =	vor.u32 v0, v31;
	v34 =	vld.idx.msk [tilespmem:v34+s18+$0x0], $0xffff;
	[tilespmem:v36+s24+$0x0] =	vst.idx.msk $0xffff, v25  }
0xe0: {  	v42 =	vor.u32 s8, v7;
	s9 =	sadd.s32 $0x2, s31;
	v41 =	vor.u32 v1, v31;
	v36 =	vld.idx.msk [tilespmem:v18+s18+$0x0], $0xffff;
	[tilespmem:v29+s24+$0x0] =	vst.idx.msk $0xffff, v24  }
0xe1: {  	v44 =	vor.u32 v2, v31;
	v29 =	vor.u32 s31, v4;
	v18 =	vmov s9;
	v43 =	vld.idx.msk [tilespmem:v19+s18+$0x0], $0xffff;
	[tilespmem:v32+s24+$0x0] =	vst.idx.msk $0xffff, v28  }
0xe2: {  	v45 =	vor.u32 s31, v5;
	v46 =	vor.u32 v3, v31;
	v20 =	vld.idx.msk [tilespmem:v22+s18+$0x0], $0xffff;
	v22 =	vshll.u32 v18, $0x7;
	[tilespmem:v38+s24+$0x0] =	vst.idx.msk $0xffff, v30  }
.Ltmp6:
0xe3: {  	v31 =	vor.u32 s31, v6;
	v21 =	vld.idx.msk [tilespmem:v23+s18+$0x0], $0xffff;
	v27 =	vor.u32 v0, v22;
	[tilespmem:v35+s24+$0x0] =	vst.idx.msk $0xffff, v37;
	(pc) =	sbr.rel @p1 .LBB2_8-.Ltmp6, $4  }
0xe4: {  	s8 =	sadd.s32 $0x1, s31;
	v25 =	vor.u32 s31, v7;
	v26 =	vor.u32 v1, v22;
	v18 =	vld.idx.msk [tilespmem:v39+s18+$0x0], $0xffff;
	[tilespmem:v40+s24+$0x0] =	vst.idx.msk $0xffff, v33  }
0xe5: {  	v28 =	vor.u32 s0, v4;
	v23 =	vmov s8;
	v24 =	vor.u32 v2, v22;
	v19 =	vld.idx.msk [tilespmem:v41+s18+$0x0], $0xffff;
	[tilespmem:v42+s24+$0x0] =	vst.idx.msk $0xffff, v34  }
0xe6: {  	v32 =	vor.u32 s0, v5;
	v34 =	vshll.u32 v23, $0x7;
	[tilespmem:v29+s24+$0x0] =	vst.idx.msk $0xffff, v36;
	v29 =	vor.u32 v3, v22;
	v22 =	vld.idx.msk [tilespmem:v44+s18+$0x0], $0xffff  }
0xe7: {  	s31 =	sadd.s32 $0x4, s31;
	v33 =	vor.u32 s0, v6;
	v30 =	vor.u32 v0, v34;
	[tilespmem:v45+s24+$0x0] =	vst.idx.msk $0xffff, v43;
	v23 =	vld.idx.msk [tilespmem:v46+s18+$0x0], $0xffff  }
0xe8: {  	_ =	sdelay $0x3  }
0xe9: {  	[tilespmem:v31+s24+$0x0] =	vst.idx.msk $0xffff, v20;
	v20 =	vor.u32 s0, v7  }
0xea: {  	v31 =	vor.u32 v1, v34;
	v27 =	vld.idx.msk [tilespmem:v27+s18+$0x0], $0xffff;
	[tilespmem:v25+s24+$0x0] =	vst.idx.msk $0xffff, v21;
	v21 =	vor.u32 s9, v4  }
0xeb: {  	v26 =	vld.idx.msk [tilespmem:v26+s18+$0x0], $0xffff;
	v35 =	vor.u32 s9, v5;
	v25 =	vor.u32 v2, v34;
	[tilespmem:v28+s24+$0x0] =	vst.idx.msk $0xffff, v18  }
0xec: {  	v24 =	vld.idx.msk [tilespmem:v24+s18+$0x0], $0xffff;
	v18 =	vor.u32 v3, v34;
	v28 =	vor.u32 s9, v6;
	[tilespmem:v32+s24+$0x0] =	vst.idx.msk $0xffff, v19  }
0xed: {  	v19 =	vld.idx.msk [tilespmem:v29+s18+$0x0], $0xffff;
	v29 =	vor.u32 s9, v7;
	[tilespmem:v33+s24+$0x0] =	vst.idx.msk $0xffff, v22  }
0xee: {  	v22 =	vld.idx.msk [tilespmem:v30+s18+$0x0], $0xffff;
	v30 =	vor.u32 s8, v4;
	[tilespmem:v20+s24+$0x0] =	vst.idx.msk $0xffff, v23  }
0xef: {  	v17 =	vshll.u32 v17, $0x8;
	v20 =	vld.idx.msk [tilespmem:v31+s18+$0x0], $0xffff;
	v23 =	vor.u32 s8, v5;
	[tilespmem:v21+s24+$0x0] =	vst.idx.msk $0xffff, v27  }
0xf0: {  	v17 =	vand.u32 $0x3800, v17;
	v21 =	vld.idx.msk [tilespmem:v25+s18+$0x0], $0xffff;
	v25 =	vor.u32 s8, v6;
	[tilespmem:v35+s24+$0x0] =	vst.idx.msk $0xffff, v26;
	v26 =	vand.u32 $0x200, v12  }
0xf1: {  	v18 =	vld.idx.msk [tilespmem:v18+s18+$0x0], $0xffff;
	v27 =	vor.u32 s8, v7;
	[tilespmem:v28+s24+$0x0] =	vst.idx.msk $0xffff, v24;
	v17 =	vor.u32 v26, v17  }
0xf2: {  	[tilespmem:v29+s24+$0x0] =	vst.idx.msk $0xffff, v19;
	v19 =	vor.u32 v0, v17  }
0xf3: {  	[tilespmem:v30+s24+$0x0] =	vst.idx.msk $0xffff, v22;
	v22 =	vor.u32 v1, v17  }
0xf4: {  	[tilespmem:v23+s24+$0x0] =	vst.idx.msk $0xffff, v20;
	v20 =	vor.u32 v2, v17  }
0xf5: {  	v23 =	vor.u32 v9, v17;
	[tilespmem:v25+s24+$0x0] =	vst.idx.msk $0xffff, v21  }
0xf6: {  	s8 =	simm.s32 $0x3;
	v21 =	vor.u32 v3, v17;
	[tilespmem:v27+s24+$0x0] =	vst.idx.msk $0xffff, v18  }
0xf7: {  	v24 =	vmov s8;
	v25 =	vor.u32 v10, v17;
	v19 =	vld.idx.msk [tilespmem:v19+s24+$0x0], $0xffff  }
0xf8: {  	v26 =	vshll.u32 v24, $0x8;
	v24 =	vshll.u32 v24, $0x7;
	v18 =	vor.u32 v8, v17;
	v22 =	vld.idx.msk [tilespmem:v22+s24+$0x0], $0xffff  }
0xf9: {  	v26 =	vand.u32 $0x3800, v26;
	v17 =	vor.u32 v11, v17;
	v27 =	vand.u32 $0x380, v24;
	v20 =	vld.idx.msk [tilespmem:v20+s24+$0x0], $0xffff  }
0xfa: {  	v26 =	vor.u32 v27, v26;
	v23 =	vld.idx.msk [tilespmem:v23+s24+$0x0], $0xffff  }
0xfb: {  	v27 =	vor.u32 v0, v26;
	v21 =	vld.idx.msk [tilespmem:v21+s24+$0x0], $0xffff  }
0xfc: {  	v60 =	vor.u32 v9, v12;
	v25 =	vld.idx.msk [tilespmem:v25+s24+$0x0], $0xffff  }
0xfd: {  	v30 =	vor.u32 v8, v12;
	v62 =	vor.u32 v8, v24;
	v28 =	vor.u32 v1, v26;
	v18 =	vld.idx.msk [tilespmem:v18+s24+$0x0], $0xffff  }
0xfe: {  	v29 =	vor.u32 v2, v26;
	v31 =	vor.u32 v3, v26;
	v17 =	vld.idx.msk [tilespmem:v17+s24+$0x0], $0xffff;
	[tilespmem:v16+s25+$0x0] =	vst.idx.msk $0xffff, v19  }
0xff: {  	s9 =	simm.s32 $0x2;
	v16 =	vor.u32 v8, v26;
	v19 =	vor.u32 v10, v12;
	[tilespmem:v15+s25+$0x0] =	vst.idx.msk $0xffff, v22  }
0x100: {  	v15 =	vld.idx.msk [tilespmem:v27+s24+$0x0], $0xffff;
	v22 =	vor.u32 v9, v26;
	v27 =	vor.u32 v11, v12;
	v12 =	vmov s9;
	[tilespmem:v14+s25+$0x0] =	vst.idx.msk $0xffff, v20  }
0x101: {  	v20 =	vor.u32 v10, v26;
	[tilespmem:v13+s25+$0x0] =	vst.idx.msk $0xffff, v21;
	v13 =	vshll.u32 v12, $0x8;
	v12 =	vshll.u32 v12, $0x7  }
0x102: {  	v14 =	vld.idx.msk [tilespmem:v28+s24+$0x0], $0xffff;
	v26 =	vor.u32 v11, v26;
	[tilespmem:v30+s25+$0x0] =	vst.idx.msk $0xffff, v18;
	v13 =	vand.u32 $0x3800, v13;
	v18 =	vand.u32 $0x300, v12  }
0x103: {  	v28 =	vor.u32 v0, v24;
	v21 =	vld.idx.msk [tilespmem:v29+s24+$0x0], $0xffff;
	[tilespmem:v60+s25+$0x0] =	vst.idx.msk $0xffff, v23;
	v23 =	vor.u32 v18, v13  }
0x104: {  	v29 =	vld.idx.msk [tilespmem:v31+s24+$0x0], $0xffff;
	v13 =	vor.u32 v1, v24;
	[tilespmem:v19+s25+$0x0] =	vst.idx.msk $0xffff, v25;
	v18 =	vor.u32 v0, v23  }
0x105: {  	v16 =	vld.idx.msk [tilespmem:v16+s24+$0x0], $0xffff;
	v19 =	vor.u32 v2, v24;
	[tilespmem:v27+s25+$0x0] =	vst.idx.msk $0xffff, v17;
	v17 =	vor.u32 v1, v23  }
0x106: {  	v63 =	vor.u32 v9, v24;
	v22 =	vld.idx.msk [tilespmem:v22+s24+$0x0], $0xffff;
	v25 =	vor.u32 v3, v24;
	v27 =	vor.u32 v2, v23  }
0x107: {  	s31 =	simm.s32 $0x1;
	v37 =	vor.u32 v10, v24;
	v39 =	vor.u32 v11, v24;
	v36 =	vor.u32 v3, v23;
	v61 =	vld.idx.msk [tilespmem:v20+s24+$0x0], $0xffff  }
0x108: {  	v31 =	vor.u32 v0, v12;
	v24 =	vor.u32 v9, v23;
	v35 =	vld.idx.msk [tilespmem:v26+s24+$0x0], $0xffff;
	[tilespmem:v28+s25+$0x0] =	vst.idx.msk $0xffff, v15;
	v15 =	vmov s31  }
0x109: {  	v38 =	vor.u32 v8, v23;
	[tilespmem:v13+s25+$0x0] =	vst.idx.msk $0xffff, v14;
	v14 =	vshll.u32 v15, $0x8;
	v13 =	vshll.u32 v15, $0x7;
	v18 =	vld.idx.msk [tilespmem:v18+s24+$0x0], $0xffff  }
0x10a: {  	[tilespmem:v19+s25+$0x0] =	vst.idx.msk $0xffff, v21;
	v14 =	vand.u32 $0x3800, v14;
	v15 =	vand.u32 $0x280, v13;
	v19 =	vor.u32 v10, v23;
	v20 =	vld.idx.msk [tilespmem:v17+s24+$0x0], $0xffff  }
0x10b: {  	v30 =	vor.u32 v11, v23;
	[tilespmem:v25+s25+$0x0] =	vst.idx.msk $0xffff, v29;
	v14 =	vor.u32 v15, v14;
	v21 =	vld.idx.msk [tilespmem:v27+s24+$0x0], $0xffff  }
0x10c: {  	v15 =	vld.idx.msk [tilespmem:v36+s24+$0x0], $0xffff;
	v27 =	vor.u32 v1, v12;
	v26 =	vor.u32 v0, v14;
	[tilespmem:v62+s25+$0x0] =	vst.idx.msk $0xffff, v16  }
0x10d: {  	v29 =	vor.u32 v2, v12;
	v17 =	vld.idx.msk [tilespmem:v24+s24+$0x0], $0xffff;
	v28 =	vor.u32 v1, v14;
	[tilespmem:v63+s25+$0x0] =	vst.idx.msk $0xffff, v22  }
0x10e: {  	v16 =	vld.idx.msk [tilespmem:v38+s24+$0x0], $0xffff;
	v25 =	vor.u32 v2, v14;
	v22 =	vor.u32 v3, v12;
	[tilespmem:v37+s25+$0x0] =	vst.idx.msk $0xffff, v61  }
0x10f: {  	s8 =	simm.s32 $0x4;
	v24 =	vor.u32 v8, v12;
	v23 =	vor.u32 v3, v14;
	v19 =	vld.idx.msk [tilespmem:v19+s24+$0x0], $0xffff;
	[tilespmem:v39+s25+$0x0] =	vst.idx.msk $0xffff, v35  }
.LBB2_10:
0x110: {  	p1 =	slt.u32 s8, $0x3C;
	v32 =	vor.u32 v8, v14;
	v30 =	vld.idx.msk [tilespmem:v30+s24+$0x0], $0xffff;
	[tilespmem:v31+s25+$0x0] =	vst.idx.msk $0xffff, v18;
	v18 =	vor.u32 v9, v12  }
0x111: {  	v31 =	vor.u32 v9, v14;
	v26 =	vld.idx.msk [tilespmem:v26+s24+$0x0], $0xffff;
	[tilespmem:v27+s25+$0x0] =	vst.idx.msk $0xffff, v20;
	v20 =	vor.u32 v10, v12  }
0x112: {  	v12 =	vor.u32 v11, v12;
	v27 =	vld.idx.msk [tilespmem:v28+s24+$0x0], $0xffff;
	v28 =	vor.u32 v10, v14;
	[tilespmem:v29+s25+$0x0] =	vst.idx.msk $0xffff, v21  }
0x113: {  	v21 =	vmov s8;
	v14 =	vor.u32 v11, v14;
	v29 =	vor.u32 v0, v13;
	v25 =	vld.idx.msk [tilespmem:v25+s24+$0x0], $0xffff;
	[tilespmem:v22+s25+$0x0] =	vst.idx.msk $0xffff, v15  }
0x114: {  	v15 =	vshll.u32 v21, $0x8;
	v21 =	vshll.u32 v21, $0x7;
	v22 =	vld.idx.msk [tilespmem:v23+s24+$0x0], $0xffff;
	v23 =	vor.u32 v1, v13;
	[tilespmem:v24+s25+$0x0] =	vst.idx.msk $0xffff, v16  }
0x115: {  	v15 =	vand.u32 $0x3800, v15;
	v16 =	vand.u32 $0x200, v21;
	v24 =	vld.idx.msk [tilespmem:v32+s24+$0x0], $0xffff;
	v32 =	vor.u32 v2, v13;
	[tilespmem:v18+s25+$0x0] =	vst.idx.msk $0xffff, v17  }
0x116: {  	v15 =	vor.u32 v16, v15;
	v17 =	vor.u32 v3, v13;
	v16 =	vld.idx.msk [tilespmem:v31+s24+$0x0], $0xffff;
	[tilespmem:v20+s25+$0x0] =	vst.idx.msk $0xffff, v19  }
0x117: {  	v18 =	vor.u32 v0, v15;
	v20 =	vor.u32 v8, v13;
	v19 =	vld.idx.msk [tilespmem:v28+s24+$0x0], $0xffff;
	[tilespmem:v12+s25+$0x0] =	vst.idx.msk $0xffff, v30  }
0x118: {  	v12 =	vor.u32 v1, v15;
	v14 =	vld.idx.msk [tilespmem:v14+s24+$0x0], $0xffff;
	[tilespmem:v29+s25+$0x0] =	vst.idx.msk $0xffff, v26;
	v26 =	vor.u32 v9, v13  }
0x119: {  	v28 =	vor.u32 v2, v15;
	[tilespmem:v23+s25+$0x0] =	vst.idx.msk $0xffff, v27;
	v23 =	vor.u32 v10, v13  }
0x11a: {  	v27 =	vor.u32 v3, v15;
	v13 =	vor.u32 v11, v13;
	[tilespmem:v32+s25+$0x0] =	vst.idx.msk $0xffff, v25  }
0x11b: {  	s0 =	sadd.s32 $0x3, s8;
	v25 =	vor.u32 v8, v15;
	[tilespmem:v17+s25+$0x0] =	vst.idx.msk $0xffff, v22  }
0x11c: {  	v29 =	vmov s0;
	v22 =	vor.u32 v0, v21;
	v17 =	vld.idx.msk [tilespmem:v18+s24+$0x0], $0xffff;
	v18 =	vor.u32 v9, v15;
	[tilespmem:v20+s25+$0x0] =	vst.idx.msk $0xffff, v24  }
0x11d: {  	v20 =	vor.u32 v10, v15;
	v24 =	vshll.u32 v29, $0x8;
	v29 =	vshll.u32 v29, $0x7;
	v12 =	vld.idx.msk [tilespmem:v12+s24+$0x0], $0xffff;
	[tilespmem:v26+s25+$0x0] =	vst.idx.msk $0xffff, v16  }
0x11e: {  	v15 =	vor.u32 v11, v15;
	v24 =	vand.u32 $0x3800, v24;
	v26 =	vand.u32 $0x380, v29;
	v16 =	vld.idx.msk [tilespmem:v28+s24+$0x0], $0xffff;
	[tilespmem:v23+s25+$0x0] =	vst.idx.msk $0xffff, v19  }
0x11f: {  	v23 =	vor.u32 v1, v21;
	v24 =	vor.u32 v26, v24;
	v19 =	vld.idx.msk [tilespmem:v27+s24+$0x0], $0xffff;
	[tilespmem:v13+s25+$0x0] =	vst.idx.msk $0xffff, v14  }
0x120: {  	v14 =	vor.u32 v2, v21;
	v13 =	vld.idx.msk [tilespmem:v25+s24+$0x0], $0xffff;
	v25 =	vor.u32 v0, v24  }
0x121: {  	v26 =	vor.u32 v3, v21;
	v27 =	vor.u32 v1, v24;
	v18 =	vld.idx.msk [tilespmem:v18+s24+$0x0], $0xffff  }
0x122: {  	v30 =	vor.u32 v9, v21;
	v28 =	vor.u32 v8, v21;
	v31 =	vor.u32 v2, v24;
	v20 =	vld.idx.msk [tilespmem:v20+s24+$0x0], $0xffff  }
0x123: {  	v15 =	vld.idx.msk [tilespmem:v15+s24+$0x0], $0xffff;
	[tilespmem:v22+s25+$0x0] =	vst.idx.msk $0xffff, v17;
	v17 =	vor.u32 v10, v21;
	v22 =	vor.u32 v3, v24  }
0x124: {  	s0 =	sadd.s32 $0x2, s8;
	v21 =	vor.u32 v11, v21;
	[tilespmem:v23+s25+$0x0] =	vst.idx.msk $0xffff, v12;
	v23 =	vor.u32 v8, v24  }
0x125: {  	v12 =	vmov s0;
	[tilespmem:v14+s25+$0x0] =	vst.idx.msk $0xffff, v16;
	v14 =	vld.idx.msk [tilespmem:v25+s24+$0x0], $0xffff;
	v16 =	vor.u32 v9, v24;
	v25 =	vor.u32 v0, v29  }
0x126: {  	[tilespmem:v26+s25+$0x0] =	vst.idx.msk $0xffff, v19;
	v19 =	vshll.u32 v12, $0x8;
	v12 =	vshll.u32 v12, $0x7;
	v26 =	vld.idx.msk [tilespmem:v27+s24+$0x0], $0xffff;
	v27 =	vor.u32 v10, v24  }
0x127: {  	v24 =	vor.u32 v11, v24;
	[tilespmem:v28+s25+$0x0] =	vst.idx.msk $0xffff, v13;
	v13 =	vand.u32 $0x3800, v19;
	v19 =	vand.u32 $0x300, v12;
	v28 =	vld.idx.msk [tilespmem:v31+s24+$0x0], $0xffff  }
0x128: {  	[tilespmem:v30+s25+$0x0] =	vst.idx.msk $0xffff, v18;
	v19 =	vor.u32 v19, v13;
	v22 =	vld.idx.msk [tilespmem:v22+s24+$0x0], $0xffff;
	v13 =	vor.u32 v1, v29  }
0x129: {  	[tilespmem:v17+s25+$0x0] =	vst.idx.msk $0xffff, v20;
	v17 =	vor.u32 v0, v19;
	v23 =	vld.idx.msk [tilespmem:v23+s24+$0x0], $0xffff;
	v20 =	vor.u32 v2, v29  }
0x12a: {  	[tilespmem:v21+s25+$0x0] =	vst.idx.msk $0xffff, v15;
	v15 =	vor.u32 v1, v19;
	v32 =	vld.idx.msk [tilespmem:v16+s24+$0x0], $0xffff;
	v16 =	vor.u32 v3, v29  }
0x12b: {  	v34 =	vor.u32 v8, v29;
	v35 =	vor.u32 v9, v29;
	v21 =	vor.u32 v2, v19;
	v33 =	vld.idx.msk [tilespmem:v27+s24+$0x0], $0xffff  }
0x12c: {  	s0 =	sadd.s32 $0x1, s8;
	v27 =	vor.u32 v3, v19;
	v36 =	vld.idx.msk [tilespmem:v24+s24+$0x0], $0xffff;
	[tilespmem:v25+s25+$0x0] =	vst.idx.msk $0xffff, v14;
	v24 =	vor.u32 v10, v29  }
0x12d: {  	v37 =	vor.u32 v11, v29;
	v14 =	vmov s0;
	v25 =	vor.u32 v8, v19;
	[tilespmem:v13+s25+$0x0] =	vst.idx.msk $0xffff, v26  }
0x12e: {  	v26 =	vshll.u32 v14, $0x8;
	v13 =	vshll.u32 v14, $0x7;
	v18 =	vld.idx.msk [tilespmem:v17+s24+$0x0], $0xffff;
	v17 =	vor.u32 v9, v19;
	[tilespmem:v20+s25+$0x0] =	vst.idx.msk $0xffff, v28  }
0x12f: {  	v38 =	vor.u32 v10, v19;
	v14 =	vand.u32 $0x3800, v26;
	v26 =	vand.u32 $0x280, v13;
	v20 =	vld.idx.msk [tilespmem:v15+s24+$0x0], $0xffff;
	[tilespmem:v16+s25+$0x0] =	vst.idx.msk $0xffff, v22  }
.Ltmp7:
0x130: {  	v31 =	vor.u32 v0, v12;
	v30 =	vor.u32 v11, v19;
	v14 =	vor.u32 v26, v14;
	v21 =	vld.idx.msk [tilespmem:v21+s24+$0x0], $0xffff;
	(pc) =	sbr.rel @p1 .LBB2_10-.Ltmp7, $4  }
0x131: {  	v26 =	vor.u32 v0, v14;
	v15 =	vld.idx.msk [tilespmem:v27+s24+$0x0], $0xffff;
	v27 =	vor.u32 v1, v12;
	[tilespmem:v34+s25+$0x0] =	vst.idx.msk $0xffff, v23  }
0x132: {  	v29 =	vor.u32 v2, v12;
	v28 =	vor.u32 v1, v14;
	v16 =	vld.idx.msk [tilespmem:v25+s24+$0x0], $0xffff;
	[tilespmem:v35+s25+$0x0] =	vst.idx.msk $0xffff, v32  }
0x133: {  	v22 =	vor.u32 v3, v12;
	v25 =	vor.u32 v2, v14;
	v17 =	vld.idx.msk [tilespmem:v17+s24+$0x0], $0xffff;
	[tilespmem:v24+s25+$0x0] =	vst.idx.msk $0xffff, v33  }
0x134: {  	s8 =	sadd.s32 $0x4, s8;
	v23 =	vor.u32 v3, v14;
	v24 =	vor.u32 v8, v12;
	v19 =	vld.idx.msk [tilespmem:v38+s24+$0x0], $0xffff;
	[tilespmem:v37+s25+$0x0] =	vst.idx.msk $0xffff, v36  }
0x135: {  	_ =	sdelay $0x3  }
0x136: {  	v32 =	vor.u32 v8, v14;
	v30 =	vld.idx.msk [tilespmem:v30+s24+$0x0], $0xffff;
	[tilespmem:v31+s25+$0x0] =	vst.idx.msk $0xffff, v18;
	v18 =	vor.u32 v9, v12  }
0x137: {  	v26 =	vld.idx.msk [tilespmem:v26+s24+$0x0], $0xffff;
	v31 =	vor.u32 v9, v14;
	[tilespmem:v27+s25+$0x0] =	vst.idx.msk $0xffff, v20;
	v20 =	vor.u32 v10, v12  }
0x138: {  	v27 =	vld.idx.msk [tilespmem:v28+s24+$0x0], $0xffff;
	v28 =	vor.u32 v10, v14;
	v12 =	vor.u32 v11, v12;
	[tilespmem:v29+s25+$0x0] =	vst.idx.msk $0xffff, v21  }
0x139: {  	v14 =	vor.u32 v11, v14;
	v21 =	vld.idx.msk [tilespmem:v25+s24+$0x0], $0xffff;
	v25 =	vor.u32 v0, v13;
	[tilespmem:v22+s25+$0x0] =	vst.idx.msk $0xffff, v15  }
0x13a: {  	v15 =	vld.idx.msk [tilespmem:v23+s24+$0x0], $0xffff;
	v22 =	vor.u32 v1, v13;
	[tilespmem:v24+s25+$0x0] =	vst.idx.msk $0xffff, v16  }
0x13b: {  	v23 =	vor.u32 v2, v13;
	v16 =	vld.idx.msk [tilespmem:v32+s24+$0x0], $0xffff;
	[tilespmem:v18+s25+$0x0] =	vst.idx.msk $0xffff, v17  }
0x13c: {  	v17 =	vld.idx.msk [tilespmem:v31+s24+$0x0], $0xffff;
	v18 =	vor.u32 v3, v13;
	[tilespmem:v20+s25+$0x0] =	vst.idx.msk $0xffff, v19  }
0x13d: {  	v19 =	vld.idx.msk [tilespmem:v28+s24+$0x0], $0xffff;
	v20 =	vor.u32 v8, v13;
	[tilespmem:v12+s25+$0x0] =	vst.idx.msk $0xffff, v30  }
0x13e: {  	v12 =	vld.idx.msk [tilespmem:v14+s24+$0x0], $0xffff;
	[tilespmem:v25+s25+$0x0] =	vst.idx.msk $0xffff, v26;
	v14 =	vor.u32 v9, v13  }
0x13f: {  	[tilespmem:v22+s25+$0x0] =	vst.idx.msk $0xffff, v27;
	v22 =	vor.u32 v10, v13  }
0x140: {  	s0 =	sadd.s32 s19, s11;
	v13 =	vor.u32 v11, v13;
	[tilespmem:v23+s25+$0x0] =	vst.idx.msk $0xffff, v21  }
0x141: {  	s0 =	sadd.s32 s6, s0;
	[tilespmem:v18+s25+$0x0] =	vst.idx.msk $0xffff, v15  }
0x142: {  	s0 =	sshll.u32 s0, $0x14;
	[tilespmem:v20+s25+$0x0] =	vst.idx.msk $0xffff, v16  }
0x143: {  	s0 =	sadd.s32 s21, s0;
	[tilespmem:v14+s25+$0x0] =	vst.idx.msk $0xffff, v17  }
0x144: {  	s0 =	sshrl.u32 s0, $0x3;
	[tilespmem:v22+s25+$0x0] =	vst.idx.msk $0xffff, v19  }
0x145: {  	s0 =	sadd.s32 s2, s0;
	[tilespmem:v13+s25+$0x0] =	vst.idx.msk $0xffff, v12  }
0x146: {  	[hbm4b:s0+s13] =	stream.strided.scatter [tilespmem:s25], [sflag:$0x5], $0x2000, s26, s13, $0x38;
	[tilespmem:$0x17000] =	vst v63  }
0x147: {  	s8 =	simm.s32 $0x0;
	_ =	swait.ge [sflag:s12], $0x2000  }
0x148: {  	s9 =	simm.s32 @!p0 $0x80;
	v17 =	vmov s8;
	[sflag:s12] =	ssyncset.done $0x0  }
0x149: {  	s31 =	simm.s32 @!p0 $0xB000;
	v12 =	vshll.u32 v17, $0x7;
	s0 =	sadd.s32 @!p0 $0x280, s7;
	[sflag:s12] =	ssyncadd.s32 $0xFFFFE000  }
0x14a: {  	v16 =	vor.u32 v0, v12;
	[tilespmem:s31], [sflag:$0x2] =	stream.indirect.gather @!p0 [hbm4b:s5+s9], $0x80, s0, s9, $0xb8;
	[tilespmem:$0x17000] =	vst v63  }
0x14b: {  	v15 =	vor.u32 v1, v12;
	s0 =	simm.s32 $0x3  }
0x14c: {  	v14 =	vor.u32 v2, v12;
	_ =	swait.ge [sflag:s29], $0x4000;
	v18 =	vmov s0  }
0x14d: {  	v13 =	vor.u32 v3, v12;
	[sflag:s29] =	ssyncset.done $0x0;
	v18 =	vshll.u32 v18, $0x7  }
0x14e: {  	[sflag:s29] =	ssyncadd.s32 $0xFFFFC000;
	v19 =	vor.u32 v0, v18  }
0x14f: {  	s9 =	simm.s32 $0x2;
	v23 =	vor.u32 v1, v18;
	v22 =	vld.idx.msk [tilespmem:v16+s20+$0x0], $0xffff  }
0x150: {  	v29 =	vor.u32 s8, v4;
	v21 =	vmov s9;
	v35 =	vor.u32 v3, v18;
	v30 =	vld.idx.msk [tilespmem:v15+s20+$0x0], $0xffff  }
0x151: {  	v33 =	vor.u32 s8, v5;
	v36 =	vshll.u32 v21, $0x7;
	v63 =	vor.u32 v2, v18;
	v20 =	vld.idx.msk [tilespmem:v14+s20+$0x0], $0xffff  }
0x152: {  	v31 =	vor.u32 s8, v6;
	v27 =	vor.u32 v0, v36;
	v21 =	vld.idx.msk [tilespmem:v13+s20+$0x0], $0xffff  }
0x153: {  	v25 =	vor.u32 s8, v7;
	s8 =	simm.s32 $0x1;
	v26 =	vor.u32 v1, v36;
	v18 =	vld.idx.msk [tilespmem:v19+s20+$0x0], $0xffff  }
0x154: {  	v34 =	vmov s8;
	v28 =	vor.u32 s0, v4;
	v24 =	vor.u32 v2, v36;
	v19 =	vld.idx.msk [tilespmem:v23+s20+$0x0], $0xffff  }
0x155: {  	v34 =	vshll.u32 v34, $0x7;
	v32 =	vor.u32 s0, v5;
	v23 =	vld.idx.msk [tilespmem:v35+s20+$0x0], $0xffff;
	[tilespmem:v29+s24+$0x0] =	vst.idx.msk $0xffff, v22;
	v29 =	vor.u32 v3, v36  }
0x156: {  	s31 =	simm.s32 $0x4;
	v22 =	vld.idx.msk [tilespmem:v63+s20+$0x0], $0xffff;
	[tilespmem:v33+s24+$0x0] =	vst.idx.msk $0xffff, v30;
	v30 =	vor.u32 v0, v34;
	v33 =	vor.u32 s0, v6  }
.LBB2_12:
0x157: {  	p1 =	slt.u32 s31, $0x7C;
	[tilespmem:v31+s24+$0x0] =	vst.idx.msk $0xffff, v20;
	v20 =	vor.u32 v1, v34;
	v27 =	vld.idx.msk [tilespmem:v27+s20+$0x0], $0xffff;
	v31 =	vor.u32 s0, v7  }
0x158: {  	v35 =	vmov s31;
	[tilespmem:v25+s24+$0x0] =	vst.idx.msk $0xffff, v21;
	v21 =	vor.u32 v2, v34;
	v25 =	vld.idx.msk [tilespmem:v26+s20+$0x0], $0xffff;
	v26 =	vor.u32 s9, v4  }
0x159: {  	v36 =	vor.u32 s9, v5;
	v35 =	vshll.u32 v35, $0x7;
	v34 =	vor.u32 v3, v34;
	v24 =	vld.idx.msk [tilespmem:v24+s20+$0x0], $0xffff;
	[tilespmem:v28+s24+$0x0] =	vst.idx.msk $0xffff, v18  }
0x15a: {  	v18 =	vor.u32 v0, v35;
	v28 =	vld.idx.msk [tilespmem:v29+s20+$0x0], $0xffff;
	v29 =	vor.u32 s9, v6;
	[tilespmem:v32+s24+$0x0] =	vst.idx.msk $0xffff, v19  }
0x15b: {  	s0 =	sadd.s32 $0x3, s31;
	v19 =	vor.u32 v1, v35;
	v32 =	vor.u32 s9, v7;
	v30 =	vld.idx.msk [tilespmem:v30+s20+$0x0], $0xffff;
	[tilespmem:v33+s24+$0x0] =	vst.idx.msk $0xffff, v22  }
0x15c: {  	v38 =	vor.u32 s8, v4;
	v22 =	vor.u32 v2, v35;
	v33 =	vmov s0;
	v37 =	vld.idx.msk [tilespmem:v20+s20+$0x0], $0xffff;
	[tilespmem:v31+s24+$0x0] =	vst.idx.msk $0xffff, v23  }
0x15d: {  	v23 =	vor.u32 v3, v35;
	v31 =	vshll.u32 v33, $0x7;
	v35 =	vor.u32 s8, v5;
	v33 =	vld.idx.msk [tilespmem:v21+s20+$0x0], $0xffff;
	[tilespmem:v26+s24+$0x0] =	vst.idx.msk $0xffff, v27  }
0x15e: {  	v40 =	vor.u32 s8, v6;
	v39 =	vor.u32 v0, v31;
	v34 =	vld.idx.msk [tilespmem:v34+s20+$0x0], $0xffff;
	[tilespmem:v36+s24+$0x0] =	vst.idx.msk $0xffff, v25  }
0x15f: {  	v42 =	vor.u32 s8, v7;
	s9 =	sadd.s32 $0x2, s31;
	v41 =	vor.u32 v1, v31;
	v36 =	vld.idx.msk [tilespmem:v18+s20+$0x0], $0xffff;
	[tilespmem:v29+s24+$0x0] =	vst.idx.msk $0xffff, v24  }
0x160: {  	v44 =	vor.u32 v2, v31;
	v29 =	vor.u32 s31, v4;
	v18 =	vmov s9;
	v43 =	vld.idx.msk [tilespmem:v19+s20+$0x0], $0xffff;
	[tilespmem:v32+s24+$0x0] =	vst.idx.msk $0xffff, v28  }
0x161: {  	v45 =	vor.u32 s31, v5;
	v46 =	vor.u32 v3, v31;
	v20 =	vld.idx.msk [tilespmem:v22+s20+$0x0], $0xffff;
	v22 =	vshll.u32 v18, $0x7;
	[tilespmem:v38+s24+$0x0] =	vst.idx.msk $0xffff, v30  }
.Ltmp8:
0x162: {  	v31 =	vor.u32 s31, v6;
	v21 =	vld.idx.msk [tilespmem:v23+s20+$0x0], $0xffff;
	v27 =	vor.u32 v0, v22;
	[tilespmem:v35+s24+$0x0] =	vst.idx.msk $0xffff, v37;
	(pc) =	sbr.rel @p1 .LBB2_12-.Ltmp8, $4  }
0x163: {  	s8 =	sadd.s32 $0x1, s31;
	v25 =	vor.u32 s31, v7;
	v26 =	vor.u32 v1, v22;
	v18 =	vld.idx.msk [tilespmem:v39+s20+$0x0], $0xffff;
	[tilespmem:v40+s24+$0x0] =	vst.idx.msk $0xffff, v33  }
0x164: {  	v28 =	vor.u32 s0, v4;
	v23 =	vmov s8;
	v24 =	vor.u32 v2, v22;
	v19 =	vld.idx.msk [tilespmem:v41+s20+$0x0], $0xffff;
	[tilespmem:v42+s24+$0x0] =	vst.idx.msk $0xffff, v34  }
0x165: {  	v32 =	vor.u32 s0, v5;
	v34 =	vshll.u32 v23, $0x7;
	[tilespmem:v29+s24+$0x0] =	vst.idx.msk $0xffff, v36;
	v29 =	vor.u32 v3, v22;
	v22 =	vld.idx.msk [tilespmem:v44+s20+$0x0], $0xffff  }
0x166: {  	s31 =	sadd.s32 $0x4, s31;
	v33 =	vor.u32 s0, v6;
	v30 =	vor.u32 v0, v34;
	[tilespmem:v45+s24+$0x0] =	vst.idx.msk $0xffff, v43;
	v23 =	vld.idx.msk [tilespmem:v46+s20+$0x0], $0xffff  }
0x167: {  	_ =	sdelay $0x3  }
0x168: {  	[tilespmem:v31+s24+$0x0] =	vst.idx.msk $0xffff, v20;
	v20 =	vor.u32 s0, v7  }
0x169: {  	v31 =	vor.u32 v1, v34;
	v27 =	vld.idx.msk [tilespmem:v27+s20+$0x0], $0xffff;
	[tilespmem:v25+s24+$0x0] =	vst.idx.msk $0xffff, v21;
	v21 =	vor.u32 s9, v4  }
0x16a: {  	v26 =	vld.idx.msk [tilespmem:v26+s20+$0x0], $0xffff;
	v35 =	vor.u32 s9, v5;
	v25 =	vor.u32 v2, v34;
	[tilespmem:v28+s24+$0x0] =	vst.idx.msk $0xffff, v18  }
0x16b: {  	v24 =	vld.idx.msk [tilespmem:v24+s20+$0x0], $0xffff;
	v18 =	vor.u32 v3, v34;
	v28 =	vor.u32 s9, v6;
	[tilespmem:v32+s24+$0x0] =	vst.idx.msk $0xffff, v19  }
0x16c: {  	v19 =	vld.idx.msk [tilespmem:v29+s20+$0x0], $0xffff;
	v29 =	vor.u32 s9, v7;
	[tilespmem:v33+s24+$0x0] =	vst.idx.msk $0xffff, v22  }
0x16d: {  	v22 =	vld.idx.msk [tilespmem:v30+s20+$0x0], $0xffff;
	v30 =	vor.u32 s8, v4;
	[tilespmem:v20+s24+$0x0] =	vst.idx.msk $0xffff, v23  }
0x16e: {  	v17 =	vshll.u32 v17, $0x8;
	v20 =	vld.idx.msk [tilespmem:v31+s20+$0x0], $0xffff;
	v23 =	vor.u32 s8, v5;
	[tilespmem:v21+s24+$0x0] =	vst.idx.msk $0xffff, v27  }
0x16f: {  	v17 =	vand.u32 $0x3800, v17;
	v21 =	vld.idx.msk [tilespmem:v25+s20+$0x0], $0xffff;
	v25 =	vor.u32 s8, v6;
	[tilespmem:v35+s24+$0x0] =	vst.idx.msk $0xffff, v26;
	v26 =	vand.u32 $0x200, v12  }
0x170: {  	v18 =	vld.idx.msk [tilespmem:v18+s20+$0x0], $0xffff;
	v27 =	vor.u32 s8, v7;
	[tilespmem:v28+s24+$0x0] =	vst.idx.msk $0xffff, v24;
	v17 =	vor.u32 v26, v17  }
0x171: {  	[tilespmem:v29+s24+$0x0] =	vst.idx.msk $0xffff, v19;
	v19 =	vor.u32 v0, v17  }
0x172: {  	[tilespmem:v30+s24+$0x0] =	vst.idx.msk $0xffff, v22;
	v22 =	vor.u32 v1, v17  }
0x173: {  	[tilespmem:v23+s24+$0x0] =	vst.idx.msk $0xffff, v20;
	v20 =	vor.u32 v2, v17  }
0x174: {  	v23 =	vor.u32 v9, v17;
	[tilespmem:v25+s24+$0x0] =	vst.idx.msk $0xffff, v21  }
0x175: {  	s8 =	simm.s32 $0x3;
	v21 =	vor.u32 v3, v17;
	[tilespmem:v27+s24+$0x0] =	vst.idx.msk $0xffff, v18  }
0x176: {  	v24 =	vmov s8;
	v25 =	vor.u32 v10, v17;
	v19 =	vld.idx.msk [tilespmem:v19+s24+$0x0], $0xffff  }
0x177: {  	v26 =	vshll.u32 v24, $0x8;
	v24 =	vshll.u32 v24, $0x7;
	v18 =	vor.u32 v8, v17;
	v22 =	vld.idx.msk [tilespmem:v22+s24+$0x0], $0xffff  }
0x178: {  	v26 =	vand.u32 $0x3800, v26;
	v17 =	vor.u32 v11, v17;
	v27 =	vand.u32 $0x380, v24;
	v20 =	vld.idx.msk [tilespmem:v20+s24+$0x0], $0xffff  }
0x179: {  	v26 =	vor.u32 v27, v26;
	v23 =	vld.idx.msk [tilespmem:v23+s24+$0x0], $0xffff  }
0x17a: {  	v27 =	vor.u32 v0, v26;
	v21 =	vld.idx.msk [tilespmem:v21+s24+$0x0], $0xffff  }
0x17b: {  	v60 =	vor.u32 v9, v12;
	v25 =	vld.idx.msk [tilespmem:v25+s24+$0x0], $0xffff  }
0x17c: {  	v30 =	vor.u32 v8, v12;
	v62 =	vor.u32 v8, v24;
	v28 =	vor.u32 v1, v26;
	v18 =	vld.idx.msk [tilespmem:v18+s24+$0x0], $0xffff  }
0x17d: {  	v29 =	vor.u32 v2, v26;
	v31 =	vor.u32 v3, v26;
	v17 =	vld.idx.msk [tilespmem:v17+s24+$0x0], $0xffff;
	[tilespmem:v16+s25+$0x0] =	vst.idx.msk $0xffff, v19  }
0x17e: {  	s9 =	simm.s32 $0x2;
	v16 =	vor.u32 v8, v26;
	v19 =	vor.u32 v10, v12;
	[tilespmem:v15+s25+$0x0] =	vst.idx.msk $0xffff, v22  }
0x17f: {  	v15 =	vld.idx.msk [tilespmem:v27+s24+$0x0], $0xffff;
	v22 =	vor.u32 v9, v26;
	v27 =	vor.u32 v11, v12;
	v12 =	vmov s9;
	[tilespmem:v14+s25+$0x0] =	vst.idx.msk $0xffff, v20  }
0x180: {  	v20 =	vor.u32 v10, v26;
	[tilespmem:v13+s25+$0x0] =	vst.idx.msk $0xffff, v21;
	v13 =	vshll.u32 v12, $0x8;
	v12 =	vshll.u32 v12, $0x7  }
0x181: {  	v14 =	vld.idx.msk [tilespmem:v28+s24+$0x0], $0xffff;
	v26 =	vor.u32 v11, v26;
	[tilespmem:v30+s25+$0x0] =	vst.idx.msk $0xffff, v18;
	v13 =	vand.u32 $0x3800, v13;
	v18 =	vand.u32 $0x300, v12  }
0x182: {  	v28 =	vor.u32 v0, v24;
	v21 =	vld.idx.msk [tilespmem:v29+s24+$0x0], $0xffff;
	[tilespmem:v60+s25+$0x0] =	vst.idx.msk $0xffff, v23;
	v23 =	vor.u32 v18, v13  }
0x183: {  	v29 =	vld.idx.msk [tilespmem:v31+s24+$0x0], $0xffff;
	v13 =	vor.u32 v1, v24;
	[tilespmem:v19+s25+$0x0] =	vst.idx.msk $0xffff, v25;
	v18 =	vor.u32 v0, v23  }
0x184: {  	v16 =	vld.idx.msk [tilespmem:v16+s24+$0x0], $0xffff;
	v19 =	vor.u32 v2, v24;
	[tilespmem:v27+s25+$0x0] =	vst.idx.msk $0xffff, v17;
	v17 =	vor.u32 v1, v23  }
0x185: {  	v63 =	vor.u32 v9, v24;
	v22 =	vld.idx.msk [tilespmem:v22+s24+$0x0], $0xffff;
	v25 =	vor.u32 v3, v24;
	v27 =	vor.u32 v2, v23  }
0x186: {  	s31 =	simm.s32 $0x1;
	v37 =	vor.u32 v10, v24;
	v39 =	vor.u32 v11, v24;
	v36 =	vor.u32 v3, v23;
	v61 =	vld.idx.msk [tilespmem:v20+s24+$0x0], $0xffff  }
0x187: {  	v31 =	vor.u32 v0, v12;
	v24 =	vor.u32 v9, v23;
	v35 =	vld.idx.msk [tilespmem:v26+s24+$0x0], $0xffff;
	[tilespmem:v28+s25+$0x0] =	vst.idx.msk $0xffff, v15;
	v15 =	vmov s31  }
0x188: {  	v38 =	vor.u32 v8, v23;
	[tilespmem:v13+s25+$0x0] =	vst.idx.msk $0xffff, v14;
	v14 =	vshll.u32 v15, $0x8;
	v13 =	vshll.u32 v15, $0x7;
	v18 =	vld.idx.msk [tilespmem:v18+s24+$0x0], $0xffff  }
0x189: {  	[tilespmem:v19+s25+$0x0] =	vst.idx.msk $0xffff, v21;
	v14 =	vand.u32 $0x3800, v14;
	v15 =	vand.u32 $0x280, v13;
	v19 =	vor.u32 v10, v23;
	v20 =	vld.idx.msk [tilespmem:v17+s24+$0x0], $0xffff  }
0x18a: {  	v30 =	vor.u32 v11, v23;
	[tilespmem:v25+s25+$0x0] =	vst.idx.msk $0xffff, v29;
	v14 =	vor.u32 v15, v14;
	v21 =	vld.idx.msk [tilespmem:v27+s24+$0x0], $0xffff  }
0x18b: {  	v15 =	vld.idx.msk [tilespmem:v36+s24+$0x0], $0xffff;
	v27 =	vor.u32 v1, v12;
	v26 =	vor.u32 v0, v14;
	[tilespmem:v62+s25+$0x0] =	vst.idx.msk $0xffff, v16  }
0x18c: {  	v29 =	vor.u32 v2, v12;
	v17 =	vld.idx.msk [tilespmem:v24+s24+$0x0], $0xffff;
	v28 =	vor.u32 v1, v14;
	[tilespmem:v63+s25+$0x0] =	vst.idx.msk $0xffff, v22  }
0x18d: {  	v16 =	vld.idx.msk [tilespmem:v38+s24+$0x0], $0xffff;
	v25 =	vor.u32 v2, v14;
	v22 =	vor.u32 v3, v12;
	[tilespmem:v37+s25+$0x0] =	vst.idx.msk $0xffff, v61  }
0x18e: {  	s8 =	simm.s32 $0x4;
	v24 =	vor.u32 v8, v12;
	v23 =	vor.u32 v3, v14;
	v19 =	vld.idx.msk [tilespmem:v19+s24+$0x0], $0xffff;
	[tilespmem:v39+s25+$0x0] =	vst.idx.msk $0xffff, v35  }
.LBB2_14:
0x18f: {  	p1 =	slt.u32 s8, $0x3C;
	v32 =	vor.u32 v8, v14;
	v30 =	vld.idx.msk [tilespmem:v30+s24+$0x0], $0xffff;
	[tilespmem:v31+s25+$0x0] =	vst.idx.msk $0xffff, v18;
	v18 =	vor.u32 v9, v12  }
0x190: {  	v31 =	vor.u32 v9, v14;
	v26 =	vld.idx.msk [tilespmem:v26+s24+$0x0], $0xffff;
	[tilespmem:v27+s25+$0x0] =	vst.idx.msk $0xffff, v20;
	v20 =	vor.u32 v10, v12  }
0x191: {  	v12 =	vor.u32 v11, v12;
	v27 =	vld.idx.msk [tilespmem:v28+s24+$0x0], $0xffff;
	v28 =	vor.u32 v10, v14;
	[tilespmem:v29+s25+$0x0] =	vst.idx.msk $0xffff, v21  }
0x192: {  	v21 =	vmov s8;
	v14 =	vor.u32 v11, v14;
	v29 =	vor.u32 v0, v13;
	v25 =	vld.idx.msk [tilespmem:v25+s24+$0x0], $0xffff;
	[tilespmem:v22+s25+$0x0] =	vst.idx.msk $0xffff, v15  }
0x193: {  	v15 =	vshll.u32 v21, $0x8;
	v21 =	vshll.u32 v21, $0x7;
	v22 =	vld.idx.msk [tilespmem:v23+s24+$0x0], $0xffff;
	v23 =	vor.u32 v1, v13;
	[tilespmem:v24+s25+$0x0] =	vst.idx.msk $0xffff, v16  }
0x194: {  	v15 =	vand.u32 $0x3800, v15;
	v16 =	vand.u32 $0x200, v21;
	v24 =	vld.idx.msk [tilespmem:v32+s24+$0x0], $0xffff;
	v32 =	vor.u32 v2, v13;
	[tilespmem:v18+s25+$0x0] =	vst.idx.msk $0xffff, v17  }
0x195: {  	v15 =	vor.u32 v16, v15;
	v17 =	vor.u32 v3, v13;
	v16 =	vld.idx.msk [tilespmem:v31+s24+$0x0], $0xffff;
	[tilespmem:v20+s25+$0x0] =	vst.idx.msk $0xffff, v19  }
0x196: {  	v18 =	vor.u32 v0, v15;
	v20 =	vor.u32 v8, v13;
	v19 =	vld.idx.msk [tilespmem:v28+s24+$0x0], $0xffff;
	[tilespmem:v12+s25+$0x0] =	vst.idx.msk $0xffff, v30  }
0x197: {  	v12 =	vor.u32 v1, v15;
	v14 =	vld.idx.msk [tilespmem:v14+s24+$0x0], $0xffff;
	[tilespmem:v29+s25+$0x0] =	vst.idx.msk $0xffff, v26;
	v26 =	vor.u32 v9, v13  }
0x198: {  	v28 =	vor.u32 v2, v15;
	[tilespmem:v23+s25+$0x0] =	vst.idx.msk $0xffff, v27;
	v23 =	vor.u32 v10, v13  }
0x199: {  	v27 =	vor.u32 v3, v15;
	v13 =	vor.u32 v11, v13;
	[tilespmem:v32+s25+$0x0] =	vst.idx.msk $0xffff, v25  }
0x19a: {  	s0 =	sadd.s32 $0x3, s8;
	v25 =	vor.u32 v8, v15;
	[tilespmem:v17+s25+$0x0] =	vst.idx.msk $0xffff, v22  }
0x19b: {  	v29 =	vmov s0;
	v22 =	vor.u32 v0, v21;
	v17 =	vld.idx.msk [tilespmem:v18+s24+$0x0], $0xffff;
	v18 =	vor.u32 v9, v15;
	[tilespmem:v20+s25+$0x0] =	vst.idx.msk $0xffff, v24  }
0x19c: {  	v20 =	vor.u32 v10, v15;
	v24 =	vshll.u32 v29, $0x8;
	v29 =	vshll.u32 v29, $0x7;
	v12 =	vld.idx.msk [tilespmem:v12+s24+$0x0], $0xffff;
	[tilespmem:v26+s25+$0x0] =	vst.idx.msk $0xffff, v16  }
0x19d: {  	v15 =	vor.u32 v11, v15;
	v24 =	vand.u32 $0x3800, v24;
	v26 =	vand.u32 $0x380, v29;
	v16 =	vld.idx.msk [tilespmem:v28+s24+$0x0], $0xffff;
	[tilespmem:v23+s25+$0x0] =	vst.idx.msk $0xffff, v19  }
0x19e: {  	v23 =	vor.u32 v1, v21;
	v24 =	vor.u32 v26, v24;
	v19 =	vld.idx.msk [tilespmem:v27+s24+$0x0], $0xffff;
	[tilespmem:v13+s25+$0x0] =	vst.idx.msk $0xffff, v14  }
0x19f: {  	v14 =	vor.u32 v2, v21;
	v13 =	vld.idx.msk [tilespmem:v25+s24+$0x0], $0xffff;
	v25 =	vor.u32 v0, v24  }
0x1a0: {  	v26 =	vor.u32 v3, v21;
	v27 =	vor.u32 v1, v24;
	v18 =	vld.idx.msk [tilespmem:v18+s24+$0x0], $0xffff  }
0x1a1: {  	v30 =	vor.u32 v9, v21;
	v28 =	vor.u32 v8, v21;
	v31 =	vor.u32 v2, v24;
	v20 =	vld.idx.msk [tilespmem:v20+s24+$0x0], $0xffff  }
0x1a2: {  	v15 =	vld.idx.msk [tilespmem:v15+s24+$0x0], $0xffff;
	[tilespmem:v22+s25+$0x0] =	vst.idx.msk $0xffff, v17;
	v17 =	vor.u32 v10, v21;
	v22 =	vor.u32 v3, v24  }
0x1a3: {  	s0 =	sadd.s32 $0x2, s8;
	v21 =	vor.u32 v11, v21;
	[tilespmem:v23+s25+$0x0] =	vst.idx.msk $0xffff, v12;
	v23 =	vor.u32 v8, v24  }
0x1a4: {  	v12 =	vmov s0;
	[tilespmem:v14+s25+$0x0] =	vst.idx.msk $0xffff, v16;
	v14 =	vld.idx.msk [tilespmem:v25+s24+$0x0], $0xffff;
	v16 =	vor.u32 v9, v24;
	v25 =	vor.u32 v0, v29  }
0x1a5: {  	[tilespmem:v26+s25+$0x0] =	vst.idx.msk $0xffff, v19;
	v19 =	vshll.u32 v12, $0x8;
	v12 =	vshll.u32 v12, $0x7;
	v26 =	vld.idx.msk [tilespmem:v27+s24+$0x0], $0xffff;
	v27 =	vor.u32 v10, v24  }
0x1a6: {  	v24 =	vor.u32 v11, v24;
	[tilespmem:v28+s25+$0x0] =	vst.idx.msk $0xffff, v13;
	v13 =	vand.u32 $0x3800, v19;
	v19 =	vand.u32 $0x300, v12;
	v28 =	vld.idx.msk [tilespmem:v31+s24+$0x0], $0xffff  }
0x1a7: {  	[tilespmem:v30+s25+$0x0] =	vst.idx.msk $0xffff, v18;
	v19 =	vor.u32 v19, v13;
	v22 =	vld.idx.msk [tilespmem:v22+s24+$0x0], $0xffff;
	v13 =	vor.u32 v1, v29  }
0x1a8: {  	[tilespmem:v17+s25+$0x0] =	vst.idx.msk $0xffff, v20;
	v17 =	vor.u32 v0, v19;
	v23 =	vld.idx.msk [tilespmem:v23+s24+$0x0], $0xffff;
	v20 =	vor.u32 v2, v29  }
0x1a9: {  	[tilespmem:v21+s25+$0x0] =	vst.idx.msk $0xffff, v15;
	v15 =	vor.u32 v1, v19;
	v32 =	vld.idx.msk [tilespmem:v16+s24+$0x0], $0xffff;
	v16 =	vor.u32 v3, v29  }
0x1aa: {  	v34 =	vor.u32 v8, v29;
	v35 =	vor.u32 v9, v29;
	v21 =	vor.u32 v2, v19;
	v33 =	vld.idx.msk [tilespmem:v27+s24+$0x0], $0xffff  }
0x1ab: {  	s0 =	sadd.s32 $0x1, s8;
	v27 =	vor.u32 v3, v19;
	v36 =	vld.idx.msk [tilespmem:v24+s24+$0x0], $0xffff;
	[tilespmem:v25+s25+$0x0] =	vst.idx.msk $0xffff, v14;
	v24 =	vor.u32 v10, v29  }
0x1ac: {  	v37 =	vor.u32 v11, v29;
	v14 =	vmov s0;
	v25 =	vor.u32 v8, v19;
	[tilespmem:v13+s25+$0x0] =	vst.idx.msk $0xffff, v26  }
0x1ad: {  	v26 =	vshll.u32 v14, $0x8;
	v13 =	vshll.u32 v14, $0x7;
	v18 =	vld.idx.msk [tilespmem:v17+s24+$0x0], $0xffff;
	v17 =	vor.u32 v9, v19;
	[tilespmem:v20+s25+$0x0] =	vst.idx.msk $0xffff, v28  }
0x1ae: {  	v38 =	vor.u32 v10, v19;
	v14 =	vand.u32 $0x3800, v26;
	v26 =	vand.u32 $0x280, v13;
	v20 =	vld.idx.msk [tilespmem:v15+s24+$0x0], $0xffff;
	[tilespmem:v16+s25+$0x0] =	vst.idx.msk $0xffff, v22  }
.Ltmp9:
0x1af: {  	v31 =	vor.u32 v0, v12;
	v30 =	vor.u32 v11, v19;
	v14 =	vor.u32 v26, v14;
	v21 =	vld.idx.msk [tilespmem:v21+s24+$0x0], $0xffff;
	(pc) =	sbr.rel @p1 .LBB2_14-.Ltmp9, $4  }
0x1b0: {  	v26 =	vor.u32 v0, v14;
	v15 =	vld.idx.msk [tilespmem:v27+s24+$0x0], $0xffff;
	v27 =	vor.u32 v1, v12;
	[tilespmem:v34+s25+$0x0] =	vst.idx.msk $0xffff, v23  }
0x1b1: {  	v29 =	vor.u32 v2, v12;
	v28 =	vor.u32 v1, v14;
	v16 =	vld.idx.msk [tilespmem:v25+s24+$0x0], $0xffff;
	[tilespmem:v35+s25+$0x0] =	vst.idx.msk $0xffff, v32  }
0x1b2: {  	v22 =	vor.u32 v3, v12;
	v25 =	vor.u32 v2, v14;
	v17 =	vld.idx.msk [tilespmem:v17+s24+$0x0], $0xffff;
	[tilespmem:v24+s25+$0x0] =	vst.idx.msk $0xffff, v33  }
0x1b3: {  	s8 =	sadd.s32 $0x4, s8;
	v23 =	vor.u32 v3, v14;
	v24 =	vor.u32 v8, v12;
	v19 =	vld.idx.msk [tilespmem:v38+s24+$0x0], $0xffff;
	[tilespmem:v37+s25+$0x0] =	vst.idx.msk $0xffff, v36  }
0x1b4: {  	_ =	sdelay $0x3  }
0x1b5: {  	v32 =	vor.u32 v8, v14;
	v30 =	vld.idx.msk [tilespmem:v30+s24+$0x0], $0xffff;
	[tilespmem:v31+s25+$0x0] =	vst.idx.msk $0xffff, v18;
	v18 =	vor.u32 v9, v12  }
0x1b6: {  	v26 =	vld.idx.msk [tilespmem:v26+s24+$0x0], $0xffff;
	v31 =	vor.u32 v9, v14;
	[tilespmem:v27+s25+$0x0] =	vst.idx.msk $0xffff, v20;
	v20 =	vor.u32 v10, v12  }
0x1b7: {  	v27 =	vld.idx.msk [tilespmem:v28+s24+$0x0], $0xffff;
	v28 =	vor.u32 v10, v14;
	v12 =	vor.u32 v11, v12;
	[tilespmem:v29+s25+$0x0] =	vst.idx.msk $0xffff, v21  }
0x1b8: {  	v14 =	vor.u32 v11, v14;
	v21 =	vld.idx.msk [tilespmem:v25+s24+$0x0], $0xffff;
	v25 =	vor.u32 v0, v13;
	[tilespmem:v22+s25+$0x0] =	vst.idx.msk $0xffff, v15  }
0x1b9: {  	v15 =	vld.idx.msk [tilespmem:v23+s24+$0x0], $0xffff;
	v22 =	vor.u32 v1, v13;
	[tilespmem:v24+s25+$0x0] =	vst.idx.msk $0xffff, v16  }
0x1ba: {  	v23 =	vor.u32 v2, v13;
	v16 =	vld.idx.msk [tilespmem:v32+s24+$0x0], $0xffff;
	[tilespmem:v18+s25+$0x0] =	vst.idx.msk $0xffff, v17  }
0x1bb: {  	v17 =	vld.idx.msk [tilespmem:v31+s24+$0x0], $0xffff;
	v18 =	vor.u32 v3, v13;
	[tilespmem:v20+s25+$0x0] =	vst.idx.msk $0xffff, v19  }
0x1bc: {  	v19 =	vld.idx.msk [tilespmem:v28+s24+$0x0], $0xffff;
	v20 =	vor.u32 v8, v13;
	[tilespmem:v12+s25+$0x0] =	vst.idx.msk $0xffff, v30  }
0x1bd: {  	v12 =	vld.idx.msk [tilespmem:v14+s24+$0x0], $0xffff;
	[tilespmem:v25+s25+$0x0] =	vst.idx.msk $0xffff, v26;
	v14 =	vor.u32 v9, v13  }
0x1be: {  	[tilespmem:v22+s25+$0x0] =	vst.idx.msk $0xffff, v27;
	v22 =	vor.u32 v10, v13  }
0x1bf: {  	s0 =	sadd.s32 s19, s3;
	v13 =	vor.u32 v11, v13;
	[tilespmem:v23+s25+$0x0] =	vst.idx.msk $0xffff, v21  }
0x1c0: {  	s0 =	sadd.s32 s6, s0;
	[tilespmem:v18+s25+$0x0] =	vst.idx.msk $0xffff, v15  }
0x1c1: {  	s0 =	sshll.u32 s0, $0x14;
	[tilespmem:v20+s25+$0x0] =	vst.idx.msk $0xffff, v16  }
0x1c2: {  	s0 =	sadd.s32 s21, s0;
	[tilespmem:v14+s25+$0x0] =	vst.idx.msk $0xffff, v17  }
0x1c3: {  	s0 =	sshrl.u32 s0, $0x3;
	[tilespmem:v22+s25+$0x0] =	vst.idx.msk $0xffff, v19  }
0x1c4: {  	s0 =	sadd.s32 s2, s0;
	[tilespmem:v13+s25+$0x0] =	vst.idx.msk $0xffff, v12  }
0x1c5: {  	[hbm4b:s0+s13] =	stream.strided.scatter [tilespmem:s25], [sflag:$0x5], $0x2000, s26, s13, $0x38;
	[tilespmem:$0x17000] =	vst v63  }
0x1c6: {  	s9 =	simm.s32 $0x0;
	_ =	swait.ge [sflag:s12], $0x2000  }
0x1c7: {  	s8 =	simm.s32 @!p0 $0xF000;
	v17 =	vmov s9;
	[sflag:s12] =	ssyncset.done $0x0  }
0x1c8: {  	v12 =	vshll.u32 v17, $0x7;
	s0 =	sadd.s32 @!p0 $0x300, s7;
	s7 =	simm.s32 @!p0 $0x80;
	[sflag:s12] =	ssyncadd.s32 $0xFFFFE000  }
0x1c9: {  	v16 =	vor.u32 v0, v12;
	[tilespmem:s8], [sflag:$0x3] =	stream.indirect.gather @!p0 [hbm4b:s5+s7], $0x80, s0, s7, $0xb8;
	[tilespmem:$0x17000] =	vst v63  }
0x1ca: {  	v15 =	vor.u32 v1, v12;
	s0 =	simm.s32 $0x3  }
0x1cb: {  	v14 =	vor.u32 v2, v12;
	_ =	swait.ge [sflag:s30], $0x4000;
	v18 =	vmov s0  }
0x1cc: {  	v13 =	vor.u32 v3, v12;
	[sflag:s30] =	ssyncset.done $0x0;
	v18 =	vshll.u32 v18, $0x7  }
0x1cd: {  	[sflag:s30] =	ssyncadd.s32 $0xFFFFC000;
	v19 =	vor.u32 v0, v18  }
0x1ce: {  	s8 =	simm.s32 $0x2;
	v23 =	vor.u32 v1, v18;
	v22 =	vld.idx.msk [tilespmem:v16+s22+$0x0], $0xffff  }
0x1cf: {  	v29 =	vor.u32 s9, v4;
	v21 =	vmov s8;
	v35 =	vor.u32 v3, v18;
	v30 =	vld.idx.msk [tilespmem:v15+s22+$0x0], $0xffff  }
0x1d0: {  	v33 =	vor.u32 s9, v5;
	v36 =	vshll.u32 v21, $0x7;
	v63 =	vor.u32 v2, v18;
	v20 =	vld.idx.msk [tilespmem:v14+s22+$0x0], $0xffff  }
0x1d1: {  	v31 =	vor.u32 s9, v6;
	v27 =	vor.u32 v0, v36;
	v21 =	vld.idx.msk [tilespmem:v13+s22+$0x0], $0xffff  }
0x1d2: {  	v25 =	vor.u32 s9, v7;
	s7 =	simm.s32 $0x1;
	v26 =	vor.u32 v1, v36;
	v18 =	vld.idx.msk [tilespmem:v19+s22+$0x0], $0xffff  }
0x1d3: {  	v34 =	vmov s7;
	v28 =	vor.u32 s0, v4;
	v24 =	vor.u32 v2, v36;
	v19 =	vld.idx.msk [tilespmem:v23+s22+$0x0], $0xffff  }
0x1d4: {  	v32 =	vor.u32 s0, v5;
	v34 =	vshll.u32 v34, $0x7;
	v23 =	vld.idx.msk [tilespmem:v35+s22+$0x0], $0xffff;
	[tilespmem:v29+s24+$0x0] =	vst.idx.msk $0xffff, v22;
	v29 =	vor.u32 v3, v36  }
0x1d5: {  	s9 =	simm.s32 $0x4;
	v22 =	vld.idx.msk [tilespmem:v63+s22+$0x0], $0xffff;
	[tilespmem:v33+s24+$0x0] =	vst.idx.msk $0xffff, v30;
	v30 =	vor.u32 v0, v34;
	v33 =	vor.u32 s0, v6  }
.LBB2_16:
0x1d6: {  	p1 =	slt.u32 s9, $0x7C;
	[tilespmem:v31+s24+$0x0] =	vst.idx.msk $0xffff, v20;
	v20 =	vor.u32 v1, v34;
	v27 =	vld.idx.msk [tilespmem:v27+s22+$0x0], $0xffff;
	v31 =	vor.u32 s0, v7  }
0x1d7: {  	v35 =	vmov s9;
	[tilespmem:v25+s24+$0x0] =	vst.idx.msk $0xffff, v21;
	v21 =	vor.u32 v2, v34;
	v25 =	vld.idx.msk [tilespmem:v26+s22+$0x0], $0xffff;
	v26 =	vor.u32 s8, v4  }
0x1d8: {  	v36 =	vor.u32 s8, v5;
	v35 =	vshll.u32 v35, $0x7;
	v34 =	vor.u32 v3, v34;
	v24 =	vld.idx.msk [tilespmem:v24+s22+$0x0], $0xffff;
	[tilespmem:v28+s24+$0x0] =	vst.idx.msk $0xffff, v18  }
0x1d9: {  	v18 =	vor.u32 v0, v35;
	v28 =	vld.idx.msk [tilespmem:v29+s22+$0x0], $0xffff;
	v29 =	vor.u32 s8, v6;
	[tilespmem:v32+s24+$0x0] =	vst.idx.msk $0xffff, v19  }
0x1da: {  	s0 =	sadd.s32 $0x3, s9;
	v19 =	vor.u32 v1, v35;
	v32 =	vor.u32 s8, v7;
	v30 =	vld.idx.msk [tilespmem:v30+s22+$0x0], $0xffff;
	[tilespmem:v33+s24+$0x0] =	vst.idx.msk $0xffff, v22  }
0x1db: {  	v38 =	vor.u32 s7, v4;
	v22 =	vor.u32 v2, v35;
	v33 =	vmov s0;
	v37 =	vld.idx.msk [tilespmem:v20+s22+$0x0], $0xffff;
	[tilespmem:v31+s24+$0x0] =	vst.idx.msk $0xffff, v23  }
0x1dc: {  	v23 =	vor.u32 v3, v35;
	v31 =	vshll.u32 v33, $0x7;
	v35 =	vor.u32 s7, v5;
	v33 =	vld.idx.msk [tilespmem:v21+s22+$0x0], $0xffff;
	[tilespmem:v26+s24+$0x0] =	vst.idx.msk $0xffff, v27  }
0x1dd: {  	v40 =	vor.u32 s7, v6;
	v39 =	vor.u32 v0, v31;
	v34 =	vld.idx.msk [tilespmem:v34+s22+$0x0], $0xffff;
	[tilespmem:v36+s24+$0x0] =	vst.idx.msk $0xffff, v25  }
0x1de: {  	v42 =	vor.u32 s7, v7;
	s8 =	sadd.s32 $0x2, s9;
	v41 =	vor.u32 v1, v31;
	v36 =	vld.idx.msk [tilespmem:v18+s22+$0x0], $0xffff;
	[tilespmem:v29+s24+$0x0] =	vst.idx.msk $0xffff, v24  }
0x1df: {  	v44 =	vor.u32 v2, v31;
	v29 =	vor.u32 s9, v4;
	v18 =	vmov s8;
	v43 =	vld.idx.msk [tilespmem:v19+s22+$0x0], $0xffff;
	[tilespmem:v32+s24+$0x0] =	vst.idx.msk $0xffff, v28  }
0x1e0: {  	v45 =	vor.u32 s9, v5;
	v46 =	vor.u32 v3, v31;
	v20 =	vld.idx.msk [tilespmem:v22+s22+$0x0], $0xffff;
	v22 =	vshll.u32 v18, $0x7;
	[tilespmem:v38+s24+$0x0] =	vst.idx.msk $0xffff, v30  }
.Ltmp10:
0x1e1: {  	v31 =	vor.u32 s9, v6;
	v21 =	vld.idx.msk [tilespmem:v23+s22+$0x0], $0xffff;
	v27 =	vor.u32 v0, v22;
	[tilespmem:v35+s24+$0x0] =	vst.idx.msk $0xffff, v37;
	(pc) =	sbr.rel @p1 .LBB2_16-.Ltmp10, $4  }
0x1e2: {  	s7 =	sadd.s32 $0x1, s9;
	v25 =	vor.u32 s9, v7;
	v26 =	vor.u32 v1, v22;
	v18 =	vld.idx.msk [tilespmem:v39+s22+$0x0], $0xffff;
	[tilespmem:v40+s24+$0x0] =	vst.idx.msk $0xffff, v33  }
0x1e3: {  	v28 =	vor.u32 s0, v4;
	v23 =	vmov s7;
	v24 =	vor.u32 v2, v22;
	v19 =	vld.idx.msk [tilespmem:v41+s22+$0x0], $0xffff;
	[tilespmem:v42+s24+$0x0] =	vst.idx.msk $0xffff, v34  }
0x1e4: {  	v32 =	vor.u32 s0, v5;
	v34 =	vshll.u32 v23, $0x7;
	[tilespmem:v29+s24+$0x0] =	vst.idx.msk $0xffff, v36;
	v29 =	vor.u32 v3, v22;
	v22 =	vld.idx.msk [tilespmem:v44+s22+$0x0], $0xffff  }
0x1e5: {  	s9 =	sadd.s32 $0x4, s9;
	v33 =	vor.u32 s0, v6;
	v30 =	vor.u32 v0, v34;
	[tilespmem:v45+s24+$0x0] =	vst.idx.msk $0xffff, v43;
	v23 =	vld.idx.msk [tilespmem:v46+s22+$0x0], $0xffff  }
0x1e6: {  	_ =	sdelay $0x3  }
0x1e7: {  	[tilespmem:v31+s24+$0x0] =	vst.idx.msk $0xffff, v20;
	v20 =	vor.u32 s0, v7  }
0x1e8: {  	v31 =	vor.u32 v1, v34;
	v27 =	vld.idx.msk [tilespmem:v27+s22+$0x0], $0xffff;
	[tilespmem:v25+s24+$0x0] =	vst.idx.msk $0xffff, v21;
	v21 =	vor.u32 s8, v4  }
0x1e9: {  	v26 =	vld.idx.msk [tilespmem:v26+s22+$0x0], $0xffff;
	v35 =	vor.u32 s8, v5;
	v25 =	vor.u32 v2, v34;
	[tilespmem:v28+s24+$0x0] =	vst.idx.msk $0xffff, v18  }
0x1ea: {  	v24 =	vld.idx.msk [tilespmem:v24+s22+$0x0], $0xffff;
	v18 =	vor.u32 v3, v34;
	v28 =	vor.u32 s8, v6;
	[tilespmem:v32+s24+$0x0] =	vst.idx.msk $0xffff, v19  }
0x1eb: {  	v19 =	vld.idx.msk [tilespmem:v29+s22+$0x0], $0xffff;
	v29 =	vor.u32 s8, v7;
	[tilespmem:v33+s24+$0x0] =	vst.idx.msk $0xffff, v22  }
0x1ec: {  	v22 =	vld.idx.msk [tilespmem:v30+s22+$0x0], $0xffff;
	v30 =	vor.u32 s7, v4;
	[tilespmem:v20+s24+$0x0] =	vst.idx.msk $0xffff, v23  }
0x1ed: {  	v17 =	vshll.u32 v17, $0x8;
	v20 =	vld.idx.msk [tilespmem:v31+s22+$0x0], $0xffff;
	v23 =	vor.u32 s7, v5;
	[tilespmem:v21+s24+$0x0] =	vst.idx.msk $0xffff, v27  }
0x1ee: {  	v17 =	vand.u32 $0x3800, v17;
	v21 =	vld.idx.msk [tilespmem:v25+s22+$0x0], $0xffff;
	v25 =	vor.u32 s7, v6;
	[tilespmem:v35+s24+$0x0] =	vst.idx.msk $0xffff, v26;
	v26 =	vand.u32 $0x200, v12  }
0x1ef: {  	v18 =	vld.idx.msk [tilespmem:v18+s22+$0x0], $0xffff;
	v27 =	vor.u32 s7, v7;
	[tilespmem:v28+s24+$0x0] =	vst.idx.msk $0xffff, v24;
	v17 =	vor.u32 v26, v17  }
0x1f0: {  	[tilespmem:v29+s24+$0x0] =	vst.idx.msk $0xffff, v19;
	v19 =	vor.u32 v0, v17  }
0x1f1: {  	[tilespmem:v30+s24+$0x0] =	vst.idx.msk $0xffff, v22;
	v22 =	vor.u32 v1, v17  }
0x1f2: {  	[tilespmem:v23+s24+$0x0] =	vst.idx.msk $0xffff, v20;
	v20 =	vor.u32 v2, v17  }
0x1f3: {  	v23 =	vor.u32 v9, v17;
	[tilespmem:v25+s24+$0x0] =	vst.idx.msk $0xffff, v21  }
0x1f4: {  	s8 =	simm.s32 $0x3;
	v21 =	vor.u32 v3, v17;
	[tilespmem:v27+s24+$0x0] =	vst.idx.msk $0xffff, v18  }
0x1f5: {  	v24 =	vmov s8;
	v25 =	vor.u32 v10, v17;
	v19 =	vld.idx.msk [tilespmem:v19+s24+$0x0], $0xffff  }
0x1f6: {  	v26 =	vshll.u32 v24, $0x8;
	v24 =	vshll.u32 v24, $0x7;
	v18 =	vor.u32 v8, v17;
	v22 =	vld.idx.msk [tilespmem:v22+s24+$0x0], $0xffff  }
0x1f7: {  	v26 =	vand.u32 $0x3800, v26;
	v17 =	vor.u32 v11, v17;
	v27 =	vand.u32 $0x380, v24;
	v20 =	vld.idx.msk [tilespmem:v20+s24+$0x0], $0xffff  }
0x1f8: {  	v26 =	vor.u32 v27, v26;
	v23 =	vld.idx.msk [tilespmem:v23+s24+$0x0], $0xffff  }
0x1f9: {  	v27 =	vor.u32 v0, v26;
	v21 =	vld.idx.msk [tilespmem:v21+s24+$0x0], $0xffff  }
0x1fa: {  	v60 =	vor.u32 v9, v12;
	v25 =	vld.idx.msk [tilespmem:v25+s24+$0x0], $0xffff  }
0x1fb: {  	v30 =	vor.u32 v8, v12;
	v62 =	vor.u32 v8, v24;
	v28 =	vor.u32 v1, v26;
	v18 =	vld.idx.msk [tilespmem:v18+s24+$0x0], $0xffff  }
0x1fc: {  	v29 =	vor.u32 v2, v26;
	v31 =	vor.u32 v3, v26;
	v17 =	vld.idx.msk [tilespmem:v17+s24+$0x0], $0xffff;
	[tilespmem:v16+s25+$0x0] =	vst.idx.msk $0xffff, v19  }
0x1fd: {  	s9 =	simm.s32 $0x2;
	v16 =	vor.u32 v8, v26;
	v19 =	vor.u32 v10, v12;
	[tilespmem:v15+s25+$0x0] =	vst.idx.msk $0xffff, v22  }
0x1fe: {  	v15 =	vld.idx.msk [tilespmem:v27+s24+$0x0], $0xffff;
	v22 =	vor.u32 v9, v26;
	v27 =	vor.u32 v11, v12;
	v12 =	vmov s9;
	[tilespmem:v14+s25+$0x0] =	vst.idx.msk $0xffff, v20  }
0x1ff: {  	v20 =	vor.u32 v10, v26;
	[tilespmem:v13+s25+$0x0] =	vst.idx.msk $0xffff, v21;
	v13 =	vshll.u32 v12, $0x8;
	v12 =	vshll.u32 v12, $0x7  }
0x200: {  	v14 =	vld.idx.msk [tilespmem:v28+s24+$0x0], $0xffff;
	v26 =	vor.u32 v11, v26;
	[tilespmem:v30+s25+$0x0] =	vst.idx.msk $0xffff, v18;
	v13 =	vand.u32 $0x3800, v13;
	v18 =	vand.u32 $0x300, v12  }
0x201: {  	v28 =	vor.u32 v0, v24;
	v21 =	vld.idx.msk [tilespmem:v29+s24+$0x0], $0xffff;
	[tilespmem:v60+s25+$0x0] =	vst.idx.msk $0xffff, v23;
	v23 =	vor.u32 v18, v13  }
0x202: {  	v29 =	vld.idx.msk [tilespmem:v31+s24+$0x0], $0xffff;
	v13 =	vor.u32 v1, v24;
	[tilespmem:v19+s25+$0x0] =	vst.idx.msk $0xffff, v25;
	v18 =	vor.u32 v0, v23  }
0x203: {  	v16 =	vld.idx.msk [tilespmem:v16+s24+$0x0], $0xffff;
	v19 =	vor.u32 v2, v24;
	[tilespmem:v27+s25+$0x0] =	vst.idx.msk $0xffff, v17;
	v17 =	vor.u32 v1, v23  }
0x204: {  	v63 =	vor.u32 v9, v24;
	v22 =	vld.idx.msk [tilespmem:v22+s24+$0x0], $0xffff;
	v25 =	vor.u32 v3, v24;
	v27 =	vor.u32 v2, v23  }
0x205: {  	s31 =	simm.s32 $0x1;
	v37 =	vor.u32 v10, v24;
	v39 =	vor.u32 v11, v24;
	v36 =	vor.u32 v3, v23;
	v61 =	vld.idx.msk [tilespmem:v20+s24+$0x0], $0xffff  }
0x206: {  	v31 =	vor.u32 v0, v12;
	v24 =	vor.u32 v9, v23;
	v35 =	vld.idx.msk [tilespmem:v26+s24+$0x0], $0xffff;
	[tilespmem:v28+s25+$0x0] =	vst.idx.msk $0xffff, v15;
	v15 =	vmov s31  }
0x207: {  	v38 =	vor.u32 v8, v23;
	[tilespmem:v13+s25+$0x0] =	vst.idx.msk $0xffff, v14;
	v14 =	vshll.u32 v15, $0x8;
	v13 =	vshll.u32 v15, $0x7;
	v18 =	vld.idx.msk [tilespmem:v18+s24+$0x0], $0xffff  }
0x208: {  	[tilespmem:v19+s25+$0x0] =	vst.idx.msk $0xffff, v21;
	v14 =	vand.u32 $0x3800, v14;
	v15 =	vand.u32 $0x280, v13;
	v19 =	vor.u32 v10, v23;
	v20 =	vld.idx.msk [tilespmem:v17+s24+$0x0], $0xffff  }
0x209: {  	v30 =	vor.u32 v11, v23;
	[tilespmem:v25+s25+$0x0] =	vst.idx.msk $0xffff, v29;
	v14 =	vor.u32 v15, v14;
	v21 =	vld.idx.msk [tilespmem:v27+s24+$0x0], $0xffff  }
0x20a: {  	v15 =	vld.idx.msk [tilespmem:v36+s24+$0x0], $0xffff;
	v27 =	vor.u32 v1, v12;
	v26 =	vor.u32 v0, v14;
	[tilespmem:v62+s25+$0x0] =	vst.idx.msk $0xffff, v16  }
0x20b: {  	v29 =	vor.u32 v2, v12;
	v17 =	vld.idx.msk [tilespmem:v24+s24+$0x0], $0xffff;
	v28 =	vor.u32 v1, v14;
	[tilespmem:v63+s25+$0x0] =	vst.idx.msk $0xffff, v22  }
0x20c: {  	v16 =	vld.idx.msk [tilespmem:v38+s24+$0x0], $0xffff;
	v25 =	vor.u32 v2, v14;
	v22 =	vor.u32 v3, v12;
	[tilespmem:v37+s25+$0x0] =	vst.idx.msk $0xffff, v61  }
0x20d: {  	s7 =	simm.s32 $0x4;
	v24 =	vor.u32 v8, v12;
	v23 =	vor.u32 v3, v14;
	v19 =	vld.idx.msk [tilespmem:v19+s24+$0x0], $0xffff;
	[tilespmem:v39+s25+$0x0] =	vst.idx.msk $0xffff, v35  }
.LBB2_18:
0x20e: {  	p1 =	slt.u32 s7, $0x3C;
	v32 =	vor.u32 v8, v14;
	v30 =	vld.idx.msk [tilespmem:v30+s24+$0x0], $0xffff;
	[tilespmem:v31+s25+$0x0] =	vst.idx.msk $0xffff, v18;
	v18 =	vor.u32 v9, v12  }
0x20f: {  	v31 =	vor.u32 v9, v14;
	v26 =	vld.idx.msk [tilespmem:v26+s24+$0x0], $0xffff;
	[tilespmem:v27+s25+$0x0] =	vst.idx.msk $0xffff, v20;
	v20 =	vor.u32 v10, v12  }
0x210: {  	v12 =	vor.u32 v11, v12;
	v27 =	vld.idx.msk [tilespmem:v28+s24+$0x0], $0xffff;
	v28 =	vor.u32 v10, v14;
	[tilespmem:v29+s25+$0x0] =	vst.idx.msk $0xffff, v21  }
0x211: {  	v21 =	vmov s7;
	v14 =	vor.u32 v11, v14;
	v29 =	vor.u32 v0, v13;
	v25 =	vld.idx.msk [tilespmem:v25+s24+$0x0], $0xffff;
	[tilespmem:v22+s25+$0x0] =	vst.idx.msk $0xffff, v15  }
0x212: {  	v15 =	vshll.u32 v21, $0x8;
	v21 =	vshll.u32 v21, $0x7;
	v22 =	vld.idx.msk [tilespmem:v23+s24+$0x0], $0xffff;
	v23 =	vor.u32 v1, v13;
	[tilespmem:v24+s25+$0x0] =	vst.idx.msk $0xffff, v16  }
0x213: {  	v15 =	vand.u32 $0x3800, v15;
	v16 =	vand.u32 $0x200, v21;
	v24 =	vld.idx.msk [tilespmem:v32+s24+$0x0], $0xffff;
	v32 =	vor.u32 v2, v13;
	[tilespmem:v18+s25+$0x0] =	vst.idx.msk $0xffff, v17  }
0x214: {  	v15 =	vor.u32 v16, v15;
	v17 =	vor.u32 v3, v13;
	v16 =	vld.idx.msk [tilespmem:v31+s24+$0x0], $0xffff;
	[tilespmem:v20+s25+$0x0] =	vst.idx.msk $0xffff, v19  }
0x215: {  	v18 =	vor.u32 v0, v15;
	v20 =	vor.u32 v8, v13;
	v19 =	vld.idx.msk [tilespmem:v28+s24+$0x0], $0xffff;
	[tilespmem:v12+s25+$0x0] =	vst.idx.msk $0xffff, v30  }
0x216: {  	v12 =	vor.u32 v1, v15;
	v14 =	vld.idx.msk [tilespmem:v14+s24+$0x0], $0xffff;
	[tilespmem:v29+s25+$0x0] =	vst.idx.msk $0xffff, v26;
	v26 =	vor.u32 v9, v13  }
0x217: {  	v28 =	vor.u32 v2, v15;
	[tilespmem:v23+s25+$0x0] =	vst.idx.msk $0xffff, v27;
	v23 =	vor.u32 v10, v13  }
0x218: {  	v27 =	vor.u32 v3, v15;
	v13 =	vor.u32 v11, v13;
	[tilespmem:v32+s25+$0x0] =	vst.idx.msk $0xffff, v25  }
0x219: {  	s0 =	sadd.s32 $0x3, s7;
	v25 =	vor.u32 v8, v15;
	[tilespmem:v17+s25+$0x0] =	vst.idx.msk $0xffff, v22  }
0x21a: {  	v29 =	vmov s0;
	v22 =	vor.u32 v0, v21;
	v17 =	vld.idx.msk [tilespmem:v18+s24+$0x0], $0xffff;
	v18 =	vor.u32 v9, v15;
	[tilespmem:v20+s25+$0x0] =	vst.idx.msk $0xffff, v24  }
0x21b: {  	v20 =	vor.u32 v10, v15;
	v24 =	vshll.u32 v29, $0x8;
	v29 =	vshll.u32 v29, $0x7;
	v12 =	vld.idx.msk [tilespmem:v12+s24+$0x0], $0xffff;
	[tilespmem:v26+s25+$0x0] =	vst.idx.msk $0xffff, v16  }
0x21c: {  	v15 =	vor.u32 v11, v15;
	v24 =	vand.u32 $0x3800, v24;
	v26 =	vand.u32 $0x380, v29;
	v16 =	vld.idx.msk [tilespmem:v28+s24+$0x0], $0xffff;
	[tilespmem:v23+s25+$0x0] =	vst.idx.msk $0xffff, v19  }
0x21d: {  	v23 =	vor.u32 v1, v21;
	v24 =	vor.u32 v26, v24;
	v19 =	vld.idx.msk [tilespmem:v27+s24+$0x0], $0xffff;
	[tilespmem:v13+s25+$0x0] =	vst.idx.msk $0xffff, v14  }
0x21e: {  	v14 =	vor.u32 v2, v21;
	v13 =	vld.idx.msk [tilespmem:v25+s24+$0x0], $0xffff;
	v25 =	vor.u32 v0, v24  }
0x21f: {  	v26 =	vor.u32 v3, v21;
	v27 =	vor.u32 v1, v24;
	v18 =	vld.idx.msk [tilespmem:v18+s24+$0x0], $0xffff  }
0x220: {  	v30 =	vor.u32 v9, v21;
	v28 =	vor.u32 v8, v21;
	v31 =	vor.u32 v2, v24;
	v20 =	vld.idx.msk [tilespmem:v20+s24+$0x0], $0xffff  }
0x221: {  	v15 =	vld.idx.msk [tilespmem:v15+s24+$0x0], $0xffff;
	[tilespmem:v22+s25+$0x0] =	vst.idx.msk $0xffff, v17;
	v17 =	vor.u32 v10, v21;
	v22 =	vor.u32 v3, v24  }
0x222: {  	s0 =	sadd.s32 $0x2, s7;
	v21 =	vor.u32 v11, v21;
	[tilespmem:v23+s25+$0x0] =	vst.idx.msk $0xffff, v12;
	v23 =	vor.u32 v8, v24  }
0x223: {  	v12 =	vmov s0;
	[tilespmem:v14+s25+$0x0] =	vst.idx.msk $0xffff, v16;
	v14 =	vld.idx.msk [tilespmem:v25+s24+$0x0], $0xffff;
	v16 =	vor.u32 v9, v24;
	v25 =	vor.u32 v0, v29  }
0x224: {  	[tilespmem:v26+s25+$0x0] =	vst.idx.msk $0xffff, v19;
	v19 =	vshll.u32 v12, $0x8;
	v12 =	vshll.u32 v12, $0x7;
	v26 =	vld.idx.msk [tilespmem:v27+s24+$0x0], $0xffff;
	v27 =	vor.u32 v10, v24  }
0x225: {  	v24 =	vor.u32 v11, v24;
	[tilespmem:v28+s25+$0x0] =	vst.idx.msk $0xffff, v13;
	v13 =	vand.u32 $0x3800, v19;
	v19 =	vand.u32 $0x300, v12;
	v28 =	vld.idx.msk [tilespmem:v31+s24+$0x0], $0xffff  }
0x226: {  	[tilespmem:v30+s25+$0x0] =	vst.idx.msk $0xffff, v18;
	v19 =	vor.u32 v19, v13;
	v22 =	vld.idx.msk [tilespmem:v22+s24+$0x0], $0xffff;
	v13 =	vor.u32 v1, v29  }
0x227: {  	[tilespmem:v17+s25+$0x0] =	vst.idx.msk $0xffff, v20;
	v17 =	vor.u32 v0, v19;
	v23 =	vld.idx.msk [tilespmem:v23+s24+$0x0], $0xffff;
	v20 =	vor.u32 v2, v29  }
0x228: {  	[tilespmem:v21+s25+$0x0] =	vst.idx.msk $0xffff, v15;
	v15 =	vor.u32 v1, v19;
	v32 =	vld.idx.msk [tilespmem:v16+s24+$0x0], $0xffff;
	v16 =	vor.u32 v3, v29  }
0x229: {  	v34 =	vor.u32 v8, v29;
	v35 =	vor.u32 v9, v29;
	v21 =	vor.u32 v2, v19;
	v33 =	vld.idx.msk [tilespmem:v27+s24+$0x0], $0xffff  }
0x22a: {  	s0 =	sadd.s32 $0x1, s7;
	v27 =	vor.u32 v3, v19;
	v36 =	vld.idx.msk [tilespmem:v24+s24+$0x0], $0xffff;
	[tilespmem:v25+s25+$0x0] =	vst.idx.msk $0xffff, v14;
	v24 =	vor.u32 v10, v29  }
0x22b: {  	v37 =	vor.u32 v11, v29;
	v14 =	vmov s0;
	v25 =	vor.u32 v8, v19;
	[tilespmem:v13+s25+$0x0] =	vst.idx.msk $0xffff, v26  }
0x22c: {  	v26 =	vshll.u32 v14, $0x8;
	v13 =	vshll.u32 v14, $0x7;
	v18 =	vld.idx.msk [tilespmem:v17+s24+$0x0], $0xffff;
	v17 =	vor.u32 v9, v19;
	[tilespmem:v20+s25+$0x0] =	vst.idx.msk $0xffff, v28  }
0x22d: {  	v38 =	vor.u32 v10, v19;
	v14 =	vand.u32 $0x3800, v26;
	v26 =	vand.u32 $0x280, v13;
	v20 =	vld.idx.msk [tilespmem:v15+s24+$0x0], $0xffff;
	[tilespmem:v16+s25+$0x0] =	vst.idx.msk $0xffff, v22  }
.Ltmp11:
0x22e: {  	v31 =	vor.u32 v0, v12;
	v30 =	vor.u32 v11, v19;
	v14 =	vor.u32 v26, v14;
	v21 =	vld.idx.msk [tilespmem:v21+s24+$0x0], $0xffff;
	(pc) =	sbr.rel @p1 .LBB2_18-.Ltmp11, $4  }
0x22f: {  	v26 =	vor.u32 v0, v14;
	v15 =	vld.idx.msk [tilespmem:v27+s24+$0x0], $0xffff;
	v27 =	vor.u32 v1, v12;
	[tilespmem:v34+s25+$0x0] =	vst.idx.msk $0xffff, v23  }
0x230: {  	v29 =	vor.u32 v2, v12;
	v28 =	vor.u32 v1, v14;
	v16 =	vld.idx.msk [tilespmem:v25+s24+$0x0], $0xffff;
	[tilespmem:v35+s25+$0x0] =	vst.idx.msk $0xffff, v32  }
0x231: {  	v22 =	vor.u32 v3, v12;
	v25 =	vor.u32 v2, v14;
	v17 =	vld.idx.msk [tilespmem:v17+s24+$0x0], $0xffff;
	[tilespmem:v24+s25+$0x0] =	vst.idx.msk $0xffff, v33  }
0x232: {  	s7 =	sadd.s32 $0x4, s7;
	v23 =	vor.u32 v3, v14;
	v24 =	vor.u32 v8, v12;
	v19 =	vld.idx.msk [tilespmem:v38+s24+$0x0], $0xffff;
	[tilespmem:v37+s25+$0x0] =	vst.idx.msk $0xffff, v36  }
0x233: {  	_ =	sdelay $0x3  }
0x234: {  	v32 =	vor.u32 v8, v14;
	v30 =	vld.idx.msk [tilespmem:v30+s24+$0x0], $0xffff  }
0x235: {  	v26 =	vld.idx.msk [tilespmem:v26+s24+$0x0], $0xffff;
	v44 =	vor.u32 v9, v14  }
0x236: {  	[tilespmem:v31+s25+$0x0] =	vst.idx.msk $0xffff, v18;
	v43 =	vor.u32 v9, v12;
	v46 =	vld.idx.msk [tilespmem:v28+s24+$0x0], $0xffff;
	v47 =	vor.u32 v10, v14  }
0x237: {  	v49 =	vld.idx.msk [tilespmem:v25+s24+$0x0], $0xffff;
	v50 =	vor.u32 v11, v14;
	v51 =	vor.u32 v0, v13;
	[tilespmem:v27+s25+$0x0] =	vst.idx.msk $0xffff, v20  }
0x238: {  	v45 =	vor.u32 v10, v12;
	v52 =	vld.idx.msk [tilespmem:v23+s24+$0x0], $0xffff;
	[tilespmem:v29+s25+$0x0] =	vst.idx.msk $0xffff, v21  }
0x239: {  	v53 =	vor.u32 v1, v13;
	[tilespmem:v22+s25+$0x0] =	vst.idx.msk $0xffff, v15;
	v54 =	vld.idx.msk [tilespmem:v32+s24+$0x0], $0xffff  }
0x23a: {  	v48 =	vor.u32 v11, v12;
	[tilespmem:v24+s25+$0x0] =	vst.idx.msk $0xffff, v16;
	v56 =	vld.idx.msk [tilespmem:v44+s24+$0x0], $0xffff  }
0x23b: {  	v55 =	vor.u32 v2, v13;
	[tilespmem:v43+s25+$0x0] =	vst.idx.msk $0xffff, v17;
	v58 =	vld.idx.msk [tilespmem:v47+s24+$0x0], $0xffff  }
0x23c: {  	v57 =	vor.u32 v3, v13;
	v60 =	vld.idx.msk [tilespmem:v50+s24+$0x0], $0xffff;
	[tilespmem:v51+s25+$0x0] =	vst.idx.msk $0xffff, v26  }
0x23d: {  	v59 =	vor.u32 v8, v13;
	[tilespmem:v45+s25+$0x0] =	vst.idx.msk $0xffff, v19  }
0x23e: {  	v61 =	vor.u32 v9, v13;
	[tilespmem:v53+s25+$0x0] =	vst.idx.msk $0xffff, v46  }
0x23f: {  	v62 =	vor.u32 v10, v13;
	[tilespmem:v48+s25+$0x0] =	vst.idx.msk $0xffff, v30  }
0x240: {  	v63 =	vor.u32 v11, v13;
	s0 =	sadd.s32 s19, s14;
	[tilespmem:v55+s25+$0x0] =	vst.idx.msk $0xffff, v49  }
0x241: {  	s0 =	sadd.s32 s6, s0;
	[tilespmem:v57+s25+$0x0] =	vst.idx.msk $0xffff, v52  }
0x242: {  	s0 =	sshll.u32 s0, $0x14;
	[tilespmem:v59+s25+$0x0] =	vst.idx.msk $0xffff, v54  }
0x243: {  	s0 =	sadd.s32 s21, s0;
	[tilespmem:v61+s25+$0x0] =	vst.idx.msk $0xffff, v56  }
0x244: {  	s0 =	sshrl.u32 s0, $0x3;
	[tilespmem:v62+s25+$0x0] =	vst.idx.msk $0xffff, v58  }
.Ltmp12:
0x245: {  	s0 =	sadd.s32 s2, s0;
	[tilespmem:v63+s25+$0x0] =	vst.idx.msk $0xffff, v60;
	(pc) =	sbr.rel @p0 .LBB2_21-.Ltmp12, $4  }
0x246: {  	[hbm4b:s0+s13] =	stream.strided.scatter [tilespmem:s25], [sflag:$0x5], $0x2000, s26, s13, $0x38;
	[tilespmem:$0x17000] =	vst v63  }
0x247: {  	_ =	swait.ge [sflag:s12], $0x2000  }
0x248: {  	[sflag:s12] =	ssyncset.done $0x0  }
0x249: {  	[sflag:s12] =	ssyncadd.s32 $0xFFFFE000  }
.Ltmp13:
0x24a: {  	(pc) =	sbr.rel .LBB2_3-.Ltmp13, $4  }
0x24b: {  	s0 =	sshll.u32 s15, $0x9  }
0x24c: {  	s0 =	sand.u32 $0x3FFFFE00, s0  }
0x24d: {  	s15 =	sadd.s32 $0x1, s15;
	s0 =	sadd.s32 $0x380, s0  }
0x24e: {  	[tilespmem:s22], [sflag:$0x4] =	stream.indirect.gather [hbm4b:s5+s16], $0x80, s0, s16, $0xb8;
	[tilespmem:$0x17000] =	vst v63  }
.LBB2_23:
0x24f: {  	_ =	sfence.sel $0x180000  }
0x250: {  	[bflag:$0x0] =	sbarrier.arrive $0xFFFF  }
0x251: {  	_ =	strace $0x9000004A  }
0x252: {  	s0 =	stileid.u32;
	[bflag:$0x2] =	sbarrier.arrive $0xFFFF  }
0x253: {  	p0 =	sne.s32 s0, $0x0;
	s0 =	rddreg [dreg:$0x3]  }
0x254: {  	s0 =	sadd.s32 @!p0 $0x100000, s0  }
0x255: {  	[sflag:s0] =	ssyncadd.tile.s32 @!p0 $0x1;
	_ =	shalt  }
.Lfunc_end2:
_tile_overlayer_lowered:
.L_overlay_start_2:
0x256: {  	(tag) =	ssettag $0x2  }
0x257: {  	s0 =	rddreg [dreg:$0x0];
	s2 =	stileid.u32  }
0x258: {  	s1 =	rddreg [dreg:$0x1];
	p0 =	sne.s32 s2, $0x0  }
0x259: {  	s3 =	rddreg [dreg:$0x2];
	[bflag:$0x3] =	sbarrier.arrive $0xFFFF;
	s2 =	simm.s32 @!p0 $0x1C05  }
0x25a: {  	[timem:s3], [sflag:s2] =	dma.local @!p0 [hbm:s0], s1  }
0x25b: {  	s0 =	simm.s32 @!p0 $0x5  }
0x25c: {  	_ =	swait.ge @!p0 [sflag:s0], s1  }
0x25d: {  	s1 =	ssub.s32 @!p0 $0x0, s1;
	[sflag:s0] =	ssyncset.done @!p0 $0x0  }
0x25e: {  	[sflag:s0] =	ssyncadd.s32 @!p0 s1  }
0x25f: {  	[bflag:$0x3] =	sbarrier.arrive $0xFFFF  }
0x260: {  	_ =	shalt  }

</sc_bundles>
